<compile_context>
chip_gen: v7x
topology: tpu7x:2x2x1
jax: 0.10.2.dev20260603
libtpu: 0.0.44.dev20260713+nightly
codegen_flags: <defaults>
</compile_context>

<pallas_src>
import functools

import jax
import jax.numpy as jnp
from jax import lax
from jax.experimental import pallas as pl
from jax.experimental.pallas import tpu as pltpu
from jax.experimental.pallas import tpu_sc as plsc

_N = 50000
_NPAD = 50048
_RPT = _NPAD // 16
_E = 800000
_CHUNK = 128
_NCHUNK = 6336
_EPAD = _NCHUNK * _CHUNK
_GRP = 3
_D = 64
_H = 32
_G = 64
_DEGW = 16
_R = 1088


def _sc_deg_kernel(dst_h, zin_h, ones_h, o0, o1, acc, ones_v, *rest):
    idxs = rest[:2]
    sems = rest[2:4]
    c = lax.axis_index("c")
    s = lax.axis_index("s")
    rb = s * _RPT
    pltpu.sync_copy(zin_h.at[pl.ds(rb, _RPT)], acc.at[pl.ds(rb, _RPT)])
    pltpu.sync_copy(ones_h, ones_v)
    plsc.subcore_barrier()
    cpt = _NCHUNK // 2 // 16
    ngrp = cpt // _GRP
    base = c * (_NCHUNK // 2) + s * cpt

    def fire(b, g):
        pltpu.async_copy(dst_h.at[pl.ds(base + g * _GRP, _GRP)], idxs[b],
                         sems[b])

    def scat(b):
        pltpu.make_async_copy(dst_h.at[pl.ds(base, _GRP)], idxs[b],
                              sems[b]).wait()
        for k in range(_GRP):
            pltpu.sync_copy(ones_v, acc.at[idxs[b].at[k]], add=True)

    fire(0, 0)

    def body(t, carry):
        g0 = 2 * t
        fire(1, g0 + 1)
        scat(0)
        fire(0, g0 + 2)
        scat(1)
        return carry

    lax.fori_loop(0, ngrp // 2 - 1, body, 0)
    fire(1, ngrp - 1)
    scat(0)
    scat(1)
    plsc.subcore_barrier()

    @pl.when(c == 0)
    def _():
        pltpu.sync_copy(acc.at[pl.ds(rb, _RPT)], o0.at[pl.ds(rb, _RPT)])

    @pl.when(c == 1)
    def _():
        pltpu.sync_copy(acc.at[pl.ds(rb, _RPT)], o1.at[pl.ds(rb, _RPT)])


def _sc_deg(dst2d, zin, ones_h):
    mesh = plsc.VectorSubcoreMesh(core_axis_name="c", subcore_axis_name="s")
    scratch = (
        [pltpu.VMEM_SHARED((_NPAD, _DEGW), jnp.float32),
         pltpu.VMEM((_CHUNK, _DEGW), jnp.float32)]
        + [pltpu.VMEM((_GRP, _CHUNK), jnp.int32) for _ in range(2)]
        + [pltpu.SemaphoreType.DMA for _ in range(2)]
    )
    k = pl.kernel(
        _sc_deg_kernel,
        out_type=(jax.ShapeDtypeStruct((_NPAD, _DEGW), jnp.float32),) * 2,
        mesh=mesh,
        scratch_types=scratch,
        compiler_params=pltpu.CompilerParams(use_tc_tiling_on_sc=False),
    )
    return k(dst2d, zin, ones_h)


def _sc_agg_kernel(src_h, dst_h, t0_h, t1_h, o0, o1, acc, *rest):
    sidx = rest[0:2]
    didx = rest[2:4]
    rows = rest[4:4 + 2 * _GRP]
    _o = 4 + 2 * _GRP
    ssem = rest[_o:_o + 2]
    dsem = rest[_o + 2:_o + 4]
    gsem = rest[_o + 4:_o + 4 + 2 * _GRP]
    c = lax.axis_index("c")
    s = lax.axis_index("s")
    rb = s * _RPT
    cpt = _NCHUNK // 16
    ngrp = cpt // _GRP
    base = s * cpt

    def run(th, oh):
        pltpu.sync_copy(th.at[pl.ds(rb, _RPT)], acc.at[pl.ds(rb, _RPT)])
        plsc.subcore_barrier()

        def fire_sidx(b, g):
            ch = base + g * _GRP
            pltpu.async_copy(src_h.at[pl.ds(ch, _GRP)], sidx[b], ssem[b])

        def fire_didx(b, g):
            ch = base + g * _GRP
            pltpu.async_copy(dst_h.at[pl.ds(ch, _GRP)], didx[b], dsem[b])

        def fire_gather(b):
            pltpu.make_async_copy(src_h.at[pl.ds(base, _GRP)], sidx[b],
                                  ssem[b]).wait()
            for k in range(_GRP):
                pltpu.async_copy(th.at[sidx[b].at[k]], rows[b * _GRP + k],
                                 gsem[b * _GRP + k])

        def wait_gather(b):
            for k in range(_GRP):
                pltpu.make_async_copy(th.at[sidx[b].at[k]], rows[b * _GRP + k],
                                      gsem[b * _GRP + k]).wait()

        def scatter(b):
            pltpu.make_async_copy(dst_h.at[pl.ds(base, _GRP)], didx[b],
                                  dsem[b]).wait()
            for k in range(_GRP):
                pltpu.sync_copy(rows[b * _GRP + k], acc.at[didx[b].at[k]],
                                add=True)

        fire_sidx(0, 0)
        fire_didx(0, 0)
        fire_sidx(1, 1)
        fire_didx(1, 1)
        fire_gather(0)

        def body(t, carry):
            g0 = 2 * t
            fire_gather(1)
            wait_gather(0)
            fire_sidx(0, g0 + 2)
            scatter(0)
            fire_didx(0, g0 + 2)
            fire_gather(0)
            wait_gather(1)
            fire_sidx(1, g0 + 3)
            scatter(1)
            fire_didx(1, g0 + 3)
            return carry

        lax.fori_loop(0, ngrp // 2 - 1, body, 0)
        fire_gather(1)
        wait_gather(0)
        scatter(0)
        wait_gather(1)
        scatter(1)
        plsc.subcore_barrier()
        pltpu.sync_copy(acc.at[pl.ds(rb, _RPT)], oh.at[pl.ds(rb, _RPT)])

    @pl.when(c == 0)
    def _():
        run(t0_h, o0)

    @pl.when(c == 1)
    def _():
        run(t1_h, o1)


def _sc_agg(src2d, dst2d, t0, t1):
    mesh = plsc.VectorSubcoreMesh(core_axis_name="c", subcore_axis_name="s")
    scratch = (
        [pltpu.VMEM_SHARED((_NPAD, _H), jnp.float32)]
        + [pltpu.VMEM((_GRP, _CHUNK), jnp.int32) for _ in range(4)]
        + [pltpu.VMEM((_CHUNK, _H), jnp.float32) for _ in range(2 * _GRP)]
        + [pltpu.SemaphoreType.DMA for _ in range(4 + 2 * _GRP)]
    )
    k = pl.kernel(
        _sc_agg_kernel,
        out_type=(jax.ShapeDtypeStruct((_NPAD, _H), jnp.float32),) * 2,
        mesh=mesh,
        scratch_types=scratch,
        compiler_params=pltpu.CompilerParams(use_tc_tiling_on_sc=False),
    )
    return k(src2d, dst2d, t0, t1)


def _tc_a_body(x_ref, w1_ref, d0_ref, d1_ref, h0_ref, h1_ref, dinv_ref):
    deg = d0_ref[:, 0:1] + d1_ref[:, 0:1] + 1.0
    dinv = lax.rsqrt(deg)
    h = jnp.dot(x_ref[...], w1_ref[...], preferred_element_type=jnp.float32)
    hp = h * dinv
    h0_ref[...] = hp[:, :_H]
    h1_ref[...] = hp[:, _H:]
    dinv_ref[...] = dinv


def _tc_a(xp, w1, d0, d1):
    grid = (_NPAD // _R,)
    return pl.pallas_call(
        _tc_a_body,
        grid=grid,
        in_specs=[
            pl.BlockSpec((_R, 20), lambda i: (i, 0)),
            pl.BlockSpec((20, _D), lambda i: (0, 0)),
            pl.BlockSpec((_R, _DEGW), lambda i: (i, 0)),
            pl.BlockSpec((_R, _DEGW), lambda i: (i, 0)),
        ],
        out_specs=[
            pl.BlockSpec((_R, _H), lambda i: (i, 0)),
            pl.BlockSpec((_R, _H), lambda i: (i, 0)),
            pl.BlockSpec((_R, 1), lambda i: (i, 0)),
        ],
        out_shape=[
            jax.ShapeDtypeStruct((_NPAD, _H), jnp.float32),
            jax.ShapeDtypeStruct((_NPAD, _H), jnp.float32),
            jax.ShapeDtypeStruct((_NPAD, 1), jnp.float32),
        ],
    )(xp, w1, d0, d1)


def _tc_b_body(a0_ref, a1_ref, dinv_ref, b_ref, w2_ref, g0_ref, g1_ref):
    agg = jnp.concatenate([a0_ref[...], a1_ref[...]], axis=1)
    z = jnp.maximum(agg * dinv_ref[...] + b_ref[...], 0.0)
    hp = jnp.dot(z, w2_ref[...], preferred_element_type=jnp.float32) * dinv_ref[...]
    g0_ref[...] = hp[:, :_H]
    g1_ref[...] = hp[:, _H:]


def _tc_b(a0, a1, dinv, b1, w2):
    grid = (_NPAD // _R,)
    return pl.pallas_call(
        _tc_b_body,
        grid=grid,
        in_specs=[
            pl.BlockSpec((_R, _H), lambda i: (i, 0)),
            pl.BlockSpec((_R, _H), lambda i: (i, 0)),
            pl.BlockSpec((_R, 1), lambda i: (i, 0)),
            pl.BlockSpec((1, _D), lambda i: (0, 0)),
            pl.BlockSpec((_D, _D), lambda i: (0, 0)),
        ],
        out_specs=[
            pl.BlockSpec((_R, _H), lambda i: (i, 0)),
            pl.BlockSpec((_R, _H), lambda i: (i, 0)),
        ],
        out_shape=[
            jax.ShapeDtypeStruct((_NPAD, _H), jnp.float32),
            jax.ShapeDtypeStruct((_NPAD, _H), jnp.float32),
        ],
    )(a0, a1, dinv, b1, w2)


def _tc_c_body(a0_ref, a1_ref, dinv_ref, b_ref, bt_ref, wfc_ref, bfc_ref,
               out_ref, sums, counts):
    i = pl.program_id(0)

    @pl.when(i == 0)
    def _():
        sums[...] = jnp.zeros_like(sums)
        counts[...] = jnp.zeros_like(counts)

    agg = jnp.concatenate([a0_ref[...], a1_ref[...]], axis=1)
    z = jnp.maximum(agg * dinv_ref[...] + b_ref[...], 0.0)
    oh = (bt_ref[...] == lax.broadcasted_iota(jnp.int32, (_R, _G), 1))
    oh = oh.astype(jnp.float32)
    sums[...] += lax.dot_general(oh, z, (((0,), (0,)), ((), ())),
                                 preferred_element_type=jnp.float32,
                                 precision=lax.Precision.HIGHEST)
    ones_col = jnp.ones((_R, 1), jnp.float32)
    counts[...] += lax.dot_general(oh, ones_col, (((0,), (0,)), ((), ())),
                                   preferred_element_type=jnp.float32,
                                   precision=lax.Precision.HIGHEST)

    @pl.when(i == pl.num_programs(0) - 1)
    def _():
        pooled = sums[...] / jnp.maximum(counts[...], 1.0)
        out_ref[...] = jnp.dot(pooled, wfc_ref[...],
                               preferred_element_type=jnp.float32) + bfc_ref[...]


def _tc_c(a0, a1, dinv, b2, bt2d, wfc, bfc):
    grid = (_NPAD // _R,)
    return pl.pallas_call(
        _tc_c_body,
        grid=grid,
        in_specs=[
            pl.BlockSpec((_R, _H), lambda i: (i, 0)),
            pl.BlockSpec((_R, _H), lambda i: (i, 0)),
            pl.BlockSpec((_R, 1), lambda i: (i, 0)),
            pl.BlockSpec((1, _D), lambda i: (0, 0)),
            pl.BlockSpec((_R, 1), lambda i: (i, 0)),
            pl.BlockSpec((_D, 1), lambda i: (0, 0)),
            pl.BlockSpec((1, 1), lambda i: (0, 0)),
        ],
        out_specs=pl.BlockSpec((_G, 1), lambda i: (0, 0)),
        out_shape=jax.ShapeDtypeStruct((_G, 1), jnp.float32),
        scratch_shapes=[
            pltpu.VMEM((_G, _G), jnp.float32),
            pltpu.VMEM((_G, 1), jnp.float32),
        ],
        compiler_params=pltpu.CompilerParams(
            dimension_semantics=("arbitrary",)),
    )(a0, a1, dinv, b2, bt2d, wfc, bfc)


def kernel(x, edge_index, batch, W1, b1, W2, b2, Wfc, bfc):
    padi = jnp.full((_EPAD - _E,), _N, jnp.int32)
    src2d = jnp.concatenate([edge_index[0], padi]).reshape(_NCHUNK, _CHUNK)
    dst2d = jnp.concatenate([edge_index[1], padi]).reshape(_NCHUNK, _CHUNK)
    xp = jnp.pad(x, ((0, _NPAD - _N), (0, 0)))
    bt2d = jnp.pad(batch, (0, _NPAD - _N),
                   constant_values=_G).reshape(_NPAD, 1)
    zin = jnp.zeros((_NPAD, _DEGW), jnp.float32)
    ones_h = jnp.ones((_CHUNK, _DEGW), jnp.float32)

    d0, d1 = _sc_deg(dst2d, zin, ones_h)
    h0, h1, dinv = _tc_a(xp, W1, d0, d1)
    a0, a1 = _sc_agg(src2d, dst2d, h0, h1)
    g0, g1 = _tc_b(a0, a1, dinv, b1.reshape(1, _D), W2)
    c0, c1 = _sc_agg(src2d, dst2d, g0, g1)
    out2 = _tc_c(c0, c1, dinv, b2.reshape(1, _D), bt2d, Wfc,
                 bfc.reshape(1, 1))
    return out2[:, 0]

# --- scband reference (transcript-rebuilt; emitter-appended) ---
"""Pipeline reference for scband-affinity-predictor-28243704939144 (READ-ONLY COPY).

The authoritative reference and input builder live on the scoring server;
editing this copy changes nothing except your own understanding.
"""

import jax, jax.numpy as jnp
import numpy as np

N = 50000
E = 800000
IN_DIM = 20
NODE_DIM = 64
NUM_GRAPHS = 64


def setup_inputs(seed: int = 0) -> dict:
    key = jax.random.key(seed)
    ks = jax.random.split(key, 9)
    x = jax.random.normal(ks[0], (N, IN_DIM), dtype=jnp.float32)
    edge_index = jax.random.randint(ks[1], (2, E), 0, N, dtype=jnp.int32)
    batch = jnp.sort(jax.random.randint(ks[2], (N,), 0, NUM_GRAPHS, dtype=jnp.int32))
    W1 = jax.random.normal(ks[3], (IN_DIM, NODE_DIM), dtype=jnp.float32) * (1.0 / np.sqrt(IN_DIM))
    b1 = jnp.zeros((NODE_DIM,), dtype=jnp.float32)
    W2 = jax.random.normal(ks[4], (NODE_DIM, NODE_DIM), dtype=jnp.float32) * (1.0 / np.sqrt(NODE_DIM))
    b2 = jnp.zeros((NODE_DIM,), dtype=jnp.float32)
    Wfc = jax.random.normal(ks[5], (NODE_DIM, 1), dtype=jnp.float32) * (1.0 / np.sqrt(NODE_DIM))
    bfc = jnp.zeros((1,), dtype=jnp.float32)
    return {"x": x, "edge_index": edge_index, "batch": batch,
            "W1": W1, "b1": b1, "W2": W2, "b2": b2, "Wfc": Wfc, "bfc": bfc}


def _gcn_conv(x, W, b, src, dst, num_nodes):
    # GCNConv with self-loops already appended to (src, dst).
    deg = jnp.zeros((num_nodes,), x.dtype).at[dst].add(1.0)
    dinv = jnp.where(deg > 0, jax.lax.rsqrt(jnp.maximum(deg, 1e-12)), 0.0)
    norm = dinv[src] * dinv[dst]
    h = x @ W
    msg = h[src] * norm[:, None]
    out = jnp.zeros((num_nodes, W.shape[1]), x.dtype).at[dst].add(msg)
    return out + b


def reference(x, edge_index, batch, W1, b1, W2, b2, Wfc, bfc):
    num_nodes = x.shape[0]
    loop = jnp.arange(num_nodes, dtype=edge_index.dtype)
    src = jnp.concatenate([edge_index[0], loop])
    dst = jnp.concatenate([edge_index[1], loop])
    h = jax.nn.relu(_gcn_conv(x, W1, b1, src, dst, num_nodes))
    h = jax.nn.relu(_gcn_conv(h, W2, b2, src, dst, num_nodes))
    sums = jax.ops.segment_sum(h, batch, num_segments=NUM_GRAPHS)
    counts = jax.ops.segment_sum(jnp.ones((num_nodes,), h.dtype), batch, num_segments=NUM_GRAPHS)
    pooled = sums / jnp.maximum(counts, 1.0)[:, None]
    out = pooled @ Wfc + bfc
    return out.squeeze(-1)

if __name__ == "__main__":
    import jax
    _d = setup_inputs()
    print(jax.jit(kernel)(*tuple(_d.values())))

</pallas_src>

<mosaic_0001>
#map = affine_map<(d0, d1) -> (0, 0)>
module attributes {stable_mosaic.version = 14 : i64} {
  func.func @_sc_agg_kernel(%arg0: i32, %arg1: i32, %arg2: memref<6336x128xi32, #tpu.memory_space<hbm>>, %arg3: memref<6336x128xi32, #tpu.memory_space<hbm>>, %arg4: memref<50048x32xf32, #tpu.memory_space<hbm>>, %arg5: memref<50048x32xf32, #tpu.memory_space<hbm>>, %arg6: memref<50048x32xf32, #tpu.memory_space<hbm>>, %arg7: memref<50048x32xf32, #tpu.memory_space<hbm>>, %arg8: memref<50048x32xf32, #tpu.memory_space<vmem_shared>>, %arg9: memref<3x128xi32, #tpu.memory_space<vmem>>, %arg10: memref<3x128xi32, #tpu.memory_space<vmem>>, %arg11: memref<3x128xi32, #tpu.memory_space<vmem>>, %arg12: memref<3x128xi32, #tpu.memory_space<vmem>>, %arg13: memref<128x32xf32, #tpu.memory_space<vmem>>, %arg14: memref<128x32xf32, #tpu.memory_space<vmem>>, %arg15: memref<128x32xf32, #tpu.memory_space<vmem>>, %arg16: memref<128x32xf32, #tpu.memory_space<vmem>>, %arg17: memref<128x32xf32, #tpu.memory_space<vmem>>, %arg18: memref<128x32xf32, #tpu.memory_space<vmem>>, %arg19: memref<!tpu.dma_semaphore, #tpu.memory_space<semaphore_mem>>, %arg20: memref<!tpu.dma_semaphore, #tpu.memory_space<semaphore_mem>>, %arg21: memref<!tpu.dma_semaphore, #tpu.memory_space<semaphore_mem>>, %arg22: memref<!tpu.dma_semaphore, #tpu.memory_space<semaphore_mem>>, %arg23: memref<!tpu.dma_semaphore, #tpu.memory_space<semaphore_mem>>, %arg24: memref<!tpu.dma_semaphore, #tpu.memory_space<semaphore_mem>>, %arg25: memref<!tpu.dma_semaphore, #tpu.memory_space<semaphore_mem>>, %arg26: memref<!tpu.dma_semaphore, #tpu.memory_space<semaphore_mem>>, %arg27: memref<!tpu.dma_semaphore, #tpu.memory_space<semaphore_mem>>, %arg28: memref<!tpu.dma_semaphore, #tpu.memory_space<semaphore_mem>>) attributes {dimension_semantics = [#tpu.dimension_semantics<core_parallel>, #tpu.dimension_semantics<subcore_parallel>], iteration_bounds = array<i64: 2, 16>, scalar_prefetch = 0 : i64, scratch_operands = 21 : i64, tpu.core_type = #tpu.core_type<sc_vector_subcore>, window_params = [{transform_indices = #map}, {transform_indices = #map}, {transform_indices = #map}, {transform_indices = #map}, {transform_indices = #map}, {transform_indices = #map}]} {
    %mul3A = arith.constant 3128 : i32
    %mul3A_0 = arith.muli %arg1, %mul3A : i32
    %mul3A_1 = arith.constant 396 : i32
    %mul3A_2 = arith.muli %arg1, %mul3A_1 : i32
    %eq3A = arith.constant 0 : i32
    %eq3A_3 = arith.cmpi eq, %arg0, %eq3A : i32
    %convert_element_type3A = arith.extui %eq3A_3 : i1 to i32
    %cond3A = arith.constant 0 : i32
    %cond3A_4 = arith.cmpi ne, %convert_element_type3A, %cond3A : i32
    scf.if %cond3A_4 {
      "tpu.region"() ({
        %run_scoped3A_142 = tpu.sem_alloc : memref<!tpu.dma_semaphore, #tpu.memory_space<semaphore_mem>>
        %dma_start3A_143 = arith.constant 0 : i32
        %dma_start3A_144 = tpu.memref_slice %arg8[%mul3A_0, %dma_start3A_143] : memref<50048x32xf32, #tpu.memory_space<vmem_shared>> -> memref<3128x32xf32, #tpu.memory_space<vmem_shared>>
        %dma_start3A_145 = arith.constant 0 : i32
        %dma_start3A_146 = tpu.memref_slice %arg4[%mul3A_0, %dma_start3A_145] : memref<50048x32xf32, #tpu.memory_space<hbm>> -> memref<3128x32xf32, #tpu.memory_space<hbm>>
        tpu.enqueue_dma source(%dma_start3A_146 : memref<3128x32xf32, #tpu.memory_space<hbm>>) target(%dma_start3A_144 : memref<3128x32xf32, #tpu.memory_space<vmem_shared>>) target_semaphore(%run_scoped3A_142 : memref<!tpu.dma_semaphore, #tpu.memory_space<semaphore_mem>>)
        %dma_wait3A_147 = arith.constant 0 : i32
        %dma_wait3A_148 = tpu.memref_slice %arg8[%mul3A_0, %dma_wait3A_147] : memref<50048x32xf32, #tpu.memory_space<vmem_shared>> -> memref<3128x32xf32, #tpu.memory_space<vmem_shared>>
        %dma_wait3A_149 = arith.constant 0 : i32
        %dma_wait3A_150 = tpu.memref_slice %arg4[%mul3A_0, %dma_wait3A_149] : memref<50048x32xf32, #tpu.memory_space<hbm>> -> memref<3128x32xf32, #tpu.memory_space<hbm>>
        tpu.wait_dma2 semaphore(%run_scoped3A_142 : memref<!tpu.dma_semaphore, #tpu.memory_space<semaphore_mem>>) src(%dma_wait3A_150 : memref<3128x32xf32, #tpu.memory_space<hbm>>) dst(%dma_wait3A_148 : memref<3128x32xf32, #tpu.memory_space<vmem_shared>>)
        tpu.yield
      }) : () -> ()
      %barrier3A = arith.constant 0 : index
      tpu.barrier barrier_id(%barrier3A)
      %add3A = arith.constant 0 : i32
      %add3A_10 = arith.addi %mul3A_2, %add3A : i32
      %dma_start3A = arith.constant 0 : i32
      %dma_start3A_11 = tpu.memref_slice %arg2[%add3A_10, %dma_start3A] : memref<6336x128xi32, #tpu.memory_space<hbm>> -> memref<3x128xi32, #tpu.memory_space<hbm>>
      %dma_start3A_12 = arith.constant 0 : i32
      %dma_start3A_13 = tpu.memref_slice %arg2[%add3A_10, %dma_start3A_12] : memref<6336x128xi32, #tpu.memory_space<hbm>> -> memref<3x128xi32, #tpu.memory_space<hbm>>
      tpu.enqueue_dma source(%dma_start3A_13 : memref<3x128xi32, #tpu.memory_space<hbm>>) target(%arg9 : memref<3x128xi32, #tpu.memory_space<vmem>>) target_semaphore(%arg19 : memref<!tpu.dma_semaphore, #tpu.memory_space<semaphore_mem>>)
      %add3A_14 = arith.constant 0 : i32
      %add3A_15 = arith.addi %mul3A_2, %add3A_14 : i32
      %dma_start3A_16 = arith.constant 0 : i32
      %dma_start3A_17 = tpu.memref_slice %arg3[%add3A_15, %dma_start3A_16] : memref<6336x128xi32, #tpu.memory_space<hbm>> -> memref<3x128xi32, #tpu.memory_space<hbm>>
      %dma_start3A_18 = arith.constant 0 : i32
      %dma_start3A_19 = tpu.memref_slice %arg3[%add3A_15, %dma_start3A_18] : memref<6336x128xi32, #tpu.memory_space<hbm>> -> memref<3x128xi32, #tpu.memory_space<hbm>>
      tpu.enqueue_dma source(%dma_start3A_19 : memref<3x128xi32, #tpu.memory_space<hbm>>) target(%arg11 : memref<3x128xi32, #tpu.memory_space<vmem>>) target_semaphore(%arg21 : memref<!tpu.dma_semaphore, #tpu.memory_space<semaphore_mem>>)
      %add3A_20 = arith.constant 3 : i32
      %add3A_21 = arith.addi %mul3A_2, %add3A_20 : i32
      %dma_start3A_22 = arith.constant 0 : i32
      %dma_start3A_23 = tpu.memref_slice %arg2[%add3A_21, %dma_start3A_22] : memref<6336x128xi32, #tpu.memory_space<hbm>> -> memref<3x128xi32, #tpu.memory_space<hbm>>
      %dma_start3A_24 = arith.constant 0 : i32
      %dma_start3A_25 = tpu.memref_slice %arg2[%add3A_21, %dma_start3A_24] : memref<6336x128xi32, #tpu.memory_space<hbm>> -> memref<3x128xi32, #tpu.memory_space<hbm>>
      tpu.enqueue_dma source(%dma_start3A_25 : memref<3x128xi32, #tpu.memory_space<hbm>>) target(%arg10 : memref<3x128xi32, #tpu.memory_space<vmem>>) target_semaphore(%arg20 : memref<!tpu.dma_semaphore, #tpu.memory_space<semaphore_mem>>)
      %add3A_26 = arith.constant 3 : i32
      %add3A_27 = arith.addi %mul3A_2, %add3A_26 : i32
      %dma_start3A_28 = arith.constant 0 : i32
      %dma_start3A_29 = tpu.memref_slice %arg3[%add3A_27, %dma_start3A_28] : memref<6336x128xi32, #tpu.memory_space<hbm>> -> memref<3x128xi32, #tpu.memory_space<hbm>>
      %dma_start3A_30 = arith.constant 0 : i32
      %dma_start3A_31 = tpu.memref_slice %arg3[%add3A_27, %dma_start3A_30] : memref<6336x128xi32, #tpu.memory_space<hbm>> -> memref<3x128xi32, #tpu.memory_space<hbm>>
      tpu.enqueue_dma source(%dma_start3A_31 : memref<3x128xi32, #tpu.memory_space<hbm>>) target(%arg12 : memref<3x128xi32, #tpu.memory_space<vmem>>) target_semaphore(%arg22 : memref<!tpu.dma_semaphore, #tpu.memory_space<semaphore_mem>>)
      %dma_wait3A = arith.constant 0 : i32
      %dma_wait3A_32 = tpu.memref_slice %arg2[%mul3A_2, %dma_wait3A] : memref<6336x128xi32, #tpu.memory_space<hbm>> -> memref<3x128xi32, #tpu.memory_space<hbm>>
      %dma_wait3A_33 = arith.constant 0 : i32
      %dma_wait3A_34 = tpu.memref_slice %arg2[%mul3A_2, %dma_wait3A_33] : memref<6336x128xi32, #tpu.memory_space<hbm>> -> memref<3x128xi32, #tpu.memory_space<hbm>>
      tpu.wait_dma2 semaphore(%arg19 : memref<!tpu.dma_semaphore, #tpu.memory_space<semaphore_mem>>) src(%dma_wait3A_34 : memref<3x128xi32, #tpu.memory_space<hbm>>) dst(%arg9 : memref<3x128xi32, #tpu.memory_space<vmem>>)
      %dma_start3A_35 = arith.constant 0 : i32
      %dma_start3A_36 = arith.constant 0 : i32
      %dma_start3A_37 = tpu.memref_slice %arg9[%dma_start3A_35, %dma_start3A_36] : memref<3x128xi32, #tpu.memory_space<vmem>> -> memref<1x128xi32, #tpu.memory_space<vmem>>
      %dma_start3A_38 = tpu.memref_squeeze %dma_start3A_37 : memref<1x128xi32, #tpu.memory_space<vmem>> -> memref<128xi32, #tpu.memory_space<vmem>>
      %dma_start3A_39 = arith.constant 0 : i32
      %dma_start3A_40 = arith.constant 0 : i32
      %dma_start3A_41 = tpu.memref_slice %arg4[%dma_start3A_39, %dma_start3A_40] : memref<50048x32xf32, #tpu.memory_space<hbm>> -> memref<50048x32xf32, #tpu.memory_space<hbm>>
      tpu.enqueue_indirect_dma source(%dma_start3A_41 : memref<50048x32xf32, #tpu.memory_space<hbm>>) target(%arg13 : memref<128x32xf32, #tpu.memory_space<vmem>>) offsets(%dma_start3A_38 : memref<128xi32, #tpu.memory_space<vmem>>) semaphore(%arg23 : memref<!tpu.dma_semaphore, #tpu.memory_space<semaphore_mem>>)
      %dma_start3A_42 = arith.constant 1 : i32
      %dma_start3A_43 = arith.constant 0 : i32
      %dma_start3A_44 = tpu.memref_slice %arg9[%dma_start3A_42, %dma_start3A_43] : memref<3x128xi32, #tpu.memory_space<vmem>> -> memref<1x128xi32, #tpu.memory_space<vmem>>
      %dma_start3A_45 = tpu.memref_squeeze %dma_start3A_44 : memref<1x128xi32, #tpu.memory_space<vmem>> -> memref<128xi32, #tpu.memory_space<vmem>>
      %dma_start3A_46 = arith.constant 0 : i32
      %dma_start3A_47 = arith.constant 0 : i32
      %dma_start3A_48 = tpu.memref_slice %arg4[%dma_start3A_46, %dma_start3A_47] : memref<50048x32xf32, #tpu.memory_space<hbm>> -> memref<50048x32xf32, #tpu.memory_space<hbm>>
      tpu.enqueue_indirect_dma source(%dma_start3A_48 : memref<50048x32xf32, #tpu.memory_space<hbm>>) target(%arg14 : memref<128x32xf32, #tpu.memory_space<vmem>>) offsets(%dma_start3A_45 : memref<128xi32, #tpu.memory_space<vmem>>) semaphore(%arg24 : memref<!tpu.dma_semaphore, #tpu.memory_space<semaphore_mem>>)
      %dma_start3A_49 = arith.constant 2 : i32
      %dma_start3A_50 = arith.constant 0 : i32
      %dma_start3A_51 = tpu.memref_slice %arg9[%dma_start3A_49, %dma_start3A_50] : memref<3x128xi32, #tpu.memory_space<vmem>> -> memref<1x128xi32, #tpu.memory_space<vmem>>
      %dma_start3A_52 = tpu.memref_squeeze %dma_start3A_51 : memref<1x128xi32, #tpu.memory_space<vmem>> -> memref<128xi32, #tpu.memory_space<vmem>>
      %dma_start3A_53 = arith.constant 0 : i32
      %dma_start3A_54 = arith.constant 0 : i32
      %dma_start3A_55 = tpu.memref_slice %arg4[%dma_start3A_53, %dma_start3A_54] : memref<50048x32xf32, #tpu.memory_space<hbm>> -> memref<50048x32xf32, #tpu.memory_space<hbm>>
      tpu.enqueue_indirect_dma source(%dma_start3A_55 : memref<50048x32xf32, #tpu.memory_space<hbm>>) target(%arg15 : memref<128x32xf32, #tpu.memory_space<vmem>>) offsets(%dma_start3A_52 : memref<128xi32, #tpu.memory_space<vmem>>) semaphore(%arg25 : memref<!tpu.dma_semaphore, #tpu.memory_space<semaphore_mem>>)
      %scan3A = arith.constant 0 : i32
      %scan3A_56 = arith.constant 0 : i32
      %scan3A_57 = arith.constant 65 : i32
      %scan3A_58 = arith.addi %scan3A_56, %scan3A_57 : i32
      %scan3A_59 = arith.constant 1 : i32
      scf.for %scan3A_142 = %scan3A_56 to %scan3A_58 step %scan3A_59  : i32 {
        %mul3A_143 = arith.constant 2 : i32
        %mul3A_144 = arith.muli %mul3A_143, %scan3A_142 : i32
        %dma_wait3A_145 = arith.constant 0 : i32
        %dma_wait3A_146 = tpu.memref_slice %arg2[%mul3A_2, %dma_wait3A_145] : memref<6336x128xi32, #tpu.memory_space<hbm>> -> memref<3x128xi32, #tpu.memory_space<hbm>>
        %dma_wait3A_147 = arith.constant 0 : i32
        %dma_wait3A_148 = tpu.memref_slice %arg2[%mul3A_2, %dma_wait3A_147] : memref<6336x128xi32, #tpu.memory_space<hbm>> -> memref<3x128xi32, #tpu.memory_space<hbm>>
        tpu.wait_dma2 semaphore(%arg20 : memref<!tpu.dma_semaphore, #tpu.memory_space<semaphore_mem>>) src(%dma_wait3A_148 : memref<3x128xi32, #tpu.memory_space<hbm>>) dst(%arg10 : memref<3x128xi32, #tpu.memory_space<vmem>>)
        %dma_start3A_149 = arith.constant 0 : i32
        %dma_start3A_150 = arith.constant 0 : i32
        %dma_start3A_151 = tpu.memref_slice %arg10[%dma_start3A_149, %dma_start3A_150] : memref<3x128xi32, #tpu.memory_space<vmem>> -> memref<1x128xi32, #tpu.memory_space<vmem>>
        %dma_start3A_152 = tpu.memref_squeeze %dma_start3A_151 : memref<1x128xi32, #tpu.memory_space<vmem>> -> memref<128xi32, #tpu.memory_space<vmem>>
        %dma_start3A_153 = arith.constant 0 : i32
        %dma_start3A_154 = arith.constant 0 : i32
        %dma_start3A_155 = tpu.memref_slice %arg4[%dma_start3A_153, %dma_start3A_154] : memref<50048x32xf32, #tpu.memory_space<hbm>> -> memref<50048x32xf32, #tpu.memory_space<hbm>>
        tpu.enqueue_indirect_dma source(%dma_start3A_155 : memref<50048x32xf32, #tpu.memory_space<hbm>>) target(%arg16 : memref<128x32xf32, #tpu.memory_space<vmem>>) offsets(%dma_start3A_152 : memref<128xi32, #tpu.memory_space<vmem>>) semaphore(%arg26 : memref<!tpu.dma_semaphore, #tpu.memory_space<semaphore_mem>>)
        %dma_start3A_156 = arith.constant 1 : i32
        %dma_start3A_157 = arith.constant 0 : i32
        %dma_start3A_158 = tpu.memref_slice %arg10[%dma_start3A_156, %dma_start3A_157] : memref<3x128xi32, #tpu.memory_space<vmem>> -> memref<1x128xi32, #tpu.memory_space<vmem>>
        %dma_start3A_159 = tpu.memref_squeeze %dma_start3A_158 : memref<1x128xi32, #tpu.memory_space<vmem>> -> memref<128xi32, #tpu.memory_space<vmem>>
        %dma_start3A_160 = arith.constant 0 : i32
        %dma_start3A_161 = arith.constant 0 : i32
        %dma_start3A_162 = tpu.memref_slice %arg4[%dma_start3A_160, %dma_start3A_161] : memref<50048x32xf32, #tpu.memory_space<hbm>> -> memref<50048x32xf32, #tpu.memory_space<hbm>>
        tpu.enqueue_indirect_dma source(%dma_start3A_162 : memref<50048x32xf32, #tpu.memory_space<hbm>>) target(%arg17 : memref<128x32xf32, #tpu.memory_space<vmem>>) offsets(%dma_start3A_159 : memref<128xi32, #tpu.memory_space<vmem>>) semaphore(%arg27 : memref<!tpu.dma_semaphore, #tpu.memory_space<semaphore_mem>>)
        %dma_start3A_163 = arith.constant 2 : i32
        %dma_start3A_164 = arith.constant 0 : i32
        %dma_start3A_165 = tpu.memref_slice %arg10[%dma_start3A_163, %dma_start3A_164] : memref<3x128xi32, #tpu.memory_space<vmem>> -> memref<1x128xi32, #tpu.memory_space<vmem>>
        %dma_start3A_166 = tpu.memref_squeeze %dma_start3A_165 : memref<1x128xi32, #tpu.memory_space<vmem>> -> memref<128xi32, #tpu.memory_space<vmem>>
        %dma_start3A_167 = arith.constant 0 : i32
        %dma_start3A_168 = arith.constant 0 : i32
        %dma_start3A_169 = tpu.memref_slice %arg4[%dma_start3A_167, %dma_start3A_168] : memref<50048x32xf32, #tpu.memory_space<hbm>> -> memref<50048x32xf32, #tpu.memory_space<hbm>>
        tpu.enqueue_indirect_dma source(%dma_start3A_169 : memref<50048x32xf32, #tpu.memory_space<hbm>>) target(%arg18 : memref<128x32xf32, #tpu.memory_space<vmem>>) offsets(%dma_start3A_166 : memref<128xi32, #tpu.memory_space<vmem>>) semaphore(%arg28 : memref<!tpu.dma_semaphore, #tpu.memory_space<semaphore_mem>>)
        %dma_wait3A_170 = arith.constant 0 : i32
        %dma_wait3A_171 = arith.constant 0 : i32
        %dma_wait3A_172 = tpu.memref_slice %arg9[%dma_wait3A_170, %dma_wait3A_171] : memref<3x128xi32, #tpu.memory_space<vmem>> -> memref<1x128xi32, #tpu.memory_space<vmem>>
        %dma_wait3A_173 = tpu.memref_squeeze %dma_wait3A_172 : memref<1x128xi32, #tpu.memory_space<vmem>> -> memref<128xi32, #tpu.memory_space<vmem>>
        %dma_wait3A_174 = arith.constant 0 : i32
        %dma_wait3A_175 = arith.constant 0 : i32
        %dma_wait3A_176 = tpu.memref_slice %arg4[%dma_wait3A_174, %dma_wait3A_175] : memref<50048x32xf32, #tpu.memory_space<hbm>> -> memref<50048x32xf32, #tpu.memory_space<hbm>>
        tpu.wait_indirect_dma semaphore(%arg23 : memref<!tpu.dma_semaphore, #tpu.memory_space<semaphore_mem>>) src(%dma_wait3A_176 : memref<50048x32xf32, #tpu.memory_space<hbm>>) dst(%arg13 : memref<128x32xf32, #tpu.memory_space<vmem>>)
        %dma_wait3A_177 = arith.constant 1 : i32
        %dma_wait3A_178 = arith.constant 0 : i32
        %dma_wait3A_179 = tpu.memref_slice %arg9[%dma_wait3A_177, %dma_wait3A_178] : memref<3x128xi32, #tpu.memory_space<vmem>> -> memref<1x128xi32, #tpu.memory_space<vmem>>
        %dma_wait3A_180 = tpu.memref_squeeze %dma_wait3A_179 : memref<1x128xi32, #tpu.memory_space<vmem>> -> memref<128xi32, #tpu.memory_space<vmem>>
        %dma_wait3A_181 = arith.constant 0 : i32
        %dma_wait3A_182 = arith.constant 0 : i32
        %dma_wait3A_183 = tpu.memref_slice %arg4[%dma_wait3A_181, %dma_wait3A_182] : memref<50048x32xf32, #tpu.memory_space<hbm>> -> memref<50048x32xf32, #tpu.memory_space<hbm>>
        tpu.wait_indirect_dma semaphore(%arg24 : memref<!tpu.dma_semaphore, #tpu.memory_space<semaphore_mem>>) src(%dma_wait3A_183 : memref<50048x32xf32, #tpu.memory_space<hbm>>) dst(%arg14 : memref<128x32xf32, #tpu.memory_space<vmem>>)
        %dma_wait3A_184 = arith.constant 2 : i32
        %dma_wait3A_185 = arith.constant 0 : i32
        %dma_wait3A_186 = tpu.memref_slice %arg9[%dma_wait3A_184, %dma_wait3A_185] : memref<3x128xi32, #tpu.memory_space<vmem>> -> memref<1x128xi32, #tpu.memory_space<vmem>>
        %dma_wait3A_187 = tpu.memref_squeeze %dma_wait3A_186 : memref<1x128xi32, #tpu.memory_space<vmem>> -> memref<128xi32, #tpu.memory_space<vmem>>
        %dma_wait3A_188 = arith.constant 0 : i32
        %dma_wait3A_189 = arith.constant 0 : i32
        %dma_wait3A_190 = tpu.memref_slice %arg4[%dma_wait3A_188, %dma_wait3A_189] : memref<50048x32xf32, #tpu.memory_space<hbm>> -> memref<50048x32xf32, #tpu.memory_space<hbm>>
        tpu.wait_indirect_dma semaphore(%arg25 : memref<!tpu.dma_semaphore, #tpu.memory_space<semaphore_mem>>) src(%dma_wait3A_190 : memref<50048x32xf32, #tpu.memory_space<hbm>>) dst(%arg15 : memref<128x32xf32, #tpu.memory_space<vmem>>)
        %add3A_191 = arith.constant 2 : i32
        %add3A_192 = arith.addi %mul3A_144, %add3A_191 : i32
        %mul3A_193 = arith.constant 3 : i32
        %mul3A_194 = arith.muli %add3A_192, %mul3A_193 : i32
        %add3A_195 = arith.addi %mul3A_2, %mul3A_194 : i32
        %dma_start3A_196 = arith.constant 0 : i32
        %dma_start3A_197 = tpu.memref_slice %arg2[%add3A_195, %dma_start3A_196] : memref<6336x128xi32, #tpu.memory_space<hbm>> -> memref<3x128xi32, #tpu.memory_space<hbm>>
        %dma_start3A_198 = arith.constant 0 : i32
        %dma_start3A_199 = tpu.memref_slice %arg2[%add3A_195, %dma_start3A_198] : memref<6336x128xi32, #tpu.memory_space<hbm>> -> memref<3x128xi32, #tpu.memory_space<hbm>>
        tpu.enqueue_dma source(%dma_start3A_199 : memref<3x128xi32, #tpu.memory_space<hbm>>) target(%arg9 : memref<3x128xi32, #tpu.memory_space<vmem>>) target_semaphore(%arg19 : memref<!tpu.dma_semaphore, #tpu.memory_space<semaphore_mem>>)
        %dma_wait3A_200 = arith.constant 0 : i32
        %dma_wait3A_201 = tpu.memref_slice %arg3[%mul3A_2, %dma_wait3A_200] : memref<6336x128xi32, #tpu.memory_space<hbm>> -> memref<3x128xi32, #tpu.memory_space<hbm>>
        %dma_wait3A_202 = arith.constant 0 : i32
        %dma_wait3A_203 = tpu.memref_slice %arg3[%mul3A_2, %dma_wait3A_202] : memref<6336x128xi32, #tpu.memory_space<hbm>> -> memref<3x128xi32, #tpu.memory_space<hbm>>
        tpu.wait_dma2 semaphore(%arg21 : memref<!tpu.dma_semaphore, #tpu.memory_space<semaphore_mem>>) src(%dma_wait3A_203 : memref<3x128xi32, #tpu.memory_space<hbm>>) dst(%arg11 : memref<3x128xi32, #tpu.memory_space<vmem>>)
        %run_scoped3A_204 = arith.constant 0 : i32
        "tpu.region"() ({
          %run_scoped3A_287 = tpu.sem_alloc : memref<!tpu.dma_semaphore, #tpu.memory_space<semaphore_mem>>
          %dma_start3A_288 = arith.constant 0 : i32
          %dma_start3A_289 = tpu.memref_slice %arg11[%run_scoped3A_204, %dma_start3A_288] : memref<3x128xi32, #tpu.memory_space<vmem>> -> memref<1x128xi32, #tpu.memory_space<vmem>>
          %dma_start3A_290 = tpu.memref_squeeze %dma_start3A_289 : memref<1x128xi32, #tpu.memory_space<vmem>> -> memref<128xi32, #tpu.memory_space<vmem>>
          %dma_start3A_291 = arith.constant 0 : i32
          %dma_start3A_292 = arith.constant 0 : i32
          %dma_start3A_293 = tpu.memref_slice %arg8[%dma_start3A_291, %dma_start3A_292] : memref<50048x32xf32, #tpu.memory_space<vmem_shared>> -> memref<50048x32xf32, #tpu.memory_space<vmem_shared>>
          tpu.enqueue_indirect_dma source(%arg13 : memref<128x32xf32, #tpu.memory_space<vmem>>) target(%dma_start3A_293 : memref<50048x32xf32, #tpu.memory_space<vmem_shared>>) offsets(%dma_start3A_290 : memref<128xi32, #tpu.memory_space<vmem>>) semaphore(%run_scoped3A_287 : memref<!tpu.dma_semaphore, #tpu.memory_space<semaphore_mem>>) {add = true}
          %dma_wait3A_294 = arith.constant 0 : i32
          %dma_wait3A_295 = tpu.memref_slice %arg11[%run_scoped3A_204, %dma_wait3A_294] : memref<3x128xi32, #tpu.memory_space<vmem>> -> memref<1x128xi32, #tpu.memory_space<vmem>>
          %dma_wait3A_296 = tpu.memref_squeeze %dma_wait3A_295 : memref<1x128xi32, #tpu.memory_space<vmem>> -> memref<128xi32, #tpu.memory_space<vmem>>
          %dma_wait3A_297 = arith.constant 0 : i32
          %dma_wait3A_298 = arith.constant 0 : i32
          %dma_wait3A_299 = tpu.memref_slice %arg8[%dma_wait3A_297, %dma_wait3A_298] : memref<50048x32xf32, #tpu.memory_space<vmem_shared>> -> memref<50048x32xf32, #tpu.memory_space<vmem_shared>>
          tpu.wait_indirect_dma semaphore(%run_scoped3A_287 : memref<!tpu.dma_semaphore, #tpu.memory_space<semaphore_mem>>) src(%arg13 : memref<128x32xf32, #tpu.memory_space<vmem>>) dst(%dma_wait3A_299 : memref<50048x32xf32, #tpu.memory_space<vmem_shared>>)
          tpu.yield
        }) : () -> ()
        %run_scoped3A_205 = arith.constant 1 : i32
        "tpu.region"() ({
          %run_scoped3A_287 = tpu.sem_alloc : memref<!tpu.dma_semaphore, #tpu.memory_space<semaphore_mem>>
          %dma_start3A_288 = arith.constant 0 : i32
          %dma_start3A_289 = tpu.memref_slice %arg11[%run_scoped3A_205, %dma_start3A_288] : memref<3x128xi32, #tpu.memory_space<vmem>> -> memref<1x128xi32, #tpu.memory_space<vmem>>
          %dma_start3A_290 = tpu.memref_squeeze %dma_start3A_289 : memref<1x128xi32, #tpu.memory_space<vmem>> -> memref<128xi32, #tpu.memory_space<vmem>>
          %dma_start3A_291 = arith.constant 0 : i32
          %dma_start3A_292 = arith.constant 0 : i32
          %dma_start3A_293 = tpu.memref_slice %arg8[%dma_start3A_291, %dma_start3A_292] : memref<50048x32xf32, #tpu.memory_space<vmem_shared>> -> memref<50048x32xf32, #tpu.memory_space<vmem_shared>>
          tpu.enqueue_indirect_dma source(%arg14 : memref<128x32xf32, #tpu.memory_space<vmem>>) target(%dma_start3A_293 : memref<50048x32xf32, #tpu.memory_space<vmem_shared>>) offsets(%dma_start3A_290 : memref<128xi32, #tpu.memory_space<vmem>>) semaphore(%run_scoped3A_287 : memref<!tpu.dma_semaphore, #tpu.memory_space<semaphore_mem>>) {add = true}
          %dma_wait3A_294 = arith.constant 0 : i32
          %dma_wait3A_295 = tpu.memref_slice %arg11[%run_scoped3A_205, %dma_wait3A_294] : memref<3x128xi32, #tpu.memory_space<vmem>> -> memref<1x128xi32, #tpu.memory_space<vmem>>
          %dma_wait3A_296 = tpu.memref_squeeze %dma_wait3A_295 : memref<1x128xi32, #tpu.memory_space<vmem>> -> memref<128xi32, #tpu.memory_space<vmem>>
          %dma_wait3A_297 = arith.constant 0 : i32
          %dma_wait3A_298 = arith.constant 0 : i32
          %dma_wait3A_299 = tpu.memref_slice %arg8[%dma_wait3A_297, %dma_wait3A_298] : memref<50048x32xf32, #tpu.memory_space<vmem_shared>> -> memref<50048x32xf32, #tpu.memory_space<vmem_shared>>
          tpu.wait_indirect_dma semaphore(%run_scoped3A_287 : memref<!tpu.dma_semaphore, #tpu.memory_space<semaphore_mem>>) src(%arg14 : memref<128x32xf32, #tpu.memory_space<vmem>>) dst(%dma_wait3A_299 : memref<50048x32xf32, #tpu.memory_space<vmem_shared>>)
          tpu.yield
        }) : () -> ()
        %run_scoped3A_206 = arith.constant 2 : i32
        "tpu.region"() ({
          %run_scoped3A_287 = tpu.sem_alloc : memref<!tpu.dma_semaphore, #tpu.memory_space<semaphore_mem>>
          %dma_start3A_288 = arith.constant 0 : i32
          %dma_start3A_289 = tpu.memref_slice %arg11[%run_scoped3A_206, %dma_start3A_288] : memref<3x128xi32, #tpu.memory_space<vmem>> -> memref<1x128xi32, #tpu.memory_space<vmem>>
          %dma_start3A_290 = tpu.memref_squeeze %dma_start3A_289 : memref<1x128xi32, #tpu.memory_space<vmem>> -> memref<128xi32, #tpu.memory_space<vmem>>
          %dma_start3A_291 = arith.constant 0 : i32
          %dma_start3A_292 = arith.constant 0 : i32
          %dma_start3A_293 = tpu.memref_slice %arg8[%dma_start3A_291, %dma_start3A_292] : memref<50048x32xf32, #tpu.memory_space<vmem_shared>> -> memref<50048x32xf32, #tpu.memory_space<vmem_shared>>
          tpu.enqueue_indirect_dma source(%arg15 : memref<128x32xf32, #tpu.memory_space<vmem>>) target(%dma_start3A_293 : memref<50048x32xf32, #tpu.memory_space<vmem_shared>>) offsets(%dma_start3A_290 : memref<128xi32, #tpu.memory_space<vmem>>) semaphore(%run_scoped3A_287 : memref<!tpu.dma_semaphore, #tpu.memory_space<semaphore_mem>>) {add = true}
          %dma_wait3A_294 = arith.constant 0 : i32
          %dma_wait3A_295 = tpu.memref_slice %arg11[%run_scoped3A_206, %dma_wait3A_294] : memref<3x128xi32, #tpu.memory_space<vmem>> -> memref<1x128xi32, #tpu.memory_space<vmem>>
          %dma_wait3A_296 = tpu.memref_squeeze %dma_wait3A_295 : memref<1x128xi32, #tpu.memory_space<vmem>> -> memref<128xi32, #tpu.memory_space<vmem>>
          %dma_wait3A_297 = arith.constant 0 : i32
          %dma_wait3A_298 = arith.constant 0 : i32
          %dma_wait3A_299 = tpu.memref_slice %arg8[%dma_wait3A_297, %dma_wait3A_298] : memref<50048x32xf32, #tpu.memory_space<vmem_shared>> -> memref<50048x32xf32, #tpu.memory_space<vmem_shared>>
          tpu.wait_indirect_dma semaphore(%run_scoped3A_287 : memref<!tpu.dma_semaphore, #tpu.memory_space<semaphore_mem>>) src(%arg15 : memref<128x32xf32, #tpu.memory_space<vmem>>) dst(%dma_wait3A_299 : memref<50048x32xf32, #tpu.memory_space<vmem_shared>>)
          tpu.yield
        }) : () -> ()
        %add3A_207 = arith.constant 2 : i32
        %add3A_208 = arith.addi %mul3A_144, %add3A_207 : i32
        %mul3A_209 = arith.constant 3 : i32
        %mul3A_210 = arith.muli %add3A_208, %mul3A_209 : i32
        %add3A_211 = arith.addi %mul3A_2, %mul3A_210 : i32
        %dma_start3A_212 = arith.constant 0 : i32
        %dma_start3A_213 = tpu.memref_slice %arg3[%add3A_211, %dma_start3A_212] : memref<6336x128xi32, #tpu.memory_space<hbm>> -> memref<3x128xi32, #tpu.memory_space<hbm>>
        %dma_start3A_214 = arith.constant 0 : i32
        %dma_start3A_215 = tpu.memref_slice %arg3[%add3A_211, %dma_start3A_214] : memref<6336x128xi32, #tpu.memory_space<hbm>> -> memref<3x128xi32, #tpu.memory_space<hbm>>
        tpu.enqueue_dma source(%dma_start3A_215 : memref<3x128xi32, #tpu.memory_space<hbm>>) target(%arg11 : memref<3x128xi32, #tpu.memory_space<vmem>>) target_semaphore(%arg21 : memref<!tpu.dma_semaphore, #tpu.memory_space<semaphore_mem>>)
        %dma_wait3A_216 = arith.constant 0 : i32
        %dma_wait3A_217 = tpu.memref_slice %arg2[%mul3A_2, %dma_wait3A_216] : memref<6336x128xi32, #tpu.memory_space<hbm>> -> memref<3x128xi32, #tpu.memory_space<hbm>>
        %dma_wait3A_218 = arith.constant 0 : i32
        %dma_wait3A_219 = tpu.memref_slice %arg2[%mul3A_2, %dma_wait3A_218] : memref<6336x128xi32, #tpu.memory_space<hbm>> -> memref<3x128xi32, #tpu.memory_space<hbm>>
        tpu.wait_dma2 semaphore(%arg19 : memref<!tpu.dma_semaphore, #tpu.memory_space<semaphore_mem>>) src(%dma_wait3A_219 : memref<3x128xi32, #tpu.memory_space<hbm>>) dst(%arg9 : memref<3x128xi32, #tpu.memory_space<vmem>>)
        %dma_start3A_220 = arith.constant 0 : i32
        %dma_start3A_221 = arith.constant 0 : i32
        %dma_start3A_222 = tpu.memref_slice %arg9[%dma_start3A_220, %dma_start3A_221] : memref<3x128xi32, #tpu.memory_space<vmem>> -> memref<1x128xi32, #tpu.memory_space<vmem>>
        %dma_start3A_223 = tpu.memref_squeeze %dma_start3A_222 : memref<1x128xi32, #tpu.memory_space<vmem>> -> memref<128xi32, #tpu.memory_space<vmem>>
        %dma_start3A_224 = arith.constant 0 : i32
        %dma_start3A_225 = arith.constant 0 : i32
        %dma_start3A_226 = tpu.memref_slice %arg4[%dma_start3A_224, %dma_start3A_225] : memref<50048x32xf32, #tpu.memory_space<hbm>> -> memref<50048x32xf32, #tpu.memory_space<hbm>>
        tpu.enqueue_indirect_dma source(%dma_start3A_226 : memref<50048x32xf32, #tpu.memory_space<hbm>>) target(%arg13 : memref<128x32xf32, #tpu.memory_space<vmem>>) offsets(%dma_start3A_223 : memref<128xi32, #tpu.memory_space<vmem>>) semaphore(%arg23 : memref<!tpu.dma_semaphore, #tpu.memory_space<semaphore_mem>>)
        %dma_start3A_227 = arith.constant 1 : i32
        %dma_start3A_228 = arith.constant 0 : i32
        %dma_start3A_229 = tpu.memref_slice %arg9[%dma_start3A_227, %dma_start3A_228] : memref<3x128xi32, #tpu.memory_space<vmem>> -> memref<1x128xi32, #tpu.memory_space<vmem>>
        %dma_start3A_230 = tpu.memref_squeeze %dma_start3A_229 : memref<1x128xi32, #tpu.memory_space<vmem>> -> memref<128xi32, #tpu.memory_space<vmem>>
        %dma_start3A_231 = arith.constant 0 : i32
        %dma_start3A_232 = arith.constant 0 : i32
        %dma_start3A_233 = tpu.memref_slice %arg4[%dma_start3A_231, %dma_start3A_232] : memref<50048x32xf32, #tpu.memory_space<hbm>> -> memref<50048x32xf32, #tpu.memory_space<hbm>>
        tpu.enqueue_indirect_dma source(%dma_start3A_233 : memref<50048x32xf32, #tpu.memory_space<hbm>>) target(%arg14 : memref<128x32xf32, #tpu.memory_space<vmem>>) offsets(%dma_start3A_230 : memref<128xi32, #tpu.memory_space<vmem>>) semaphore(%arg24 : memref<!tpu.dma_semaphore, #tpu.memory_space<semaphore_mem>>)
        %dma_start3A_234 = arith.constant 2 : i32
        %dma_start3A_235 = arith.constant 0 : i32
        %dma_start3A_236 = tpu.memref_slice %arg9[%dma_start3A_234, %dma_start3A_235] : memref<3x128xi32, #tpu.memory_space<vmem>> -> memref<1x128xi32, #tpu.memory_space<vmem>>
        %dma_start3A_237 = tpu.memref_squeeze %dma_start3A_236 : memref<1x128xi32, #tpu.memory_space<vmem>> -> memref<128xi32, #tpu.memory_space<vmem>>
        %dma_start3A_238 = arith.constant 0 : i32
        %dma_start3A_239 = arith.constant 0 : i32
        %dma_start3A_240 = tpu.memref_slice %arg4[%dma_start3A_238, %dma_start3A_239] : memref<50048x32xf32, #tpu.memory_space<hbm>> -> memref<50048x32xf32, #tpu.memory_space<hbm>>
        tpu.enqueue_indirect_dma source(%dma_start3A_240 : memref<50048x32xf32, #tpu.memory_space<hbm>>) target(%arg15 : memref<128x32xf32, #tpu.memory_space<vmem>>) offsets(%dma_start3A_237 : memref<128xi32, #tpu.memory_space<vmem>>) semaphore(%arg25 : memref<!tpu.dma_semaphore, #tpu.memory_space<semaphore_mem>>)
        %dma_wait3A_241 = arith.constant 0 : i32
        %dma_wait3A_242 = arith.constant 0 : i32
        %dma_wait3A_243 = tpu.memref_slice %arg10[%dma_wait3A_241, %dma_wait3A_242] : memref<3x128xi32, #tpu.memory_space<vmem>> -> memref<1x128xi32, #tpu.memory_space<vmem>>
        %dma_wait3A_244 = tpu.memref_squeeze %dma_wait3A_243 : memref<1x128xi32, #tpu.memory_space<vmem>> -> memref<128xi32, #tpu.memory_space<vmem>>
        %dma_wait3A_245 = arith.constant 0 : i32
        %dma_wait3A_246 = arith.constant 0 : i32
        %dma_wait3A_247 = tpu.memref_slice %arg4[%dma_wait3A_245, %dma_wait3A_246] : memref<50048x32xf32, #tpu.memory_space<hbm>> -> memref<50048x32xf32, #tpu.memory_space<hbm>>
        tpu.wait_indirect_dma semaphore(%arg26 : memref<!tpu.dma_semaphore, #tpu.memory_space<semaphore_mem>>) src(%dma_wait3A_247 : memref<50048x32xf32, #tpu.memory_space<hbm>>) dst(%arg16 : memref<128x32xf32, #tpu.memory_space<vmem>>)
        %dma_wait3A_248 = arith.constant 1 : i32
        %dma_wait3A_249 = arith.constant 0 : i32
        %dma_wait3A_250 = tpu.memref_slice %arg10[%dma_wait3A_248, %dma_wait3A_249] : memref<3x128xi32, #tpu.memory_space<vmem>> -> memref<1x128xi32, #tpu.memory_space<vmem>>
        %dma_wait3A_251 = tpu.memref_squeeze %dma_wait3A_250 : memref<1x128xi32, #tpu.memory_space<vmem>> -> memref<128xi32, #tpu.memory_space<vmem>>
        %dma_wait3A_252 = arith.constant 0 : i32
        %dma_wait3A_253 = arith.constant 0 : i32
        %dma_wait3A_254 = tpu.memref_slice %arg4[%dma_wait3A_252, %dma_wait3A_253] : memref<50048x32xf32, #tpu.memory_space<hbm>> -> memref<50048x32xf32, #tpu.memory_space<hbm>>
        tpu.wait_indirect_dma semaphore(%arg27 : memref<!tpu.dma_semaphore, #tpu.memory_space<semaphore_mem>>) src(%dma_wait3A_254 : memref<50048x32xf32, #tpu.memory_space<hbm>>) dst(%arg17 : memref<128x32xf32, #tpu.memory_space<vmem>>)
        %dma_wait3A_255 = arith.constant 2 : i32
        %dma_wait3A_256 = arith.constant 0 : i32
        %dma_wait3A_257 = tpu.memref_slice %arg10[%dma_wait3A_255, %dma_wait3A_256] : memref<3x128xi32, #tpu.memory_space<vmem>> -> memref<1x128xi32, #tpu.memory_space<vmem>>
        %dma_wait3A_258 = tpu.memref_squeeze %dma_wait3A_257 : memref<1x128xi32, #tpu.memory_space<vmem>> -> memref<128xi32, #tpu.memory_space<vmem>>
        %dma_wait3A_259 = arith.constant 0 : i32
        %dma_wait3A_260 = arith.constant 0 : i32
        %dma_wait3A_261 = tpu.memref_slice %arg4[%dma_wait3A_259, %dma_wait3A_260] : memref<50048x32xf32, #tpu.memory_space<hbm>> -> memref<50048x32xf32, #tpu.memory_space<hbm>>
        tpu.wait_indirect_dma semaphore(%arg28 : memref<!tpu.dma_semaphore, #tpu.memory_space<semaphore_mem>>) src(%dma_wait3A_261 : memref<50048x32xf32, #tpu.memory_space<hbm>>) dst(%arg18 : memref<128x32xf32, #tpu.memory_space<vmem>>)
        %add3A_262 = arith.constant 3 : i32
        %add3A_263 = arith.addi %mul3A_144, %add3A_262 : i32
        %mul3A_264 = arith.constant 3 : i32
        %mul3A_265 = arith.muli %add3A_263, %mul3A_264 : i32
        %add3A_266 = arith.addi %mul3A_2, %mul3A_265 : i32
        %dma_start3A_267 = arith.constant 0 : i32
        %dma_start3A_268 = tpu.memref_slice %arg2[%add3A_266, %dma_start3A_267] : memref<6336x128xi32, #tpu.memory_space<hbm>> -> memref<3x128xi32, #tpu.memory_space<hbm>>
        %dma_start3A_269 = arith.constant 0 : i32
        %dma_start3A_270 = tpu.memref_slice %arg2[%add3A_266, %dma_start3A_269] : memref<6336x128xi32, #tpu.memory_space<hbm>> -> memref<3x128xi32, #tpu.memory_space<hbm>>
        tpu.enqueue_dma source(%dma_start3A_270 : memref<3x128xi32, #tpu.memory_space<hbm>>) target(%arg10 : memref<3x128xi32, #tpu.memory_space<vmem>>) target_semaphore(%arg20 : memref<!tpu.dma_semaphore, #tpu.memory_space<semaphore_mem>>)
        %dma_wait3A_271 = arith.constant 0 : i32
        %dma_wait3A_272 = tpu.memref_slice %arg3[%mul3A_2, %dma_wait3A_271] : memref<6336x128xi32, #tpu.memory_space<hbm>> -> memref<3x128xi32, #tpu.memory_space<hbm>>
        %dma_wait3A_273 = arith.constant 0 : i32
        %dma_wait3A_274 = tpu.memref_slice %arg3[%mul3A_2, %dma_wait3A_273] : memref<6336x128xi32, #tpu.memory_space<hbm>> -> memref<3x128xi32, #tpu.memory_space<hbm>>
        tpu.wait_dma2 semaphore(%arg22 : memref<!tpu.dma_semaphore, #tpu.memory_space<semaphore_mem>>) src(%dma_wait3A_274 : memref<3x128xi32, #tpu.memory_space<hbm>>) dst(%arg12 : memref<3x128xi32, #tpu.memory_space<vmem>>)
        %run_scoped3A_275 = arith.constant 0 : i32
        "tpu.region"() ({
          %run_scoped3A_287 = tpu.sem_alloc : memref<!tpu.dma_semaphore, #tpu.memory_space<semaphore_mem>>
          %dma_start3A_288 = arith.constant 0 : i32
          %dma_start3A_289 = tpu.memref_slice %arg12[%run_scoped3A_275, %dma_start3A_288] : memref<3x128xi32, #tpu.memory_space<vmem>> -> memref<1x128xi32, #tpu.memory_space<vmem>>
          %dma_start3A_290 = tpu.memref_squeeze %dma_start3A_289 : memref<1x128xi32, #tpu.memory_space<vmem>> -> memref<128xi32, #tpu.memory_space<vmem>>
          %dma_start3A_291 = arith.constant 0 : i32
          %dma_start3A_292 = arith.constant 0 : i32
          %dma_start3A_293 = tpu.memref_slice %arg8[%dma_start3A_291, %dma_start3A_292] : memref<50048x32xf32, #tpu.memory_space<vmem_shared>> -> memref<50048x32xf32, #tpu.memory_space<vmem_shared>>
          tpu.enqueue_indirect_dma source(%arg16 : memref<128x32xf32, #tpu.memory_space<vmem>>) target(%dma_start3A_293 : memref<50048x32xf32, #tpu.memory_space<vmem_shared>>) offsets(%dma_start3A_290 : memref<128xi32, #tpu.memory_space<vmem>>) semaphore(%run_scoped3A_287 : memref<!tpu.dma_semaphore, #tpu.memory_space<semaphore_mem>>) {add = true}
          %dma_wait3A_294 = arith.constant 0 : i32
          %dma_wait3A_295 = tpu.memref_slice %arg12[%run_scoped3A_275, %dma_wait3A_294] : memref<3x128xi32, #tpu.memory_space<vmem>> -> memref<1x128xi32, #tpu.memory_space<vmem>>
          %dma_wait3A_296 = tpu.memref_squeeze %dma_wait3A_295 : memref<1x128xi32, #tpu.memory_space<vmem>> -> memref<128xi32, #tpu.memory_space<vmem>>
          %dma_wait3A_297 = arith.constant 0 : i32
          %dma_wait3A_298 = arith.constant 0 : i32
          %dma_wait3A_299 = tpu.memref_slice %arg8[%dma_wait3A_297, %dma_wait3A_298] : memref<50048x32xf32, #tpu.memory_space<vmem_shared>> -> memref<50048x32xf32, #tpu.memory_space<vmem_shared>>
          tpu.wait_indirect_dma semaphore(%run_scoped3A_287 : memref<!tpu.dma_semaphore, #tpu.memory_space<semaphore_mem>>) src(%arg16 : memref<128x32xf32, #tpu.memory_space<vmem>>) dst(%dma_wait3A_299 : memref<50048x32xf32, #tpu.memory_space<vmem_shared>>)
          tpu.yield
        }) : () -> ()
        %run_scoped3A_276 = arith.constant 1 : i32
        "tpu.region"() ({
          %run_scoped3A_287 = tpu.sem_alloc : memref<!tpu.dma_semaphore, #tpu.memory_space<semaphore_mem>>
          %dma_start3A_288 = arith.constant 0 : i32
          %dma_start3A_289 = tpu.memref_slice %arg12[%run_scoped3A_276, %dma_start3A_288] : memref<3x128xi32, #tpu.memory_space<vmem>> -> memref<1x128xi32, #tpu.memory_space<vmem>>
          %dma_start3A_290 = tpu.memref_squeeze %dma_start3A_289 : memref<1x128xi32, #tpu.memory_space<vmem>> -> memref<128xi32, #tpu.memory_space<vmem>>
          %dma_start3A_291 = arith.constant 0 : i32
          %dma_start3A_292 = arith.constant 0 : i32
          %dma_start3A_293 = tpu.memref_slice %arg8[%dma_start3A_291, %dma_start3A_292] : memref<50048x32xf32, #tpu.memory_space<vmem_shared>> -> memref<50048x32xf32, #tpu.memory_space<vmem_shared>>
          tpu.enqueue_indirect_dma source(%arg17 : memref<128x32xf32, #tpu.memory_space<vmem>>) target(%dma_start3A_293 : memref<50048x32xf32, #tpu.memory_space<vmem_shared>>) offsets(%dma_start3A_290 : memref<128xi32, #tpu.memory_space<vmem>>) semaphore(%run_scoped3A_287 : memref<!tpu.dma_semaphore, #tpu.memory_space<semaphore_mem>>) {add = true}
          %dma_wait3A_294 = arith.constant 0 : i32
          %dma_wait3A_295 = tpu.memref_slice %arg12[%run_scoped3A_276, %dma_wait3A_294] : memref<3x128xi32, #tpu.memory_space<vmem>> -> memref<1x128xi32, #tpu.memory_space<vmem>>
          %dma_wait3A_296 = tpu.memref_squeeze %dma_wait3A_295 : memref<1x128xi32, #tpu.memory_space<vmem>> -> memref<128xi32, #tpu.memory_space<vmem>>
          %dma_wait3A_297 = arith.constant 0 : i32
          %dma_wait3A_298 = arith.constant 0 : i32
          %dma_wait3A_299 = tpu.memref_slice %arg8[%dma_wait3A_297, %dma_wait3A_298] : memref<50048x32xf32, #tpu.memory_space<vmem_shared>> -> memref<50048x32xf32, #tpu.memory_space<vmem_shared>>
          tpu.wait_indirect_dma semaphore(%run_scoped3A_287 : memref<!tpu.dma_semaphore, #tpu.memory_space<semaphore_mem>>) src(%arg17 : memref<128x32xf32, #tpu.memory_space<vmem>>) dst(%dma_wait3A_299 : memref<50048x32xf32, #tpu.memory_space<vmem_shared>>)
          tpu.yield
        }) : () -> ()
        %run_scoped3A_277 = arith.constant 2 : i32
        "tpu.region"() ({
          %run_scoped3A_287 = tpu.sem_alloc : memref<!tpu.dma_semaphore, #tpu.memory_space<semaphore_mem>>
          %dma_start3A_288 = arith.constant 0 : i32
          %dma_start3A_289 = tpu.memref_slice %arg12[%run_scoped3A_277, %dma_start3A_288] : memref<3x128xi32, #tpu.memory_space<vmem>> -> memref<1x128xi32, #tpu.memory_space<vmem>>
          %dma_start3A_290 = tpu.memref_squeeze %dma_start3A_289 : memref<1x128xi32, #tpu.memory_space<vmem>> -> memref<128xi32, #tpu.memory_space<vmem>>
          %dma_start3A_291 = arith.constant 0 : i32
          %dma_start3A_292 = arith.constant 0 : i32
          %dma_start3A_293 = tpu.memref_slice %arg8[%dma_start3A_291, %dma_start3A_292] : memref<50048x32xf32, #tpu.memory_space<vmem_shared>> -> memref<50048x32xf32, #tpu.memory_space<vmem_shared>>
          tpu.enqueue_indirect_dma source(%arg18 : memref<128x32xf32, #tpu.memory_space<vmem>>) target(%dma_start3A_293 : memref<50048x32xf32, #tpu.memory_space<vmem_shared>>) offsets(%dma_start3A_290 : memref<128xi32, #tpu.memory_space<vmem>>) semaphore(%run_scoped3A_287 : memref<!tpu.dma_semaphore, #tpu.memory_space<semaphore_mem>>) {add = true}
          %dma_wait3A_294 = arith.constant 0 : i32
          %dma_wait3A_295 = tpu.memref_slice %arg12[%run_scoped3A_277, %dma_wait3A_294] : memref<3x128xi32, #tpu.memory_space<vmem>> -> memref<1x128xi32, #tpu.memory_space<vmem>>
          %dma_wait3A_296 = tpu.memref_squeeze %dma_wait3A_295 : memref<1x128xi32, #tpu.memory_space<vmem>> -> memref<128xi32, #tpu.memory_space<vmem>>
          %dma_wait3A_297 = arith.constant 0 : i32
          %dma_wait3A_298 = arith.constant 0 : i32
          %dma_wait3A_299 = tpu.memref_slice %arg8[%dma_wait3A_297, %dma_wait3A_298] : memref<50048x32xf32, #tpu.memory_space<vmem_shared>> -> memref<50048x32xf32, #tpu.memory_space<vmem_shared>>
          tpu.wait_indirect_dma semaphore(%run_scoped3A_287 : memref<!tpu.dma_semaphore, #tpu.memory_space<semaphore_mem>>) src(%arg18 : memref<128x32xf32, #tpu.memory_space<vmem>>) dst(%dma_wait3A_299 : memref<50048x32xf32, #tpu.memory_space<vmem_shared>>)
          tpu.yield
        }) : () -> ()
        %add3A_278 = arith.constant 3 : i32
        %add3A_279 = arith.addi %mul3A_144, %add3A_278 : i32
        %mul3A_280 = arith.constant 3 : i32
        %mul3A_281 = arith.muli %add3A_279, %mul3A_280 : i32
        %add3A_282 = arith.addi %mul3A_2, %mul3A_281 : i32
        %dma_start3A_283 = arith.constant 0 : i32
        %dma_start3A_284 = tpu.memref_slice %arg3[%add3A_282, %dma_start3A_283] : memref<6336x128xi32, #tpu.memory_space<hbm>> -> memref<3x128xi32, #tpu.memory_space<hbm>>
        %dma_start3A_285 = arith.constant 0 : i32
        %dma_start3A_286 = tpu.memref_slice %arg3[%add3A_282, %dma_start3A_285] : memref<6336x128xi32, #tpu.memory_space<hbm>> -> memref<3x128xi32, #tpu.memory_space<hbm>>
        tpu.enqueue_dma source(%dma_start3A_286 : memref<3x128xi32, #tpu.memory_space<hbm>>) target(%arg12 : memref<3x128xi32, #tpu.memory_space<vmem>>) target_semaphore(%arg22 : memref<!tpu.dma_semaphore, #tpu.memory_space<semaphore_mem>>)
      }
      %scan3A_60 = arith.constant 65 : i32
      %dma_wait3A_61 = arith.constant 0 : i32
      %dma_wait3A_62 = tpu.memref_slice %arg2[%mul3A_2, %dma_wait3A_61] : memref<6336x128xi32, #tpu.memory_space<hbm>> -> memref<3x128xi32, #tpu.memory_space<hbm>>
      %dma_wait3A_63 = arith.constant 0 : i32
      %dma_wait3A_64 = tpu.memref_slice %arg2[%mul3A_2, %dma_wait3A_63] : memref<6336x128xi32, #tpu.memory_space<hbm>> -> memref<3x128xi32, #tpu.memory_space<hbm>>
      tpu.wait_dma2 semaphore(%arg20 : memref<!tpu.dma_semaphore, #tpu.memory_space<semaphore_mem>>) src(%dma_wait3A_64 : memref<3x128xi32, #tpu.memory_space<hbm>>) dst(%arg10 : memref<3x128xi32, #tpu.memory_space<vmem>>)
      %dma_start3A_65 = arith.constant 0 : i32
      %dma_start3A_66 = arith.constant 0 : i32
      %dma_start3A_67 = tpu.memref_slice %arg10[%dma_start3A_65, %dma_start3A_66] : memref<3x128xi32, #tpu.memory_space<vmem>> -> memref<1x128xi32, #tpu.memory_space<vmem>>
      %dma_start3A_68 = tpu.memref_squeeze %dma_start3A_67 : memref<1x128xi32, #tpu.memory_space<vmem>> -> memref<128xi32, #tpu.memory_space<vmem>>
      %dma_start3A_69 = arith.constant 0 : i32
      %dma_start3A_70 = arith.constant 0 : i32
      %dma_start3A_71 = tpu.memref_slice %arg4[%dma_start3A_69, %dma_start3A_70] : memref<50048x32xf32, #tpu.memory_space<hbm>> -> memref<50048x32xf32, #tpu.memory_space<hbm>>
      tpu.enqueue_indirect_dma source(%dma_start3A_71 : memref<50048x32xf32, #tpu.memory_space<hbm>>) target(%arg16 : memref<128x32xf32, #tpu.memory_space<vmem>>) offsets(%dma_start3A_68 : memref<128xi32, #tpu.memory_space<vmem>>) semaphore(%arg26 : memref<!tpu.dma_semaphore, #tpu.memory_space<semaphore_mem>>)
      %dma_start3A_72 = arith.constant 1 : i32
      %dma_start3A_73 = arith.constant 0 : i32
      %dma_start3A_74 = tpu.memref_slice %arg10[%dma_start3A_72, %dma_start3A_73] : memref<3x128xi32, #tpu.memory_space<vmem>> -> memref<1x128xi32, #tpu.memory_space<vmem>>
      %dma_start3A_75 = tpu.memref_squeeze %dma_start3A_74 : memref<1x128xi32, #tpu.memory_space<vmem>> -> memref<128xi32, #tpu.memory_space<vmem>>
      %dma_start3A_76 = arith.constant 0 : i32
      %dma_start3A_77 = arith.constant 0 : i32
      %dma_start3A_78 = tpu.memref_slice %arg4[%dma_start3A_76, %dma_start3A_77] : memref<50048x32xf32, #tpu.memory_space<hbm>> -> memref<50048x32xf32, #tpu.memory_space<hbm>>
      tpu.enqueue_indirect_dma source(%dma_start3A_78 : memref<50048x32xf32, #tpu.memory_space<hbm>>) target(%arg17 : memref<128x32xf32, #tpu.memory_space<vmem>>) offsets(%dma_start3A_75 : memref<128xi32, #tpu.memory_space<vmem>>) semaphore(%arg27 : memref<!tpu.dma_semaphore, #tpu.memory_space<semaphore_mem>>)
      %dma_start3A_79 = arith.constant 2 : i32
      %dma_start3A_80 = arith.constant 0 : i32
      %dma_start3A_81 = tpu.memref_slice %arg10[%dma_start3A_79, %dma_start3A_80] : memref<3x128xi32, #tpu.memory_space<vmem>> -> memref<1x128xi32, #tpu.memory_space<vmem>>
      %dma_start3A_82 = tpu.memref_squeeze %dma_start3A_81 : memref<1x128xi32, #tpu.memory_space<vmem>> -> memref<128xi32, #tpu.memory_space<vmem>>
      %dma_start3A_83 = arith.constant 0 : i32
      %dma_start3A_84 = arith.constant 0 : i32
      %dma_start3A_85 = tpu.memref_slice %arg4[%dma_start3A_83, %dma_start3A_84] : memref<50048x32xf32, #tpu.memory_space<hbm>> -> memref<50048x32xf32, #tpu.memory_space<hbm>>
      tpu.enqueue_indirect_dma source(%dma_start3A_85 : memref<50048x32xf32, #tpu.memory_space<hbm>>) target(%arg18 : memref<128x32xf32, #tpu.memory_space<vmem>>) offsets(%dma_start3A_82 : memref<128xi32, #tpu.memory_space<vmem>>) semaphore(%arg28 : memref<!tpu.dma_semaphore, #tpu.memory_space<semaphore_mem>>)
      %dma_wait3A_86 = arith.constant 0 : i32
      %dma_wait3A_87 = arith.constant 0 : i32
      %dma_wait3A_88 = tpu.memref_slice %arg9[%dma_wait3A_86, %dma_wait3A_87] : memref<3x128xi32, #tpu.memory_space<vmem>> -> memref<1x128xi32, #tpu.memory_space<vmem>>
      %dma_wait3A_89 = tpu.memref_squeeze %dma_wait3A_88 : memref<1x128xi32, #tpu.memory_space<vmem>> -> memref<128xi32, #tpu.memory_space<vmem>>
      %dma_wait3A_90 = arith.constant 0 : i32
      %dma_wait3A_91 = arith.constant 0 : i32
      %dma_wait3A_92 = tpu.memref_slice %arg4[%dma_wait3A_90, %dma_wait3A_91] : memref<50048x32xf32, #tpu.memory_space<hbm>> -> memref<50048x32xf32, #tpu.memory_space<hbm>>
      tpu.wait_indirect_dma semaphore(%arg23 : memref<!tpu.dma_semaphore, #tpu.memory_space<semaphore_mem>>) src(%dma_wait3A_92 : memref<50048x32xf32, #tpu.memory_space<hbm>>) dst(%arg13 : memref<128x32xf32, #tpu.memory_space<vmem>>)
      %dma_wait3A_93 = arith.constant 1 : i32
      %dma_wait3A_94 = arith.constant 0 : i32
      %dma_wait3A_95 = tpu.memref_slice %arg9[%dma_wait3A_93, %dma_wait3A_94] : memref<3x128xi32, #tpu.memory_space<vmem>> -> memref<1x128xi32, #tpu.memory_space<vmem>>
      %dma_wait3A_96 = tpu.memref_squeeze %dma_wait3A_95 : memref<1x128xi32, #tpu.memory_space<vmem>> -> memref<128xi32, #tpu.memory_space<vmem>>
      %dma_wait3A_97 = arith.constant 0 : i32
      %dma_wait3A_98 = arith.constant 0 : i32
      %dma_wait3A_99 = tpu.memref_slice %arg4[%dma_wait3A_97, %dma_wait3A_98] : memref<50048x32xf32, #tpu.memory_space<hbm>> -> memref<50048x32xf32, #tpu.memory_space<hbm>>
      tpu.wait_indirect_dma semaphore(%arg24 : memref<!tpu.dma_semaphore, #tpu.memory_space<semaphore_mem>>) src(%dma_wait3A_99 : memref<50048x32xf32, #tpu.memory_space<hbm>>) dst(%arg14 : memref<128x32xf32, #tpu.memory_space<vmem>>)
      %dma_wait3A_100 = arith.constant 2 : i32
      %dma_wait3A_101 = arith.constant 0 : i32
      %dma_wait3A_102 = tpu.memref_slice %arg9[%dma_wait3A_100, %dma_wait3A_101] : memref<3x128xi32, #tpu.memory_space<vmem>> -> memref<1x128xi32, #tpu.memory_space<vmem>>
      %dma_wait3A_103 = tpu.memref_squeeze %dma_wait3A_102 : memref<1x128xi32, #tpu.memory_space<vmem>> -> memref<128xi32, #tpu.memory_space<vmem>>
      %dma_wait3A_104 = arith.constant 0 : i32
      %dma_wait3A_105 = arith.constant 0 : i32
      %dma_wait3A_106 = tpu.memref_slice %arg4[%dma_wait3A_104, %dma_wait3A_105] : memref<50048x32xf32, #tpu.memory_space<hbm>> -> memref<50048x32xf32, #tpu.memory_space<hbm>>
      tpu.wait_indirect_dma semaphore(%arg25 : memref<!tpu.dma_semaphore, #tpu.memory_space<semaphore_mem>>) src(%dma_wait3A_106 : memref<50048x32xf32, #tpu.memory_space<hbm>>) dst(%arg15 : memref<128x32xf32, #tpu.memory_space<vmem>>)
      %dma_wait3A_107 = arith.constant 0 : i32
      %dma_wait3A_108 = tpu.memref_slice %arg3[%mul3A_2, %dma_wait3A_107] : memref<6336x128xi32, #tpu.memory_space<hbm>> -> memref<3x128xi32, #tpu.memory_space<hbm>>
      %dma_wait3A_109 = arith.constant 0 : i32
      %dma_wait3A_110 = tpu.memref_slice %arg3[%mul3A_2, %dma_wait3A_109] : memref<6336x128xi32, #tpu.memory_space<hbm>> -> memref<3x128xi32, #tpu.memory_space<hbm>>
      tpu.wait_dma2 semaphore(%arg21 : memref<!tpu.dma_semaphore, #tpu.memory_space<semaphore_mem>>) src(%dma_wait3A_110 : memref<3x128xi32, #tpu.memory_space<hbm>>) dst(%arg11 : memref<3x128xi32, #tpu.memory_space<vmem>>)
      %run_scoped3A = arith.constant 0 : i32
      "tpu.region"() ({
        %run_scoped3A_142 = tpu.sem_alloc : memref<!tpu.dma_semaphore, #tpu.memory_space<semaphore_mem>>
        %dma_start3A_143 = arith.constant 0 : i32
        %dma_start3A_144 = tpu.memref_slice %arg11[%run_scoped3A, %dma_start3A_143] : memref<3x128xi32, #tpu.memory_space<vmem>> -> memref<1x128xi32, #tpu.memory_space<vmem>>
        %dma_start3A_145 = tpu.memref_squeeze %dma_start3A_144 : memref<1x128xi32, #tpu.memory_space<vmem>> -> memref<128xi32, #tpu.memory_space<vmem>>
        %dma_start3A_146 = arith.constant 0 : i32
        %dma_start3A_147 = arith.constant 0 : i32
        %dma_start3A_148 = tpu.memref_slice %arg8[%dma_start3A_146, %dma_start3A_147] : memref<50048x32xf32, #tpu.memory_space<vmem_shared>> -> memref<50048x32xf32, #tpu.memory_space<vmem_shared>>
        tpu.enqueue_indirect_dma source(%arg13 : memref<128x32xf32, #tpu.memory_space<vmem>>) target(%dma_start3A_148 : memref<50048x32xf32, #tpu.memory_space<vmem_shared>>) offsets(%dma_start3A_145 : memref<128xi32, #tpu.memory_space<vmem>>) semaphore(%run_scoped3A_142 : memref<!tpu.dma_semaphore, #tpu.memory_space<semaphore_mem>>) {add = true}
        %dma_wait3A_149 = arith.constant 0 : i32
        %dma_wait3A_150 = tpu.memref_slice %arg11[%run_scoped3A, %dma_wait3A_149] : memref<3x128xi32, #tpu.memory_space<vmem>> -> memref<1x128xi32, #tpu.memory_space<vmem>>
        %dma_wait3A_151 = tpu.memref_squeeze %dma_wait3A_150 : memref<1x128xi32, #tpu.memory_space<vmem>> -> memref<128xi32, #tpu.memory_space<vmem>>
        %dma_wait3A_152 = arith.constant 0 : i32
        %dma_wait3A_153 = arith.constant 0 : i32
        %dma_wait3A_154 = tpu.memref_slice %arg8[%dma_wait3A_152, %dma_wait3A_153] : memref<50048x32xf32, #tpu.memory_space<vmem_shared>> -> memref<50048x32xf32, #tpu.memory_space<vmem_shared>>
        tpu.wait_indirect_dma semaphore(%run_scoped3A_142 : memref<!tpu.dma_semaphore, #tpu.memory_space<semaphore_mem>>) src(%arg13 : memref<128x32xf32, #tpu.memory_space<vmem>>) dst(%dma_wait3A_154 : memref<50048x32xf32, #tpu.memory_space<vmem_shared>>)
        tpu.yield
      }) : () -> ()
      %run_scoped3A_111 = arith.constant 1 : i32
      "tpu.region"() ({
        %run_scoped3A_142 = tpu.sem_alloc : memref<!tpu.dma_semaphore, #tpu.memory_space<semaphore_mem>>
        %dma_start3A_143 = arith.constant 0 : i32
        %dma_start3A_144 = tpu.memref_slice %arg11[%run_scoped3A_111, %dma_start3A_143] : memref<3x128xi32, #tpu.memory_space<vmem>> -> memref<1x128xi32, #tpu.memory_space<vmem>>
        %dma_start3A_145 = tpu.memref_squeeze %dma_start3A_144 : memref<1x128xi32, #tpu.memory_space<vmem>> -> memref<128xi32, #tpu.memory_space<vmem>>
        %dma_start3A_146 = arith.constant 0 : i32
        %dma_start3A_147 = arith.constant 0 : i32
        %dma_start3A_148 = tpu.memref_slice %arg8[%dma_start3A_146, %dma_start3A_147] : memref<50048x32xf32, #tpu.memory_space<vmem_shared>> -> memref<50048x32xf32, #tpu.memory_space<vmem_shared>>
        tpu.enqueue_indirect_dma source(%arg14 : memref<128x32xf32, #tpu.memory_space<vmem>>) target(%dma_start3A_148 : memref<50048x32xf32, #tpu.memory_space<vmem_shared>>) offsets(%dma_start3A_145 : memref<128xi32, #tpu.memory_space<vmem>>) semaphore(%run_scoped3A_142 : memref<!tpu.dma_semaphore, #tpu.memory_space<semaphore_mem>>) {add = true}
        %dma_wait3A_149 = arith.constant 0 : i32
        %dma_wait3A_150 = tpu.memref_slice %arg11[%run_scoped3A_111, %dma_wait3A_149] : memref<3x128xi32, #tpu.memory_space<vmem>> -> memref<1x128xi32, #tpu.memory_space<vmem>>
        %dma_wait3A_151 = tpu.memref_squeeze %dma_wait3A_150 : memref<1x128xi32, #tpu.memory_space<vmem>> -> memref<128xi32, #tpu.memory_space<vmem>>
        %dma_wait3A_152 = arith.constant 0 : i32
        %dma_wait3A_153 = arith.constant 0 : i32
        %dma_wait3A_154 = tpu.memref_slice %arg8[%dma_wait3A_152, %dma_wait3A_153] : memref<50048x32xf32, #tpu.memory_space<vmem_shared>> -> memref<50048x32xf32, #tpu.memory_space<vmem_shared>>
        tpu.wait_indirect_dma semaphore(%run_scoped3A_142 : memref<!tpu.dma_semaphore, #tpu.memory_space<semaphore_mem>>) src(%arg14 : memref<128x32xf32, #tpu.memory_space<vmem>>) dst(%dma_wait3A_154 : memref<50048x32xf32, #tpu.memory_space<vmem_shared>>)
        tpu.yield
      }) : () -> ()
      %run_scoped3A_112 = arith.constant 2 : i32
      "tpu.region"() ({
        %run_scoped3A_142 = tpu.sem_alloc : memref<!tpu.dma_semaphore, #tpu.memory_space<semaphore_mem>>
        %dma_start3A_143 = arith.constant 0 : i32
        %dma_start3A_144 = tpu.memref_slice %arg11[%run_scoped3A_112, %dma_start3A_143] : memref<3x128xi32, #tpu.memory_space<vmem>> -> memref<1x128xi32, #tpu.memory_space<vmem>>
        %dma_start3A_145 = tpu.memref_squeeze %dma_start3A_144 : memref<1x128xi32, #tpu.memory_space<vmem>> -> memref<128xi32, #tpu.memory_space<vmem>>
        %dma_start3A_146 = arith.constant 0 : i32
        %dma_start3A_147 = arith.constant 0 : i32
        %dma_start3A_148 = tpu.memref_slice %arg8[%dma_start3A_146, %dma_start3A_147] : memref<50048x32xf32, #tpu.memory_space<vmem_shared>> -> memref<50048x32xf32, #tpu.memory_space<vmem_shared>>
        tpu.enqueue_indirect_dma source(%arg15 : memref<128x32xf32, #tpu.memory_space<vmem>>) target(%dma_start3A_148 : memref<50048x32xf32, #tpu.memory_space<vmem_shared>>) offsets(%dma_start3A_145 : memref<128xi32, #tpu.memory_space<vmem>>) semaphore(%run_scoped3A_142 : memref<!tpu.dma_semaphore, #tpu.memory_space<semaphore_mem>>) {add = true}
        %dma_wait3A_149 = arith.constant 0 : i32
        %dma_wait3A_150 = tpu.memref_slice %arg11[%run_scoped3A_112, %dma_wait3A_149] : memref<3x128xi32, #tpu.memory_space<vmem>> -> memref<1x128xi32, #tpu.memory_space<vmem>>
        %dma_wait3A_151 = tpu.memref_squeeze %dma_wait3A_150 : memref<1x128xi32, #tpu.memory_space<vmem>> -> memref<128xi32, #tpu.memory_space<vmem>>
        %dma_wait3A_152 = arith.constant 0 : i32
        %dma_wait3A_153 = arith.constant 0 : i32
        %dma_wait3A_154 = tpu.memref_slice %arg8[%dma_wait3A_152, %dma_wait3A_153] : memref<50048x32xf32, #tpu.memory_space<vmem_shared>> -> memref<50048x32xf32, #tpu.memory_space<vmem_shared>>
        tpu.wait_indirect_dma semaphore(%run_scoped3A_142 : memref<!tpu.dma_semaphore, #tpu.memory_space<semaphore_mem>>) src(%arg15 : memref<128x32xf32, #tpu.memory_space<vmem>>) dst(%dma_wait3A_154 : memref<50048x32xf32, #tpu.memory_space<vmem_shared>>)
        tpu.yield
      }) : () -> ()
      %dma_wait3A_113 = arith.constant 0 : i32
      %dma_wait3A_114 = arith.constant 0 : i32
      %dma_wait3A_115 = tpu.memref_slice %arg10[%dma_wait3A_113, %dma_wait3A_114] : memref<3x128xi32, #tpu.memory_space<vmem>> -> memref<1x128xi32, #tpu.memory_space<vmem>>
      %dma_wait3A_116 = tpu.memref_squeeze %dma_wait3A_115 : memref<1x128xi32, #tpu.memory_space<vmem>> -> memref<128xi32, #tpu.memory_space<vmem>>
      %dma_wait3A_117 = arith.constant 0 : i32
      %dma_wait3A_118 = arith.constant 0 : i32
      %dma_wait3A_119 = tpu.memref_slice %arg4[%dma_wait3A_117, %dma_wait3A_118] : memref<50048x32xf32, #tpu.memory_space<hbm>> -> memref<50048x32xf32, #tpu.memory_space<hbm>>
      tpu.wait_indirect_dma semaphore(%arg26 : memref<!tpu.dma_semaphore, #tpu.memory_space<semaphore_mem>>) src(%dma_wait3A_119 : memref<50048x32xf32, #tpu.memory_space<hbm>>) dst(%arg16 : memref<128x32xf32, #tpu.memory_space<vmem>>)
      %dma_wait3A_120 = arith.constant 1 : i32
      %dma_wait3A_121 = arith.constant 0 : i32
      %dma_wait3A_122 = tpu.memref_slice %arg10[%dma_wait3A_120, %dma_wait3A_121] : memref<3x128xi32, #tpu.memory_space<vmem>> -> memref<1x128xi32, #tpu.memory_space<vmem>>
      %dma_wait3A_123 = tpu.memref_squeeze %dma_wait3A_122 : memref<1x128xi32, #tpu.memory_space<vmem>> -> memref<128xi32, #tpu.memory_space<vmem>>
      %dma_wait3A_124 = arith.constant 0 : i32
      %dma_wait3A_125 = arith.constant 0 : i32
      %dma_wait3A_126 = tpu.memref_slice %arg4[%dma_wait3A_124, %dma_wait3A_125] : memref<50048x32xf32, #tpu.memory_space<hbm>> -> memref<50048x32xf32, #tpu.memory_space<hbm>>
      tpu.wait_indirect_dma semaphore(%arg27 : memref<!tpu.dma_semaphore, #tpu.memory_space<semaphore_mem>>) src(%dma_wait3A_126 : memref<50048x32xf32, #tpu.memory_space<hbm>>) dst(%arg17 : memref<128x32xf32, #tpu.memory_space<vmem>>)
      %dma_wait3A_127 = arith.constant 2 : i32
      %dma_wait3A_128 = arith.constant 0 : i32
      %dma_wait3A_129 = tpu.memref_slice %arg10[%dma_wait3A_127, %dma_wait3A_128] : memref<3x128xi32, #tpu.memory_space<vmem>> -> memref<1x128xi32, #tpu.memory_space<vmem>>
      %dma_wait3A_130 = tpu.memref_squeeze %dma_wait3A_129 : memref<1x128xi32, #tpu.memory_space<vmem>> -> memref<128xi32, #tpu.memory_space<vmem>>
      %dma_wait3A_131 = arith.constant 0 : i32
      %dma_wait3A_132 = arith.constant 0 : i32
      %dma_wait3A_133 = tpu.memref_slice %arg4[%dma_wait3A_131, %dma_wait3A_132] : memref<50048x32xf32, #tpu.memory_space<hbm>> -> memref<50048x32xf32, #tpu.memory_space<hbm>>
      tpu.wait_indirect_dma semaphore(%arg28 : memref<!tpu.dma_semaphore, #tpu.memory_space<semaphore_mem>>) src(%dma_wait3A_133 : memref<50048x32xf32, #tpu.memory_space<hbm>>) dst(%arg18 : memref<128x32xf32, #tpu.memory_space<vmem>>)
      %dma_wait3A_134 = arith.constant 0 : i32
      %dma_wait3A_135 = tpu.memref_slice %arg3[%mul3A_2, %dma_wait3A_134] : memref<6336x128xi32, #tpu.memory_space<hbm>> -> memref<3x128xi32, #tpu.memory_space<hbm>>
      %dma_wait3A_136 = arith.constant 0 : i32
      %dma_wait3A_137 = tpu.memref_slice %arg3[%mul3A_2, %dma_wait3A_136] : memref<6336x128xi32, #tpu.memory_space<hbm>> -> memref<3x128xi32, #tpu.memory_space<hbm>>
      tpu.wait_dma2 semaphore(%arg22 : memref<!tpu.dma_semaphore, #tpu.memory_space<semaphore_mem>>) src(%dma_wait3A_137 : memref<3x128xi32, #tpu.memory_space<hbm>>) dst(%arg12 : memref<3x128xi32, #tpu.memory_space<vmem>>)
      %run_scoped3A_138 = arith.constant 0 : i32
      "tpu.region"() ({
        %run_scoped3A_142 = tpu.sem_alloc : memref<!tpu.dma_semaphore, #tpu.memory_space<semaphore_mem>>
        %dma_start3A_143 = arith.constant 0 : i32
        %dma_start3A_144 = tpu.memref_slice %arg12[%run_scoped3A_138, %dma_start3A_143] : memref<3x128xi32, #tpu.memory_space<vmem>> -> memref<1x128xi32, #tpu.memory_space<vmem>>
        %dma_start3A_145 = tpu.memref_squeeze %dma_start3A_144 : memref<1x128xi32, #tpu.memory_space<vmem>> -> memref<128xi32, #tpu.memory_space<vmem>>
        %dma_start3A_146 = arith.constant 0 : i32
        %dma_start3A_147 = arith.constant 0 : i32
        %dma_start3A_148 = tpu.memref_slice %arg8[%dma_start3A_146, %dma_start3A_147] : memref<50048x32xf32, #tpu.memory_space<vmem_shared>> -> memref<50048x32xf32, #tpu.memory_space<vmem_shared>>
        tpu.enqueue_indirect_dma source(%arg16 : memref<128x32xf32, #tpu.memory_space<vmem>>) target(%dma_start3A_148 : memref<50048x32xf32, #tpu.memory_space<vmem_shared>>) offsets(%dma_start3A_145 : memref<128xi32, #tpu.memory_space<vmem>>) semaphore(%run_scoped3A_142 : memref<!tpu.dma_semaphore, #tpu.memory_space<semaphore_mem>>) {add = true}
        %dma_wait3A_149 = arith.constant 0 : i32
        %dma_wait3A_150 = tpu.memref_slice %arg12[%run_scoped3A_138, %dma_wait3A_149] : memref<3x128xi32, #tpu.memory_space<vmem>> -> memref<1x128xi32, #tpu.memory_space<vmem>>
        %dma_wait3A_151 = tpu.memref_squeeze %dma_wait3A_150 : memref<1x128xi32, #tpu.memory_space<vmem>> -> memref<128xi32, #tpu.memory_space<vmem>>
        %dma_wait3A_152 = arith.constant 0 : i32
        %dma_wait3A_153 = arith.constant 0 : i32
        %dma_wait3A_154 = tpu.memref_slice %arg8[%dma_wait3A_152, %dma_wait3A_153] : memref<50048x32xf32, #tpu.memory_space<vmem_shared>> -> memref<50048x32xf32, #tpu.memory_space<vmem_shared>>
        tpu.wait_indirect_dma semaphore(%run_scoped3A_142 : memref<!tpu.dma_semaphore, #tpu.memory_space<semaphore_mem>>) src(%arg16 : memref<128x32xf32, #tpu.memory_space<vmem>>) dst(%dma_wait3A_154 : memref<50048x32xf32, #tpu.memory_space<vmem_shared>>)
        tpu.yield
      }) : () -> ()
      %run_scoped3A_139 = arith.constant 1 : i32
      "tpu.region"() ({
        %run_scoped3A_142 = tpu.sem_alloc : memref<!tpu.dma_semaphore, #tpu.memory_space<semaphore_mem>>
        %dma_start3A_143 = arith.constant 0 : i32
        %dma_start3A_144 = tpu.memref_slice %arg12[%run_scoped3A_139, %dma_start3A_143] : memref<3x128xi32, #tpu.memory_space<vmem>> -> memref<1x128xi32, #tpu.memory_space<vmem>>
        %dma_start3A_145 = tpu.memref_squeeze %dma_start3A_144 : memref<1x128xi32, #tpu.memory_space<vmem>> -> memref<128xi32, #tpu.memory_space<vmem>>
        %dma_start3A_146 = arith.constant 0 : i32
        %dma_start3A_147 = arith.constant 0 : i32
        %dma_start3A_148 = tpu.memref_slice %arg8[%dma_start3A_146, %dma_start3A_147] : memref<50048x32xf32, #tpu.memory_space<vmem_shared>> -> memref<50048x32xf32, #tpu.memory_space<vmem_shared>>
        tpu.enqueue_indirect_dma source(%arg17 : memref<128x32xf32, #tpu.memory_space<vmem>>) target(%dma_start3A_148 : memref<50048x32xf32, #tpu.memory_space<vmem_shared>>) offsets(%dma_start3A_145 : memref<128xi32, #tpu.memory_space<vmem>>) semaphore(%run_scoped3A_142 : memref<!tpu.dma_semaphore, #tpu.memory_space<semaphore_mem>>) {add = true}
        %dma_wait3A_149 = arith.constant 0 : i32
        %dma_wait3A_150 = tpu.memref_slice %arg12[%run_scoped3A_139, %dma_wait3A_149] : memref<3x128xi32, #tpu.memory_space<vmem>> -> memref<1x128xi32, #tpu.memory_space<vmem>>
        %dma_wait3A_151 = tpu.memref_squeeze %dma_wait3A_150 : memref<1x128xi32, #tpu.memory_space<vmem>> -> memref<128xi32, #tpu.memory_space<vmem>>
        %dma_wait3A_152 = arith.constant 0 : i32
        %dma_wait3A_153 = arith.constant 0 : i32
        %dma_wait3A_154 = tpu.memref_slice %arg8[%dma_wait3A_152, %dma_wait3A_153] : memref<50048x32xf32, #tpu.memory_space<vmem_shared>> -> memref<50048x32xf32, #tpu.memory_space<vmem_shared>>
        tpu.wait_indirect_dma semaphore(%run_scoped3A_142 : memref<!tpu.dma_semaphore, #tpu.memory_space<semaphore_mem>>) src(%arg17 : memref<128x32xf32, #tpu.memory_space<vmem>>) dst(%dma_wait3A_154 : memref<50048x32xf32, #tpu.memory_space<vmem_shared>>)
        tpu.yield
      }) : () -> ()
      %run_scoped3A_140 = arith.constant 2 : i32
      "tpu.region"() ({
        %run_scoped3A_142 = tpu.sem_alloc : memref<!tpu.dma_semaphore, #tpu.memory_space<semaphore_mem>>
        %dma_start3A_143 = arith.constant 0 : i32
        %dma_start3A_144 = tpu.memref_slice %arg12[%run_scoped3A_140, %dma_start3A_143] : memref<3x128xi32, #tpu.memory_space<vmem>> -> memref<1x128xi32, #tpu.memory_space<vmem>>
        %dma_start3A_145 = tpu.memref_squeeze %dma_start3A_144 : memref<1x128xi32, #tpu.memory_space<vmem>> -> memref<128xi32, #tpu.memory_space<vmem>>
        %dma_start3A_146 = arith.constant 0 : i32
        %dma_start3A_147 = arith.constant 0 : i32
        %dma_start3A_148 = tpu.memref_slice %arg8[%dma_start3A_146, %dma_start3A_147] : memref<50048x32xf32, #tpu.memory_space<vmem_shared>> -> memref<50048x32xf32, #tpu.memory_space<vmem_shared>>
        tpu.enqueue_indirect_dma source(%arg18 : memref<128x32xf32, #tpu.memory_space<vmem>>) target(%dma_start3A_148 : memref<50048x32xf32, #tpu.memory_space<vmem_shared>>) offsets(%dma_start3A_145 : memref<128xi32, #tpu.memory_space<vmem>>) semaphore(%run_scoped3A_142 : memref<!tpu.dma_semaphore, #tpu.memory_space<semaphore_mem>>) {add = true}
        %dma_wait3A_149 = arith.constant 0 : i32
        %dma_wait3A_150 = tpu.memref_slice %arg12[%run_scoped3A_140, %dma_wait3A_149] : memref<3x128xi32, #tpu.memory_space<vmem>> -> memref<1x128xi32, #tpu.memory_space<vmem>>
        %dma_wait3A_151 = tpu.memref_squeeze %dma_wait3A_150 : memref<1x128xi32, #tpu.memory_space<vmem>> -> memref<128xi32, #tpu.memory_space<vmem>>
        %dma_wait3A_152 = arith.constant 0 : i32
        %dma_wait3A_153 = arith.constant 0 : i32
        %dma_wait3A_154 = tpu.memref_slice %arg8[%dma_wait3A_152, %dma_wait3A_153] : memref<50048x32xf32, #tpu.memory_space<vmem_shared>> -> memref<50048x32xf32, #tpu.memory_space<vmem_shared>>
        tpu.wait_indirect_dma semaphore(%run_scoped3A_142 : memref<!tpu.dma_semaphore, #tpu.memory_space<semaphore_mem>>) src(%arg18 : memref<128x32xf32, #tpu.memory_space<vmem>>) dst(%dma_wait3A_154 : memref<50048x32xf32, #tpu.memory_space<vmem_shared>>)
        tpu.yield
      }) : () -> ()
      %barrier3A_141 = arith.constant 0 : index
      tpu.barrier barrier_id(%barrier3A_141)
      "tpu.region"() ({
        %run_scoped3A_142 = tpu.sem_alloc : memref<!tpu.dma_semaphore, #tpu.memory_space<semaphore_mem>>
        %dma_start3A_143 = arith.constant 0 : i32
        %dma_start3A_144 = tpu.memref_slice %arg6[%mul3A_0, %dma_start3A_143] : memref<50048x32xf32, #tpu.memory_space<hbm>> -> memref<3128x32xf32, #tpu.memory_space<hbm>>
        %dma_start3A_145 = arith.constant 0 : i32
        %dma_start3A_146 = tpu.memref_slice %arg8[%mul3A_0, %dma_start3A_145] : memref<50048x32xf32, #tpu.memory_space<vmem_shared>> -> memref<3128x32xf32, #tpu.memory_space<vmem_shared>>
        tpu.enqueue_dma source(%dma_start3A_146 : memref<3128x32xf32, #tpu.memory_space<vmem_shared>>) target(%dma_start3A_144 : memref<3128x32xf32, #tpu.memory_space<hbm>>) target_semaphore(%run_scoped3A_142 : memref<!tpu.dma_semaphore, #tpu.memory_space<semaphore_mem>>)
        %dma_wait3A_147 = arith.constant 0 : i32
        %dma_wait3A_148 = tpu.memref_slice %arg6[%mul3A_0, %dma_wait3A_147] : memref<50048x32xf32, #tpu.memory_space<hbm>> -> memref<3128x32xf32, #tpu.memory_space<hbm>>
        %dma_wait3A_149 = arith.constant 0 : i32
        %dma_wait3A_150 = tpu.memref_slice %arg8[%mul3A_0, %dma_wait3A_149] : memref<50048x32xf32, #tpu.memory_space<vmem_shared>> -> memref<3128x32xf32, #tpu.memory_space<vmem_shared>>
        tpu.wait_dma2 semaphore(%run_scoped3A_142 : memref<!tpu.dma_semaphore, #tpu.memory_space<semaphore_mem>>) src(%dma_wait3A_150 : memref<3128x32xf32, #tpu.memory_space<vmem_shared>>) dst(%dma_wait3A_148 : memref<3128x32xf32, #tpu.memory_space<hbm>>)
        tpu.yield
      }) : () -> ()
    } else {
    }
    %eq3A_5 = arith.constant 1 : i32
    %eq3A_6 = arith.cmpi eq, %arg0, %eq3A_5 : i32
    %convert_element_type3A_7 = arith.extui %eq3A_6 : i1 to i32
    %cond3A_8 = arith.constant 0 : i32
    %cond3A_9 = arith.cmpi ne, %convert_element_type3A_7, %cond3A_8 : i32
    scf.if %cond3A_9 {
      "tpu.region"() ({
        %run_scoped3A_142 = tpu.sem_alloc : memref<!tpu.dma_semaphore, #tpu.memory_space<semaphore_mem>>
        %dma_start3A_143 = arith.constant 0 : i32
        %dma_start3A_144 = tpu.memref_slice %arg8[%mul3A_0, %dma_start3A_143] : memref<50048x32xf32, #tpu.memory_space<vmem_shared>> -> memref<3128x32xf32, #tpu.memory_space<vmem_shared>>
        %dma_start3A_145 = arith.constant 0 : i32
        %dma_start3A_146 = tpu.memref_slice %arg5[%mul3A_0, %dma_start3A_145] : memref<50048x32xf32, #tpu.memory_space<hbm>> -> memref<3128x32xf32, #tpu.memory_space<hbm>>
        tpu.enqueue_dma source(%dma_start3A_146 : memref<3128x32xf32, #tpu.memory_space<hbm>>) target(%dma_start3A_144 : memref<3128x32xf32, #tpu.memory_space<vmem_shared>>) target_semaphore(%run_scoped3A_142 : memref<!tpu.dma_semaphore, #tpu.memory_space<semaphore_mem>>)
        %dma_wait3A_147 = arith.constant 0 : i32
        %dma_wait3A_148 = tpu.memref_slice %arg8[%mul3A_0, %dma_wait3A_147] : memref<50048x32xf32, #tpu.memory_space<vmem_shared>> -> memref<3128x32xf32, #tpu.memory_space<vmem_shared>>
        %dma_wait3A_149 = arith.constant 0 : i32
        %dma_wait3A_150 = tpu.memref_slice %arg5[%mul3A_0, %dma_wait3A_149] : memref<50048x32xf32, #tpu.memory_space<hbm>> -> memref<3128x32xf32, #tpu.memory_space<hbm>>
        tpu.wait_dma2 semaphore(%run_scoped3A_142 : memref<!tpu.dma_semaphore, #tpu.memory_space<semaphore_mem>>) src(%dma_wait3A_150 : memref<3128x32xf32, #tpu.memory_space<hbm>>) dst(%dma_wait3A_148 : memref<3128x32xf32, #tpu.memory_space<vmem_shared>>)
        tpu.yield
      }) : () -> ()
      %barrier3A = arith.constant 0 : index
      tpu.barrier barrier_id(%barrier3A)
      %add3A = arith.constant 0 : i32
      %add3A_10 = arith.addi %mul3A_2, %add3A : i32
      %dma_start3A = arith.constant 0 : i32
      %dma_start3A_11 = tpu.memref_slice %arg2[%add3A_10, %dma_start3A] : memref<6336x128xi32, #tpu.memory_space<hbm>> -> memref<3x128xi32, #tpu.memory_space<hbm>>
      %dma_start3A_12 = arith.constant 0 : i32
      %dma_start3A_13 = tpu.memref_slice %arg2[%add3A_10, %dma_start3A_12] : memref<6336x128xi32, #tpu.memory_space<hbm>> -> memref<3x128xi32, #tpu.memory_space<hbm>>
      tpu.enqueue_dma source(%dma_start3A_13 : memref<3x128xi32, #tpu.memory_space<hbm>>) target(%arg9 : memref<3x128xi32, #tpu.memory_space<vmem>>) target_semaphore(%arg19 : memref<!tpu.dma_semaphore, #tpu.memory_space<semaphore_mem>>)
      %add3A_14 = arith.constant 0 : i32
      %add3A_15 = arith.addi %mul3A_2, %add3A_14 : i32
      %dma_start3A_16 = arith.constant 0 : i32
      %dma_start3A_17 = tpu.memref_slice %arg3[%add3A_15, %dma_start3A_16] : memref<6336x128xi32, #tpu.memory_space<hbm>> -> memref<3x128xi32, #tpu.memory_space<hbm>>
      %dma_start3A_18 = arith.constant 0 : i32
      %dma_start3A_19 = tpu.memref_slice %arg3[%add3A_15, %dma_start3A_18] : memref<6336x128xi32, #tpu.memory_space<hbm>> -> memref<3x128xi32, #tpu.memory_space<hbm>>
      tpu.enqueue_dma source(%dma_start3A_19 : memref<3x128xi32, #tpu.memory_space<hbm>>) target(%arg11 : memref<3x128xi32, #tpu.memory_space<vmem>>) target_semaphore(%arg21 : memref<!tpu.dma_semaphore, #tpu.memory_space<semaphore_mem>>)
      %add3A_20 = arith.constant 3 : i32
      %add3A_21 = arith.addi %mul3A_2, %add3A_20 : i32
      %dma_start3A_22 = arith.constant 0 : i32
      %dma_start3A_23 = tpu.memref_slice %arg2[%add3A_21, %dma_start3A_22] : memref<6336x128xi32, #tpu.memory_space<hbm>> -> memref<3x128xi32, #tpu.memory_space<hbm>>
      %dma_start3A_24 = arith.constant 0 : i32
      %dma_start3A_25 = tpu.memref_slice %arg2[%add3A_21, %dma_start3A_24] : memref<6336x128xi32, #tpu.memory_space<hbm>> -> memref<3x128xi32, #tpu.memory_space<hbm>>
      tpu.enqueue_dma source(%dma_start3A_25 : memref<3x128xi32, #tpu.memory_space<hbm>>) target(%arg10 : memref<3x128xi32, #tpu.memory_space<vmem>>) target_semaphore(%arg20 : memref<!tpu.dma_semaphore, #tpu.memory_space<semaphore_mem>>)
      %add3A_26 = arith.constant 3 : i32
      %add3A_27 = arith.addi %mul3A_2, %add3A_26 : i32
      %dma_start3A_28 = arith.constant 0 : i32
      %dma_start3A_29 = tpu.memref_slice %arg3[%add3A_27, %dma_start3A_28] : memref<6336x128xi32, #tpu.memory_space<hbm>> -> memref<3x128xi32, #tpu.memory_space<hbm>>
      %dma_start3A_30 = arith.constant 0 : i32
      %dma_start3A_31 = tpu.memref_slice %arg3[%add3A_27, %dma_start3A_30] : memref<6336x128xi32, #tpu.memory_space<hbm>> -> memref<3x128xi32, #tpu.memory_space<hbm>>
      tpu.enqueue_dma source(%dma_start3A_31 : memref<3x128xi32, #tpu.memory_space<hbm>>) target(%arg12 : memref<3x128xi32, #tpu.memory_space<vmem>>) target_semaphore(%arg22 : memref<!tpu.dma_semaphore, #tpu.memory_space<semaphore_mem>>)
      %dma_wait3A = arith.constant 0 : i32
      %dma_wait3A_32 = tpu.memref_slice %arg2[%mul3A_2, %dma_wait3A] : memref<6336x128xi32, #tpu.memory_space<hbm>> -> memref<3x128xi32, #tpu.memory_space<hbm>>
      %dma_wait3A_33 = arith.constant 0 : i32
      %dma_wait3A_34 = tpu.memref_slice %arg2[%mul3A_2, %dma_wait3A_33] : memref<6336x128xi32, #tpu.memory_space<hbm>> -> memref<3x128xi32, #tpu.memory_space<hbm>>
      tpu.wait_dma2 semaphore(%arg19 : memref<!tpu.dma_semaphore, #tpu.memory_space<semaphore_mem>>) src(%dma_wait3A_34 : memref<3x128xi32, #tpu.memory_space<hbm>>) dst(%arg9 : memref<3x128xi32, #tpu.memory_space<vmem>>)
      %dma_start3A_35 = arith.constant 0 : i32
      %dma_start3A_36 = arith.constant 0 : i32
      %dma_start3A_37 = tpu.memref_slice %arg9[%dma_start3A_35, %dma_start3A_36] : memref<3x128xi32, #tpu.memory_space<vmem>> -> memref<1x128xi32, #tpu.memory_space<vmem>>
      %dma_start3A_38 = tpu.memref_squeeze %dma_start3A_37 : memref<1x128xi32, #tpu.memory_space<vmem>> -> memref<128xi32, #tpu.memory_space<vmem>>
      %dma_start3A_39 = arith.constant 0 : i32
      %dma_start3A_40 = arith.constant 0 : i32
      %dma_start3A_41 = tpu.memref_slice %arg5[%dma_start3A_39, %dma_start3A_40] : memref<50048x32xf32, #tpu.memory_space<hbm>> -> memref<50048x32xf32, #tpu.memory_space<hbm>>
      tpu.enqueue_indirect_dma source(%dma_start3A_41 : memref<50048x32xf32, #tpu.memory_space<hbm>>) target(%arg13 : memref<128x32xf32, #tpu.memory_space<vmem>>) offsets(%dma_start3A_38 : memref<128xi32, #tpu.memory_space<vmem>>) semaphore(%arg23 : memref<!tpu.dma_semaphore, #tpu.memory_space<semaphore_mem>>)
      %dma_start3A_42 = arith.constant 1 : i32
      %dma_start3A_43 = arith.constant 0 : i32
      %dma_start3A_44 = tpu.memref_slice %arg9[%dma_start3A_42, %dma_start3A_43] : memref<3x128xi32, #tpu.memory_space<vmem>> -> memref<1x128xi32, #tpu.memory_space<vmem>>
      %dma_start3A_45 = tpu.memref_squeeze %dma_start3A_44 : memref<1x128xi32, #tpu.memory_space<vmem>> -> memref<128xi32, #tpu.memory_space<vmem>>
      %dma_start3A_46 = arith.constant 0 : i32
      %dma_start3A_47 = arith.constant 0 : i32
      %dma_start3A_48 = tpu.memref_slice %arg5[%dma_start3A_46, %dma_start3A_47] : memref<50048x32xf32, #tpu.memory_space<hbm>> -> memref<50048x32xf32, #tpu.memory_space<hbm>>
      tpu.enqueue_indirect_dma source(%dma_start3A_48 : memref<50048x32xf32, #tpu.memory_space<hbm>>) target(%arg14 : memref<128x32xf32, #tpu.memory_space<vmem>>) offsets(%dma_start3A_45 : memref<128xi32, #tpu.memory_space<vmem>>) semaphore(%arg24 : memref<!tpu.dma_semaphore, #tpu.memory_space<semaphore_mem>>)
      %dma_start3A_49 = arith.constant 2 : i32
      %dma_start3A_50 = arith.constant 0 : i32
      %dma_start3A_51 = tpu.memref_slice %arg9[%dma_start3A_49, %dma_start3A_50] : memref<3x128xi32, #tpu.memory_space<vmem>> -> memref<1x128xi32, #tpu.memory_space<vmem>>
      %dma_start3A_52 = tpu.memref_squeeze %dma_start3A_51 : memref<1x128xi32, #tpu.memory_space<vmem>> -> memref<128xi32, #tpu.memory_space<vmem>>
      %dma_start3A_53 = arith.constant 0 : i32
      %dma_start3A_54 = arith.constant 0 : i32
      %dma_start3A_55 = tpu.memref_slice %arg5[%dma_start3A_53, %dma_start3A_54] : memref<50048x32xf32, #tpu.memory_space<hbm>> -> memref<50048x32xf32, #tpu.memory_space<hbm>>
      tpu.enqueue_indirect_dma source(%dma_start3A_55 : memref<50048x32xf32, #tpu.memory_space<hbm>>) target(%arg15 : memref<128x32xf32, #tpu.memory_space<vmem>>) offsets(%dma_start3A_52 : memref<128xi32, #tpu.memory_space<vmem>>) semaphore(%arg25 : memref<!tpu.dma_semaphore, #tpu.memory_space<semaphore_mem>>)
      %scan3A = arith.constant 0 : i32
      %scan3A_56 = arith.constant 0 : i32
      %scan3A_57 = arith.constant 65 : i32
      %scan3A_58 = arith.addi %scan3A_56, %scan3A_57 : i32
      %scan3A_59 = arith.constant 1 : i32
      scf.for %scan3A_142 = %scan3A_56 to %scan3A_58 step %scan3A_59  : i32 {
        %mul3A_143 = arith.constant 2 : i32
        %mul3A_144 = arith.muli %mul3A_143, %scan3A_142 : i32
        %dma_wait3A_145 = arith.constant 0 : i32
        %dma_wait3A_146 = tpu.memref_slice %arg2[%mul3A_2, %dma_wait3A_145] : memref<6336x128xi32, #tpu.memory_space<hbm>> -> memref<3x128xi32, #tpu.memory_space<hbm>>
        %dma_wait3A_147 = arith.constant 0 : i32
        %dma_wait3A_148 = tpu.memref_slice %arg2[%mul3A_2, %dma_wait3A_147] : memref<6336x128xi32, #tpu.memory_space<hbm>> -> memref<3x128xi32, #tpu.memory_space<hbm>>
        tpu.wait_dma2 semaphore(%arg20 : memref<!tpu.dma_semaphore, #tpu.memory_space<semaphore_mem>>) src(%dma_wait3A_148 : memref<3x128xi32, #tpu.memory_space<hbm>>) dst(%arg10 : memref<3x128xi32, #tpu.memory_space<vmem>>)
        %dma_start3A_149 = arith.constant 0 : i32
        %dma_start3A_150 = arith.constant 0 : i32
        %dma_start3A_151 = tpu.memref_slice %arg10[%dma_start3A_149, %dma_start3A_150] : memref<3x128xi32, #tpu.memory_space<vmem>> -> memref<1x128xi32, #tpu.memory_space<vmem>>
        %dma_start3A_152 = tpu.memref_squeeze %dma_start3A_151 : memref<1x128xi32, #tpu.memory_space<vmem>> -> memref<128xi32, #tpu.memory_space<vmem>>
        %dma_start3A_153 = arith.constant 0 : i32
        %dma_start3A_154 = arith.constant 0 : i32
        %dma_start3A_155 = tpu.memref_slice %arg5[%dma_start3A_153, %dma_start3A_154] : memref<50048x32xf32, #tpu.memory_space<hbm>> -> memref<50048x32xf32, #tpu.memory_space<hbm>>
        tpu.enqueue_indirect_dma source(%dma_start3A_155 : memref<50048x32xf32, #tpu.memory_space<hbm>>) target(%arg16 : memref<128x32xf32, #tpu.memory_space<vmem>>) offsets(%dma_start3A_152 : memref<128xi32, #tpu.memory_space<vmem>>) semaphore(%arg26 : memref<!tpu.dma_semaphore, #tpu.memory_space<semaphore_mem>>)
        %dma_start3A_156 = arith.constant 1 : i32
        %dma_start3A_157 = arith.constant 0 : i32
        %dma_start3A_158 = tpu.memref_slice %arg10[%dma_start3A_156, %dma_start3A_157] : memref<3x128xi32, #tpu.memory_space<vmem>> -> memref<1x128xi32, #tpu.memory_space<vmem>>
        %dma_start3A_159 = tpu.memref_squeeze %dma_start3A_158 : memref<1x128xi32, #tpu.memory_space<vmem>> -> memref<128xi32, #tpu.memory_space<vmem>>
        %dma_start3A_160 = arith.constant 0 : i32
        %dma_start3A_161 = arith.constant 0 : i32
        %dma_start3A_162 = tpu.memref_slice %arg5[%dma_start3A_160, %dma_start3A_161] : memref<50048x32xf32, #tpu.memory_space<hbm>> -> memref<50048x32xf32, #tpu.memory_space<hbm>>
        tpu.enqueue_indirect_dma source(%dma_start3A_162 : memref<50048x32xf32, #tpu.memory_space<hbm>>) target(%arg17 : memref<128x32xf32, #tpu.memory_space<vmem>>) offsets(%dma_start3A_159 : memref<128xi32, #tpu.memory_space<vmem>>) semaphore(%arg27 : memref<!tpu.dma_semaphore, #tpu.memory_space<semaphore_mem>>)
        %dma_start3A_163 = arith.constant 2 : i32
        %dma_start3A_164 = arith.constant 0 : i32
        %dma_start3A_165 = tpu.memref_slice %arg10[%dma_start3A_163, %dma_start3A_164] : memref<3x128xi32, #tpu.memory_space<vmem>> -> memref<1x128xi32, #tpu.memory_space<vmem>>
        %dma_start3A_166 = tpu.memref_squeeze %dma_start3A_165 : memref<1x128xi32, #tpu.memory_space<vmem>> -> memref<128xi32, #tpu.memory_space<vmem>>
        %dma_start3A_167 = arith.constant 0 : i32
        %dma_start3A_168 = arith.constant 0 : i32
        %dma_start3A_169 = tpu.memref_slice %arg5[%dma_start3A_167, %dma_start3A_168] : memref<50048x32xf32, #tpu.memory_space<hbm>> -> memref<50048x32xf32, #tpu.memory_space<hbm>>
        tpu.enqueue_indirect_dma source(%dma_start3A_169 : memref<50048x32xf32, #tpu.memory_space<hbm>>) target(%arg18 : memref<128x32xf32, #tpu.memory_space<vmem>>) offsets(%dma_start3A_166 : memref<128xi32, #tpu.memory_space<vmem>>) semaphore(%arg28 : memref<!tpu.dma_semaphore, #tpu.memory_space<semaphore_mem>>)
        %dma_wait3A_170 = arith.constant 0 : i32
        %dma_wait3A_171 = arith.constant 0 : i32
        %dma_wait3A_172 = tpu.memref_slice %arg9[%dma_wait3A_170, %dma_wait3A_171] : memref<3x128xi32, #tpu.memory_space<vmem>> -> memref<1x128xi32, #tpu.memory_space<vmem>>
        %dma_wait3A_173 = tpu.memref_squeeze %dma_wait3A_172 : memref<1x128xi32, #tpu.memory_space<vmem>> -> memref<128xi32, #tpu.memory_space<vmem>>
        %dma_wait3A_174 = arith.constant 0 : i32
        %dma_wait3A_175 = arith.constant 0 : i32
        %dma_wait3A_176 = tpu.memref_slice %arg5[%dma_wait3A_174, %dma_wait3A_175] : memref<50048x32xf32, #tpu.memory_space<hbm>> -> memref<50048x32xf32, #tpu.memory_space<hbm>>
        tpu.wait_indirect_dma semaphore(%arg23 : memref<!tpu.dma_semaphore, #tpu.memory_space<semaphore_mem>>) src(%dma_wait3A_176 : memref<50048x32xf32, #tpu.memory_space<hbm>>) dst(%arg13 : memref<128x32xf32, #tpu.memory_space<vmem>>)
        %dma_wait3A_177 = arith.constant 1 : i32
        %dma_wait3A_178 = arith.constant 0 : i32
        %dma_wait3A_179 = tpu.memref_slice %arg9[%dma_wait3A_177, %dma_wait3A_178] : memref<3x128xi32, #tpu.memory_space<vmem>> -> memref<1x128xi32, #tpu.memory_space<vmem>>
        %dma_wait3A_180 = tpu.memref_squeeze %dma_wait3A_179 : memref<1x128xi32, #tpu.memory_space<vmem>> -> memref<128xi32, #tpu.memory_space<vmem>>
        %dma_wait3A_181 = arith.constant 0 : i32
        %dma_wait3A_182 = arith.constant 0 : i32
        %dma_wait3A_183 = tpu.memref_slice %arg5[%dma_wait3A_181, %dma_wait3A_182] : memref<50048x32xf32, #tpu.memory_space<hbm>> -> memref<50048x32xf32, #tpu.memory_space<hbm>>
        tpu.wait_indirect_dma semaphore(%arg24 : memref<!tpu.dma_semaphore, #tpu.memory_space<semaphore_mem>>) src(%dma_wait3A_183 : memref<50048x32xf32, #tpu.memory_space<hbm>>) dst(%arg14 : memref<128x32xf32, #tpu.memory_space<vmem>>)
        %dma_wait3A_184 = arith.constant 2 : i32
        %dma_wait3A_185 = arith.constant 0 : i32
        %dma_wait3A_186 = tpu.memref_slice %arg9[%dma_wait3A_184, %dma_wait3A_185] : memref<3x128xi32, #tpu.memory_space<vmem>> -> memref<1x128xi32, #tpu.memory_space<vmem>>
        %dma_wait3A_187 = tpu.memref_squeeze %dma_wait3A_186 : memref<1x128xi32, #tpu.memory_space<vmem>> -> memref<128xi32, #tpu.memory_space<vmem>>
        %dma_wait3A_188 = arith.constant 0 : i32
        %dma_wait3A_189 = arith.constant 0 : i32
        %dma_wait3A_190 = tpu.memref_slice %arg5[%dma_wait3A_188, %dma_wait3A_189] : memref<50048x32xf32, #tpu.memory_space<hbm>> -> memref<50048x32xf32, #tpu.memory_space<hbm>>
        tpu.wait_indirect_dma semaphore(%arg25 : memref<!tpu.dma_semaphore, #tpu.memory_space<semaphore_mem>>) src(%dma_wait3A_190 : memref<50048x32xf32, #tpu.memory_space<hbm>>) dst(%arg15 : memref<128x32xf32, #tpu.memory_space<vmem>>)
        %add3A_191 = arith.constant 2 : i32
        %add3A_192 = arith.addi %mul3A_144, %add3A_191 : i32
        %mul3A_193 = arith.constant 3 : i32
        %mul3A_194 = arith.muli %add3A_192, %mul3A_193 : i32
        %add3A_195 = arith.addi %mul3A_2, %mul3A_194 : i32
        %dma_start3A_196 = arith.constant 0 : i32
        %dma_start3A_197 = tpu.memref_slice %arg2[%add3A_195, %dma_start3A_196] : memref<6336x128xi32, #tpu.memory_space<hbm>> -> memref<3x128xi32, #tpu.memory_space<hbm>>
        %dma_start3A_198 = arith.constant 0 : i32
        %dma_start3A_199 = tpu.memref_slice %arg2[%add3A_195, %dma_start3A_198] : memref<6336x128xi32, #tpu.memory_space<hbm>> -> memref<3x128xi32, #tpu.memory_space<hbm>>
        tpu.enqueue_dma source(%dma_start3A_199 : memref<3x128xi32, #tpu.memory_space<hbm>>) target(%arg9 : memref<3x128xi32, #tpu.memory_space<vmem>>) target_semaphore(%arg19 : memref<!tpu.dma_semaphore, #tpu.memory_space<semaphore_mem>>)
        %dma_wait3A_200 = arith.constant 0 : i32
        %dma_wait3A_201 = tpu.memref_slice %arg3[%mul3A_2, %dma_wait3A_200] : memref<6336x128xi32, #tpu.memory_space<hbm>> -> memref<3x128xi32, #tpu.memory_space<hbm>>
        %dma_wait3A_202 = arith.constant 0 : i32
        %dma_wait3A_203 = tpu.memref_slice %arg3[%mul3A_2, %dma_wait3A_202] : memref<6336x128xi32, #tpu.memory_space<hbm>> -> memref<3x128xi32, #tpu.memory_space<hbm>>
        tpu.wait_dma2 semaphore(%arg21 : memref<!tpu.dma_semaphore, #tpu.memory_space<semaphore_mem>>) src(%dma_wait3A_203 : memref<3x128xi32, #tpu.memory_space<hbm>>) dst(%arg11 : memref<3x128xi32, #tpu.memory_space<vmem>>)
        %run_scoped3A_204 = arith.constant 0 : i32
        "tpu.region"() ({
          %run_scoped3A_287 = tpu.sem_alloc : memref<!tpu.dma_semaphore, #tpu.memory_space<semaphore_mem>>
          %dma_start3A_288 = arith.constant 0 : i32
          %dma_start3A_289 = tpu.memref_slice %arg11[%run_scoped3A_204, %dma_start3A_288] : memref<3x128xi32, #tpu.memory_space<vmem>> -> memref<1x128xi32, #tpu.memory_space<vmem>>
          %dma_start3A_290 = tpu.memref_squeeze %dma_start3A_289 : memref<1x128xi32, #tpu.memory_space<vmem>> -> memref<128xi32, #tpu.memory_space<vmem>>
          %dma_start3A_291 = arith.constant 0 : i32
          %dma_start3A_292 = arith.constant 0 : i32
          %dma_start3A_293 = tpu.memref_slice %arg8[%dma_start3A_291, %dma_start3A_292] : memref<50048x32xf32, #tpu.memory_space<vmem_shared>> -> memref<50048x32xf32, #tpu.memory_space<vmem_shared>>
          tpu.enqueue_indirect_dma source(%arg13 : memref<128x32xf32, #tpu.memory_space<vmem>>) target(%dma_start3A_293 : memref<50048x32xf32, #tpu.memory_space<vmem_shared>>) offsets(%dma_start3A_290 : memref<128xi32, #tpu.memory_space<vmem>>) semaphore(%run_scoped3A_287 : memref<!tpu.dma_semaphore, #tpu.memory_space<semaphore_mem>>) {add = true}
          %dma_wait3A_294 = arith.constant 0 : i32
          %dma_wait3A_295 = tpu.memref_slice %arg11[%run_scoped3A_204, %dma_wait3A_294] : memref<3x128xi32, #tpu.memory_space<vmem>> -> memref<1x128xi32, #tpu.memory_space<vmem>>
          %dma_wait3A_296 = tpu.memref_squeeze %dma_wait3A_295 : memref<1x128xi32, #tpu.memory_space<vmem>> -> memref<128xi32, #tpu.memory_space<vmem>>
          %dma_wait3A_297 = arith.constant 0 : i32
          %dma_wait3A_298 = arith.constant 0 : i32
          %dma_wait3A_299 = tpu.memref_slice %arg8[%dma_wait3A_297, %dma_wait3A_298] : memref<50048x32xf32, #tpu.memory_space<vmem_shared>> -> memref<50048x32xf32, #tpu.memory_space<vmem_shared>>
          tpu.wait_indirect_dma semaphore(%run_scoped3A_287 : memref<!tpu.dma_semaphore, #tpu.memory_space<semaphore_mem>>) src(%arg13 : memref<128x32xf32, #tpu.memory_space<vmem>>) dst(%dma_wait3A_299 : memref<50048x32xf32, #tpu.memory_space<vmem_shared>>)
          tpu.yield
        }) : () -> ()
        %run_scoped3A_205 = arith.constant 1 : i32
        "tpu.region"() ({
          %run_scoped3A_287 = tpu.sem_alloc : memref<!tpu.dma_semaphore, #tpu.memory_space<semaphore_mem>>
          %dma_start3A_288 = arith.constant 0 : i32
          %dma_start3A_289 = tpu.memref_slice %arg11[%run_scoped3A_205, %dma_start3A_288] : memref<3x128xi32, #tpu.memory_space<vmem>> -> memref<1x128xi32, #tpu.memory_space<vmem>>
          %dma_start3A_290 = tpu.memref_squeeze %dma_start3A_289 : memref<1x128xi32, #tpu.memory_space<vmem>> -> memref<128xi32, #tpu.memory_space<vmem>>
          %dma_start3A_291 = arith.constant 0 : i32
          %dma_start3A_292 = arith.constant 0 : i32
          %dma_start3A_293 = tpu.memref_slice %arg8[%dma_start3A_291, %dma_start3A_292] : memref<50048x32xf32, #tpu.memory_space<vmem_shared>> -> memref<50048x32xf32, #tpu.memory_space<vmem_shared>>
          tpu.enqueue_indirect_dma source(%arg14 : memref<128x32xf32, #tpu.memory_space<vmem>>) target(%dma_start3A_293 : memref<50048x32xf32, #tpu.memory_space<vmem_shared>>) offsets(%dma_start3A_290 : memref<128xi32, #tpu.memory_space<vmem>>) semaphore(%run_scoped3A_287 : memref<!tpu.dma_semaphore, #tpu.memory_space<semaphore_mem>>) {add = true}
          %dma_wait3A_294 = arith.constant 0 : i32
          %dma_wait3A_295 = tpu.memref_slice %arg11[%run_scoped3A_205, %dma_wait3A_294] : memref<3x128xi32, #tpu.memory_space<vmem>> -> memref<1x128xi32, #tpu.memory_space<vmem>>
          %dma_wait3A_296 = tpu.memref_squeeze %dma_wait3A_295 : memref<1x128xi32, #tpu.memory_space<vmem>> -> memref<128xi32, #tpu.memory_space<vmem>>
          %dma_wait3A_297 = arith.constant 0 : i32
          %dma_wait3A_298 = arith.constant 0 : i32
          %dma_wait3A_299 = tpu.memref_slice %arg8[%dma_wait3A_297, %dma_wait3A_298] : memref<50048x32xf32, #tpu.memory_space<vmem_shared>> -> memref<50048x32xf32, #tpu.memory_space<vmem_shared>>
          tpu.wait_indirect_dma semaphore(%run_scoped3A_287 : memref<!tpu.dma_semaphore, #tpu.memory_space<semaphore_mem>>) src(%arg14 : memref<128x32xf32, #tpu.memory_space<vmem>>) dst(%dma_wait3A_299 : memref<50048x32xf32, #tpu.memory_space<vmem_shared>>)
          tpu.yield
        }) : () -> ()
        %run_scoped3A_206 = arith.constant 2 : i32
        "tpu.region"() ({
          %run_scoped3A_287 = tpu.sem_alloc : memref<!tpu.dma_semaphore, #tpu.memory_space<semaphore_mem>>
          %dma_start3A_288 = arith.constant 0 : i32
          %dma_start3A_289 = tpu.memref_slice %arg11[%run_scoped3A_206, %dma_start3A_288] : memref<3x128xi32, #tpu.memory_space<vmem>> -> memref<1x128xi32, #tpu.memory_space<vmem>>
          %dma_start3A_290 = tpu.memref_squeeze %dma_start3A_289 : memref<1x128xi32, #tpu.memory_space<vmem>> -> memref<128xi32, #tpu.memory_space<vmem>>
          %dma_start3A_291 = arith.constant 0 : i32
          %dma_start3A_292 = arith.constant 0 : i32
          %dma_start3A_293 = tpu.memref_slice %arg8[%dma_start3A_291, %dma_start3A_292] : memref<50048x32xf32, #tpu.memory_space<vmem_shared>> -> memref<50048x32xf32, #tpu.memory_space<vmem_shared>>
          tpu.enqueue_indirect_dma source(%arg15 : memref<128x32xf32, #tpu.memory_space<vmem>>) target(%dma_start3A_293 : memref<50048x32xf32, #tpu.memory_space<vmem_shared>>) offsets(%dma_start3A_290 : memref<128xi32, #tpu.memory_space<vmem>>) semaphore(%run_scoped3A_287 : memref<!tpu.dma_semaphore, #tpu.memory_space<semaphore_mem>>) {add = true}
          %dma_wait3A_294 = arith.constant 0 : i32
          %dma_wait3A_295 = tpu.memref_slice %arg11[%run_scoped3A_206, %dma_wait3A_294] : memref<3x128xi32, #tpu.memory_space<vmem>> -> memref<1x128xi32, #tpu.memory_space<vmem>>
          %dma_wait3A_296 = tpu.memref_squeeze %dma_wait3A_295 : memref<1x128xi32, #tpu.memory_space<vmem>> -> memref<128xi32, #tpu.memory_space<vmem>>
          %dma_wait3A_297 = arith.constant 0 : i32
          %dma_wait3A_298 = arith.constant 0 : i32
          %dma_wait3A_299 = tpu.memref_slice %arg8[%dma_wait3A_297, %dma_wait3A_298] : memref<50048x32xf32, #tpu.memory_space<vmem_shared>> -> memref<50048x32xf32, #tpu.memory_space<vmem_shared>>
          tpu.wait_indirect_dma semaphore(%run_scoped3A_287 : memref<!tpu.dma_semaphore, #tpu.memory_space<semaphore_mem>>) src(%arg15 : memref<128x32xf32, #tpu.memory_space<vmem>>) dst(%dma_wait3A_299 : memref<50048x32xf32, #tpu.memory_space<vmem_shared>>)
          tpu.yield
        }) : () -> ()
        %add3A_207 = arith.constant 2 : i32
        %add3A_208 = arith.addi %mul3A_144, %add3A_207 : i32
        %mul3A_209 = arith.constant 3 : i32
        %mul3A_210 = arith.muli %add3A_208, %mul3A_209 : i32
        %add3A_211 = arith.addi %mul3A_2, %mul3A_210 : i32
        %dma_start3A_212 = arith.constant 0 : i32
        %dma_start3A_213 = tpu.memref_slice %arg3[%add3A_211, %dma_start3A_212] : memref<6336x128xi32, #tpu.memory_space<hbm>> -> memref<3x128xi32, #tpu.memory_space<hbm>>
        %dma_start3A_214 = arith.constant 0 : i32
        %dma_start3A_215 = tpu.memref_slice %arg3[%add3A_211, %dma_start3A_214] : memref<6336x128xi32, #tpu.memory_space<hbm>> -> memref<3x128xi32, #tpu.memory_space<hbm>>
        tpu.enqueue_dma source(%dma_start3A_215 : memref<3x128xi32, #tpu.memory_space<hbm>>) target(%arg11 : memref<3x128xi32, #tpu.memory_space<vmem>>) target_semaphore(%arg21 : memref<!tpu.dma_semaphore, #tpu.memory_space<semaphore_mem>>)
        %dma_wait3A_216 = arith.constant 0 : i32
        %dma_wait3A_217 = tpu.memref_slice %arg2[%mul3A_2, %dma_wait3A_216] : memref<6336x128xi32, #tpu.memory_space<hbm>> -> memref<3x128xi32, #tpu.memory_space<hbm>>
        %dma_wait3A_218 = arith.constant 0 : i32
        %dma_wait3A_219 = tpu.memref_slice %arg2[%mul3A_2, %dma_wait3A_218] : memref<6336x128xi32, #tpu.memory_space<hbm>> -> memref<3x128xi32, #tpu.memory_space<hbm>>
        tpu.wait_dma2 semaphore(%arg19 : memref<!tpu.dma_semaphore, #tpu.memory_space<semaphore_mem>>) src(%dma_wait3A_219 : memref<3x128xi32, #tpu.memory_space<hbm>>) dst(%arg9 : memref<3x128xi32, #tpu.memory_space<vmem>>)
        %dma_start3A_220 = arith.constant 0 : i32
        %dma_start3A_221 = arith.constant 0 : i32
        %dma_start3A_222 = tpu.memref_slice %arg9[%dma_start3A_220, %dma_start3A_221] : memref<3x128xi32, #tpu.memory_space<vmem>> -> memref<1x128xi32, #tpu.memory_space<vmem>>
        %dma_start3A_223 = tpu.memref_squeeze %dma_start3A_222 : memref<1x128xi32, #tpu.memory_space<vmem>> -> memref<128xi32, #tpu.memory_space<vmem>>
        %dma_start3A_224 = arith.constant 0 : i32
        %dma_start3A_225 = arith.constant 0 : i32
        %dma_start3A_226 = tpu.memref_slice %arg5[%dma_start3A_224, %dma_start3A_225] : memref<50048x32xf32, #tpu.memory_space<hbm>> -> memref<50048x32xf32, #tpu.memory_space<hbm>>
        tpu.enqueue_indirect_dma source(%dma_start3A_226 : memref<50048x32xf32, #tpu.memory_space<hbm>>) target(%arg13 : memref<128x32xf32, #tpu.memory_space<vmem>>) offsets(%dma_start3A_223 : memref<128xi32, #tpu.memory_space<vmem>>) semaphore(%arg23 : memref<!tpu.dma_semaphore, #tpu.memory_space<semaphore_mem>>)
        %dma_start3A_227 = arith.constant 1 : i32
        %dma_start3A_228 = arith.constant 0 : i32
        %dma_start3A_229 = tpu.memref_slice %arg9[%dma_start3A_227, %dma_start3A_228] : memref<3x128xi32, #tpu.memory_space<vmem>> -> memref<1x128xi32, #tpu.memory_space<vmem>>
        %dma_start3A_230 = tpu.memref_squeeze %dma_start3A_229 : memref<1x128xi32, #tpu.memory_space<vmem>> -> memref<128xi32, #tpu.memory_space<vmem>>
        %dma_start3A_231 = arith.constant 0 : i32
        %dma_start3A_232 = arith.constant 0 : i32
        %dma_start3A_233 = tpu.memref_slice %arg5[%dma_start3A_231, %dma_start3A_232] : memref<50048x32xf32, #tpu.memory_space<hbm>> -> memref<50048x32xf32, #tpu.memory_space<hbm>>
        tpu.enqueue_indirect_dma source(%dma_start3A_233 : memref<50048x32xf32, #tpu.memory_space<hbm>>) target(%arg14 : memref<128x32xf32, #tpu.memory_space<vmem>>) offsets(%dma_start3A_230 : memref<128xi32, #tpu.memory_space<vmem>>) semaphore(%arg24 : memref<!tpu.dma_semaphore, #tpu.memory_space<semaphore_mem>>)
        %dma_start3A_234 = arith.constant 2 : i32
        %dma_start3A_235 = arith.constant 0 : i32
        %dma_start3A_236 = tpu.memref_slice %arg9[%dma_start3A_234, %dma_start3A_235] : memref<3x128xi32, #tpu.memory_space<vmem>> -> memref<1x128xi32, #tpu.memory_space<vmem>>
        %dma_start3A_237 = tpu.memref_squeeze %dma_start3A_236 : memref<1x128xi32, #tpu.memory_space<vmem>> -> memref<128xi32, #tpu.memory_space<vmem>>
        %dma_start3A_238 = arith.constant 0 : i32
        %dma_start3A_239 = arith.constant 0 : i32
        %dma_start3A_240 = tpu.memref_slice %arg5[%dma_start3A_238, %dma_start3A_239] : memref<50048x32xf32, #tpu.memory_space<hbm>> -> memref<50048x32xf32, #tpu.memory_space<hbm>>
        tpu.enqueue_indirect_dma source(%dma_start3A_240 : memref<50048x32xf32, #tpu.memory_space<hbm>>) target(%arg15 : memref<128x32xf32, #tpu.memory_space<vmem>>) offsets(%dma_start3A_237 : memref<128xi32, #tpu.memory_space<vmem>>) semaphore(%arg25 : memref<!tpu.dma_semaphore, #tpu.memory_space<semaphore_mem>>)
        %dma_wait3A_241 = arith.constant 0 : i32
        %dma_wait3A_242 = arith.constant 0 : i32
        %dma_wait3A_243 = tpu.memref_slice %arg10[%dma_wait3A_241, %dma_wait3A_242] : memref<3x128xi32, #tpu.memory_space<vmem>> -> memref<1x128xi32, #tpu.memory_space<vmem>>
        %dma_wait3A_244 = tpu.memref_squeeze %dma_wait3A_243 : memref<1x128xi32, #tpu.memory_space<vmem>> -> memref<128xi32, #tpu.memory_space<vmem>>
        %dma_wait3A_245 = arith.constant 0 : i32
        %dma_wait3A_246 = arith.constant 0 : i32
        %dma_wait3A_247 = tpu.memref_slice %arg5[%dma_wait3A_245, %dma_wait3A_246] : memref<50048x32xf32, #tpu.memory_space<hbm>> -> memref<50048x32xf32, #tpu.memory_space<hbm>>
        tpu.wait_indirect_dma semaphore(%arg26 : memref<!tpu.dma_semaphore, #tpu.memory_space<semaphore_mem>>) src(%dma_wait3A_247 : memref<50048x32xf32, #tpu.memory_space<hbm>>) dst(%arg16 : memref<128x32xf32, #tpu.memory_space<vmem>>)
        %dma_wait3A_248 = arith.constant 1 : i32
        %dma_wait3A_249 = arith.constant 0 : i32
        %dma_wait3A_250 = tpu.memref_slice %arg10[%dma_wait3A_248, %dma_wait3A_249] : memref<3x128xi32, #tpu.memory_space<vmem>> -> memref<1x128xi32, #tpu.memory_space<vmem>>
        %dma_wait3A_251 = tpu.memref_squeeze %dma_wait3A_250 : memref<1x128xi32, #tpu.memory_space<vmem>> -> memref<128xi32, #tpu.memory_space<vmem>>
        %dma_wait3A_252 = arith.constant 0 : i32
        %dma_wait3A_253 = arith.constant 0 : i32
        %dma_wait3A_254 = tpu.memref_slice %arg5[%dma_wait3A_252, %dma_wait3A_253] : memref<50048x32xf32, #tpu.memory_space<hbm>> -> memref<50048x32xf32, #tpu.memory_space<hbm>>
        tpu.wait_indirect_dma semaphore(%arg27 : memref<!tpu.dma_semaphore, #tpu.memory_space<semaphore_mem>>) src(%dma_wait3A_254 : memref<50048x32xf32, #tpu.memory_space<hbm>>) dst(%arg17 : memref<128x32xf32, #tpu.memory_space<vmem>>)
        %dma_wait3A_255 = arith.constant 2 : i32
        %dma_wait3A_256 = arith.constant 0 : i32
        %dma_wait3A_257 = tpu.memref_slice %arg10[%dma_wait3A_255, %dma_wait3A_256] : memref<3x128xi32, #tpu.memory_space<vmem>> -> memref<1x128xi32, #tpu.memory_space<vmem>>
        %dma_wait3A_258 = tpu.memref_squeeze %dma_wait3A_257 : memref<1x128xi32, #tpu.memory_space<vmem>> -> memref<128xi32, #tpu.memory_space<vmem>>
        %dma_wait3A_259 = arith.constant 0 : i32
        %dma_wait3A_260 = arith.constant 0 : i32
        %dma_wait3A_261 = tpu.memref_slice %arg5[%dma_wait3A_259, %dma_wait3A_260] : memref<50048x32xf32, #tpu.memory_space<hbm>> -> memref<50048x32xf32, #tpu.memory_space<hbm>>
        tpu.wait_indirect_dma semaphore(%arg28 : memref<!tpu.dma_semaphore, #tpu.memory_space<semaphore_mem>>) src(%dma_wait3A_261 : memref<50048x32xf32, #tpu.memory_space<hbm>>) dst(%arg18 : memref<128x32xf32, #tpu.memory_space<vmem>>)
        %add3A_262 = arith.constant 3 : i32
        %add3A_263 = arith.addi %mul3A_144, %add3A_262 : i32
        %mul3A_264 = arith.constant 3 : i32
        %mul3A_265 = arith.muli %add3A_263, %mul3A_264 : i32
        %add3A_266 = arith.addi %mul3A_2, %mul3A_265 : i32
        %dma_start3A_267 = arith.constant 0 : i32
        %dma_start3A_268 = tpu.memref_slice %arg2[%add3A_266, %dma_start3A_267] : memref<6336x128xi32, #tpu.memory_space<hbm>> -> memref<3x128xi32, #tpu.memory_space<hbm>>
        %dma_start3A_269 = arith.constant 0 : i32
        %dma_start3A_270 = tpu.memref_slice %arg2[%add3A_266, %dma_start3A_269] : memref<6336x128xi32, #tpu.memory_space<hbm>> -> memref<3x128xi32, #tpu.memory_space<hbm>>
        tpu.enqueue_dma source(%dma_start3A_270 : memref<3x128xi32, #tpu.memory_space<hbm>>) target(%arg10 : memref<3x128xi32, #tpu.memory_space<vmem>>) target_semaphore(%arg20 : memref<!tpu.dma_semaphore, #tpu.memory_space<semaphore_mem>>)
        %dma_wait3A_271 = arith.constant 0 : i32
        %dma_wait3A_272 = tpu.memref_slice %arg3[%mul3A_2, %dma_wait3A_271] : memref<6336x128xi32, #tpu.memory_space<hbm>> -> memref<3x128xi32, #tpu.memory_space<hbm>>
        %dma_wait3A_273 = arith.constant 0 : i32
        %dma_wait3A_274 = tpu.memref_slice %arg3[%mul3A_2, %dma_wait3A_273] : memref<6336x128xi32, #tpu.memory_space<hbm>> -> memref<3x128xi32, #tpu.memory_space<hbm>>
        tpu.wait_dma2 semaphore(%arg22 : memref<!tpu.dma_semaphore, #tpu.memory_space<semaphore_mem>>) src(%dma_wait3A_274 : memref<3x128xi32, #tpu.memory_space<hbm>>) dst(%arg12 : memref<3x128xi32, #tpu.memory_space<vmem>>)
        %run_scoped3A_275 = arith.constant 0 : i32
        "tpu.region"() ({
          %run_scoped3A_287 = tpu.sem_alloc : memref<!tpu.dma_semaphore, #tpu.memory_space<semaphore_mem>>
          %dma_start3A_288 = arith.constant 0 : i32
          %dma_start3A_289 = tpu.memref_slice %arg12[%run_scoped3A_275, %dma_start3A_288] : memref<3x128xi32, #tpu.memory_space<vmem>> -> memref<1x128xi32, #tpu.memory_space<vmem>>
          %dma_start3A_290 = tpu.memref_squeeze %dma_start3A_289 : memref<1x128xi32, #tpu.memory_space<vmem>> -> memref<128xi32, #tpu.memory_space<vmem>>
          %dma_start3A_291 = arith.constant 0 : i32
          %dma_start3A_292 = arith.constant 0 : i32
          %dma_start3A_293 = tpu.memref_slice %arg8[%dma_start3A_291, %dma_start3A_292] : memref<50048x32xf32, #tpu.memory_space<vmem_shared>> -> memref<50048x32xf32, #tpu.memory_space<vmem_shared>>
          tpu.enqueue_indirect_dma source(%arg16 : memref<128x32xf32, #tpu.memory_space<vmem>>) target(%dma_start3A_293 : memref<50048x32xf32, #tpu.memory_space<vmem_shared>>) offsets(%dma_start3A_290 : memref<128xi32, #tpu.memory_space<vmem>>) semaphore(%run_scoped3A_287 : memref<!tpu.dma_semaphore, #tpu.memory_space<semaphore_mem>>) {add = true}
          %dma_wait3A_294 = arith.constant 0 : i32
          %dma_wait3A_295 = tpu.memref_slice %arg12[%run_scoped3A_275, %dma_wait3A_294] : memref<3x128xi32, #tpu.memory_space<vmem>> -> memref<1x128xi32, #tpu.memory_space<vmem>>
          %dma_wait3A_296 = tpu.memref_squeeze %dma_wait3A_295 : memref<1x128xi32, #tpu.memory_space<vmem>> -> memref<128xi32, #tpu.memory_space<vmem>>
          %dma_wait3A_297 = arith.constant 0 : i32
          %dma_wait3A_298 = arith.constant 0 : i32
          %dma_wait3A_299 = tpu.memref_slice %arg8[%dma_wait3A_297, %dma_wait3A_298] : memref<50048x32xf32, #tpu.memory_space<vmem_shared>> -> memref<50048x32xf32, #tpu.memory_space<vmem_shared>>
          tpu.wait_indirect_dma semaphore(%run_scoped3A_287 : memref<!tpu.dma_semaphore, #tpu.memory_space<semaphore_mem>>) src(%arg16 : memref<128x32xf32, #tpu.memory_space<vmem>>) dst(%dma_wait3A_299 : memref<50048x32xf32, #tpu.memory_space<vmem_shared>>)
          tpu.yield
        }) : () -> ()
        %run_scoped3A_276 = arith.constant 1 : i32
        "tpu.region"() ({
          %run_scoped3A_287 = tpu.sem_alloc : memref<!tpu.dma_semaphore, #tpu.memory_space<semaphore_mem>>
          %dma_start3A_288 = arith.constant 0 : i32
          %dma_start3A_289 = tpu.memref_slice %arg12[%run_scoped3A_276, %dma_start3A_288] : memref<3x128xi32, #tpu.memory_space<vmem>> -> memref<1x128xi32, #tpu.memory_space<vmem>>
          %dma_start3A_290 = tpu.memref_squeeze %dma_start3A_289 : memref<1x128xi32, #tpu.memory_space<vmem>> -> memref<128xi32, #tpu.memory_space<vmem>>
          %dma_start3A_291 = arith.constant 0 : i32
          %dma_start3A_292 = arith.constant 0 : i32
          %dma_start3A_293 = tpu.memref_slice %arg8[%dma_start3A_291, %dma_start3A_292] : memref<50048x32xf32, #tpu.memory_space<vmem_shared>> -> memref<50048x32xf32, #tpu.memory_space<vmem_shared>>
          tpu.enqueue_indirect_dma source(%arg17 : memref<128x32xf32, #tpu.memory_space<vmem>>) target(%dma_start3A_293 : memref<50048x32xf32, #tpu.memory_space<vmem_shared>>) offsets(%dma_start3A_290 : memref<128xi32, #tpu.memory_space<vmem>>) semaphore(%run_scoped3A_287 : memref<!tpu.dma_semaphore, #tpu.memory_space<semaphore_mem>>) {add = true}
          %dma_wait3A_294 = arith.constant 0 : i32
          %dma_wait3A_295 = tpu.memref_slice %arg12[%run_scoped3A_276, %dma_wait3A_294] : memref<3x128xi32, #tpu.memory_space<vmem>> -> memref<1x128xi32, #tpu.memory_space<vmem>>
          %dma_wait3A_296 = tpu.memref_squeeze %dma_wait3A_295 : memref<1x128xi32, #tpu.memory_space<vmem>> -> memref<128xi32, #tpu.memory_space<vmem>>
          %dma_wait3A_297 = arith.constant 0 : i32
          %dma_wait3A_298 = arith.constant 0 : i32
          %dma_wait3A_299 = tpu.memref_slice %arg8[%dma_wait3A_297, %dma_wait3A_298] : memref<50048x32xf32, #tpu.memory_space<vmem_shared>> -> memref<50048x32xf32, #tpu.memory_space<vmem_shared>>
          tpu.wait_indirect_dma semaphore(%run_scoped3A_287 : memref<!tpu.dma_semaphore, #tpu.memory_space<semaphore_mem>>) src(%arg17 : memref<128x32xf32, #tpu.memory_space<vmem>>) dst(%dma_wait3A_299 : memref<50048x32xf32, #tpu.memory_space<vmem_shared>>)
          tpu.yield
        }) : () -> ()
        %run_scoped3A_277 = arith.constant 2 : i32
        "tpu.region"() ({
          %run_scoped3A_287 = tpu.sem_alloc : memref<!tpu.dma_semaphore, #tpu.memory_space<semaphore_mem>>
          %dma_start3A_288 = arith.constant 0 : i32
          %dma_start3A_289 = tpu.memref_slice %arg12[%run_scoped3A_277, %dma_start3A_288] : memref<3x128xi32, #tpu.memory_space<vmem>> -> memref<1x128xi32, #tpu.memory_space<vmem>>
          %dma_start3A_290 = tpu.memref_squeeze %dma_start3A_289 : memref<1x128xi32, #tpu.memory_space<vmem>> -> memref<128xi32, #tpu.memory_space<vmem>>
          %dma_start3A_291 = arith.constant 0 : i32
          %dma_start3A_292 = arith.constant 0 : i32
          %dma_start3A_293 = tpu.memref_slice %arg8[%dma_start3A_291, %dma_start3A_292] : memref<50048x32xf32, #tpu.memory_space<vmem_shared>> -> memref<50048x32xf32, #tpu.memory_space<vmem_shared>>
          tpu.enqueue_indirect_dma source(%arg18 : memref<128x32xf32, #tpu.memory_space<vmem>>) target(%dma_start3A_293 : memref<50048x32xf32, #tpu.memory_space<vmem_shared>>) offsets(%dma_start3A_290 : memref<128xi32, #tpu.memory_space<vmem>>) semaphore(%run_scoped3A_287 : memref<!tpu.dma_semaphore, #tpu.memory_space<semaphore_mem>>) {add = true}
          %dma_wait3A_294 = arith.constant 0 : i32
          %dma_wait3A_295 = tpu.memref_slice %arg12[%run_scoped3A_277, %dma_wait3A_294] : memref<3x128xi32, #tpu.memory_space<vmem>> -> memref<1x128xi32, #tpu.memory_space<vmem>>
          %dma_wait3A_296 = tpu.memref_squeeze %dma_wait3A_295 : memref<1x128xi32, #tpu.memory_space<vmem>> -> memref<128xi32, #tpu.memory_space<vmem>>
          %dma_wait3A_297 = arith.constant 0 : i32
          %dma_wait3A_298 = arith.constant 0 : i32
          %dma_wait3A_299 = tpu.memref_slice %arg8[%dma_wait3A_297, %dma_wait3A_298] : memref<50048x32xf32, #tpu.memory_space<vmem_shared>> -> memref<50048x32xf32, #tpu.memory_space<vmem_shared>>
          tpu.wait_indirect_dma semaphore(%run_scoped3A_287 : memref<!tpu.dma_semaphore, #tpu.memory_space<semaphore_mem>>) src(%arg18 : memref<128x32xf32, #tpu.memory_space<vmem>>) dst(%dma_wait3A_299 : memref<50048x32xf32, #tpu.memory_space<vmem_shared>>)
          tpu.yield
        }) : () -> ()
        %add3A_278 = arith.constant 3 : i32
        %add3A_279 = arith.addi %mul3A_144, %add3A_278 : i32
        %mul3A_280 = arith.constant 3 : i32
        %mul3A_281 = arith.muli %add3A_279, %mul3A_280 : i32
        %add3A_282 = arith.addi %mul3A_2, %mul3A_281 : i32
        %dma_start3A_283 = arith.constant 0 : i32
        %dma_start3A_284 = tpu.memref_slice %arg3[%add3A_282, %dma_start3A_283] : memref<6336x128xi32, #tpu.memory_space<hbm>> -> memref<3x128xi32, #tpu.memory_space<hbm>>
        %dma_start3A_285 = arith.constant 0 : i32
        %dma_start3A_286 = tpu.memref_slice %arg3[%add3A_282, %dma_start3A_285] : memref<6336x128xi32, #tpu.memory_space<hbm>> -> memref<3x128xi32, #tpu.memory_space<hbm>>
        tpu.enqueue_dma source(%dma_start3A_286 : memref<3x128xi32, #tpu.memory_space<hbm>>) target(%arg12 : memref<3x128xi32, #tpu.memory_space<vmem>>) target_semaphore(%arg22 : memref<!tpu.dma_semaphore, #tpu.memory_space<semaphore_mem>>)
      }
      %scan3A_60 = arith.constant 65 : i32
      %dma_wait3A_61 = arith.constant 0 : i32
      %dma_wait3A_62 = tpu.memref_slice %arg2[%mul3A_2, %dma_wait3A_61] : memref<6336x128xi32, #tpu.memory_space<hbm>> -> memref<3x128xi32, #tpu.memory_space<hbm>>
      %dma_wait3A_63 = arith.constant 0 : i32
      %dma_wait3A_64 = tpu.memref_slice %arg2[%mul3A_2, %dma_wait3A_63] : memref<6336x128xi32, #tpu.memory_space<hbm>> -> memref<3x128xi32, #tpu.memory_space<hbm>>
      tpu.wait_dma2 semaphore(%arg20 : memref<!tpu.dma_semaphore, #tpu.memory_space<semaphore_mem>>) src(%dma_wait3A_64 : memref<3x128xi32, #tpu.memory_space<hbm>>) dst(%arg10 : memref<3x128xi32, #tpu.memory_space<vmem>>)
      %dma_start3A_65 = arith.constant 0 : i32
      %dma_start3A_66 = arith.constant 0 : i32
      %dma_start3A_67 = tpu.memref_slice %arg10[%dma_start3A_65, %dma_start3A_66] : memref<3x128xi32, #tpu.memory_space<vmem>> -> memref<1x128xi32, #tpu.memory_space<vmem>>
      %dma_start3A_68 = tpu.memref_squeeze %dma_start3A_67 : memref<1x128xi32, #tpu.memory_space<vmem>> -> memref<128xi32, #tpu.memory_space<vmem>>
      %dma_start3A_69 = arith.constant 0 : i32
      %dma_start3A_70 = arith.constant 0 : i32
      %dma_start3A_71 = tpu.memref_slice %arg5[%dma_start3A_69, %dma_start3A_70] : memref<50048x32xf32, #tpu.memory_space<hbm>> -> memref<50048x32xf32, #tpu.memory_space<hbm>>
      tpu.enqueue_indirect_dma source(%dma_start3A_71 : memref<50048x32xf32, #tpu.memory_space<hbm>>) target(%arg16 : memref<128x32xf32, #tpu.memory_space<vmem>>) offsets(%dma_start3A_68 : memref<128xi32, #tpu.memory_space<vmem>>) semaphore(%arg26 : memref<!tpu.dma_semaphore, #tpu.memory_space<semaphore_mem>>)
      %dma_start3A_72 = arith.constant 1 : i32
      %dma_start3A_73 = arith.constant 0 : i32
      %dma_start3A_74 = tpu.memref_slice %arg10[%dma_start3A_72, %dma_start3A_73] : memref<3x128xi32, #tpu.memory_space<vmem>> -> memref<1x128xi32, #tpu.memory_space<vmem>>
      %dma_start3A_75 = tpu.memref_squeeze %dma_start3A_74 : memref<1x128xi32, #tpu.memory_space<vmem>> -> memref<128xi32, #tpu.memory_space<vmem>>
      %dma_start3A_76 = arith.constant 0 : i32
      %dma_start3A_77 = arith.constant 0 : i32
      %dma_start3A_78 = tpu.memref_slice %arg5[%dma_start3A_76, %dma_start3A_77] : memref<50048x32xf32, #tpu.memory_space<hbm>> -> memref<50048x32xf32, #tpu.memory_space<hbm>>
      tpu.enqueue_indirect_dma source(%dma_start3A_78 : memref<50048x32xf32, #tpu.memory_space<hbm>>) target(%arg17 : memref<128x32xf32, #tpu.memory_space<vmem>>) offsets(%dma_start3A_75 : memref<128xi32, #tpu.memory_space<vmem>>) semaphore(%arg27 : memref<!tpu.dma_semaphore, #tpu.memory_space<semaphore_mem>>)
      %dma_start3A_79 = arith.constant 2 : i32
      %dma_start3A_80 = arith.constant 0 : i32
      %dma_start3A_81 = tpu.memref_slice %arg10[%dma_start3A_79, %dma_start3A_80] : memref<3x128xi32, #tpu.memory_space<vmem>> -> memref<1x128xi32, #tpu.memory_space<vmem>>
      %dma_start3A_82 = tpu.memref_squeeze %dma_start3A_81 : memref<1x128xi32, #tpu.memory_space<vmem>> -> memref<128xi32, #tpu.memory_space<vmem>>
      %dma_start3A_83 = arith.constant 0 : i32
      %dma_start3A_84 = arith.constant 0 : i32
      %dma_start3A_85 = tpu.memref_slice %arg5[%dma_start3A_83, %dma_start3A_84] : memref<50048x32xf32, #tpu.memory_space<hbm>> -> memref<50048x32xf32, #tpu.memory_space<hbm>>
      tpu.enqueue_indirect_dma source(%dma_start3A_85 : memref<50048x32xf32, #tpu.memory_space<hbm>>) target(%arg18 : memref<128x32xf32, #tpu.memory_space<vmem>>) offsets(%dma_start3A_82 : memref<128xi32, #tpu.memory_space<vmem>>) semaphore(%arg28 : memref<!tpu.dma_semaphore, #tpu.memory_space<semaphore_mem>>)
      %dma_wait3A_86 = arith.constant 0 : i32
      %dma_wait3A_87 = arith.constant 0 : i32
      %dma_wait3A_88 = tpu.memref_slice %arg9[%dma_wait3A_86, %dma_wait3A_87] : memref<3x128xi32, #tpu.memory_space<vmem>> -> memref<1x128xi32, #tpu.memory_space<vmem>>
      %dma_wait3A_89 = tpu.memref_squeeze %dma_wait3A_88 : memref<1x128xi32, #tpu.memory_space<vmem>> -> memref<128xi32, #tpu.memory_space<vmem>>
      %dma_wait3A_90 = arith.constant 0 : i32
      %dma_wait3A_91 = arith.constant 0 : i32
      %dma_wait3A_92 = tpu.memref_slice %arg5[%dma_wait3A_90, %dma_wait3A_91] : memref<50048x32xf32, #tpu.memory_space<hbm>> -> memref<50048x32xf32, #tpu.memory_space<hbm>>
      tpu.wait_indirect_dma semaphore(%arg23 : memref<!tpu.dma_semaphore, #tpu.memory_space<semaphore_mem>>) src(%dma_wait3A_92 : memref<50048x32xf32, #tpu.memory_space<hbm>>) dst(%arg13 : memref<128x32xf32, #tpu.memory_space<vmem>>)
      %dma_wait3A_93 = arith.constant 1 : i32
      %dma_wait3A_94 = arith.constant 0 : i32
      %dma_wait3A_95 = tpu.memref_slice %arg9[%dma_wait3A_93, %dma_wait3A_94] : memref<3x128xi32, #tpu.memory_space<vmem>> -> memref<1x128xi32, #tpu.memory_space<vmem>>
      %dma_wait3A_96 = tpu.memref_squeeze %dma_wait3A_95 : memref<1x128xi32, #tpu.memory_space<vmem>> -> memref<128xi32, #tpu.memory_space<vmem>>
      %dma_wait3A_97 = arith.constant 0 : i32
      %dma_wait3A_98 = arith.constant 0 : i32
      %dma_wait3A_99 = tpu.memref_slice %arg5[%dma_wait3A_97, %dma_wait3A_98] : memref<50048x32xf32, #tpu.memory_space<hbm>> -> memref<50048x32xf32, #tpu.memory_space<hbm>>
      tpu.wait_indirect_dma semaphore(%arg24 : memref<!tpu.dma_semaphore, #tpu.memory_space<semaphore_mem>>) src(%dma_wait3A_99 : memref<50048x32xf32, #tpu.memory_space<hbm>>) dst(%arg14 : memref<128x32xf32, #tpu.memory_space<vmem>>)
      %dma_wait3A_100 = arith.constant 2 : i32
      %dma_wait3A_101 = arith.constant 0 : i32
      %dma_wait3A_102 = tpu.memref_slice %arg9[%dma_wait3A_100, %dma_wait3A_101] : memref<3x128xi32, #tpu.memory_space<vmem>> -> memref<1x128xi32, #tpu.memory_space<vmem>>
      %dma_wait3A_103 = tpu.memref_squeeze %dma_wait3A_102 : memref<1x128xi32, #tpu.memory_space<vmem>> -> memref<128xi32, #tpu.memory_space<vmem>>
      %dma_wait3A_104 = arith.constant 0 : i32
      %dma_wait3A_105 = arith.constant 0 : i32
      %dma_wait3A_106 = tpu.memref_slice %arg5[%dma_wait3A_104, %dma_wait3A_105] : memref<50048x32xf32, #tpu.memory_space<hbm>> -> memref<50048x32xf32, #tpu.memory_space<hbm>>
      tpu.wait_indirect_dma semaphore(%arg25 : memref<!tpu.dma_semaphore, #tpu.memory_space<semaphore_mem>>) src(%dma_wait3A_106 : memref<50048x32xf32, #tpu.memory_space<hbm>>) dst(%arg15 : memref<128x32xf32, #tpu.memory_space<vmem>>)
      %dma_wait3A_107 = arith.constant 0 : i32
      %dma_wait3A_108 = tpu.memref_slice %arg3[%mul3A_2, %dma_wait3A_107] : memref<6336x128xi32, #tpu.memory_space<hbm>> -> memref<3x128xi32, #tpu.memory_space<hbm>>
      %dma_wait3A_109 = arith.constant 0 : i32
      %dma_wait3A_110 = tpu.memref_slice %arg3[%mul3A_2, %dma_wait3A_109] : memref<6336x128xi32, #tpu.memory_space<hbm>> -> memref<3x128xi32, #tpu.memory_space<hbm>>
      tpu.wait_dma2 semaphore(%arg21 : memref<!tpu.dma_semaphore, #tpu.memory_space<semaphore_mem>>) src(%dma_wait3A_110 : memref<3x128xi32, #tpu.memory_space<hbm>>) dst(%arg11 : memref<3x128xi32, #tpu.memory_space<vmem>>)
      %run_scoped3A = arith.constant 0 : i32
      "tpu.region"() ({
        %run_scoped3A_142 = tpu.sem_alloc : memref<!tpu.dma_semaphore, #tpu.memory_space<semaphore_mem>>
        %dma_start3A_143 = arith.constant 0 : i32
        %dma_start3A_144 = tpu.memref_slice %arg11[%run_scoped3A, %dma_start3A_143] : memref<3x128xi32, #tpu.memory_space<vmem>> -> memref<1x128xi32, #tpu.memory_space<vmem>>
        %dma_start3A_145 = tpu.memref_squeeze %dma_start3A_144 : memref<1x128xi32, #tpu.memory_space<vmem>> -> memref<128xi32, #tpu.memory_space<vmem>>
        %dma_start3A_146 = arith.constant 0 : i32
        %dma_start3A_147 = arith.constant 0 : i32
        %dma_start3A_148 = tpu.memref_slice %arg8[%dma_start3A_146, %dma_start3A_147] : memref<50048x32xf32, #tpu.memory_space<vmem_shared>> -> memref<50048x32xf32, #tpu.memory_space<vmem_shared>>
        tpu.enqueue_indirect_dma source(%arg13 : memref<128x32xf32, #tpu.memory_space<vmem>>) target(%dma_start3A_148 : memref<50048x32xf32, #tpu.memory_space<vmem_shared>>) offsets(%dma_start3A_145 : memref<128xi32, #tpu.memory_space<vmem>>) semaphore(%run_scoped3A_142 : memref<!tpu.dma_semaphore, #tpu.memory_space<semaphore_mem>>) {add = true}
        %dma_wait3A_149 = arith.constant 0 : i32
        %dma_wait3A_150 = tpu.memref_slice %arg11[%run_scoped3A, %dma_wait3A_149] : memref<3x128xi32, #tpu.memory_space<vmem>> -> memref<1x128xi32, #tpu.memory_space<vmem>>
        %dma_wait3A_151 = tpu.memref_squeeze %dma_wait3A_150 : memref<1x128xi32, #tpu.memory_space<vmem>> -> memref<128xi32, #tpu.memory_space<vmem>>
        %dma_wait3A_152 = arith.constant 0 : i32
        %dma_wait3A_153 = arith.constant 0 : i32
        %dma_wait3A_154 = tpu.memref_slice %arg8[%dma_wait3A_152, %dma_wait3A_153] : memref<50048x32xf32, #tpu.memory_space<vmem_shared>> -> memref<50048x32xf32, #tpu.memory_space<vmem_shared>>
        tpu.wait_indirect_dma semaphore(%run_scoped3A_142 : memref<!tpu.dma_semaphore, #tpu.memory_space<semaphore_mem>>) src(%arg13 : memref<128x32xf32, #tpu.memory_space<vmem>>) dst(%dma_wait3A_154 : memref<50048x32xf32, #tpu.memory_space<vmem_shared>>)
        tpu.yield
      }) : () -> ()
      %run_scoped3A_111 = arith.constant 1 : i32
      "tpu.region"() ({
        %run_scoped3A_142 = tpu.sem_alloc : memref<!tpu.dma_semaphore, #tpu.memory_space<semaphore_mem>>
        %dma_start3A_143 = arith.constant 0 : i32
        %dma_start3A_144 = tpu.memref_slice %arg11[%run_scoped3A_111, %dma_start3A_143] : memref<3x128xi32, #tpu.memory_space<vmem>> -> memref<1x128xi32, #tpu.memory_space<vmem>>
        %dma_start3A_145 = tpu.memref_squeeze %dma_start3A_144 : memref<1x128xi32, #tpu.memory_space<vmem>> -> memref<128xi32, #tpu.memory_space<vmem>>
        %dma_start3A_146 = arith.constant 0 : i32
        %dma_start3A_147 = arith.constant 0 : i32
        %dma_start3A_148 = tpu.memref_slice %arg8[%dma_start3A_146, %dma_start3A_147] : memref<50048x32xf32, #tpu.memory_space<vmem_shared>> -> memref<50048x32xf32, #tpu.memory_space<vmem_shared>>
        tpu.enqueue_indirect_dma source(%arg14 : memref<128x32xf32, #tpu.memory_space<vmem>>) target(%dma_start3A_148 : memref<50048x32xf32, #tpu.memory_space<vmem_shared>>) offsets(%dma_start3A_145 : memref<128xi32, #tpu.memory_space<vmem>>) semaphore(%run_scoped3A_142 : memref<!tpu.dma_semaphore, #tpu.memory_space<semaphore_mem>>) {add = true}
        %dma_wait3A_149 = arith.constant 0 : i32
        %dma_wait3A_150 = tpu.memref_slice %arg11[%run_scoped3A_111, %dma_wait3A_149] : memref<3x128xi32, #tpu.memory_space<vmem>> -> memref<1x128xi32, #tpu.memory_space<vmem>>
        %dma_wait3A_151 = tpu.memref_squeeze %dma_wait3A_150 : memref<1x128xi32, #tpu.memory_space<vmem>> -> memref<128xi32, #tpu.memory_space<vmem>>
        %dma_wait3A_152 = arith.constant 0 : i32
        %dma_wait3A_153 = arith.constant 0 : i32
        %dma_wait3A_154 = tpu.memref_slice %arg8[%dma_wait3A_152, %dma_wait3A_153] : memref<50048x32xf32, #tpu.memory_space<vmem_shared>> -> memref<50048x32xf32, #tpu.memory_space<vmem_shared>>
        tpu.wait_indirect_dma semaphore(%run_scoped3A_142 : memref<!tpu.dma_semaphore, #tpu.memory_space<semaphore_mem>>) src(%arg14 : memref<128x32xf32, #tpu.memory_space<vmem>>) dst(%dma_wait3A_154 : memref<50048x32xf32, #tpu.memory_space<vmem_shared>>)
        tpu.yield
      }) : () -> ()
      %run_scoped3A_112 = arith.constant 2 : i32
      "tpu.region"() ({
        %run_scoped3A_142 = tpu.sem_alloc : memref<!tpu.dma_semaphore, #tpu.memory_space<semaphore_mem>>
        %dma_start3A_143 = arith.constant 0 : i32
        %dma_start3A_144 = tpu.memref_slice %arg11[%run_scoped3A_112, %dma_start3A_143] : memref<3x128xi32, #tpu.memory_space<vmem>> -> memref<1x128xi32, #tpu.memory_space<vmem>>
        %dma_start3A_145 = tpu.memref_squeeze %dma_start3A_144 : memref<1x128xi32, #tpu.memory_space<vmem>> -> memref<128xi32, #tpu.memory_space<vmem>>
        %dma_start3A_146 = arith.constant 0 : i32
        %dma_start3A_147 = arith.constant 0 : i32
        %dma_start3A_148 = tpu.memref_slice %arg8[%dma_start3A_146, %dma_start3A_147] : memref<50048x32xf32, #tpu.memory_space<vmem_shared>> -> memref<50048x32xf32, #tpu.memory_space<vmem_shared>>
        tpu.enqueue_indirect_dma source(%arg15 : memref<128x32xf32, #tpu.memory_space<vmem>>) target(%dma_start3A_148 : memref<50048x32xf32, #tpu.memory_space<vmem_shared>>) offsets(%dma_start3A_145 : memref<128xi32, #tpu.memory_space<vmem>>) semaphore(%run_scoped3A_142 : memref<!tpu.dma_semaphore, #tpu.memory_space<semaphore_mem>>) {add = true}
        %dma_wait3A_149 = arith.constant 0 : i32
        %dma_wait3A_150 = tpu.memref_slice %arg11[%run_scoped3A_112, %dma_wait3A_149] : memref<3x128xi32, #tpu.memory_space<vmem>> -> memref<1x128xi32, #tpu.memory_space<vmem>>
        %dma_wait3A_151 = tpu.memref_squeeze %dma_wait3A_150 : memref<1x128xi32, #tpu.memory_space<vmem>> -> memref<128xi32, #tpu.memory_space<vmem>>
        %dma_wait3A_152 = arith.constant 0 : i32
        %dma_wait3A_153 = arith.constant 0 : i32
        %dma_wait3A_154 = tpu.memref_slice %arg8[%dma_wait3A_152, %dma_wait3A_153] : memref<50048x32xf32, #tpu.memory_space<vmem_shared>> -> memref<50048x32xf32, #tpu.memory_space<vmem_shared>>
        tpu.wait_indirect_dma semaphore(%run_scoped3A_142 : memref<!tpu.dma_semaphore, #tpu.memory_space<semaphore_mem>>) src(%arg15 : memref<128x32xf32, #tpu.memory_space<vmem>>) dst(%dma_wait3A_154 : memref<50048x32xf32, #tpu.memory_space<vmem_shared>>)
        tpu.yield
      }) : () -> ()
      %dma_wait3A_113 = arith.constant 0 : i32
      %dma_wait3A_114 = arith.constant 0 : i32
      %dma_wait3A_115 = tpu.memref_slice %arg10[%dma_wait3A_113, %dma_wait3A_114] : memref<3x128xi32, #tpu.memory_space<vmem>> -> memref<1x128xi32, #tpu.memory_space<vmem>>
      %dma_wait3A_116 = tpu.memref_squeeze %dma_wait3A_115 : memref<1x128xi32, #tpu.memory_space<vmem>> -> memref<128xi32, #tpu.memory_space<vmem>>
      %dma_wait3A_117 = arith.constant 0 : i32
      %dma_wait3A_118 = arith.constant 0 : i32
      %dma_wait3A_119 = tpu.memref_slice %arg5[%dma_wait3A_117, %dma_wait3A_118] : memref<50048x32xf32, #tpu.memory_space<hbm>> -> memref<50048x32xf32, #tpu.memory_space<hbm>>
      tpu.wait_indirect_dma semaphore(%arg26 : memref<!tpu.dma_semaphore, #tpu.memory_space<semaphore_mem>>) src(%dma_wait3A_119 : memref<50048x32xf32, #tpu.memory_space<hbm>>) dst(%arg16 : memref<128x32xf32, #tpu.memory_space<vmem>>)
      %dma_wait3A_120 = arith.constant 1 : i32
      %dma_wait3A_121 = arith.constant 0 : i32
      %dma_wait3A_122 = tpu.memref_slice %arg10[%dma_wait3A_120, %dma_wait3A_121] : memref<3x128xi32, #tpu.memory_space<vmem>> -> memref<1x128xi32, #tpu.memory_space<vmem>>
      %dma_wait3A_123 = tpu.memref_squeeze %dma_wait3A_122 : memref<1x128xi32, #tpu.memory_space<vmem>> -> memref<128xi32, #tpu.memory_space<vmem>>
      %dma_wait3A_124 = arith.constant 0 : i32
      %dma_wait3A_125 = arith.constant 0 : i32
      %dma_wait3A_126 = tpu.memref_slice %arg5[%dma_wait3A_124, %dma_wait3A_125] : memref<50048x32xf32, #tpu.memory_space<hbm>> -> memref<50048x32xf32, #tpu.memory_space<hbm>>
      tpu.wait_indirect_dma semaphore(%arg27 : memref<!tpu.dma_semaphore, #tpu.memory_space<semaphore_mem>>) src(%dma_wait3A_126 : memref<50048x32xf32, #tpu.memory_space<hbm>>) dst(%arg17 : memref<128x32xf32, #tpu.memory_space<vmem>>)
      %dma_wait3A_127 = arith.constant 2 : i32
      %dma_wait3A_128 = arith.constant 0 : i32
      %dma_wait3A_129 = tpu.memref_slice %arg10[%dma_wait3A_127, %dma_wait3A_128] : memref<3x128xi32, #tpu.memory_space<vmem>> -> memref<1x128xi32, #tpu.memory_space<vmem>>
      %dma_wait3A_130 = tpu.memref_squeeze %dma_wait3A_129 : memref<1x128xi32, #tpu.memory_space<vmem>> -> memref<128xi32, #tpu.memory_space<vmem>>
      %dma_wait3A_131 = arith.constant 0 : i32
      %dma_wait3A_132 = arith.constant 0 : i32
      %dma_wait3A_133 = tpu.memref_slice %arg5[%dma_wait3A_131, %dma_wait3A_132] : memref<50048x32xf32, #tpu.memory_space<hbm>> -> memref<50048x32xf32, #tpu.memory_space<hbm>>
      tpu.wait_indirect_dma semaphore(%arg28 : memref<!tpu.dma_semaphore, #tpu.memory_space<semaphore_mem>>) src(%dma_wait3A_133 : memref<50048x32xf32, #tpu.memory_space<hbm>>) dst(%arg18 : memref<128x32xf32, #tpu.memory_space<vmem>>)
      %dma_wait3A_134 = arith.constant 0 : i32
      %dma_wait3A_135 = tpu.memref_slice %arg3[%mul3A_2, %dma_wait3A_134] : memref<6336x128xi32, #tpu.memory_space<hbm>> -> memref<3x128xi32, #tpu.memory_space<hbm>>
      %dma_wait3A_136 = arith.constant 0 : i32
      %dma_wait3A_137 = tpu.memref_slice %arg3[%mul3A_2, %dma_wait3A_136] : memref<6336x128xi32, #tpu.memory_space<hbm>> -> memref<3x128xi32, #tpu.memory_space<hbm>>
      tpu.wait_dma2 semaphore(%arg22 : memref<!tpu.dma_semaphore, #tpu.memory_space<semaphore_mem>>) src(%dma_wait3A_137 : memref<3x128xi32, #tpu.memory_space<hbm>>) dst(%arg12 : memref<3x128xi32, #tpu.memory_space<vmem>>)
      %run_scoped3A_138 = arith.constant 0 : i32
      "tpu.region"() ({
        %run_scoped3A_142 = tpu.sem_alloc : memref<!tpu.dma_semaphore, #tpu.memory_space<semaphore_mem>>
        %dma_start3A_143 = arith.constant 0 : i32
        %dma_start3A_144 = tpu.memref_slice %arg12[%run_scoped3A_138, %dma_start3A_143] : memref<3x128xi32, #tpu.memory_space<vmem>> -> memref<1x128xi32, #tpu.memory_space<vmem>>
        %dma_start3A_145 = tpu.memref_squeeze %dma_start3A_144 : memref<1x128xi32, #tpu.memory_space<vmem>> -> memref<128xi32, #tpu.memory_space<vmem>>
        %dma_start3A_146 = arith.constant 0 : i32
        %dma_start3A_147 = arith.constant 0 : i32
        %dma_start3A_148 = tpu.memref_slice %arg8[%dma_start3A_146, %dma_start3A_147] : memref<50048x32xf32, #tpu.memory_space<vmem_shared>> -> memref<50048x32xf32, #tpu.memory_space<vmem_shared>>
        tpu.enqueue_indirect_dma source(%arg16 : memref<128x32xf32, #tpu.memory_space<vmem>>) target(%dma_start3A_148 : memref<50048x32xf32, #tpu.memory_space<vmem_shared>>) offsets(%dma_start3A_145 : memref<128xi32, #tpu.memory_space<vmem>>) semaphore(%run_scoped3A_142 : memref<!tpu.dma_semaphore, #tpu.memory_space<semaphore_mem>>) {add = true}
        %dma_wait3A_149 = arith.constant 0 : i32
        %dma_wait3A_150 = tpu.memref_slice %arg12[%run_scoped3A_138, %dma_wait3A_149] : memref<3x128xi32, #tpu.memory_space<vmem>> -> memref<1x128xi32, #tpu.memory_space<vmem>>
        %dma_wait3A_151 = tpu.memref_squeeze %dma_wait3A_150 : memref<1x128xi32, #tpu.memory_space<vmem>> -> memref<128xi32, #tpu.memory_space<vmem>>
        %dma_wait3A_152 = arith.constant 0 : i32
        %dma_wait3A_153 = arith.constant 0 : i32
        %dma_wait3A_154 = tpu.memref_slice %arg8[%dma_wait3A_152, %dma_wait3A_153] : memref<50048x32xf32, #tpu.memory_space<vmem_shared>> -> memref<50048x32xf32, #tpu.memory_space<vmem_shared>>
        tpu.wait_indirect_dma semaphore(%run_scoped3A_142 : memref<!tpu.dma_semaphore, #tpu.memory_space<semaphore_mem>>) src(%arg16 : memref<128x32xf32, #tpu.memory_space<vmem>>) dst(%dma_wait3A_154 : memref<50048x32xf32, #tpu.memory_space<vmem_shared>>)
        tpu.yield
      }) : () -> ()
      %run_scoped3A_139 = arith.constant 1 : i32
      "tpu.region"() ({
        %run_scoped3A_142 = tpu.sem_alloc : memref<!tpu.dma_semaphore, #tpu.memory_space<semaphore_mem>>
        %dma_start3A_143 = arith.constant 0 : i32
        %dma_start3A_144 = tpu.memref_slice %arg12[%run_scoped3A_139, %dma_start3A_143] : memref<3x128xi32, #tpu.memory_space<vmem>> -> memref<1x128xi32, #tpu.memory_space<vmem>>
        %dma_start3A_145 = tpu.memref_squeeze %dma_start3A_144 : memref<1x128xi32, #tpu.memory_space<vmem>> -> memref<128xi32, #tpu.memory_space<vmem>>
        %dma_start3A_146 = arith.constant 0 : i32
        %dma_start3A_147 = arith.constant 0 : i32
        %dma_start3A_148 = tpu.memref_slice %arg8[%dma_start3A_146, %dma_start3A_147] : memref<50048x32xf32, #tpu.memory_space<vmem_shared>> -> memref<50048x32xf32, #tpu.memory_space<vmem_shared>>
        tpu.enqueue_indirect_dma source(%arg17 : memref<128x32xf32, #tpu.memory_space<vmem>>) target(%dma_start3A_148 : memref<50048x32xf32, #tpu.memory_space<vmem_shared>>) offsets(%dma_start3A_145 : memref<128xi32, #tpu.memory_space<vmem>>) semaphore(%run_scoped3A_142 : memref<!tpu.dma_semaphore, #tpu.memory_space<semaphore_mem>>) {add = true}
        %dma_wait3A_149 = arith.constant 0 : i32
        %dma_wait3A_150 = tpu.memref_slice %arg12[%run_scoped3A_139, %dma_wait3A_149] : memref<3x128xi32, #tpu.memory_space<vmem>> -> memref<1x128xi32, #tpu.memory_space<vmem>>
        %dma_wait3A_151 = tpu.memref_squeeze %dma_wait3A_150 : memref<1x128xi32, #tpu.memory_space<vmem>> -> memref<128xi32, #tpu.memory_space<vmem>>
        %dma_wait3A_152 = arith.constant 0 : i32
        %dma_wait3A_153 = arith.constant 0 : i32
        %dma_wait3A_154 = tpu.memref_slice %arg8[%dma_wait3A_152, %dma_wait3A_153] : memref<50048x32xf32, #tpu.memory_space<vmem_shared>> -> memref<50048x32xf32, #tpu.memory_space<vmem_shared>>
        tpu.wait_indirect_dma semaphore(%run_scoped3A_142 : memref<!tpu.dma_semaphore, #tpu.memory_space<semaphore_mem>>) src(%arg17 : memref<128x32xf32, #tpu.memory_space<vmem>>) dst(%dma_wait3A_154 : memref<50048x32xf32, #tpu.memory_space<vmem_shared>>)
        tpu.yield
      }) : () -> ()
      %run_scoped3A_140 = arith.constant 2 : i32
      "tpu.region"() ({
        %run_scoped3A_142 = tpu.sem_alloc : memref<!tpu.dma_semaphore, #tpu.memory_space<semaphore_mem>>
        %dma_start3A_143 = arith.constant 0 : i32
        %dma_start3A_144 = tpu.memref_slice %arg12[%run_scoped3A_140, %dma_start3A_143] : memref<3x128xi32, #tpu.memory_space<vmem>> -> memref<1x128xi32, #tpu.memory_space<vmem>>
        %dma_start3A_145 = tpu.memref_squeeze %dma_start3A_144 : memref<1x128xi32, #tpu.memory_space<vmem>> -> memref<128xi32, #tpu.memory_space<vmem>>
        %dma_start3A_146 = arith.constant 0 : i32
        %dma_start3A_147 = arith.constant 0 : i32
        %dma_start3A_148 = tpu.memref_slice %arg8[%dma_start3A_146, %dma_start3A_147] : memref<50048x32xf32, #tpu.memory_space<vmem_shared>> -> memref<50048x32xf32, #tpu.memory_space<vmem_shared>>
        tpu.enqueue_indirect_dma source(%arg18 : memref<128x32xf32, #tpu.memory_space<vmem>>) target(%dma_start3A_148 : memref<50048x32xf32, #tpu.memory_space<vmem_shared>>) offsets(%dma_start3A_145 : memref<128xi32, #tpu.memory_space<vmem>>) semaphore(%run_scoped3A_142 : memref<!tpu.dma_semaphore, #tpu.memory_space<semaphore_mem>>) {add = true}
        %dma_wait3A_149 = arith.constant 0 : i32
        %dma_wait3A_150 = tpu.memref_slice %arg12[%run_scoped3A_140, %dma_wait3A_149] : memref<3x128xi32, #tpu.memory_space<vmem>> -> memref<1x128xi32, #tpu.memory_space<vmem>>
        %dma_wait3A_151 = tpu.memref_squeeze %dma_wait3A_150 : memref<1x128xi32, #tpu.memory_space<vmem>> -> memref<128xi32, #tpu.memory_space<vmem>>
        %dma_wait3A_152 = arith.constant 0 : i32
        %dma_wait3A_153 = arith.constant 0 : i32
        %dma_wait3A_154 = tpu.memref_slice %arg8[%dma_wait3A_152, %dma_wait3A_153] : memref<50048x32xf32, #tpu.memory_space<vmem_shared>> -> memref<50048x32xf32, #tpu.memory_space<vmem_shared>>
        tpu.wait_indirect_dma semaphore(%run_scoped3A_142 : memref<!tpu.dma_semaphore, #tpu.memory_space<semaphore_mem>>) src(%arg18 : memref<128x32xf32, #tpu.memory_space<vmem>>) dst(%dma_wait3A_154 : memref<50048x32xf32, #tpu.memory_space<vmem_shared>>)
        tpu.yield
      }) : () -> ()
      %barrier3A_141 = arith.constant 0 : index
      tpu.barrier barrier_id(%barrier3A_141)
      "tpu.region"() ({
        %run_scoped3A_142 = tpu.sem_alloc : memref<!tpu.dma_semaphore, #tpu.memory_space<semaphore_mem>>
        %dma_start3A_143 = arith.constant 0 : i32
        %dma_start3A_144 = tpu.memref_slice %arg7[%mul3A_0, %dma_start3A_143] : memref<50048x32xf32, #tpu.memory_space<hbm>> -> memref<3128x32xf32, #tpu.memory_space<hbm>>
        %dma_start3A_145 = arith.constant 0 : i32
        %dma_start3A_146 = tpu.memref_slice %arg8[%mul3A_0, %dma_start3A_145] : memref<50048x32xf32, #tpu.memory_space<vmem_shared>> -> memref<3128x32xf32, #tpu.memory_space<vmem_shared>>
        tpu.enqueue_dma source(%dma_start3A_146 : memref<3128x32xf32, #tpu.memory_space<vmem_shared>>) target(%dma_start3A_144 : memref<3128x32xf32, #tpu.memory_space<hbm>>) target_semaphore(%run_scoped3A_142 : memref<!tpu.dma_semaphore, #tpu.memory_space<semaphore_mem>>)
        %dma_wait3A_147 = arith.constant 0 : i32
        %dma_wait3A_148 = tpu.memref_slice %arg7[%mul3A_0, %dma_wait3A_147] : memref<50048x32xf32, #tpu.memory_space<hbm>> -> memref<3128x32xf32, #tpu.memory_space<hbm>>
        %dma_wait3A_149 = arith.constant 0 : i32
        %dma_wait3A_150 = tpu.memref_slice %arg8[%mul3A_0, %dma_wait3A_149] : memref<50048x32xf32, #tpu.memory_space<vmem_shared>> -> memref<3128x32xf32, #tpu.memory_space<vmem_shared>>
        tpu.wait_dma2 semaphore(%run_scoped3A_142 : memref<!tpu.dma_semaphore, #tpu.memory_space<semaphore_mem>>) src(%dma_wait3A_150 : memref<3128x32xf32, #tpu.memory_space<vmem_shared>>) dst(%dma_wait3A_148 : memref<3128x32xf32, #tpu.memory_space<hbm>>)
        tpu.yield
      }) : () -> ()
    } else {
    }
    return
  }
}

#map = affine_map<(d0, d1) -> (0, 0)>
module attributes {stable_mosaic.version = 14 : i64} {
  func.func @_sc_deg_kernel(%arg0: i32, %arg1: i32, %arg2: memref<6336x128xi32, #tpu.memory_space<hbm>>, %arg3: memref<50048x16xf32, #tpu.memory_space<hbm>>, %arg4: memref<128x16xf32, #tpu.memory_space<hbm>>, %arg5: memref<50048x16xf32, #tpu.memory_space<hbm>>, %arg6: memref<50048x16xf32, #tpu.memory_space<hbm>>, %arg7: memref<50048x16xf32, #tpu.memory_space<vmem_shared>>, %arg8: memref<128x16xf32, #tpu.memory_space<vmem>>, %arg9: memref<3x128xi32, #tpu.memory_space<vmem>>, %arg10: memref<3x128xi32, #tpu.memory_space<vmem>>, %arg11: memref<!tpu.dma_semaphore, #tpu.memory_space<semaphore_mem>>, %arg12: memref<!tpu.dma_semaphore, #tpu.memory_space<semaphore_mem>>) attributes {dimension_semantics = [#tpu.dimension_semantics<core_parallel>, #tpu.dimension_semantics<subcore_parallel>], iteration_bounds = array<i64: 2, 16>, scalar_prefetch = 0 : i64, scratch_operands = 6 : i64, tpu.core_type = #tpu.core_type<sc_vector_subcore>, window_params = [{transform_indices = #map}, {transform_indices = #map}, {transform_indices = #map}, {transform_indices = #map}, {transform_indices = #map}]} {
    %mul3A = arith.constant 3128 : i32
    %mul3A_0 = arith.muli %arg1, %mul3A : i32
    "tpu.region"() ({
      %run_scoped3A_41 = tpu.sem_alloc : memref<!tpu.dma_semaphore, #tpu.memory_space<semaphore_mem>>
      %dma_start3A_42 = arith.constant 0 : i32
      %dma_start3A_43 = tpu.memref_slice %arg7[%mul3A_0, %dma_start3A_42] : memref<50048x16xf32, #tpu.memory_space<vmem_shared>> -> memref<3128x16xf32, #tpu.memory_space<vmem_shared>>
      %dma_start3A_44 = arith.constant 0 : i32
      %dma_start3A_45 = tpu.memref_slice %arg3[%mul3A_0, %dma_start3A_44] : memref<50048x16xf32, #tpu.memory_space<hbm>> -> memref<3128x16xf32, #tpu.memory_space<hbm>>
      tpu.enqueue_dma source(%dma_start3A_45 : memref<3128x16xf32, #tpu.memory_space<hbm>>) target(%dma_start3A_43 : memref<3128x16xf32, #tpu.memory_space<vmem_shared>>) target_semaphore(%run_scoped3A_41 : memref<!tpu.dma_semaphore, #tpu.memory_space<semaphore_mem>>)
      %dma_wait3A_46 = arith.constant 0 : i32
      %dma_wait3A_47 = tpu.memref_slice %arg7[%mul3A_0, %dma_wait3A_46] : memref<50048x16xf32, #tpu.memory_space<vmem_shared>> -> memref<3128x16xf32, #tpu.memory_space<vmem_shared>>
      %dma_wait3A_48 = arith.constant 0 : i32
      %dma_wait3A_49 = tpu.memref_slice %arg3[%mul3A_0, %dma_wait3A_48] : memref<50048x16xf32, #tpu.memory_space<hbm>> -> memref<3128x16xf32, #tpu.memory_space<hbm>>
      tpu.wait_dma2 semaphore(%run_scoped3A_41 : memref<!tpu.dma_semaphore, #tpu.memory_space<semaphore_mem>>) src(%dma_wait3A_49 : memref<3128x16xf32, #tpu.memory_space<hbm>>) dst(%dma_wait3A_47 : memref<3128x16xf32, #tpu.memory_space<vmem_shared>>)
      tpu.yield
    }) : () -> ()
    "tpu.region"() ({
      %run_scoped3A_41 = tpu.sem_alloc : memref<!tpu.dma_semaphore, #tpu.memory_space<semaphore_mem>>
      tpu.enqueue_dma source(%arg4 : memref<128x16xf32, #tpu.memory_space<hbm>>) target(%arg8 : memref<128x16xf32, #tpu.memory_space<vmem>>) target_semaphore(%run_scoped3A_41 : memref<!tpu.dma_semaphore, #tpu.memory_space<semaphore_mem>>)
      tpu.wait_dma2 semaphore(%run_scoped3A_41 : memref<!tpu.dma_semaphore, #tpu.memory_space<semaphore_mem>>) src(%arg4 : memref<128x16xf32, #tpu.memory_space<hbm>>) dst(%arg8 : memref<128x16xf32, #tpu.memory_space<vmem>>)
      tpu.yield
    }) : () -> ()
    %barrier3A = arith.constant 0 : index
    tpu.barrier barrier_id(%barrier3A)
    %mul3A_1 = arith.constant 3168 : i32
    %mul3A_2 = arith.muli %arg0, %mul3A_1 : i32
    %mul3A_3 = arith.constant 198 : i32
    %mul3A_4 = arith.muli %arg1, %mul3A_3 : i32
    %add3A = arith.addi %mul3A_2, %mul3A_4 : i32
    %add3A_5 = arith.constant 0 : i32
    %add3A_6 = arith.addi %add3A, %add3A_5 : i32
    %dma_start3A = arith.constant 0 : i32
    %dma_start3A_7 = tpu.memref_slice %arg2[%add3A_6, %dma_start3A] : memref<6336x128xi32, #tpu.memory_space<hbm>> -> memref<3x128xi32, #tpu.memory_space<hbm>>
    %dma_start3A_8 = arith.constant 0 : i32
    %dma_start3A_9 = tpu.memref_slice %arg2[%add3A_6, %dma_start3A_8] : memref<6336x128xi32, #tpu.memory_space<hbm>> -> memref<3x128xi32, #tpu.memory_space<hbm>>
    tpu.enqueue_dma source(%dma_start3A_9 : memref<3x128xi32, #tpu.memory_space<hbm>>) target(%arg9 : memref<3x128xi32, #tpu.memory_space<vmem>>) target_semaphore(%arg11 : memref<!tpu.dma_semaphore, #tpu.memory_space<semaphore_mem>>)
    %scan3A = arith.constant 0 : i32
    %scan3A_10 = arith.constant 0 : i32
    %scan3A_11 = arith.constant 32 : i32
    %scan3A_12 = arith.addi %scan3A_10, %scan3A_11 : i32
    %scan3A_13 = arith.constant 1 : i32
    scf.for %scan3A_41 = %scan3A_10 to %scan3A_12 step %scan3A_13  : i32 {
      %mul3A_42 = arith.constant 2 : i32
      %mul3A_43 = arith.muli %mul3A_42, %scan3A_41 : i32
      %add3A_44 = arith.constant 1 : i32
      %add3A_45 = arith.addi %mul3A_43, %add3A_44 : i32
      %mul3A_46 = arith.constant 3 : i32
      %mul3A_47 = arith.muli %add3A_45, %mul3A_46 : i32
      %add3A_48 = arith.addi %add3A, %mul3A_47 : i32
      %dma_start3A_49 = arith.constant 0 : i32
      %dma_start3A_50 = tpu.memref_slice %arg2[%add3A_48, %dma_start3A_49] : memref<6336x128xi32, #tpu.memory_space<hbm>> -> memref<3x128xi32, #tpu.memory_space<hbm>>
      %dma_start3A_51 = arith.constant 0 : i32
      %dma_start3A_52 = tpu.memref_slice %arg2[%add3A_48, %dma_start3A_51] : memref<6336x128xi32, #tpu.memory_space<hbm>> -> memref<3x128xi32, #tpu.memory_space<hbm>>
      tpu.enqueue_dma source(%dma_start3A_52 : memref<3x128xi32, #tpu.memory_space<hbm>>) target(%arg10 : memref<3x128xi32, #tpu.memory_space<vmem>>) target_semaphore(%arg12 : memref<!tpu.dma_semaphore, #tpu.memory_space<semaphore_mem>>)
      %dma_wait3A_53 = arith.constant 0 : i32
      %dma_wait3A_54 = tpu.memref_slice %arg2[%add3A, %dma_wait3A_53] : memref<6336x128xi32, #tpu.memory_space<hbm>> -> memref<3x128xi32, #tpu.memory_space<hbm>>
      %dma_wait3A_55 = arith.constant 0 : i32
      %dma_wait3A_56 = tpu.memref_slice %arg2[%add3A, %dma_wait3A_55] : memref<6336x128xi32, #tpu.memory_space<hbm>> -> memref<3x128xi32, #tpu.memory_space<hbm>>
      tpu.wait_dma2 semaphore(%arg11 : memref<!tpu.dma_semaphore, #tpu.memory_space<semaphore_mem>>) src(%dma_wait3A_56 : memref<3x128xi32, #tpu.memory_space<hbm>>) dst(%arg9 : memref<3x128xi32, #tpu.memory_space<vmem>>)
      %run_scoped3A_57 = arith.constant 0 : i32
      "tpu.region"() ({
        %run_scoped3A_76 = tpu.sem_alloc : memref<!tpu.dma_semaphore, #tpu.memory_space<semaphore_mem>>
        %dma_start3A_77 = arith.constant 0 : i32
        %dma_start3A_78 = tpu.memref_slice %arg9[%run_scoped3A_57, %dma_start3A_77] : memref<3x128xi32, #tpu.memory_space<vmem>> -> memref<1x128xi32, #tpu.memory_space<vmem>>
        %dma_start3A_79 = tpu.memref_squeeze %dma_start3A_78 : memref<1x128xi32, #tpu.memory_space<vmem>> -> memref<128xi32, #tpu.memory_space<vmem>>
        %dma_start3A_80 = arith.constant 0 : i32
        %dma_start3A_81 = arith.constant 0 : i32
        %dma_start3A_82 = tpu.memref_slice %arg7[%dma_start3A_80, %dma_start3A_81] : memref<50048x16xf32, #tpu.memory_space<vmem_shared>> -> memref<50048x16xf32, #tpu.memory_space<vmem_shared>>
        tpu.enqueue_indirect_dma source(%arg8 : memref<128x16xf32, #tpu.memory_space<vmem>>) target(%dma_start3A_82 : memref<50048x16xf32, #tpu.memory_space<vmem_shared>>) offsets(%dma_start3A_79 : memref<128xi32, #tpu.memory_space<vmem>>) semaphore(%run_scoped3A_76 : memref<!tpu.dma_semaphore, #tpu.memory_space<semaphore_mem>>) {add = true}
        %dma_wait3A_83 = arith.constant 0 : i32
        %dma_wait3A_84 = tpu.memref_slice %arg9[%run_scoped3A_57, %dma_wait3A_83] : memref<3x128xi32, #tpu.memory_space<vmem>> -> memref<1x128xi32, #tpu.memory_space<vmem>>
        %dma_wait3A_85 = tpu.memref_squeeze %dma_wait3A_84 : memref<1x128xi32, #tpu.memory_space<vmem>> -> memref<128xi32, #tpu.memory_space<vmem>>
        %dma_wait3A_86 = arith.constant 0 : i32
        %dma_wait3A_87 = arith.constant 0 : i32
        %dma_wait3A_88 = tpu.memref_slice %arg7[%dma_wait3A_86, %dma_wait3A_87] : memref<50048x16xf32, #tpu.memory_space<vmem_shared>> -> memref<50048x16xf32, #tpu.memory_space<vmem_shared>>
        tpu.wait_indirect_dma semaphore(%run_scoped3A_76 : memref<!tpu.dma_semaphore, #tpu.memory_space<semaphore_mem>>) src(%arg8 : memref<128x16xf32, #tpu.memory_space<vmem>>) dst(%dma_wait3A_88 : memref<50048x16xf32, #tpu.memory_space<vmem_shared>>)
        tpu.yield
      }) : () -> ()
      %run_scoped3A_58 = arith.constant 1 : i32
      "tpu.region"() ({
        %run_scoped3A_76 = tpu.sem_alloc : memref<!tpu.dma_semaphore, #tpu.memory_space<semaphore_mem>>
        %dma_start3A_77 = arith.constant 0 : i32
        %dma_start3A_78 = tpu.memref_slice %arg9[%run_scoped3A_58, %dma_start3A_77] : memref<3x128xi32, #tpu.memory_space<vmem>> -> memref<1x128xi32, #tpu.memory_space<vmem>>
        %dma_start3A_79 = tpu.memref_squeeze %dma_start3A_78 : memref<1x128xi32, #tpu.memory_space<vmem>> -> memref<128xi32, #tpu.memory_space<vmem>>
        %dma_start3A_80 = arith.constant 0 : i32
        %dma_start3A_81 = arith.constant 0 : i32
        %dma_start3A_82 = tpu.memref_slice %arg7[%dma_start3A_80, %dma_start3A_81] : memref<50048x16xf32, #tpu.memory_space<vmem_shared>> -> memref<50048x16xf32, #tpu.memory_space<vmem_shared>>
        tpu.enqueue_indirect_dma source(%arg8 : memref<128x16xf32, #tpu.memory_space<vmem>>) target(%dma_start3A_82 : memref<50048x16xf32, #tpu.memory_space<vmem_shared>>) offsets(%dma_start3A_79 : memref<128xi32, #tpu.memory_space<vmem>>) semaphore(%run_scoped3A_76 : memref<!tpu.dma_semaphore, #tpu.memory_space<semaphore_mem>>) {add = true}
        %dma_wait3A_83 = arith.constant 0 : i32
        %dma_wait3A_84 = tpu.memref_slice %arg9[%run_scoped3A_58, %dma_wait3A_83] : memref<3x128xi32, #tpu.memory_space<vmem>> -> memref<1x128xi32, #tpu.memory_space<vmem>>
        %dma_wait3A_85 = tpu.memref_squeeze %dma_wait3A_84 : memref<1x128xi32, #tpu.memory_space<vmem>> -> memref<128xi32, #tpu.memory_space<vmem>>
        %dma_wait3A_86 = arith.constant 0 : i32
        %dma_wait3A_87 = arith.constant 0 : i32
        %dma_wait3A_88 = tpu.memref_slice %arg7[%dma_wait3A_86, %dma_wait3A_87] : memref<50048x16xf32, #tpu.memory_space<vmem_shared>> -> memref<50048x16xf32, #tpu.memory_space<vmem_shared>>
        tpu.wait_indirect_dma semaphore(%run_scoped3A_76 : memref<!tpu.dma_semaphore, #tpu.memory_space<semaphore_mem>>) src(%arg8 : memref<128x16xf32, #tpu.memory_space<vmem>>) dst(%dma_wait3A_88 : memref<50048x16xf32, #tpu.memory_space<vmem_shared>>)
        tpu.yield
      }) : () -> ()
      %run_scoped3A_59 = arith.constant 2 : i32
      "tpu.region"() ({
        %run_scoped3A_76 = tpu.sem_alloc : memref<!tpu.dma_semaphore, #tpu.memory_space<semaphore_mem>>
        %dma_start3A_77 = arith.constant 0 : i32
        %dma_start3A_78 = tpu.memref_slice %arg9[%run_scoped3A_59, %dma_start3A_77] : memref<3x128xi32, #tpu.memory_space<vmem>> -> memref<1x128xi32, #tpu.memory_space<vmem>>
        %dma_start3A_79 = tpu.memref_squeeze %dma_start3A_78 : memref<1x128xi32, #tpu.memory_space<vmem>> -> memref<128xi32, #tpu.memory_space<vmem>>
        %dma_start3A_80 = arith.constant 0 : i32
        %dma_start3A_81 = arith.constant 0 : i32
        %dma_start3A_82 = tpu.memref_slice %arg7[%dma_start3A_80, %dma_start3A_81] : memref<50048x16xf32, #tpu.memory_space<vmem_shared>> -> memref<50048x16xf32, #tpu.memory_space<vmem_shared>>
        tpu.enqueue_indirect_dma source(%arg8 : memref<128x16xf32, #tpu.memory_space<vmem>>) target(%dma_start3A_82 : memref<50048x16xf32, #tpu.memory_space<vmem_shared>>) offsets(%dma_start3A_79 : memref<128xi32, #tpu.memory_space<vmem>>) semaphore(%run_scoped3A_76 : memref<!tpu.dma_semaphore, #tpu.memory_space<semaphore_mem>>) {add = true}
        %dma_wait3A_83 = arith.constant 0 : i32
        %dma_wait3A_84 = tpu.memref_slice %arg9[%run_scoped3A_59, %dma_wait3A_83] : memref<3x128xi32, #tpu.memory_space<vmem>> -> memref<1x128xi32, #tpu.memory_space<vmem>>
        %dma_wait3A_85 = tpu.memref_squeeze %dma_wait3A_84 : memref<1x128xi32, #tpu.memory_space<vmem>> -> memref<128xi32, #tpu.memory_space<vmem>>
        %dma_wait3A_86 = arith.constant 0 : i32
        %dma_wait3A_87 = arith.constant 0 : i32
        %dma_wait3A_88 = tpu.memref_slice %arg7[%dma_wait3A_86, %dma_wait3A_87] : memref<50048x16xf32, #tpu.memory_space<vmem_shared>> -> memref<50048x16xf32, #tpu.memory_space<vmem_shared>>
        tpu.wait_indirect_dma semaphore(%run_scoped3A_76 : memref<!tpu.dma_semaphore, #tpu.memory_space<semaphore_mem>>) src(%arg8 : memref<128x16xf32, #tpu.memory_space<vmem>>) dst(%dma_wait3A_88 : memref<50048x16xf32, #tpu.memory_space<vmem_shared>>)
        tpu.yield
      }) : () -> ()
      %add3A_60 = arith.constant 2 : i32
      %add3A_61 = arith.addi %mul3A_43, %add3A_60 : i32
      %mul3A_62 = arith.constant 3 : i32
      %mul3A_63 = arith.muli %add3A_61, %mul3A_62 : i32
      %add3A_64 = arith.addi %add3A, %mul3A_63 : i32
      %dma_start3A_65 = arith.constant 0 : i32
      %dma_start3A_66 = tpu.memref_slice %arg2[%add3A_64, %dma_start3A_65] : memref<6336x128xi32, #tpu.memory_space<hbm>> -> memref<3x128xi32, #tpu.memory_space<hbm>>
      %dma_start3A_67 = arith.constant 0 : i32
      %dma_start3A_68 = tpu.memref_slice %arg2[%add3A_64, %dma_start3A_67] : memref<6336x128xi32, #tpu.memory_space<hbm>> -> memref<3x128xi32, #tpu.memory_space<hbm>>
      tpu.enqueue_dma source(%dma_start3A_68 : memref<3x128xi32, #tpu.memory_space<hbm>>) target(%arg9 : memref<3x128xi32, #tpu.memory_space<vmem>>) target_semaphore(%arg11 : memref<!tpu.dma_semaphore, #tpu.memory_space<semaphore_mem>>)
      %dma_wait3A_69 = arith.constant 0 : i32
      %dma_wait3A_70 = tpu.memref_slice %arg2[%add3A, %dma_wait3A_69] : memref<6336x128xi32, #tpu.memory_space<hbm>> -> memref<3x128xi32, #tpu.memory_space<hbm>>
      %dma_wait3A_71 = arith.constant 0 : i32
      %dma_wait3A_72 = tpu.memref_slice %arg2[%add3A, %dma_wait3A_71] : memref<6336x128xi32, #tpu.memory_space<hbm>> -> memref<3x128xi32, #tpu.memory_space<hbm>>
      tpu.wait_dma2 semaphore(%arg12 : memref<!tpu.dma_semaphore, #tpu.memory_space<semaphore_mem>>) src(%dma_wait3A_72 : memref<3x128xi32, #tpu.memory_space<hbm>>) dst(%arg10 : memref<3x128xi32, #tpu.memory_space<vmem>>)
      %run_scoped3A_73 = arith.constant 0 : i32
      "tpu.region"() ({
        %run_scoped3A_76 = tpu.sem_alloc : memref<!tpu.dma_semaphore, #tpu.memory_space<semaphore_mem>>
        %dma_start3A_77 = arith.constant 0 : i32
        %dma_start3A_78 = tpu.memref_slice %arg10[%run_scoped3A_73, %dma_start3A_77] : memref<3x128xi32, #tpu.memory_space<vmem>> -> memref<1x128xi32, #tpu.memory_space<vmem>>
        %dma_start3A_79 = tpu.memref_squeeze %dma_start3A_78 : memref<1x128xi32, #tpu.memory_space<vmem>> -> memref<128xi32, #tpu.memory_space<vmem>>
        %dma_start3A_80 = arith.constant 0 : i32
        %dma_start3A_81 = arith.constant 0 : i32
        %dma_start3A_82 = tpu.memref_slice %arg7[%dma_start3A_80, %dma_start3A_81] : memref<50048x16xf32, #tpu.memory_space<vmem_shared>> -> memref<50048x16xf32, #tpu.memory_space<vmem_shared>>
        tpu.enqueue_indirect_dma source(%arg8 : memref<128x16xf32, #tpu.memory_space<vmem>>) target(%dma_start3A_82 : memref<50048x16xf32, #tpu.memory_space<vmem_shared>>) offsets(%dma_start3A_79 : memref<128xi32, #tpu.memory_space<vmem>>) semaphore(%run_scoped3A_76 : memref<!tpu.dma_semaphore, #tpu.memory_space<semaphore_mem>>) {add = true}
        %dma_wait3A_83 = arith.constant 0 : i32
        %dma_wait3A_84 = tpu.memref_slice %arg10[%run_scoped3A_73, %dma_wait3A_83] : memref<3x128xi32, #tpu.memory_space<vmem>> -> memref<1x128xi32, #tpu.memory_space<vmem>>
        %dma_wait3A_85 = tpu.memref_squeeze %dma_wait3A_84 : memref<1x128xi32, #tpu.memory_space<vmem>> -> memref<128xi32, #tpu.memory_space<vmem>>
        %dma_wait3A_86 = arith.constant 0 : i32
        %dma_wait3A_87 = arith.constant 0 : i32
        %dma_wait3A_88 = tpu.memref_slice %arg7[%dma_wait3A_86, %dma_wait3A_87] : memref<50048x16xf32, #tpu.memory_space<vmem_shared>> -> memref<50048x16xf32, #tpu.memory_space<vmem_shared>>
        tpu.wait_indirect_dma semaphore(%run_scoped3A_76 : memref<!tpu.dma_semaphore, #tpu.memory_space<semaphore_mem>>) src(%arg8 : memref<128x16xf32, #tpu.memory_space<vmem>>) dst(%dma_wait3A_88 : memref<50048x16xf32, #tpu.memory_space<vmem_shared>>)
        tpu.yield
      }) : () -> ()
      %run_scoped3A_74 = arith.constant 1 : i32
      "tpu.region"() ({
        %run_scoped3A_76 = tpu.sem_alloc : memref<!tpu.dma_semaphore, #tpu.memory_space<semaphore_mem>>
        %dma_start3A_77 = arith.constant 0 : i32
        %dma_start3A_78 = tpu.memref_slice %arg10[%run_scoped3A_74, %dma_start3A_77] : memref<3x128xi32, #tpu.memory_space<vmem>> -> memref<1x128xi32, #tpu.memory_space<vmem>>
        %dma_start3A_79 = tpu.memref_squeeze %dma_start3A_78 : memref<1x128xi32, #tpu.memory_space<vmem>> -> memref<128xi32, #tpu.memory_space<vmem>>
        %dma_start3A_80 = arith.constant 0 : i32
        %dma_start3A_81 = arith.constant 0 : i32
        %dma_start3A_82 = tpu.memref_slice %arg7[%dma_start3A_80, %dma_start3A_81] : memref<50048x16xf32, #tpu.memory_space<vmem_shared>> -> memref<50048x16xf32, #tpu.memory_space<vmem_shared>>
        tpu.enqueue_indirect_dma source(%arg8 : memref<128x16xf32, #tpu.memory_space<vmem>>) target(%dma_start3A_82 : memref<50048x16xf32, #tpu.memory_space<vmem_shared>>) offsets(%dma_start3A_79 : memref<128xi32, #tpu.memory_space<vmem>>) semaphore(%run_scoped3A_76 : memref<!tpu.dma_semaphore, #tpu.memory_space<semaphore_mem>>) {add = true}
        %dma_wait3A_83 = arith.constant 0 : i32
        %dma_wait3A_84 = tpu.memref_slice %arg10[%run_scoped3A_74, %dma_wait3A_83] : memref<3x128xi32, #tpu.memory_space<vmem>> -> memref<1x128xi32, #tpu.memory_space<vmem>>
        %dma_wait3A_85 = tpu.memref_squeeze %dma_wait3A_84 : memref<1x128xi32, #tpu.memory_space<vmem>> -> memref<128xi32, #tpu.memory_space<vmem>>
        %dma_wait3A_86 = arith.constant 0 : i32
        %dma_wait3A_87 = arith.constant 0 : i32
        %dma_wait3A_88 = tpu.memref_slice %arg7[%dma_wait3A_86, %dma_wait3A_87] : memref<50048x16xf32, #tpu.memory_space<vmem_shared>> -> memref<50048x16xf32, #tpu.memory_space<vmem_shared>>
        tpu.wait_indirect_dma semaphore(%run_scoped3A_76 : memref<!tpu.dma_semaphore, #tpu.memory_space<semaphore_mem>>) src(%arg8 : memref<128x16xf32, #tpu.memory_space<vmem>>) dst(%dma_wait3A_88 : memref<50048x16xf32, #tpu.memory_space<vmem_shared>>)
        tpu.yield
      }) : () -> ()
      %run_scoped3A_75 = arith.constant 2 : i32
      "tpu.region"() ({
        %run_scoped3A_76 = tpu.sem_alloc : memref<!tpu.dma_semaphore, #tpu.memory_space<semaphore_mem>>
        %dma_start3A_77 = arith.constant 0 : i32
        %dma_start3A_78 = tpu.memref_slice %arg10[%run_scoped3A_75, %dma_start3A_77] : memref<3x128xi32, #tpu.memory_space<vmem>> -> memref<1x128xi32, #tpu.memory_space<vmem>>
        %dma_start3A_79 = tpu.memref_squeeze %dma_start3A_78 : memref<1x128xi32, #tpu.memory_space<vmem>> -> memref<128xi32, #tpu.memory_space<vmem>>
        %dma_start3A_80 = arith.constant 0 : i32
        %dma_start3A_81 = arith.constant 0 : i32
        %dma_start3A_82 = tpu.memref_slice %arg7[%dma_start3A_80, %dma_start3A_81] : memref<50048x16xf32, #tpu.memory_space<vmem_shared>> -> memref<50048x16xf32, #tpu.memory_space<vmem_shared>>
        tpu.enqueue_indirect_dma source(%arg8 : memref<128x16xf32, #tpu.memory_space<vmem>>) target(%dma_start3A_82 : memref<50048x16xf32, #tpu.memory_space<vmem_shared>>) offsets(%dma_start3A_79 : memref<128xi32, #tpu.memory_space<vmem>>) semaphore(%run_scoped3A_76 : memref<!tpu.dma_semaphore, #tpu.memory_space<semaphore_mem>>) {add = true}
        %dma_wait3A_83 = arith.constant 0 : i32
        %dma_wait3A_84 = tpu.memref_slice %arg10[%run_scoped3A_75, %dma_wait3A_83] : memref<3x128xi32, #tpu.memory_space<vmem>> -> memref<1x128xi32, #tpu.memory_space<vmem>>
        %dma_wait3A_85 = tpu.memref_squeeze %dma_wait3A_84 : memref<1x128xi32, #tpu.memory_space<vmem>> -> memref<128xi32, #tpu.memory_space<vmem>>
        %dma_wait3A_86 = arith.constant 0 : i32
        %dma_wait3A_87 = arith.constant 0 : i32
        %dma_wait3A_88 = tpu.memref_slice %arg7[%dma_wait3A_86, %dma_wait3A_87] : memref<50048x16xf32, #tpu.memory_space<vmem_shared>> -> memref<50048x16xf32, #tpu.memory_space<vmem_shared>>
        tpu.wait_indirect_dma semaphore(%run_scoped3A_76 : memref<!tpu.dma_semaphore, #tpu.memory_space<semaphore_mem>>) src(%arg8 : memref<128x16xf32, #tpu.memory_space<vmem>>) dst(%dma_wait3A_88 : memref<50048x16xf32, #tpu.memory_space<vmem_shared>>)
        tpu.yield
      }) : () -> ()
    }
    %scan3A_14 = arith.constant 32 : i32
    %add3A_15 = arith.constant 195 : i32
    %add3A_16 = arith.addi %add3A, %add3A_15 : i32
    %dma_start3A_17 = arith.constant 0 : i32
    %dma_start3A_18 = tpu.memref_slice %arg2[%add3A_16, %dma_start3A_17] : memref<6336x128xi32, #tpu.memory_space<hbm>> -> memref<3x128xi32, #tpu.memory_space<hbm>>
    %dma_start3A_19 = arith.constant 0 : i32
    %dma_start3A_20 = tpu.memref_slice %arg2[%add3A_16, %dma_start3A_19] : memref<6336x128xi32, #tpu.memory_space<hbm>> -> memref<3x128xi32, #tpu.memory_space<hbm>>
    tpu.enqueue_dma source(%dma_start3A_20 : memref<3x128xi32, #tpu.memory_space<hbm>>) target(%arg10 : memref<3x128xi32, #tpu.memory_space<vmem>>) target_semaphore(%arg12 : memref<!tpu.dma_semaphore, #tpu.memory_space<semaphore_mem>>)
    %dma_wait3A = arith.constant 0 : i32
    %dma_wait3A_21 = tpu.memref_slice %arg2[%add3A, %dma_wait3A] : memref<6336x128xi32, #tpu.memory_space<hbm>> -> memref<3x128xi32, #tpu.memory_space<hbm>>
    %dma_wait3A_22 = arith.constant 0 : i32
    %dma_wait3A_23 = tpu.memref_slice %arg2[%add3A, %dma_wait3A_22] : memref<6336x128xi32, #tpu.memory_space<hbm>> -> memref<3x128xi32, #tpu.memory_space<hbm>>
    tpu.wait_dma2 semaphore(%arg11 : memref<!tpu.dma_semaphore, #tpu.memory_space<semaphore_mem>>) src(%dma_wait3A_23 : memref<3x128xi32, #tpu.memory_space<hbm>>) dst(%arg9 : memref<3x128xi32, #tpu.memory_space<vmem>>)
    %run_scoped3A = arith.constant 0 : i32
    "tpu.region"() ({
      %run_scoped3A_41 = tpu.sem_alloc : memref<!tpu.dma_semaphore, #tpu.memory_space<semaphore_mem>>
      %dma_start3A_42 = arith.constant 0 : i32
      %dma_start3A_43 = tpu.memref_slice %arg9[%run_scoped3A, %dma_start3A_42] : memref<3x128xi32, #tpu.memory_space<vmem>> -> memref<1x128xi32, #tpu.memory_space<vmem>>
      %dma_start3A_44 = tpu.memref_squeeze %dma_start3A_43 : memref<1x128xi32, #tpu.memory_space<vmem>> -> memref<128xi32, #tpu.memory_space<vmem>>
      %dma_start3A_45 = arith.constant 0 : i32
      %dma_start3A_46 = arith.constant 0 : i32
      %dma_start3A_47 = tpu.memref_slice %arg7[%dma_start3A_45, %dma_start3A_46] : memref<50048x16xf32, #tpu.memory_space<vmem_shared>> -> memref<50048x16xf32, #tpu.memory_space<vmem_shared>>
      tpu.enqueue_indirect_dma source(%arg8 : memref<128x16xf32, #tpu.memory_space<vmem>>) target(%dma_start3A_47 : memref<50048x16xf32, #tpu.memory_space<vmem_shared>>) offsets(%dma_start3A_44 : memref<128xi32, #tpu.memory_space<vmem>>) semaphore(%run_scoped3A_41 : memref<!tpu.dma_semaphore, #tpu.memory_space<semaphore_mem>>) {add = true}
      %dma_wait3A_48 = arith.constant 0 : i32
      %dma_wait3A_49 = tpu.memref_slice %arg9[%run_scoped3A, %dma_wait3A_48] : memref<3x128xi32, #tpu.memory_space<vmem>> -> memref<1x128xi32, #tpu.memory_space<vmem>>
      %dma_wait3A_50 = tpu.memref_squeeze %dma_wait3A_49 : memref<1x128xi32, #tpu.memory_space<vmem>> -> memref<128xi32, #tpu.memory_space<vmem>>
      %dma_wait3A_51 = arith.constant 0 : i32
      %dma_wait3A_52 = arith.constant 0 : i32
      %dma_wait3A_53 = tpu.memref_slice %arg7[%dma_wait3A_51, %dma_wait3A_52] : memref<50048x16xf32, #tpu.memory_space<vmem_shared>> -> memref<50048x16xf32, #tpu.memory_space<vmem_shared>>
      tpu.wait_indirect_dma semaphore(%run_scoped3A_41 : memref<!tpu.dma_semaphore, #tpu.memory_space<semaphore_mem>>) src(%arg8 : memref<128x16xf32, #tpu.memory_space<vmem>>) dst(%dma_wait3A_53 : memref<50048x16xf32, #tpu.memory_space<vmem_shared>>)
      tpu.yield
    }) : () -> ()
    %run_scoped3A_24 = arith.constant 1 : i32
    "tpu.region"() ({
      %run_scoped3A_41 = tpu.sem_alloc : memref<!tpu.dma_semaphore, #tpu.memory_space<semaphore_mem>>
      %dma_start3A_42 = arith.constant 0 : i32
      %dma_start3A_43 = tpu.memref_slice %arg9[%run_scoped3A_24, %dma_start3A_42] : memref<3x128xi32, #tpu.memory_space<vmem>> -> memref<1x128xi32, #tpu.memory_space<vmem>>
      %dma_start3A_44 = tpu.memref_squeeze %dma_start3A_43 : memref<1x128xi32, #tpu.memory_space<vmem>> -> memref<128xi32, #tpu.memory_space<vmem>>
      %dma_start3A_45 = arith.constant 0 : i32
      %dma_start3A_46 = arith.constant 0 : i32
      %dma_start3A_47 = tpu.memref_slice %arg7[%dma_start3A_45, %dma_start3A_46] : memref<50048x16xf32, #tpu.memory_space<vmem_shared>> -> memref<50048x16xf32, #tpu.memory_space<vmem_shared>>
      tpu.enqueue_indirect_dma source(%arg8 : memref<128x16xf32, #tpu.memory_space<vmem>>) target(%dma_start3A_47 : memref<50048x16xf32, #tpu.memory_space<vmem_shared>>) offsets(%dma_start3A_44 : memref<128xi32, #tpu.memory_space<vmem>>) semaphore(%run_scoped3A_41 : memref<!tpu.dma_semaphore, #tpu.memory_space<semaphore_mem>>) {add = true}
      %dma_wait3A_48 = arith.constant 0 : i32
      %dma_wait3A_49 = tpu.memref_slice %arg9[%run_scoped3A_24, %dma_wait3A_48] : memref<3x128xi32, #tpu.memory_space<vmem>> -> memref<1x128xi32, #tpu.memory_space<vmem>>
      %dma_wait3A_50 = tpu.memref_squeeze %dma_wait3A_49 : memref<1x128xi32, #tpu.memory_space<vmem>> -> memref<128xi32, #tpu.memory_space<vmem>>
      %dma_wait3A_51 = arith.constant 0 : i32
      %dma_wait3A_52 = arith.constant 0 : i32
      %dma_wait3A_53 = tpu.memref_slice %arg7[%dma_wait3A_51, %dma_wait3A_52] : memref<50048x16xf32, #tpu.memory_space<vmem_shared>> -> memref<50048x16xf32, #tpu.memory_space<vmem_shared>>
      tpu.wait_indirect_dma semaphore(%run_scoped3A_41 : memref<!tpu.dma_semaphore, #tpu.memory_space<semaphore_mem>>) src(%arg8 : memref<128x16xf32, #tpu.memory_space<vmem>>) dst(%dma_wait3A_53 : memref<50048x16xf32, #tpu.memory_space<vmem_shared>>)
      tpu.yield
    }) : () -> ()
    %run_scoped3A_25 = arith.constant 2 : i32
    "tpu.region"() ({
      %run_scoped3A_41 = tpu.sem_alloc : memref<!tpu.dma_semaphore, #tpu.memory_space<semaphore_mem>>
      %dma_start3A_42 = arith.constant 0 : i32
      %dma_start3A_43 = tpu.memref_slice %arg9[%run_scoped3A_25, %dma_start3A_42] : memref<3x128xi32, #tpu.memory_space<vmem>> -> memref<1x128xi32, #tpu.memory_space<vmem>>
      %dma_start3A_44 = tpu.memref_squeeze %dma_start3A_43 : memref<1x128xi32, #tpu.memory_space<vmem>> -> memref<128xi32, #tpu.memory_space<vmem>>
      %dma_start3A_45 = arith.constant 0 : i32
      %dma_start3A_46 = arith.constant 0 : i32
      %dma_start3A_47 = tpu.memref_slice %arg7[%dma_start3A_45, %dma_start3A_46] : memref<50048x16xf32, #tpu.memory_space<vmem_shared>> -> memref<50048x16xf32, #tpu.memory_space<vmem_shared>>
      tpu.enqueue_indirect_dma source(%arg8 : memref<128x16xf32, #tpu.memory_space<vmem>>) target(%dma_start3A_47 : memref<50048x16xf32, #tpu.memory_space<vmem_shared>>) offsets(%dma_start3A_44 : memref<128xi32, #tpu.memory_space<vmem>>) semaphore(%run_scoped3A_41 : memref<!tpu.dma_semaphore, #tpu.memory_space<semaphore_mem>>) {add = true}
      %dma_wait3A_48 = arith.constant 0 : i32
      %dma_wait3A_49 = tpu.memref_slice %arg9[%run_scoped3A_25, %dma_wait3A_48] : memref<3x128xi32, #tpu.memory_space<vmem>> -> memref<1x128xi32, #tpu.memory_space<vmem>>
      %dma_wait3A_50 = tpu.memref_squeeze %dma_wait3A_49 : memref<1x128xi32, #tpu.memory_space<vmem>> -> memref<128xi32, #tpu.memory_space<vmem>>
      %dma_wait3A_51 = arith.constant 0 : i32
      %dma_wait3A_52 = arith.constant 0 : i32
      %dma_wait3A_53 = tpu.memref_slice %arg7[%dma_wait3A_51, %dma_wait3A_52] : memref<50048x16xf32, #tpu.memory_space<vmem_shared>> -> memref<50048x16xf32, #tpu.memory_space<vmem_shared>>
      tpu.wait_indirect_dma semaphore(%run_scoped3A_41 : memref<!tpu.dma_semaphore, #tpu.memory_space<semaphore_mem>>) src(%arg8 : memref<128x16xf32, #tpu.memory_space<vmem>>) dst(%dma_wait3A_53 : memref<50048x16xf32, #tpu.memory_space<vmem_shared>>)
      tpu.yield
    }) : () -> ()
    %dma_wait3A_26 = arith.constant 0 : i32
    %dma_wait3A_27 = tpu.memref_slice %arg2[%add3A, %dma_wait3A_26] : memref<6336x128xi32, #tpu.memory_space<hbm>> -> memref<3x128xi32, #tpu.memory_space<hbm>>
    %dma_wait3A_28 = arith.constant 0 : i32
    %dma_wait3A_29 = tpu.memref_slice %arg2[%add3A, %dma_wait3A_28] : memref<6336x128xi32, #tpu.memory_space<hbm>> -> memref<3x128xi32, #tpu.memory_space<hbm>>
    tpu.wait_dma2 semaphore(%arg12 : memref<!tpu.dma_semaphore, #tpu.memory_space<semaphore_mem>>) src(%dma_wait3A_29 : memref<3x128xi32, #tpu.memory_space<hbm>>) dst(%arg10 : memref<3x128xi32, #tpu.memory_space<vmem>>)
    %run_scoped3A_30 = arith.constant 0 : i32
    "tpu.region"() ({
      %run_scoped3A_41 = tpu.sem_alloc : memref<!tpu.dma_semaphore, #tpu.memory_space<semaphore_mem>>
      %dma_start3A_42 = arith.constant 0 : i32
      %dma_start3A_43 = tpu.memref_slice %arg10[%run_scoped3A_30, %dma_start3A_42] : memref<3x128xi32, #tpu.memory_space<vmem>> -> memref<1x128xi32, #tpu.memory_space<vmem>>
      %dma_start3A_44 = tpu.memref_squeeze %dma_start3A_43 : memref<1x128xi32, #tpu.memory_space<vmem>> -> memref<128xi32, #tpu.memory_space<vmem>>
      %dma_start3A_45 = arith.constant 0 : i32
      %dma_start3A_46 = arith.constant 0 : i32
      %dma_start3A_47 = tpu.memref_slice %arg7[%dma_start3A_45, %dma_start3A_46] : memref<50048x16xf32, #tpu.memory_space<vmem_shared>> -> memref<50048x16xf32, #tpu.memory_space<vmem_shared>>
      tpu.enqueue_indirect_dma source(%arg8 : memref<128x16xf32, #tpu.memory_space<vmem>>) target(%dma_start3A_47 : memref<50048x16xf32, #tpu.memory_space<vmem_shared>>) offsets(%dma_start3A_44 : memref<128xi32, #tpu.memory_space<vmem>>) semaphore(%run_scoped3A_41 : memref<!tpu.dma_semaphore, #tpu.memory_space<semaphore_mem>>) {add = true}
      %dma_wait3A_48 = arith.constant 0 : i32
      %dma_wait3A_49 = tpu.memref_slice %arg10[%run_scoped3A_30, %dma_wait3A_48] : memref<3x128xi32, #tpu.memory_space<vmem>> -> memref<1x128xi32, #tpu.memory_space<vmem>>
      %dma_wait3A_50 = tpu.memref_squeeze %dma_wait3A_49 : memref<1x128xi32, #tpu.memory_space<vmem>> -> memref<128xi32, #tpu.memory_space<vmem>>
      %dma_wait3A_51 = arith.constant 0 : i32
      %dma_wait3A_52 = arith.constant 0 : i32
      %dma_wait3A_53 = tpu.memref_slice %arg7[%dma_wait3A_51, %dma_wait3A_52] : memref<50048x16xf32, #tpu.memory_space<vmem_shared>> -> memref<50048x16xf32, #tpu.memory_space<vmem_shared>>
      tpu.wait_indirect_dma semaphore(%run_scoped3A_41 : memref<!tpu.dma_semaphore, #tpu.memory_space<semaphore_mem>>) src(%arg8 : memref<128x16xf32, #tpu.memory_space<vmem>>) dst(%dma_wait3A_53 : memref<50048x16xf32, #tpu.memory_space<vmem_shared>>)
      tpu.yield
    }) : () -> ()
    %run_scoped3A_31 = arith.constant 1 : i32
    "tpu.region"() ({
      %run_scoped3A_41 = tpu.sem_alloc : memref<!tpu.dma_semaphore, #tpu.memory_space<semaphore_mem>>
      %dma_start3A_42 = arith.constant 0 : i32
      %dma_start3A_43 = tpu.memref_slice %arg10[%run_scoped3A_31, %dma_start3A_42] : memref<3x128xi32, #tpu.memory_space<vmem>> -> memref<1x128xi32, #tpu.memory_space<vmem>>
      %dma_start3A_44 = tpu.memref_squeeze %dma_start3A_43 : memref<1x128xi32, #tpu.memory_space<vmem>> -> memref<128xi32, #tpu.memory_space<vmem>>
      %dma_start3A_45 = arith.constant 0 : i32
      %dma_start3A_46 = arith.constant 0 : i32
      %dma_start3A_47 = tpu.memref_slice %arg7[%dma_start3A_45, %dma_start3A_46] : memref<50048x16xf32, #tpu.memory_space<vmem_shared>> -> memref<50048x16xf32, #tpu.memory_space<vmem_shared>>
      tpu.enqueue_indirect_dma source(%arg8 : memref<128x16xf32, #tpu.memory_space<vmem>>) target(%dma_start3A_47 : memref<50048x16xf32, #tpu.memory_space<vmem_shared>>) offsets(%dma_start3A_44 : memref<128xi32, #tpu.memory_space<vmem>>) semaphore(%run_scoped3A_41 : memref<!tpu.dma_semaphore, #tpu.memory_space<semaphore_mem>>) {add = true}
      %dma_wait3A_48 = arith.constant 0 : i32
      %dma_wait3A_49 = tpu.memref_slice %arg10[%run_scoped3A_31, %dma_wait3A_48] : memref<3x128xi32, #tpu.memory_space<vmem>> -> memref<1x128xi32, #tpu.memory_space<vmem>>
      %dma_wait3A_50 = tpu.memref_squeeze %dma_wait3A_49 : memref<1x128xi32, #tpu.memory_space<vmem>> -> memref<128xi32, #tpu.memory_space<vmem>>
      %dma_wait3A_51 = arith.constant 0 : i32
      %dma_wait3A_52 = arith.constant 0 : i32
      %dma_wait3A_53 = tpu.memref_slice %arg7[%dma_wait3A_51, %dma_wait3A_52] : memref<50048x16xf32, #tpu.memory_space<vmem_shared>> -> memref<50048x16xf32, #tpu.memory_space<vmem_shared>>
      tpu.wait_indirect_dma semaphore(%run_scoped3A_41 : memref<!tpu.dma_semaphore, #tpu.memory_space<semaphore_mem>>) src(%arg8 : memref<128x16xf32, #tpu.memory_space<vmem>>) dst(%dma_wait3A_53 : memref<50048x16xf32, #tpu.memory_space<vmem_shared>>)
      tpu.yield
    }) : () -> ()
    %run_scoped3A_32 = arith.constant 2 : i32
    "tpu.region"() ({
      %run_scoped3A_41 = tpu.sem_alloc : memref<!tpu.dma_semaphore, #tpu.memory_space<semaphore_mem>>
      %dma_start3A_42 = arith.constant 0 : i32
      %dma_start3A_43 = tpu.memref_slice %arg10[%run_scoped3A_32, %dma_start3A_42] : memref<3x128xi32, #tpu.memory_space<vmem>> -> memref<1x128xi32, #tpu.memory_space<vmem>>
      %dma_start3A_44 = tpu.memref_squeeze %dma_start3A_43 : memref<1x128xi32, #tpu.memory_space<vmem>> -> memref<128xi32, #tpu.memory_space<vmem>>
      %dma_start3A_45 = arith.constant 0 : i32
      %dma_start3A_46 = arith.constant 0 : i32
      %dma_start3A_47 = tpu.memref_slice %arg7[%dma_start3A_45, %dma_start3A_46] : memref<50048x16xf32, #tpu.memory_space<vmem_shared>> -> memref<50048x16xf32, #tpu.memory_space<vmem_shared>>
      tpu.enqueue_indirect_dma source(%arg8 : memref<128x16xf32, #tpu.memory_space<vmem>>) target(%dma_start3A_47 : memref<50048x16xf32, #tpu.memory_space<vmem_shared>>) offsets(%dma_start3A_44 : memref<128xi32, #tpu.memory_space<vmem>>) semaphore(%run_scoped3A_41 : memref<!tpu.dma_semaphore, #tpu.memory_space<semaphore_mem>>) {add = true}
      %dma_wait3A_48 = arith.constant 0 : i32
      %dma_wait3A_49 = tpu.memref_slice %arg10[%run_scoped3A_32, %dma_wait3A_48] : memref<3x128xi32, #tpu.memory_space<vmem>> -> memref<1x128xi32, #tpu.memory_space<vmem>>
      %dma_wait3A_50 = tpu.memref_squeeze %dma_wait3A_49 : memref<1x128xi32, #tpu.memory_space<vmem>> -> memref<128xi32, #tpu.memory_space<vmem>>
      %dma_wait3A_51 = arith.constant 0 : i32
      %dma_wait3A_52 = arith.constant 0 : i32
      %dma_wait3A_53 = tpu.memref_slice %arg7[%dma_wait3A_51, %dma_wait3A_52] : memref<50048x16xf32, #tpu.memory_space<vmem_shared>> -> memref<50048x16xf32, #tpu.memory_space<vmem_shared>>
      tpu.wait_indirect_dma semaphore(%run_scoped3A_41 : memref<!tpu.dma_semaphore, #tpu.memory_space<semaphore_mem>>) src(%arg8 : memref<128x16xf32, #tpu.memory_space<vmem>>) dst(%dma_wait3A_53 : memref<50048x16xf32, #tpu.memory_space<vmem_shared>>)
      tpu.yield
    }) : () -> ()
    %barrier3A_33 = arith.constant 0 : index
    tpu.barrier barrier_id(%barrier3A_33)
    %eq3A = arith.constant 0 : i32
    %eq3A_34 = arith.cmpi eq, %arg0, %eq3A : i32
    %convert_element_type3A = arith.extui %eq3A_34 : i1 to i32
    %cond3A = arith.constant 0 : i32
    %cond3A_35 = arith.cmpi ne, %convert_element_type3A, %cond3A : i32
    scf.if %cond3A_35 {
      "tpu.region"() ({
        %run_scoped3A_41 = tpu.sem_alloc : memref<!tpu.dma_semaphore, #tpu.memory_space<semaphore_mem>>
        %dma_start3A_42 = arith.constant 0 : i32
        %dma_start3A_43 = tpu.memref_slice %arg5[%mul3A_0, %dma_start3A_42] : memref<50048x16xf32, #tpu.memory_space<hbm>> -> memref<3128x16xf32, #tpu.memory_space<hbm>>
        %dma_start3A_44 = arith.constant 0 : i32
        %dma_start3A_45 = tpu.memref_slice %arg7[%mul3A_0, %dma_start3A_44] : memref<50048x16xf32, #tpu.memory_space<vmem_shared>> -> memref<3128x16xf32, #tpu.memory_space<vmem_shared>>
        tpu.enqueue_dma source(%dma_start3A_45 : memref<3128x16xf32, #tpu.memory_space<vmem_shared>>) target(%dma_start3A_43 : memref<3128x16xf32, #tpu.memory_space<hbm>>) target_semaphore(%run_scoped3A_41 : memref<!tpu.dma_semaphore, #tpu.memory_space<semaphore_mem>>)
        %dma_wait3A_46 = arith.constant 0 : i32
        %dma_wait3A_47 = tpu.memref_slice %arg5[%mul3A_0, %dma_wait3A_46] : memref<50048x16xf32, #tpu.memory_space<hbm>> -> memref<3128x16xf32, #tpu.memory_space<hbm>>
        %dma_wait3A_48 = arith.constant 0 : i32
        %dma_wait3A_49 = tpu.memref_slice %arg7[%mul3A_0, %dma_wait3A_48] : memref<50048x16xf32, #tpu.memory_space<vmem_shared>> -> memref<3128x16xf32, #tpu.memory_space<vmem_shared>>
        tpu.wait_dma2 semaphore(%run_scoped3A_41 : memref<!tpu.dma_semaphore, #tpu.memory_space<semaphore_mem>>) src(%dma_wait3A_49 : memref<3128x16xf32, #tpu.memory_space<vmem_shared>>) dst(%dma_wait3A_47 : memref<3128x16xf32, #tpu.memory_space<hbm>>)
        tpu.yield
      }) : () -> ()
    } else {
    }
    %eq3A_36 = arith.constant 1 : i32
    %eq3A_37 = arith.cmpi eq, %arg0, %eq3A_36 : i32
    %convert_element_type3A_38 = arith.extui %eq3A_37 : i1 to i32
    %cond3A_39 = arith.constant 0 : i32
    %cond3A_40 = arith.cmpi ne, %convert_element_type3A_38, %cond3A_39 : i32
    scf.if %cond3A_40 {
      "tpu.region"() ({
        %run_scoped3A_41 = tpu.sem_alloc : memref<!tpu.dma_semaphore, #tpu.memory_space<semaphore_mem>>
        %dma_start3A_42 = arith.constant 0 : i32
        %dma_start3A_43 = tpu.memref_slice %arg6[%mul3A_0, %dma_start3A_42] : memref<50048x16xf32, #tpu.memory_space<hbm>> -> memref<3128x16xf32, #tpu.memory_space<hbm>>
        %dma_start3A_44 = arith.constant 0 : i32
        %dma_start3A_45 = tpu.memref_slice %arg7[%mul3A_0, %dma_start3A_44] : memref<50048x16xf32, #tpu.memory_space<vmem_shared>> -> memref<3128x16xf32, #tpu.memory_space<vmem_shared>>
        tpu.enqueue_dma source(%dma_start3A_45 : memref<3128x16xf32, #tpu.memory_space<vmem_shared>>) target(%dma_start3A_43 : memref<3128x16xf32, #tpu.memory_space<hbm>>) target_semaphore(%run_scoped3A_41 : memref<!tpu.dma_semaphore, #tpu.memory_space<semaphore_mem>>)
        %dma_wait3A_46 = arith.constant 0 : i32
        %dma_wait3A_47 = tpu.memref_slice %arg6[%mul3A_0, %dma_wait3A_46] : memref<50048x16xf32, #tpu.memory_space<hbm>> -> memref<3128x16xf32, #tpu.memory_space<hbm>>
        %dma_wait3A_48 = arith.constant 0 : i32
        %dma_wait3A_49 = tpu.memref_slice %arg7[%mul3A_0, %dma_wait3A_48] : memref<50048x16xf32, #tpu.memory_space<vmem_shared>> -> memref<3128x16xf32, #tpu.memory_space<vmem_shared>>
        tpu.wait_dma2 semaphore(%run_scoped3A_41 : memref<!tpu.dma_semaphore, #tpu.memory_space<semaphore_mem>>) src(%dma_wait3A_49 : memref<3128x16xf32, #tpu.memory_space<vmem_shared>>) dst(%dma_wait3A_47 : memref<3128x16xf32, #tpu.memory_space<hbm>>)
        tpu.yield
      }) : () -> ()
    } else {
    }
    return
  }
}

#map = affine_map<(d0, d1) -> (0, 0)>
module attributes {stable_mosaic.version = 14 : i64} {
  func.func @_sc_agg_kernel(%arg0: i32, %arg1: i32, %arg2: memref<6336x128xi32, #tpu.memory_space<hbm>>, %arg3: memref<6336x128xi32, #tpu.memory_space<hbm>>, %arg4: memref<50048x32xf32, #tpu.memory_space<hbm>>, %arg5: memref<50048x32xf32, #tpu.memory_space<hbm>>, %arg6: memref<50048x32xf32, #tpu.memory_space<hbm>>, %arg7: memref<50048x32xf32, #tpu.memory_space<hbm>>, %arg8: memref<50048x32xf32, #tpu.memory_space<vmem_shared>>, %arg9: memref<3x128xi32, #tpu.memory_space<vmem>>, %arg10: memref<3x128xi32, #tpu.memory_space<vmem>>, %arg11: memref<3x128xi32, #tpu.memory_space<vmem>>, %arg12: memref<3x128xi32, #tpu.memory_space<vmem>>, %arg13: memref<128x32xf32, #tpu.memory_space<vmem>>, %arg14: memref<128x32xf32, #tpu.memory_space<vmem>>, %arg15: memref<128x32xf32, #tpu.memory_space<vmem>>, %arg16: memref<128x32xf32, #tpu.memory_space<vmem>>, %arg17: memref<128x32xf32, #tpu.memory_space<vmem>>, %arg18: memref<128x32xf32, #tpu.memory_space<vmem>>, %arg19: memref<!tpu.dma_semaphore, #tpu.memory_space<semaphore_mem>>, %arg20: memref<!tpu.dma_semaphore, #tpu.memory_space<semaphore_mem>>, %arg21: memref<!tpu.dma_semaphore, #tpu.memory_space<semaphore_mem>>, %arg22: memref<!tpu.dma_semaphore, #tpu.memory_space<semaphore_mem>>, %arg23: memref<!tpu.dma_semaphore, #tpu.memory_space<semaphore_mem>>, %arg24: memref<!tpu.dma_semaphore, #tpu.memory_space<semaphore_mem>>, %arg25: memref<!tpu.dma_semaphore, #tpu.memory_space<semaphore_mem>>, %arg26: memref<!tpu.dma_semaphore, #tpu.memory_space<semaphore_mem>>, %arg27: memref<!tpu.dma_semaphore, #tpu.memory_space<semaphore_mem>>, %arg28: memref<!tpu.dma_semaphore, #tpu.memory_space<semaphore_mem>>) attributes {dimension_semantics = [#tpu.dimension_semantics<core_parallel>, #tpu.dimension_semantics<subcore_parallel>], iteration_bounds = array<i64: 2, 16>, scalar_prefetch = 0 : i64, scratch_operands = 21 : i64, tpu.core_type = #tpu.core_type<sc_vector_subcore>, window_params = [{transform_indices = #map}, {transform_indices = #map}, {transform_indices = #map}, {transform_indices = #map}, {transform_indices = #map}, {transform_indices = #map}]} {
    %mul3A = arith.constant 3128 : i32
    %mul3A_0 = arith.muli %arg1, %mul3A : i32
    %mul3A_1 = arith.constant 396 : i32
    %mul3A_2 = arith.muli %arg1, %mul3A_1 : i32
    %eq3A = arith.constant 0 : i32
    %eq3A_3 = arith.cmpi eq, %arg0, %eq3A : i32
    %convert_element_type3A = arith.extui %eq3A_3 : i1 to i32
    %cond3A = arith.constant 0 : i32
    %cond3A_4 = arith.cmpi ne, %convert_element_type3A, %cond3A : i32
    scf.if %cond3A_4 {
      "tpu.region"() ({
        %run_scoped3A_142 = tpu.sem_alloc : memref<!tpu.dma_semaphore, #tpu.memory_space<semaphore_mem>>
        %dma_start3A_143 = arith.constant 0 : i32
        %dma_start3A_144 = tpu.memref_slice %arg8[%mul3A_0, %dma_start3A_143] : memref<50048x32xf32, #tpu.memory_space<vmem_shared>> -> memref<3128x32xf32, #tpu.memory_space<vmem_shared>>
        %dma_start3A_145 = arith.constant 0 : i32
        %dma_start3A_146 = tpu.memref_slice %arg4[%mul3A_0, %dma_start3A_145] : memref<50048x32xf32, #tpu.memory_space<hbm>> -> memref<3128x32xf32, #tpu.memory_space<hbm>>
        tpu.enqueue_dma source(%dma_start3A_146 : memref<3128x32xf32, #tpu.memory_space<hbm>>) target(%dma_start3A_144 : memref<3128x32xf32, #tpu.memory_space<vmem_shared>>) target_semaphore(%run_scoped3A_142 : memref<!tpu.dma_semaphore, #tpu.memory_space<semaphore_mem>>)
        %dma_wait3A_147 = arith.constant 0 : i32
        %dma_wait3A_148 = tpu.memref_slice %arg8[%mul3A_0, %dma_wait3A_147] : memref<50048x32xf32, #tpu.memory_space<vmem_shared>> -> memref<3128x32xf32, #tpu.memory_space<vmem_shared>>
        %dma_wait3A_149 = arith.constant 0 : i32
        %dma_wait3A_150 = tpu.memref_slice %arg4[%mul3A_0, %dma_wait3A_149] : memref<50048x32xf32, #tpu.memory_space<hbm>> -> memref<3128x32xf32, #tpu.memory_space<hbm>>
        tpu.wait_dma2 semaphore(%run_scoped3A_142 : memref<!tpu.dma_semaphore, #tpu.memory_space<semaphore_mem>>) src(%dma_wait3A_150 : memref<3128x32xf32, #tpu.memory_space<hbm>>) dst(%dma_wait3A_148 : memref<3128x32xf32, #tpu.memory_space<vmem_shared>>)
        tpu.yield
      }) : () -> ()
      %barrier3A = arith.constant 0 : index
      tpu.barrier barrier_id(%barrier3A)
      %add3A = arith.constant 0 : i32
      %add3A_10 = arith.addi %mul3A_2, %add3A : i32
      %dma_start3A = arith.constant 0 : i32
      %dma_start3A_11 = tpu.memref_slice %arg2[%add3A_10, %dma_start3A] : memref<6336x128xi32, #tpu.memory_space<hbm>> -> memref<3x128xi32, #tpu.memory_space<hbm>>
      %dma_start3A_12 = arith.constant 0 : i32
      %dma_start3A_13 = tpu.memref_slice %arg2[%add3A_10, %dma_start3A_12] : memref<6336x128xi32, #tpu.memory_space<hbm>> -> memref<3x128xi32, #tpu.memory_space<hbm>>
      tpu.enqueue_dma source(%dma_start3A_13 : memref<3x128xi32, #tpu.memory_space<hbm>>) target(%arg9 : memref<3x128xi32, #tpu.memory_space<vmem>>) target_semaphore(%arg19 : memref<!tpu.dma_semaphore, #tpu.memory_space<semaphore_mem>>)
      %add3A_14 = arith.constant 0 : i32
      %add3A_15 = arith.addi %mul3A_2, %add3A_14 : i32
      %dma_start3A_16 = arith.constant 0 : i32
      %dma_start3A_17 = tpu.memref_slice %arg3[%add3A_15, %dma_start3A_16] : memref<6336x128xi32, #tpu.memory_space<hbm>> -> memref<3x128xi32, #tpu.memory_space<hbm>>
      %dma_start3A_18 = arith.constant 0 : i32
      %dma_start3A_19 = tpu.memref_slice %arg3[%add3A_15, %dma_start3A_18] : memref<6336x128xi32, #tpu.memory_space<hbm>> -> memref<3x128xi32, #tpu.memory_space<hbm>>
      tpu.enqueue_dma source(%dma_start3A_19 : memref<3x128xi32, #tpu.memory_space<hbm>>) target(%arg11 : memref<3x128xi32, #tpu.memory_space<vmem>>) target_semaphore(%arg21 : memref<!tpu.dma_semaphore, #tpu.memory_space<semaphore_mem>>)
      %add3A_20 = arith.constant 3 : i32
      %add3A_21 = arith.addi %mul3A_2, %add3A_20 : i32
      %dma_start3A_22 = arith.constant 0 : i32
      %dma_start3A_23 = tpu.memref_slice %arg2[%add3A_21, %dma_start3A_22] : memref<6336x128xi32, #tpu.memory_space<hbm>> -> memref<3x128xi32, #tpu.memory_space<hbm>>
      %dma_start3A_24 = arith.constant 0 : i32
      %dma_start3A_25 = tpu.memref_slice %arg2[%add3A_21, %dma_start3A_24] : memref<6336x128xi32, #tpu.memory_space<hbm>> -> memref<3x128xi32, #tpu.memory_space<hbm>>
      tpu.enqueue_dma source(%dma_start3A_25 : memref<3x128xi32, #tpu.memory_space<hbm>>) target(%arg10 : memref<3x128xi32, #tpu.memory_space<vmem>>) target_semaphore(%arg20 : memref<!tpu.dma_semaphore, #tpu.memory_space<semaphore_mem>>)
      %add3A_26 = arith.constant 3 : i32
      %add3A_27 = arith.addi %mul3A_2, %add3A_26 : i32
      %dma_start3A_28 = arith.constant 0 : i32
      %dma_start3A_29 = tpu.memref_slice %arg3[%add3A_27, %dma_start3A_28] : memref<6336x128xi32, #tpu.memory_space<hbm>> -> memref<3x128xi32, #tpu.memory_space<hbm>>
      %dma_start3A_30 = arith.constant 0 : i32
      %dma_start3A_31 = tpu.memref_slice %arg3[%add3A_27, %dma_start3A_30] : memref<6336x128xi32, #tpu.memory_space<hbm>> -> memref<3x128xi32, #tpu.memory_space<hbm>>
      tpu.enqueue_dma source(%dma_start3A_31 : memref<3x128xi32, #tpu.memory_space<hbm>>) target(%arg12 : memref<3x128xi32, #tpu.memory_space<vmem>>) target_semaphore(%arg22 : memref<!tpu.dma_semaphore, #tpu.memory_space<semaphore_mem>>)
      %dma_wait3A = arith.constant 0 : i32
      %dma_wait3A_32 = tpu.memref_slice %arg2[%mul3A_2, %dma_wait3A] : memref<6336x128xi32, #tpu.memory_space<hbm>> -> memref<3x128xi32, #tpu.memory_space<hbm>>
      %dma_wait3A_33 = arith.constant 0 : i32
      %dma_wait3A_34 = tpu.memref_slice %arg2[%mul3A_2, %dma_wait3A_33] : memref<6336x128xi32, #tpu.memory_space<hbm>> -> memref<3x128xi32, #tpu.memory_space<hbm>>
      tpu.wait_dma2 semaphore(%arg19 : memref<!tpu.dma_semaphore, #tpu.memory_space<semaphore_mem>>) src(%dma_wait3A_34 : memref<3x128xi32, #tpu.memory_space<hbm>>) dst(%arg9 : memref<3x128xi32, #tpu.memory_space<vmem>>)
      %dma_start3A_35 = arith.constant 0 : i32
      %dma_start3A_36 = arith.constant 0 : i32
      %dma_start3A_37 = tpu.memref_slice %arg9[%dma_start3A_35, %dma_start3A_36] : memref<3x128xi32, #tpu.memory_space<vmem>> -> memref<1x128xi32, #tpu.memory_space<vmem>>
      %dma_start3A_38 = tpu.memref_squeeze %dma_start3A_37 : memref<1x128xi32, #tpu.memory_space<vmem>> -> memref<128xi32, #tpu.memory_space<vmem>>
      %dma_start3A_39 = arith.constant 0 : i32
      %dma_start3A_40 = arith.constant 0 : i32
      %dma_start3A_41 = tpu.memref_slice %arg4[%dma_start3A_39, %dma_start3A_40] : memref<50048x32xf32, #tpu.memory_space<hbm>> -> memref<50048x32xf32, #tpu.memory_space<hbm>>
      tpu.enqueue_indirect_dma source(%dma_start3A_41 : memref<50048x32xf32, #tpu.memory_space<hbm>>) target(%arg13 : memref<128x32xf32, #tpu.memory_space<vmem>>) offsets(%dma_start3A_38 : memref<128xi32, #tpu.memory_space<vmem>>) semaphore(%arg23 : memref<!tpu.dma_semaphore, #tpu.memory_space<semaphore_mem>>)
      %dma_start3A_42 = arith.constant 1 : i32
      %dma_start3A_43 = arith.constant 0 : i32
      %dma_start3A_44 = tpu.memref_slice %arg9[%dma_start3A_42, %dma_start3A_43] : memref<3x128xi32, #tpu.memory_space<vmem>> -> memref<1x128xi32, #tpu.memory_space<vmem>>
      %dma_start3A_45 = tpu.memref_squeeze %dma_start3A_44 : memref<1x128xi32, #tpu.memory_space<vmem>> -> memref<128xi32, #tpu.memory_space<vmem>>
      %dma_start3A_46 = arith.constant 0 : i32
      %dma_start3A_47 = arith.constant 0 : i32
      %dma_start3A_48 = tpu.memref_slice %arg4[%dma_start3A_46, %dma_start3A_47] : memref<50048x32xf32, #tpu.memory_space<hbm>> -> memref<50048x32xf32, #tpu.memory_space<hbm>>
      tpu.enqueue_indirect_dma source(%dma_start3A_48 : memref<50048x32xf32, #tpu.memory_space<hbm>>) target(%arg14 : memref<128x32xf32, #tpu.memory_space<vmem>>) offsets(%dma_start3A_45 : memref<128xi32, #tpu.memory_space<vmem>>) semaphore(%arg24 : memref<!tpu.dma_semaphore, #tpu.memory_space<semaphore_mem>>)
      %dma_start3A_49 = arith.constant 2 : i32
      %dma_start3A_50 = arith.constant 0 : i32
      %dma_start3A_51 = tpu.memref_slice %arg9[%dma_start3A_49, %dma_start3A_50] : memref<3x128xi32, #tpu.memory_space<vmem>> -> memref<1x128xi32, #tpu.memory_space<vmem>>
      %dma_start3A_52 = tpu.memref_squeeze %dma_start3A_51 : memref<1x128xi32, #tpu.memory_space<vmem>> -> memref<128xi32, #tpu.memory_space<vmem>>
      %dma_start3A_53 = arith.constant 0 : i32
      %dma_start3A_54 = arith.constant 0 : i32
      %dma_start3A_55 = tpu.memref_slice %arg4[%dma_start3A_53, %dma_start3A_54] : memref<50048x32xf32, #tpu.memory_space<hbm>> -> memref<50048x32xf32, #tpu.memory_space<hbm>>
      tpu.enqueue_indirect_dma source(%dma_start3A_55 : memref<50048x32xf32, #tpu.memory_space<hbm>>) target(%arg15 : memref<128x32xf32, #tpu.memory_space<vmem>>) offsets(%dma_start3A_52 : memref<128xi32, #tpu.memory_space<vmem>>) semaphore(%arg25 : memref<!tpu.dma_semaphore, #tpu.memory_space<semaphore_mem>>)
      %scan3A = arith.constant 0 : i32
      %scan3A_56 = arith.constant 0 : i32
      %scan3A_57 = arith.constant 65 : i32
      %scan3A_58 = arith.addi %scan3A_56, %scan3A_57 : i32
      %scan3A_59 = arith.constant 1 : i32
      scf.for %scan3A_142 = %scan3A_56 to %scan3A_58 step %scan3A_59  : i32 {
        %mul3A_143 = arith.constant 2 : i32
        %mul3A_144 = arith.muli %mul3A_143, %scan3A_142 : i32
        %dma_wait3A_145 = arith.constant 0 : i32
        %dma_wait3A_146 = tpu.memref_slice %arg2[%mul3A_2, %dma_wait3A_145] : memref<6336x128xi32, #tpu.memory_space<hbm>> -> memref<3x128xi32, #tpu.memory_space<hbm>>
        %dma_wait3A_147 = arith.constant 0 : i32
        %dma_wait3A_148 = tpu.memref_slice %arg2[%mul3A_2, %dma_wait3A_147] : memref<6336x128xi32, #tpu.memory_space<hbm>> -> memref<3x128xi32, #tpu.memory_space<hbm>>
        tpu.wait_dma2 semaphore(%arg20 : memref<!tpu.dma_semaphore, #tpu.memory_space<semaphore_mem>>) src(%dma_wait3A_148 : memref<3x128xi32, #tpu.memory_space<hbm>>) dst(%arg10 : memref<3x128xi32, #tpu.memory_space<vmem>>)
        %dma_start3A_149 = arith.constant 0 : i32
        %dma_start3A_150 = arith.constant 0 : i32
        %dma_start3A_151 = tpu.memref_slice %arg10[%dma_start3A_149, %dma_start3A_150] : memref<3x128xi32, #tpu.memory_space<vmem>> -> memref<1x128xi32, #tpu.memory_space<vmem>>
        %dma_start3A_152 = tpu.memref_squeeze %dma_start3A_151 : memref<1x128xi32, #tpu.memory_space<vmem>> -> memref<128xi32, #tpu.memory_space<vmem>>
        %dma_start3A_153 = arith.constant 0 : i32
        %dma_start3A_154 = arith.constant 0 : i32
        %dma_start3A_155 = tpu.memref_slice %arg4[%dma_start3A_153, %dma_start3A_154] : memref<50048x32xf32, #tpu.memory_space<hbm>> -> memref<50048x32xf32, #tpu.memory_space<hbm>>
        tpu.enqueue_indirect_dma source(%dma_start3A_155 : memref<50048x32xf32, #tpu.memory_space<hbm>>) target(%arg16 : memref<128x32xf32, #tpu.memory_space<vmem>>) offsets(%dma_start3A_152 : memref<128xi32, #tpu.memory_space<vmem>>) semaphore(%arg26 : memref<!tpu.dma_semaphore, #tpu.memory_space<semaphore_mem>>)
        %dma_start3A_156 = arith.constant 1 : i32
        %dma_start3A_157 = arith.constant 0 : i32
        %dma_start3A_158 = tpu.memref_slice %arg10[%dma_start3A_156, %dma_start3A_157] : memref<3x128xi32, #tpu.memory_space<vmem>> -> memref<1x128xi32, #tpu.memory_space<vmem>>
        %dma_start3A_159 = tpu.memref_squeeze %dma_start3A_158 : memref<1x128xi32, #tpu.memory_space<vmem>> -> memref<128xi32, #tpu.memory_space<vmem>>
        %dma_start3A_160 = arith.constant 0 : i32
        %dma_start3A_161 = arith.constant 0 : i32
        %dma_start3A_162 = tpu.memref_slice %arg4[%dma_start3A_160, %dma_start3A_161] : memref<50048x32xf32, #tpu.memory_space<hbm>> -> memref<50048x32xf32, #tpu.memory_space<hbm>>
        tpu.enqueue_indirect_dma source(%dma_start3A_162 : memref<50048x32xf32, #tpu.memory_space<hbm>>) target(%arg17 : memref<128x32xf32, #tpu.memory_space<vmem>>) offsets(%dma_start3A_159 : memref<128xi32, #tpu.memory_space<vmem>>) semaphore(%arg27 : memref<!tpu.dma_semaphore, #tpu.memory_space<semaphore_mem>>)
        %dma_start3A_163 = arith.constant 2 : i32
        %dma_start3A_164 = arith.constant 0 : i32
        %dma_start3A_165 = tpu.memref_slice %arg10[%dma_start3A_163, %dma_start3A_164] : memref<3x128xi32, #tpu.memory_space<vmem>> -> memref<1x128xi32, #tpu.memory_space<vmem>>
        %dma_start3A_166 = tpu.memref_squeeze %dma_start3A_165 : memref<1x128xi32, #tpu.memory_space<vmem>> -> memref<128xi32, #tpu.memory_space<vmem>>
        %dma_start3A_167 = arith.constant 0 : i32
        %dma_start3A_168 = arith.constant 0 : i32
        %dma_start3A_169 = tpu.memref_slice %arg4[%dma_start3A_167, %dma_start3A_168] : memref<50048x32xf32, #tpu.memory_space<hbm>> -> memref<50048x32xf32, #tpu.memory_space<hbm>>
        tpu.enqueue_indirect_dma source(%dma_start3A_169 : memref<50048x32xf32, #tpu.memory_space<hbm>>) target(%arg18 : memref<128x32xf32, #tpu.memory_space<vmem>>) offsets(%dma_start3A_166 : memref<128xi32, #tpu.memory_space<vmem>>) semaphore(%arg28 : memref<!tpu.dma_semaphore, #tpu.memory_space<semaphore_mem>>)
        %dma_wait3A_170 = arith.constant 0 : i32
        %dma_wait3A_171 = arith.constant 0 : i32
        %dma_wait3A_172 = tpu.memref_slice %arg9[%dma_wait3A_170, %dma_wait3A_171] : memref<3x128xi32, #tpu.memory_space<vmem>> -> memref<1x128xi32, #tpu.memory_space<vmem>>
        %dma_wait3A_173 = tpu.memref_squeeze %dma_wait3A_172 : memref<1x128xi32, #tpu.memory_space<vmem>> -> memref<128xi32, #tpu.memory_space<vmem>>
        %dma_wait3A_174 = arith.constant 0 : i32
        %dma_wait3A_175 = arith.constant 0 : i32
        %dma_wait3A_176 = tpu.memref_slice %arg4[%dma_wait3A_174, %dma_wait3A_175] : memref<50048x32xf32, #tpu.memory_space<hbm>> -> memref<50048x32xf32, #tpu.memory_space<hbm>>
        tpu.wait_indirect_dma semaphore(%arg23 : memref<!tpu.dma_semaphore, #tpu.memory_space<semaphore_mem>>) src(%dma_wait3A_176 : memref<50048x32xf32, #tpu.memory_space<hbm>>) dst(%arg13 : memref<128x32xf32, #tpu.memory_space<vmem>>)
        %dma_wait3A_177 = arith.constant 1 : i32
        %dma_wait3A_178 = arith.constant 0 : i32
        %dma_wait3A_179 = tpu.memref_slice %arg9[%dma_wait3A_177, %dma_wait3A_178] : memref<3x128xi32, #tpu.memory_space<vmem>> -> memref<1x128xi32, #tpu.memory_space<vmem>>
        %dma_wait3A_180 = tpu.memref_squeeze %dma_wait3A_179 : memref<1x128xi32, #tpu.memory_space<vmem>> -> memref<128xi32, #tpu.memory_space<vmem>>
        %dma_wait3A_181 = arith.constant 0 : i32
        %dma_wait3A_182 = arith.constant 0 : i32
        %dma_wait3A_183 = tpu.memref_slice %arg4[%dma_wait3A_181, %dma_wait3A_182] : memref<50048x32xf32, #tpu.memory_space<hbm>> -> memref<50048x32xf32, #tpu.memory_space<hbm>>
        tpu.wait_indirect_dma semaphore(%arg24 : memref<!tpu.dma_semaphore, #tpu.memory_space<semaphore_mem>>) src(%dma_wait3A_183 : memref<50048x32xf32, #tpu.memory_space<hbm>>) dst(%arg14 : memref<128x32xf32, #tpu.memory_space<vmem>>)
        %dma_wait3A_184 = arith.constant 2 : i32
        %dma_wait3A_185 = arith.constant 0 : i32
        %dma_wait3A_186 = tpu.memref_slice %arg9[%dma_wait3A_184, %dma_wait3A_185] : memref<3x128xi32, #tpu.memory_space<vmem>> -> memref<1x128xi32, #tpu.memory_space<vmem>>
        %dma_wait3A_187 = tpu.memref_squeeze %dma_wait3A_186 : memref<1x128xi32, #tpu.memory_space<vmem>> -> memref<128xi32, #tpu.memory_space<vmem>>
        %dma_wait3A_188 = arith.constant 0 : i32
        %dma_wait3A_189 = arith.constant 0 : i32
        %dma_wait3A_190 = tpu.memref_slice %arg4[%dma_wait3A_188, %dma_wait3A_189] : memref<50048x32xf32, #tpu.memory_space<hbm>> -> memref<50048x32xf32, #tpu.memory_space<hbm>>
        tpu.wait_indirect_dma semaphore(%arg25 : memref<!tpu.dma_semaphore, #tpu.memory_space<semaphore_mem>>) src(%dma_wait3A_190 : memref<50048x32xf32, #tpu.memory_space<hbm>>) dst(%arg15 : memref<128x32xf32, #tpu.memory_space<vmem>>)
        %add3A_191 = arith.constant 2 : i32
        %add3A_192 = arith.addi %mul3A_144, %add3A_191 : i32
        %mul3A_193 = arith.constant 3 : i32
        %mul3A_194 = arith.muli %add3A_192, %mul3A_193 : i32
        %add3A_195 = arith.addi %mul3A_2, %mul3A_194 : i32
        %dma_start3A_196 = arith.constant 0 : i32
        %dma_start3A_197 = tpu.memref_slice %arg2[%add3A_195, %dma_start3A_196] : memref<6336x128xi32, #tpu.memory_space<hbm>> -> memref<3x128xi32, #tpu.memory_space<hbm>>
        %dma_start3A_198 = arith.constant 0 : i32
        %dma_start3A_199 = tpu.memref_slice %arg2[%add3A_195, %dma_start3A_198] : memref<6336x128xi32, #tpu.memory_space<hbm>> -> memref<3x128xi32, #tpu.memory_space<hbm>>
        tpu.enqueue_dma source(%dma_start3A_199 : memref<3x128xi32, #tpu.memory_space<hbm>>) target(%arg9 : memref<3x128xi32, #tpu.memory_space<vmem>>) target_semaphore(%arg19 : memref<!tpu.dma_semaphore, #tpu.memory_space<semaphore_mem>>)
        %dma_wait3A_200 = arith.constant 0 : i32
        %dma_wait3A_201 = tpu.memref_slice %arg3[%mul3A_2, %dma_wait3A_200] : memref<6336x128xi32, #tpu.memory_space<hbm>> -> memref<3x128xi32, #tpu.memory_space<hbm>>
        %dma_wait3A_202 = arith.constant 0 : i32
        %dma_wait3A_203 = tpu.memref_slice %arg3[%mul3A_2, %dma_wait3A_202] : memref<6336x128xi32, #tpu.memory_space<hbm>> -> memref<3x128xi32, #tpu.memory_space<hbm>>
        tpu.wait_dma2 semaphore(%arg21 : memref<!tpu.dma_semaphore, #tpu.memory_space<semaphore_mem>>) src(%dma_wait3A_203 : memref<3x128xi32, #tpu.memory_space<hbm>>) dst(%arg11 : memref<3x128xi32, #tpu.memory_space<vmem>>)
        %run_scoped3A_204 = arith.constant 0 : i32
        "tpu.region"() ({
          %run_scoped3A_287 = tpu.sem_alloc : memref<!tpu.dma_semaphore, #tpu.memory_space<semaphore_mem>>
          %dma_start3A_288 = arith.constant 0 : i32
          %dma_start3A_289 = tpu.memref_slice %arg11[%run_scoped3A_204, %dma_start3A_288] : memref<3x128xi32, #tpu.memory_space<vmem>> -> memref<1x128xi32, #tpu.memory_space<vmem>>
          %dma_start3A_290 = tpu.memref_squeeze %dma_start3A_289 : memref<1x128xi32, #tpu.memory_space<vmem>> -> memref<128xi32, #tpu.memory_space<vmem>>
          %dma_start3A_291 = arith.constant 0 : i32
          %dma_start3A_292 = arith.constant 0 : i32
          %dma_start3A_293 = tpu.memref_slice %arg8[%dma_start3A_291, %dma_start3A_292] : memref<50048x32xf32, #tpu.memory_space<vmem_shared>> -> memref<50048x32xf32, #tpu.memory_space<vmem_shared>>
          tpu.enqueue_indirect_dma source(%arg13 : memref<128x32xf32, #tpu.memory_space<vmem>>) target(%dma_start3A_293 : memref<50048x32xf32, #tpu.memory_space<vmem_shared>>) offsets(%dma_start3A_290 : memref<128xi32, #tpu.memory_space<vmem>>) semaphore(%run_scoped3A_287 : memref<!tpu.dma_semaphore, #tpu.memory_space<semaphore_mem>>) {add = true}
          %dma_wait3A_294 = arith.constant 0 : i32
          %dma_wait3A_295 = tpu.memref_slice %arg11[%run_scoped3A_204, %dma_wait3A_294] : memref<3x128xi32, #tpu.memory_space<vmem>> -> memref<1x128xi32, #tpu.memory_space<vmem>>
          %dma_wait3A_296 = tpu.memref_squeeze %dma_wait3A_295 : memref<1x128xi32, #tpu.memory_space<vmem>> -> memref<128xi32, #tpu.memory_space<vmem>>
          %dma_wait3A_297 = arith.constant 0 : i32
          %dma_wait3A_298 = arith.constant 0 : i32
          %dma_wait3A_299 = tpu.memref_slice %arg8[%dma_wait3A_297, %dma_wait3A_298] : memref<50048x32xf32, #tpu.memory_space<vmem_shared>> -> memref<50048x32xf32, #tpu.memory_space<vmem_shared>>
          tpu.wait_indirect_dma semaphore(%run_scoped3A_287 : memref<!tpu.dma_semaphore, #tpu.memory_space<semaphore_mem>>) src(%arg13 : memref<128x32xf32, #tpu.memory_space<vmem>>) dst(%dma_wait3A_299 : memref<50048x32xf32, #tpu.memory_space<vmem_shared>>)
          tpu.yield
        }) : () -> ()
        %run_scoped3A_205 = arith.constant 1 : i32
        "tpu.region"() ({
          %run_scoped3A_287 = tpu.sem_alloc : memref<!tpu.dma_semaphore, #tpu.memory_space<semaphore_mem>>
          %dma_start3A_288 = arith.constant 0 : i32
          %dma_start3A_289 = tpu.memref_slice %arg11[%run_scoped3A_205, %dma_start3A_288] : memref<3x128xi32, #tpu.memory_space<vmem>> -> memref<1x128xi32, #tpu.memory_space<vmem>>
          %dma_start3A_290 = tpu.memref_squeeze %dma_start3A_289 : memref<1x128xi32, #tpu.memory_space<vmem>> -> memref<128xi32, #tpu.memory_space<vmem>>
          %dma_start3A_291 = arith.constant 0 : i32
          %dma_start3A_292 = arith.constant 0 : i32
          %dma_start3A_293 = tpu.memref_slice %arg8[%dma_start3A_291, %dma_start3A_292] : memref<50048x32xf32, #tpu.memory_space<vmem_shared>> -> memref<50048x32xf32, #tpu.memory_space<vmem_shared>>
          tpu.enqueue_indirect_dma source(%arg14 : memref<128x32xf32, #tpu.memory_space<vmem>>) target(%dma_start3A_293 : memref<50048x32xf32, #tpu.memory_space<vmem_shared>>) offsets(%dma_start3A_290 : memref<128xi32, #tpu.memory_space<vmem>>) semaphore(%run_scoped3A_287 : memref<!tpu.dma_semaphore, #tpu.memory_space<semaphore_mem>>) {add = true}
          %dma_wait3A_294 = arith.constant 0 : i32
          %dma_wait3A_295 = tpu.memref_slice %arg11[%run_scoped3A_205, %dma_wait3A_294] : memref<3x128xi32, #tpu.memory_space<vmem>> -> memref<1x128xi32, #tpu.memory_space<vmem>>
          %dma_wait3A_296 = tpu.memref_squeeze %dma_wait3A_295 : memref<1x128xi32, #tpu.memory_space<vmem>> -> memref<128xi32, #tpu.memory_space<vmem>>
          %dma_wait3A_297 = arith.constant 0 : i32
          %dma_wait3A_298 = arith.constant 0 : i32
          %dma_wait3A_299 = tpu.memref_slice %arg8[%dma_wait3A_297, %dma_wait3A_298] : memref<50048x32xf32, #tpu.memory_space<vmem_shared>> -> memref<50048x32xf32, #tpu.memory_space<vmem_shared>>
          tpu.wait_indirect_dma semaphore(%run_scoped3A_287 : memref<!tpu.dma_semaphore, #tpu.memory_space<semaphore_mem>>) src(%arg14 : memref<128x32xf32, #tpu.memory_space<vmem>>) dst(%dma_wait3A_299 : memref<50048x32xf32, #tpu.memory_space<vmem_shared>>)
          tpu.yield
        }) : () -> ()
        %run_scoped3A_206 = arith.constant 2 : i32
        "tpu.region"() ({
          %run_scoped3A_287 = tpu.sem_alloc : memref<!tpu.dma_semaphore, #tpu.memory_space<semaphore_mem>>
          %dma_start3A_288 = arith.constant 0 : i32
          %dma_start3A_289 = tpu.memref_slice %arg11[%run_scoped3A_206, %dma_start3A_288] : memref<3x128xi32, #tpu.memory_space<vmem>> -> memref<1x128xi32, #tpu.memory_space<vmem>>
          %dma_start3A_290 = tpu.memref_squeeze %dma_start3A_289 : memref<1x128xi32, #tpu.memory_space<vmem>> -> memref<128xi32, #tpu.memory_space<vmem>>
          %dma_start3A_291 = arith.constant 0 : i32
          %dma_start3A_292 = arith.constant 0 : i32
          %dma_start3A_293 = tpu.memref_slice %arg8[%dma_start3A_291, %dma_start3A_292] : memref<50048x32xf32, #tpu.memory_space<vmem_shared>> -> memref<50048x32xf32, #tpu.memory_space<vmem_shared>>
          tpu.enqueue_indirect_dma source(%arg15 : memref<128x32xf32, #tpu.memory_space<vmem>>) target(%dma_start3A_293 : memref<50048x32xf32, #tpu.memory_space<vmem_shared>>) offsets(%dma_start3A_290 : memref<128xi32, #tpu.memory_space<vmem>>) semaphore(%run_scoped3A_287 : memref<!tpu.dma_semaphore, #tpu.memory_space<semaphore_mem>>) {add = true}
          %dma_wait3A_294 = arith.constant 0 : i32
          %dma_wait3A_295 = tpu.memref_slice %arg11[%run_scoped3A_206, %dma_wait3A_294] : memref<3x128xi32, #tpu.memory_space<vmem>> -> memref<1x128xi32, #tpu.memory_space<vmem>>
          %dma_wait3A_296 = tpu.memref_squeeze %dma_wait3A_295 : memref<1x128xi32, #tpu.memory_space<vmem>> -> memref<128xi32, #tpu.memory_space<vmem>>
          %dma_wait3A_297 = arith.constant 0 : i32
          %dma_wait3A_298 = arith.constant 0 : i32
          %dma_wait3A_299 = tpu.memref_slice %arg8[%dma_wait3A_297, %dma_wait3A_298] : memref<50048x32xf32, #tpu.memory_space<vmem_shared>> -> memref<50048x32xf32, #tpu.memory_space<vmem_shared>>
          tpu.wait_indirect_dma semaphore(%run_scoped3A_287 : memref<!tpu.dma_semaphore, #tpu.memory_space<semaphore_mem>>) src(%arg15 : memref<128x32xf32, #tpu.memory_space<vmem>>) dst(%dma_wait3A_299 : memref<50048x32xf32, #tpu.memory_space<vmem_shared>>)
          tpu.yield
        }) : () -> ()
        %add3A_207 = arith.constant 2 : i32
        %add3A_208 = arith.addi %mul3A_144, %add3A_207 : i32
        %mul3A_209 = arith.constant 3 : i32
        %mul3A_210 = arith.muli %add3A_208, %mul3A_209 : i32
        %add3A_211 = arith.addi %mul3A_2, %mul3A_210 : i32
        %dma_start3A_212 = arith.constant 0 : i32
        %dma_start3A_213 = tpu.memref_slice %arg3[%add3A_211, %dma_start3A_212] : memref<6336x128xi32, #tpu.memory_space<hbm>> -> memref<3x128xi32, #tpu.memory_space<hbm>>
        %dma_start3A_214 = arith.constant 0 : i32
        %dma_start3A_215 = tpu.memref_slice %arg3[%add3A_211, %dma_start3A_214] : memref<6336x128xi32, #tpu.memory_space<hbm>> -> memref<3x128xi32, #tpu.memory_space<hbm>>
        tpu.enqueue_dma source(%dma_start3A_215 : memref<3x128xi32, #tpu.memory_space<hbm>>) target(%arg11 : memref<3x128xi32, #tpu.memory_space<vmem>>) target_semaphore(%arg21 : memref<!tpu.dma_semaphore, #tpu.memory_space<semaphore_mem>>)
        %dma_wait3A_216 = arith.constant 0 : i32
        %dma_wait3A_217 = tpu.memref_slice %arg2[%mul3A_2, %dma_wait3A_216] : memref<6336x128xi32, #tpu.memory_space<hbm>> -> memref<3x128xi32, #tpu.memory_space<hbm>>
        %dma_wait3A_218 = arith.constant 0 : i32
        %dma_wait3A_219 = tpu.memref_slice %arg2[%mul3A_2, %dma_wait3A_218] : memref<6336x128xi32, #tpu.memory_space<hbm>> -> memref<3x128xi32, #tpu.memory_space<hbm>>
        tpu.wait_dma2 semaphore(%arg19 : memref<!tpu.dma_semaphore, #tpu.memory_space<semaphore_mem>>) src(%dma_wait3A_219 : memref<3x128xi32, #tpu.memory_space<hbm>>) dst(%arg9 : memref<3x128xi32, #tpu.memory_space<vmem>>)
        %dma_start3A_220 = arith.constant 0 : i32
        %dma_start3A_221 = arith.constant 0 : i32
        %dma_start3A_222 = tpu.memref_slice %arg9[%dma_start3A_220, %dma_start3A_221] : memref<3x128xi32, #tpu.memory_space<vmem>> -> memref<1x128xi32, #tpu.memory_space<vmem>>
        %dma_start3A_223 = tpu.memref_squeeze %dma_start3A_222 : memref<1x128xi32, #tpu.memory_space<vmem>> -> memref<128xi32, #tpu.memory_space<vmem>>
        %dma_start3A_224 = arith.constant 0 : i32
        %dma_start3A_225 = arith.constant 0 : i32
        %dma_start3A_226 = tpu.memref_slice %arg4[%dma_start3A_224, %dma_start3A_225] : memref<50048x32xf32, #tpu.memory_space<hbm>> -> memref<50048x32xf32, #tpu.memory_space<hbm>>
        tpu.enqueue_indirect_dma source(%dma_start3A_226 : memref<50048x32xf32, #tpu.memory_space<hbm>>) target(%arg13 : memref<128x32xf32, #tpu.memory_space<vmem>>) offsets(%dma_start3A_223 : memref<128xi32, #tpu.memory_space<vmem>>) semaphore(%arg23 : memref<!tpu.dma_semaphore, #tpu.memory_space<semaphore_mem>>)
        %dma_start3A_227 = arith.constant 1 : i32
        %dma_start3A_228 = arith.constant 0 : i32
        %dma_start3A_229 = tpu.memref_slice %arg9[%dma_start3A_227, %dma_start3A_228] : memref<3x128xi32, #tpu.memory_space<vmem>> -> memref<1x128xi32, #tpu.memory_space<vmem>>
        %dma_start3A_230 = tpu.memref_squeeze %dma_start3A_229 : memref<1x128xi32, #tpu.memory_space<vmem>> -> memref<128xi32, #tpu.memory_space<vmem>>
        %dma_start3A_231 = arith.constant 0 : i32
        %dma_start3A_232 = arith.constant 0 : i32
        %dma_start3A_233 = tpu.memref_slice %arg4[%dma_start3A_231, %dma_start3A_232] : memref<50048x32xf32, #tpu.memory_space<hbm>> -> memref<50048x32xf32, #tpu.memory_space<hbm>>
        tpu.enqueue_indirect_dma source(%dma_start3A_233 : memref<50048x32xf32, #tpu.memory_space<hbm>>) target(%arg14 : memref<128x32xf32, #tpu.memory_space<vmem>>) offsets(%dma_start3A_230 : memref<128xi32, #tpu.memory_space<vmem>>) semaphore(%arg24 : memref<!tpu.dma_semaphore, #tpu.memory_space<semaphore_mem>>)
        %dma_start3A_234 = arith.constant 2 : i32
        %dma_start3A_235 = arith.constant 0 : i32
        %dma_start3A_236 = tpu.memref_slice %arg9[%dma_start3A_234, %dma_start3A_235] : memref<3x128xi32, #tpu.memory_space<vmem>> -> memref<1x128xi32, #tpu.memory_space<vmem>>
        %dma_start3A_237 = tpu.memref_squeeze %dma_start3A_236 : memref<1x128xi32, #tpu.memory_space<vmem>> -> memref<128xi32, #tpu.memory_space<vmem>>
        %dma_start3A_238 = arith.constant 0 : i32
        %dma_start3A_239 = arith.constant 0 : i32
        %dma_start3A_240 = tpu.memref_slice %arg4[%dma_start3A_238, %dma_start3A_239] : memref<50048x32xf32, #tpu.memory_space<hbm>> -> memref<50048x32xf32, #tpu.memory_space<hbm>>
        tpu.enqueue_indirect_dma source(%dma_start3A_240 : memref<50048x32xf32, #tpu.memory_space<hbm>>) target(%arg15 : memref<128x32xf32, #tpu.memory_space<vmem>>) offsets(%dma_start3A_237 : memref<128xi32, #tpu.memory_space<vmem>>) semaphore(%arg25 : memref<!tpu.dma_semaphore, #tpu.memory_space<semaphore_mem>>)
        %dma_wait3A_241 = arith.constant 0 : i32
        %dma_wait3A_242 = arith.constant 0 : i32
        %dma_wait3A_243 = tpu.memref_slice %arg10[%dma_wait3A_241, %dma_wait3A_242] : memref<3x128xi32, #tpu.memory_space<vmem>> -> memref<1x128xi32, #tpu.memory_space<vmem>>
        %dma_wait3A_244 = tpu.memref_squeeze %dma_wait3A_243 : memref<1x128xi32, #tpu.memory_space<vmem>> -> memref<128xi32, #tpu.memory_space<vmem>>
        %dma_wait3A_245 = arith.constant 0 : i32
        %dma_wait3A_246 = arith.constant 0 : i32
        %dma_wait3A_247 = tpu.memref_slice %arg4[%dma_wait3A_245, %dma_wait3A_246] : memref<50048x32xf32, #tpu.memory_space<hbm>> -> memref<50048x32xf32, #tpu.memory_space<hbm>>
        tpu.wait_indirect_dma semaphore(%arg26 : memref<!tpu.dma_semaphore, #tpu.memory_space<semaphore_mem>>) src(%dma_wait3A_247 : memref<50048x32xf32, #tpu.memory_space<hbm>>) dst(%arg16 : memref<128x32xf32, #tpu.memory_space<vmem>>)
        %dma_wait3A_248 = arith.constant 1 : i32
        %dma_wait3A_249 = arith.constant 0 : i32
        %dma_wait3A_250 = tpu.memref_slice %arg10[%dma_wait3A_248, %dma_wait3A_249] : memref<3x128xi32, #tpu.memory_space<vmem>> -> memref<1x128xi32, #tpu.memory_space<vmem>>
        %dma_wait3A_251 = tpu.memref_squeeze %dma_wait3A_250 : memref<1x128xi32, #tpu.memory_space<vmem>> -> memref<128xi32, #tpu.memory_space<vmem>>
        %dma_wait3A_252 = arith.constant 0 : i32
        %dma_wait3A_253 = arith.constant 0 : i32
        %dma_wait3A_254 = tpu.memref_slice %arg4[%dma_wait3A_252, %dma_wait3A_253] : memref<50048x32xf32, #tpu.memory_space<hbm>> -> memref<50048x32xf32, #tpu.memory_space<hbm>>
        tpu.wait_indirect_dma semaphore(%arg27 : memref<!tpu.dma_semaphore, #tpu.memory_space<semaphore_mem>>) src(%dma_wait3A_254 : memref<50048x32xf32, #tpu.memory_space<hbm>>) dst(%arg17 : memref<128x32xf32, #tpu.memory_space<vmem>>)
        %dma_wait3A_255 = arith.constant 2 : i32
        %dma_wait3A_256 = arith.constant 0 : i32
        %dma_wait3A_257 = tpu.memref_slice %arg10[%dma_wait3A_255, %dma_wait3A_256] : memref<3x128xi32, #tpu.memory_space<vmem>> -> memref<1x128xi32, #tpu.memory_space<vmem>>
        %dma_wait3A_258 = tpu.memref_squeeze %dma_wait3A_257 : memref<1x128xi32, #tpu.memory_space<vmem>> -> memref<128xi32, #tpu.memory_space<vmem>>
        %dma_wait3A_259 = arith.constant 0 : i32
        %dma_wait3A_260 = arith.constant 0 : i32
        %dma_wait3A_261 = tpu.memref_slice %arg4[%dma_wait3A_259, %dma_wait3A_260] : memref<50048x32xf32, #tpu.memory_space<hbm>> -> memref<50048x32xf32, #tpu.memory_space<hbm>>
        tpu.wait_indirect_dma semaphore(%arg28 : memref<!tpu.dma_semaphore, #tpu.memory_space<semaphore_mem>>) src(%dma_wait3A_261 : memref<50048x32xf32, #tpu.memory_space<hbm>>) dst(%arg18 : memref<128x32xf32, #tpu.memory_space<vmem>>)
        %add3A_262 = arith.constant 3 : i32
        %add3A_263 = arith.addi %mul3A_144, %add3A_262 : i32
        %mul3A_264 = arith.constant 3 : i32
        %mul3A_265 = arith.muli %add3A_263, %mul3A_264 : i32
        %add3A_266 = arith.addi %mul3A_2, %mul3A_265 : i32
        %dma_start3A_267 = arith.constant 0 : i32
        %dma_start3A_268 = tpu.memref_slice %arg2[%add3A_266, %dma_start3A_267] : memref<6336x128xi32, #tpu.memory_space<hbm>> -> memref<3x128xi32, #tpu.memory_space<hbm>>
        %dma_start3A_269 = arith.constant 0 : i32
        %dma_start3A_270 = tpu.memref_slice %arg2[%add3A_266, %dma_start3A_269] : memref<6336x128xi32, #tpu.memory_space<hbm>> -> memref<3x128xi32, #tpu.memory_space<hbm>>
        tpu.enqueue_dma source(%dma_start3A_270 : memref<3x128xi32, #tpu.memory_space<hbm>>) target(%arg10 : memref<3x128xi32, #tpu.memory_space<vmem>>) target_semaphore(%arg20 : memref<!tpu.dma_semaphore, #tpu.memory_space<semaphore_mem>>)
        %dma_wait3A_271 = arith.constant 0 : i32
        %dma_wait3A_272 = tpu.memref_slice %arg3[%mul3A_2, %dma_wait3A_271] : memref<6336x128xi32, #tpu.memory_space<hbm>> -> memref<3x128xi32, #tpu.memory_space<hbm>>
        %dma_wait3A_273 = arith.constant 0 : i32
        %dma_wait3A_274 = tpu.memref_slice %arg3[%mul3A_2, %dma_wait3A_273] : memref<6336x128xi32, #tpu.memory_space<hbm>> -> memref<3x128xi32, #tpu.memory_space<hbm>>
        tpu.wait_dma2 semaphore(%arg22 : memref<!tpu.dma_semaphore, #tpu.memory_space<semaphore_mem>>) src(%dma_wait3A_274 : memref<3x128xi32, #tpu.memory_space<hbm>>) dst(%arg12 : memref<3x128xi32, #tpu.memory_space<vmem>>)
        %run_scoped3A_275 = arith.constant 0 : i32
        "tpu.region"() ({
          %run_scoped3A_287 = tpu.sem_alloc : memref<!tpu.dma_semaphore, #tpu.memory_space<semaphore_mem>>
          %dma_start3A_288 = arith.constant 0 : i32
          %dma_start3A_289 = tpu.memref_slice %arg12[%run_scoped3A_275, %dma_start3A_288] : memref<3x128xi32, #tpu.memory_space<vmem>> -> memref<1x128xi32, #tpu.memory_space<vmem>>
          %dma_start3A_290 = tpu.memref_squeeze %dma_start3A_289 : memref<1x128xi32, #tpu.memory_space<vmem>> -> memref<128xi32, #tpu.memory_space<vmem>>
          %dma_start3A_291 = arith.constant 0 : i32
          %dma_start3A_292 = arith.constant 0 : i32
          %dma_start3A_293 = tpu.memref_slice %arg8[%dma_start3A_291, %dma_start3A_292] : memref<50048x32xf32, #tpu.memory_space<vmem_shared>> -> memref<50048x32xf32, #tpu.memory_space<vmem_shared>>
          tpu.enqueue_indirect_dma source(%arg16 : memref<128x32xf32, #tpu.memory_space<vmem>>) target(%dma_start3A_293 : memref<50048x32xf32, #tpu.memory_space<vmem_shared>>) offsets(%dma_start3A_290 : memref<128xi32, #tpu.memory_space<vmem>>) semaphore(%run_scoped3A_287 : memref<!tpu.dma_semaphore, #tpu.memory_space<semaphore_mem>>) {add = true}
          %dma_wait3A_294 = arith.constant 0 : i32
          %dma_wait3A_295 = tpu.memref_slice %arg12[%run_scoped3A_275, %dma_wait3A_294] : memref<3x128xi32, #tpu.memory_space<vmem>> -> memref<1x128xi32, #tpu.memory_space<vmem>>
          %dma_wait3A_296 = tpu.memref_squeeze %dma_wait3A_295 : memref<1x128xi32, #tpu.memory_space<vmem>> -> memref<128xi32, #tpu.memory_space<vmem>>
          %dma_wait3A_297 = arith.constant 0 : i32
          %dma_wait3A_298 = arith.constant 0 : i32
          %dma_wait3A_299 = tpu.memref_slice %arg8[%dma_wait3A_297, %dma_wait3A_298] : memref<50048x32xf32, #tpu.memory_space<vmem_shared>> -> memref<50048x32xf32, #tpu.memory_space<vmem_shared>>
          tpu.wait_indirect_dma semaphore(%run_scoped3A_287 : memref<!tpu.dma_semaphore, #tpu.memory_space<semaphore_mem>>) src(%arg16 : memref<128x32xf32, #tpu.memory_space<vmem>>) dst(%dma_wait3A_299 : memref<50048x32xf32, #tpu.memory_space<vmem_shared>>)
          tpu.yield
        }) : () -> ()
        %run_scoped3A_276 = arith.constant 1 : i32
        "tpu.region"() ({
          %run_scoped3A_287 = tpu.sem_alloc : memref<!tpu.dma_semaphore, #tpu.memory_space<semaphore_mem>>
          %dma_start3A_288 = arith.constant 0 : i32
          %dma_start3A_289 = tpu.memref_slice %arg12[%run_scoped3A_276, %dma_start3A_288] : memref<3x128xi32, #tpu.memory_space<vmem>> -> memref<1x128xi32, #tpu.memory_space<vmem>>
          %dma_start3A_290 = tpu.memref_squeeze %dma_start3A_289 : memref<1x128xi32, #tpu.memory_space<vmem>> -> memref<128xi32, #tpu.memory_space<vmem>>
          %dma_start3A_291 = arith.constant 0 : i32
          %dma_start3A_292 = arith.constant 0 : i32
          %dma_start3A_293 = tpu.memref_slice %arg8[%dma_start3A_291, %dma_start3A_292] : memref<50048x32xf32, #tpu.memory_space<vmem_shared>> -> memref<50048x32xf32, #tpu.memory_space<vmem_shared>>
          tpu.enqueue_indirect_dma source(%arg17 : memref<128x32xf32, #tpu.memory_space<vmem>>) target(%dma_start3A_293 : memref<50048x32xf32, #tpu.memory_space<vmem_shared>>) offsets(%dma_start3A_290 : memref<128xi32, #tpu.memory_space<vmem>>) semaphore(%run_scoped3A_287 : memref<!tpu.dma_semaphore, #tpu.memory_space<semaphore_mem>>) {add = true}
          %dma_wait3A_294 = arith.constant 0 : i32
          %dma_wait3A_295 = tpu.memref_slice %arg12[%run_scoped3A_276, %dma_wait3A_294] : memref<3x128xi32, #tpu.memory_space<vmem>> -> memref<1x128xi32, #tpu.memory_space<vmem>>
          %dma_wait3A_296 = tpu.memref_squeeze %dma_wait3A_295 : memref<1x128xi32, #tpu.memory_space<vmem>> -> memref<128xi32, #tpu.memory_space<vmem>>
          %dma_wait3A_297 = arith.constant 0 : i32
          %dma_wait3A_298 = arith.constant 0 : i32
          %dma_wait3A_299 = tpu.memref_slice %arg8[%dma_wait3A_297, %dma_wait3A_298] : memref<50048x32xf32, #tpu.memory_space<vmem_shared>> -> memref<50048x32xf32, #tpu.memory_space<vmem_shared>>
          tpu.wait_indirect_dma semaphore(%run_scoped3A_287 : memref<!tpu.dma_semaphore, #tpu.memory_space<semaphore_mem>>) src(%arg17 : memref<128x32xf32, #tpu.memory_space<vmem>>) dst(%dma_wait3A_299 : memref<50048x32xf32, #tpu.memory_space<vmem_shared>>)
          tpu.yield
        }) : () -> ()
        %run_scoped3A_277 = arith.constant 2 : i32
        "tpu.region"() ({
          %run_scoped3A_287 = tpu.sem_alloc : memref<!tpu.dma_semaphore, #tpu.memory_space<semaphore_mem>>
          %dma_start3A_288 = arith.constant 0 : i32
          %dma_start3A_289 = tpu.memref_slice %arg12[%run_scoped3A_277, %dma_start3A_288] : memref<3x128xi32, #tpu.memory_space<vmem>> -> memref<1x128xi32, #tpu.memory_space<vmem>>
          %dma_start3A_290 = tpu.memref_squeeze %dma_start3A_289 : memref<1x128xi32, #tpu.memory_space<vmem>> -> memref<128xi32, #tpu.memory_space<vmem>>
          %dma_start3A_291 = arith.constant 0 : i32
          %dma_start3A_292 = arith.constant 0 : i32
          %dma_start3A_293 = tpu.memref_slice %arg8[%dma_start3A_291, %dma_start3A_292] : memref<50048x32xf32, #tpu.memory_space<vmem_shared>> -> memref<50048x32xf32, #tpu.memory_space<vmem_shared>>
          tpu.enqueue_indirect_dma source(%arg18 : memref<128x32xf32, #tpu.memory_space<vmem>>) target(%dma_start3A_293 : memref<50048x32xf32, #tpu.memory_space<vmem_shared>>) offsets(%dma_start3A_290 : memref<128xi32, #tpu.memory_space<vmem>>) semaphore(%run_scoped3A_287 : memref<!tpu.dma_semaphore, #tpu.memory_space<semaphore_mem>>) {add = true}
          %dma_wait3A_294 = arith.constant 0 : i32
          %dma_wait3A_295 = tpu.memref_slice %arg12[%run_scoped3A_277, %dma_wait3A_294] : memref<3x128xi32, #tpu.memory_space<vmem>> -> memref<1x128xi32, #tpu.memory_space<vmem>>
          %dma_wait3A_296 = tpu.memref_squeeze %dma_wait3A_295 : memref<1x128xi32, #tpu.memory_space<vmem>> -> memref<128xi32, #tpu.memory_space<vmem>>
          %dma_wait3A_297 = arith.constant 0 : i32
          %dma_wait3A_298 = arith.constant 0 : i32
          %dma_wait3A_299 = tpu.memref_slice %arg8[%dma_wait3A_297, %dma_wait3A_298] : memref<50048x32xf32, #tpu.memory_space<vmem_shared>> -> memref<50048x32xf32, #tpu.memory_space<vmem_shared>>
          tpu.wait_indirect_dma semaphore(%run_scoped3A_287 : memref<!tpu.dma_semaphore, #tpu.memory_space<semaphore_mem>>) src(%arg18 : memref<128x32xf32, #tpu.memory_space<vmem>>) dst(%dma_wait3A_299 : memref<50048x32xf32, #tpu.memory_space<vmem_shared>>)
          tpu.yield
        }) : () -> ()
        %add3A_278 = arith.constant 3 : i32
        %add3A_279 = arith.addi %mul3A_144, %add3A_278 : i32
        %mul3A_280 = arith.constant 3 : i32
        %mul3A_281 = arith.muli %add3A_279, %mul3A_280 : i32
        %add3A_282 = arith.addi %mul3A_2, %mul3A_281 : i32
        %dma_start3A_283 = arith.constant 0 : i32
        %dma_start3A_284 = tpu.memref_slice %arg3[%add3A_282, %dma_start3A_283] : memref<6336x128xi32, #tpu.memory_space<hbm>> -> memref<3x128xi32, #tpu.memory_space<hbm>>
        %dma_start3A_285 = arith.constant 0 : i32
        %dma_start3A_286 = tpu.memref_slice %arg3[%add3A_282, %dma_start3A_285] : memref<6336x128xi32, #tpu.memory_space<hbm>> -> memref<3x128xi32, #tpu.memory_space<hbm>>
        tpu.enqueue_dma source(%dma_start3A_286 : memref<3x128xi32, #tpu.memory_space<hbm>>) target(%arg12 : memref<3x128xi32, #tpu.memory_space<vmem>>) target_semaphore(%arg22 : memref<!tpu.dma_semaphore, #tpu.memory_space<semaphore_mem>>)
      }
      %scan3A_60 = arith.constant 65 : i32
      %dma_wait3A_61 = arith.constant 0 : i32
      %dma_wait3A_62 = tpu.memref_slice %arg2[%mul3A_2, %dma_wait3A_61] : memref<6336x128xi32, #tpu.memory_space<hbm>> -> memref<3x128xi32, #tpu.memory_space<hbm>>
      %dma_wait3A_63 = arith.constant 0 : i32
      %dma_wait3A_64 = tpu.memref_slice %arg2[%mul3A_2, %dma_wait3A_63] : memref<6336x128xi32, #tpu.memory_space<hbm>> -> memref<3x128xi32, #tpu.memory_space<hbm>>
      tpu.wait_dma2 semaphore(%arg20 : memref<!tpu.dma_semaphore, #tpu.memory_space<semaphore_mem>>) src(%dma_wait3A_64 : memref<3x128xi32, #tpu.memory_space<hbm>>) dst(%arg10 : memref<3x128xi32, #tpu.memory_space<vmem>>)
      %dma_start3A_65 = arith.constant 0 : i32
      %dma_start3A_66 = arith.constant 0 : i32
      %dma_start3A_67 = tpu.memref_slice %arg10[%dma_start3A_65, %dma_start3A_66] : memref<3x128xi32, #tpu.memory_space<vmem>> -> memref<1x128xi32, #tpu.memory_space<vmem>>
      %dma_start3A_68 = tpu.memref_squeeze %dma_start3A_67 : memref<1x128xi32, #tpu.memory_space<vmem>> -> memref<128xi32, #tpu.memory_space<vmem>>
      %dma_start3A_69 = arith.constant 0 : i32
      %dma_start3A_70 = arith.constant 0 : i32
      %dma_start3A_71 = tpu.memref_slice %arg4[%dma_start3A_69, %dma_start3A_70] : memref<50048x32xf32, #tpu.memory_space<hbm>> -> memref<50048x32xf32, #tpu.memory_space<hbm>>
      tpu.enqueue_indirect_dma source(%dma_start3A_71 : memref<50048x32xf32, #tpu.memory_space<hbm>>) target(%arg16 : memref<128x32xf32, #tpu.memory_space<vmem>>) offsets(%dma_start3A_68 : memref<128xi32, #tpu.memory_space<vmem>>) semaphore(%arg26 : memref<!tpu.dma_semaphore, #tpu.memory_space<semaphore_mem>>)
      %dma_start3A_72 = arith.constant 1 : i32
      %dma_start3A_73 = arith.constant 0 : i32
      %dma_start3A_74 = tpu.memref_slice %arg10[%dma_start3A_72, %dma_start3A_73] : memref<3x128xi32, #tpu.memory_space<vmem>> -> memref<1x128xi32, #tpu.memory_space<vmem>>
      %dma_start3A_75 = tpu.memref_squeeze %dma_start3A_74 : memref<1x128xi32, #tpu.memory_space<vmem>> -> memref<128xi32, #tpu.memory_space<vmem>>
      %dma_start3A_76 = arith.constant 0 : i32
      %dma_start3A_77 = arith.constant 0 : i32
      %dma_start3A_78 = tpu.memref_slice %arg4[%dma_start3A_76, %dma_start3A_77] : memref<50048x32xf32, #tpu.memory_space<hbm>> -> memref<50048x32xf32, #tpu.memory_space<hbm>>
      tpu.enqueue_indirect_dma source(%dma_start3A_78 : memref<50048x32xf32, #tpu.memory_space<hbm>>) target(%arg17 : memref<128x32xf32, #tpu.memory_space<vmem>>) offsets(%dma_start3A_75 : memref<128xi32, #tpu.memory_space<vmem>>) semaphore(%arg27 : memref<!tpu.dma_semaphore, #tpu.memory_space<semaphore_mem>>)
      %dma_start3A_79 = arith.constant 2 : i32
      %dma_start3A_80 = arith.constant 0 : i32
      %dma_start3A_81 = tpu.memref_slice %arg10[%dma_start3A_79, %dma_start3A_80] : memref<3x128xi32, #tpu.memory_space<vmem>> -> memref<1x128xi32, #tpu.memory_space<vmem>>
      %dma_start3A_82 = tpu.memref_squeeze %dma_start3A_81 : memref<1x128xi32, #tpu.memory_space<vmem>> -> memref<128xi32, #tpu.memory_space<vmem>>
      %dma_start3A_83 = arith.constant 0 : i32
      %dma_start3A_84 = arith.constant 0 : i32
      %dma_start3A_85 = tpu.memref_slice %arg4[%dma_start3A_83, %dma_start3A_84] : memref<50048x32xf32, #tpu.memory_space<hbm>> -> memref<50048x32xf32, #tpu.memory_space<hbm>>
      tpu.enqueue_indirect_dma source(%dma_start3A_85 : memref<50048x32xf32, #tpu.memory_space<hbm>>) target(%arg18 : memref<128x32xf32, #tpu.memory_space<vmem>>) offsets(%dma_start3A_82 : memref<128xi32, #tpu.memory_space<vmem>>) semaphore(%arg28 : memref<!tpu.dma_semaphore, #tpu.memory_space<semaphore_mem>>)
      %dma_wait3A_86 = arith.constant 0 : i32
      %dma_wait3A_87 = arith.constant 0 : i32
      %dma_wait3A_88 = tpu.memref_slice %arg9[%dma_wait3A_86, %dma_wait3A_87] : memref<3x128xi32, #tpu.memory_space<vmem>> -> memref<1x128xi32, #tpu.memory_space<vmem>>
      %dma_wait3A_89 = tpu.memref_squeeze %dma_wait3A_88 : memref<1x128xi32, #tpu.memory_space<vmem>> -> memref<128xi32, #tpu.memory_space<vmem>>
      %dma_wait3A_90 = arith.constant 0 : i32
      %dma_wait3A_91 = arith.constant 0 : i32
      %dma_wait3A_92 = tpu.memref_slice %arg4[%dma_wait3A_90, %dma_wait3A_91] : memref<50048x32xf32, #tpu.memory_space<hbm>> -> memref<50048x32xf32, #tpu.memory_space<hbm>>
      tpu.wait_indirect_dma semaphore(%arg23 : memref<!tpu.dma_semaphore, #tpu.memory_space<semaphore_mem>>) src(%dma_wait3A_92 : memref<50048x32xf32, #tpu.memory_space<hbm>>) dst(%arg13 : memref<128x32xf32, #tpu.memory_space<vmem>>)
      %dma_wait3A_93 = arith.constant 1 : i32
      %dma_wait3A_94 = arith.constant 0 : i32
      %dma_wait3A_95 = tpu.memref_slice %arg9[%dma_wait3A_93, %dma_wait3A_94] : memref<3x128xi32, #tpu.memory_space<vmem>> -> memref<1x128xi32, #tpu.memory_space<vmem>>
      %dma_wait3A_96 = tpu.memref_squeeze %dma_wait3A_95 : memref<1x128xi32, #tpu.memory_space<vmem>> -> memref<128xi32, #tpu.memory_space<vmem>>
      %dma_wait3A_97 = arith.constant 0 : i32
      %dma_wait3A_98 = arith.constant 0 : i32
      %dma_wait3A_99 = tpu.memref_slice %arg4[%dma_wait3A_97, %dma_wait3A_98] : memref<50048x32xf32, #tpu.memory_space<hbm>> -> memref<50048x32xf32, #tpu.memory_space<hbm>>
      tpu.wait_indirect_dma semaphore(%arg24 : memref<!tpu.dma_semaphore, #tpu.memory_space<semaphore_mem>>) src(%dma_wait3A_99 : memref<50048x32xf32, #tpu.memory_space<hbm>>) dst(%arg14 : memref<128x32xf32, #tpu.memory_space<vmem>>)
      %dma_wait3A_100 = arith.constant 2 : i32
      %dma_wait3A_101 = arith.constant 0 : i32
      %dma_wait3A_102 = tpu.memref_slice %arg9[%dma_wait3A_100, %dma_wait3A_101] : memref<3x128xi32, #tpu.memory_space<vmem>> -> memref<1x128xi32, #tpu.memory_space<vmem>>
      %dma_wait3A_103 = tpu.memref_squeeze %dma_wait3A_102 : memref<1x128xi32, #tpu.memory_space<vmem>> -> memref<128xi32, #tpu.memory_space<vmem>>
      %dma_wait3A_104 = arith.constant 0 : i32
      %dma_wait3A_105 = arith.constant 0 : i32
      %dma_wait3A_106 = tpu.memref_slice %arg4[%dma_wait3A_104, %dma_wait3A_105] : memref<50048x32xf32, #tpu.memory_space<hbm>> -> memref<50048x32xf32, #tpu.memory_space<hbm>>
      tpu.wait_indirect_dma semaphore(%arg25 : memref<!tpu.dma_semaphore, #tpu.memory_space<semaphore_mem>>) src(%dma_wait3A_106 : memref<50048x32xf32, #tpu.memory_space<hbm>>) dst(%arg15 : memref<128x32xf32, #tpu.memory_space<vmem>>)
      %dma_wait3A_107 = arith.constant 0 : i32
      %dma_wait3A_108 = tpu.memref_slice %arg3[%mul3A_2, %dma_wait3A_107] : memref<6336x128xi32, #tpu.memory_space<hbm>> -> memref<3x128xi32, #tpu.memory_space<hbm>>
      %dma_wait3A_109 = arith.constant 0 : i32
      %dma_wait3A_110 = tpu.memref_slice %arg3[%mul3A_2, %dma_wait3A_109] : memref<6336x128xi32, #tpu.memory_space<hbm>> -> memref<3x128xi32, #tpu.memory_space<hbm>>
      tpu.wait_dma2 semaphore(%arg21 : memref<!tpu.dma_semaphore, #tpu.memory_space<semaphore_mem>>) src(%dma_wait3A_110 : memref<3x128xi32, #tpu.memory_space<hbm>>) dst(%arg11 : memref<3x128xi32, #tpu.memory_space<vmem>>)
      %run_scoped3A = arith.constant 0 : i32
      "tpu.region"() ({
        %run_scoped3A_142 = tpu.sem_alloc : memref<!tpu.dma_semaphore, #tpu.memory_space<semaphore_mem>>
        %dma_start3A_143 = arith.constant 0 : i32
        %dma_start3A_144 = tpu.memref_slice %arg11[%run_scoped3A, %dma_start3A_143] : memref<3x128xi32, #tpu.memory_space<vmem>> -> memref<1x128xi32, #tpu.memory_space<vmem>>
        %dma_start3A_145 = tpu.memref_squeeze %dma_start3A_144 : memref<1x128xi32, #tpu.memory_space<vmem>> -> memref<128xi32, #tpu.memory_space<vmem>>
        %dma_start3A_146 = arith.constant 0 : i32
        %dma_start3A_147 = arith.constant 0 : i32
        %dma_start3A_148 = tpu.memref_slice %arg8[%dma_start3A_146, %dma_start3A_147] : memref<50048x32xf32, #tpu.memory_space<vmem_shared>> -> memref<50048x32xf32, #tpu.memory_space<vmem_shared>>
        tpu.enqueue_indirect_dma source(%arg13 : memref<128x32xf32, #tpu.memory_space<vmem>>) target(%dma_start3A_148 : memref<50048x32xf32, #tpu.memory_space<vmem_shared>>) offsets(%dma_start3A_145 : memref<128xi32, #tpu.memory_space<vmem>>) semaphore(%run_scoped3A_142 : memref<!tpu.dma_semaphore, #tpu.memory_space<semaphore_mem>>) {add = true}
        %dma_wait3A_149 = arith.constant 0 : i32
        %dma_wait3A_150 = tpu.memref_slice %arg11[%run_scoped3A, %dma_wait3A_149] : memref<3x128xi32, #tpu.memory_space<vmem>> -> memref<1x128xi32, #tpu.memory_space<vmem>>
        %dma_wait3A_151 = tpu.memref_squeeze %dma_wait3A_150 : memref<1x128xi32, #tpu.memory_space<vmem>> -> memref<128xi32, #tpu.memory_space<vmem>>
        %dma_wait3A_152 = arith.constant 0 : i32
        %dma_wait3A_153 = arith.constant 0 : i32
        %dma_wait3A_154 = tpu.memref_slice %arg8[%dma_wait3A_152, %dma_wait3A_153] : memref<50048x32xf32, #tpu.memory_space<vmem_shared>> -> memref<50048x32xf32, #tpu.memory_space<vmem_shared>>
        tpu.wait_indirect_dma semaphore(%run_scoped3A_142 : memref<!tpu.dma_semaphore, #tpu.memory_space<semaphore_mem>>) src(%arg13 : memref<128x32xf32, #tpu.memory_space<vmem>>) dst(%dma_wait3A_154 : memref<50048x32xf32, #tpu.memory_space<vmem_shared>>)
        tpu.yield
      }) : () -> ()
      %run_scoped3A_111 = arith.constant 1 : i32
      "tpu.region"() ({
        %run_scoped3A_142 = tpu.sem_alloc : memref<!tpu.dma_semaphore, #tpu.memory_space<semaphore_mem>>
        %dma_start3A_143 = arith.constant 0 : i32
        %dma_start3A_144 = tpu.memref_slice %arg11[%run_scoped3A_111, %dma_start3A_143] : memref<3x128xi32, #tpu.memory_space<vmem>> -> memref<1x128xi32, #tpu.memory_space<vmem>>
        %dma_start3A_145 = tpu.memref_squeeze %dma_start3A_144 : memref<1x128xi32, #tpu.memory_space<vmem>> -> memref<128xi32, #tpu.memory_space<vmem>>
        %dma_start3A_146 = arith.constant 0 : i32
        %dma_start3A_147 = arith.constant 0 : i32
        %dma_start3A_148 = tpu.memref_slice %arg8[%dma_start3A_146, %dma_start3A_147] : memref<50048x32xf32, #tpu.memory_space<vmem_shared>> -> memref<50048x32xf32, #tpu.memory_space<vmem_shared>>
        tpu.enqueue_indirect_dma source(%arg14 : memref<128x32xf32, #tpu.memory_space<vmem>>) target(%dma_start3A_148 : memref<50048x32xf32, #tpu.memory_space<vmem_shared>>) offsets(%dma_start3A_145 : memref<128xi32, #tpu.memory_space<vmem>>) semaphore(%run_scoped3A_142 : memref<!tpu.dma_semaphore, #tpu.memory_space<semaphore_mem>>) {add = true}
        %dma_wait3A_149 = arith.constant 0 : i32
        %dma_wait3A_150 = tpu.memref_slice %arg11[%run_scoped3A_111, %dma_wait3A_149] : memref<3x128xi32, #tpu.memory_space<vmem>> -> memref<1x128xi32, #tpu.memory_space<vmem>>
        %dma_wait3A_151 = tpu.memref_squeeze %dma_wait3A_150 : memref<1x128xi32, #tpu.memory_space<vmem>> -> memref<128xi32, #tpu.memory_space<vmem>>
        %dma_wait3A_152 = arith.constant 0 : i32
        %dma_wait3A_153 = arith.constant 0 : i32
        %dma_wait3A_154 = tpu.memref_slice %arg8[%dma_wait3A_152, %dma_wait3A_153] : memref<50048x32xf32, #tpu.memory_space<vmem_shared>> -> memref<50048x32xf32, #tpu.memory_space<vmem_shared>>
        tpu.wait_indirect_dma semaphore(%run_scoped3A_142 : memref<!tpu.dma_semaphore, #tpu.memory_space<semaphore_mem>>) src(%arg14 : memref<128x32xf32, #tpu.memory_space<vmem>>) dst(%dma_wait3A_154 : memref<50048x32xf32, #tpu.memory_space<vmem_shared>>)
        tpu.yield
      }) : () -> ()
      %run_scoped3A_112 = arith.constant 2 : i32
      "tpu.region"() ({
        %run_scoped3A_142 = tpu.sem_alloc : memref<!tpu.dma_semaphore, #tpu.memory_space<semaphore_mem>>
        %dma_start3A_143 = arith.constant 0 : i32
        %dma_start3A_144 = tpu.memref_slice %arg11[%run_scoped3A_112, %dma_start3A_143] : memref<3x128xi32, #tpu.memory_space<vmem>> -> memref<1x128xi32, #tpu.memory_space<vmem>>
        %dma_start3A_145 = tpu.memref_squeeze %dma_start3A_144 : memref<1x128xi32, #tpu.memory_space<vmem>> -> memref<128xi32, #tpu.memory_space<vmem>>
        %dma_start3A_146 = arith.constant 0 : i32
        %dma_start3A_147 = arith.constant 0 : i32
        %dma_start3A_148 = tpu.memref_slice %arg8[%dma_start3A_146, %dma_start3A_147] : memref<50048x32xf32, #tpu.memory_space<vmem_shared>> -> memref<50048x32xf32, #tpu.memory_space<vmem_shared>>
        tpu.enqueue_indirect_dma source(%arg15 : memref<128x32xf32, #tpu.memory_space<vmem>>) target(%dma_start3A_148 : memref<50048x32xf32, #tpu.memory_space<vmem_shared>>) offsets(%dma_start3A_145 : memref<128xi32, #tpu.memory_space<vmem>>) semaphore(%run_scoped3A_142 : memref<!tpu.dma_semaphore, #tpu.memory_space<semaphore_mem>>) {add = true}
        %dma_wait3A_149 = arith.constant 0 : i32
        %dma_wait3A_150 = tpu.memref_slice %arg11[%run_scoped3A_112, %dma_wait3A_149] : memref<3x128xi32, #tpu.memory_space<vmem>> -> memref<1x128xi32, #tpu.memory_space<vmem>>
        %dma_wait3A_151 = tpu.memref_squeeze %dma_wait3A_150 : memref<1x128xi32, #tpu.memory_space<vmem>> -> memref<128xi32, #tpu.memory_space<vmem>>
        %dma_wait3A_152 = arith.constant 0 : i32
        %dma_wait3A_153 = arith.constant 0 : i32
        %dma_wait3A_154 = tpu.memref_slice %arg8[%dma_wait3A_152, %dma_wait3A_153] : memref<50048x32xf32, #tpu.memory_space<vmem_shared>> -> memref<50048x32xf32, #tpu.memory_space<vmem_shared>>
        tpu.wait_indirect_dma semaphore(%run_scoped3A_142 : memref<!tpu.dma_semaphore, #tpu.memory_space<semaphore_mem>>) src(%arg15 : memref<128x32xf32, #tpu.memory_space<vmem>>) dst(%dma_wait3A_154 : memref<50048x32xf32, #tpu.memory_space<vmem_shared>>)
        tpu.yield
      }) : () -> ()
      %dma_wait3A_113 = arith.constant 0 : i32
      %dma_wait3A_114 = arith.constant 0 : i32
      %dma_wait3A_115 = tpu.memref_slice %arg10[%dma_wait3A_113, %dma_wait3A_114] : memref<3x128xi32, #tpu.memory_space<vmem>> -> memref<1x128xi32, #tpu.memory_space<vmem>>
      %dma_wait3A_116 = tpu.memref_squeeze %dma_wait3A_115 : memref<1x128xi32, #tpu.memory_space<vmem>> -> memref<128xi32, #tpu.memory_space<vmem>>
      %dma_wait3A_117 = arith.constant 0 : i32
      %dma_wait3A_118 = arith.constant 0 : i32
      %dma_wait3A_119 = tpu.memref_slice %arg4[%dma_wait3A_117, %dma_wait3A_118] : memref<50048x32xf32, #tpu.memory_space<hbm>> -> memref<50048x32xf32, #tpu.memory_space<hbm>>
      tpu.wait_indirect_dma semaphore(%arg26 : memref<!tpu.dma_semaphore, #tpu.memory_space<semaphore_mem>>) src(%dma_wait3A_119 : memref<50048x32xf32, #tpu.memory_space<hbm>>) dst(%arg16 : memref<128x32xf32, #tpu.memory_space<vmem>>)
      %dma_wait3A_120 = arith.constant 1 : i32
      %dma_wait3A_121 = arith.constant 0 : i32
      %dma_wait3A_122 = tpu.memref_slice %arg10[%dma_wait3A_120, %dma_wait3A_121] : memref<3x128xi32, #tpu.memory_space<vmem>> -> memref<1x128xi32, #tpu.memory_space<vmem>>
      %dma_wait3A_123 = tpu.memref_squeeze %dma_wait3A_122 : memref<1x128xi32, #tpu.memory_space<vmem>> -> memref<128xi32, #tpu.memory_space<vmem>>
      %dma_wait3A_124 = arith.constant 0 : i32
      %dma_wait3A_125 = arith.constant 0 : i32
      %dma_wait3A_126 = tpu.memref_slice %arg4[%dma_wait3A_124, %dma_wait3A_125] : memref<50048x32xf32, #tpu.memory_space<hbm>> -> memref<50048x32xf32, #tpu.memory_space<hbm>>
      tpu.wait_indirect_dma semaphore(%arg27 : memref<!tpu.dma_semaphore, #tpu.memory_space<semaphore_mem>>) src(%dma_wait3A_126 : memref<50048x32xf32, #tpu.memory_space<hbm>>) dst(%arg17 : memref<128x32xf32, #tpu.memory_space<vmem>>)
      %dma_wait3A_127 = arith.constant 2 : i32
      %dma_wait3A_128 = arith.constant 0 : i32
      %dma_wait3A_129 = tpu.memref_slice %arg10[%dma_wait3A_127, %dma_wait3A_128] : memref<3x128xi32, #tpu.memory_space<vmem>> -> memref<1x128xi32, #tpu.memory_space<vmem>>
      %dma_wait3A_130 = tpu.memref_squeeze %dma_wait3A_129 : memref<1x128xi32, #tpu.memory_space<vmem>> -> memref<128xi32, #tpu.memory_space<vmem>>
      %dma_wait3A_131 = arith.constant 0 : i32
      %dma_wait3A_132 = arith.constant 0 : i32
      %dma_wait3A_133 = tpu.memref_slice %arg4[%dma_wait3A_131, %dma_wait3A_132] : memref<50048x32xf32, #tpu.memory_space<hbm>> -> memref<50048x32xf32, #tpu.memory_space<hbm>>
      tpu.wait_indirect_dma semaphore(%arg28 : memref<!tpu.dma_semaphore, #tpu.memory_space<semaphore_mem>>) src(%dma_wait3A_133 : memref<50048x32xf32, #tpu.memory_space<hbm>>) dst(%arg18 : memref<128x32xf32, #tpu.memory_space<vmem>>)
      %dma_wait3A_134 = arith.constant 0 : i32
      %dma_wait3A_135 = tpu.memref_slice %arg3[%mul3A_2, %dma_wait3A_134] : memref<6336x128xi32, #tpu.memory_space<hbm>> -> memref<3x128xi32, #tpu.memory_space<hbm>>
      %dma_wait3A_136 = arith.constant 0 : i32
      %dma_wait3A_137 = tpu.memref_slice %arg3[%mul3A_2, %dma_wait3A_136] : memref<6336x128xi32, #tpu.memory_space<hbm>> -> memref<3x128xi32, #tpu.memory_space<hbm>>
      tpu.wait_dma2 semaphore(%arg22 : memref<!tpu.dma_semaphore, #tpu.memory_space<semaphore_mem>>) src(%dma_wait3A_137 : memref<3x128xi32, #tpu.memory_space<hbm>>) dst(%arg12 : memref<3x128xi32, #tpu.memory_space<vmem>>)
      %run_scoped3A_138 = arith.constant 0 : i32
      "tpu.region"() ({
        %run_scoped3A_142 = tpu.sem_alloc : memref<!tpu.dma_semaphore, #tpu.memory_space<semaphore_mem>>
        %dma_start3A_143 = arith.constant 0 : i32
        %dma_start3A_144 = tpu.memref_slice %arg12[%run_scoped3A_138, %dma_start3A_143] : memref<3x128xi32, #tpu.memory_space<vmem>> -> memref<1x128xi32, #tpu.memory_space<vmem>>
        %dma_start3A_145 = tpu.memref_squeeze %dma_start3A_144 : memref<1x128xi32, #tpu.memory_space<vmem>> -> memref<128xi32, #tpu.memory_space<vmem>>
        %dma_start3A_146 = arith.constant 0 : i32
        %dma_start3A_147 = arith.constant 0 : i32
        %dma_start3A_148 = tpu.memref_slice %arg8[%dma_start3A_146, %dma_start3A_147] : memref<50048x32xf32, #tpu.memory_space<vmem_shared>> -> memref<50048x32xf32, #tpu.memory_space<vmem_shared>>
        tpu.enqueue_indirect_dma source(%arg16 : memref<128x32xf32, #tpu.memory_space<vmem>>) target(%dma_start3A_148 : memref<50048x32xf32, #tpu.memory_space<vmem_shared>>) offsets(%dma_start3A_145 : memref<128xi32, #tpu.memory_space<vmem>>) semaphore(%run_scoped3A_142 : memref<!tpu.dma_semaphore, #tpu.memory_space<semaphore_mem>>) {add = true}
        %dma_wait3A_149 = arith.constant 0 : i32
        %dma_wait3A_150 = tpu.memref_slice %arg12[%run_scoped3A_138, %dma_wait3A_149] : memref<3x128xi32, #tpu.memory_space<vmem>> -> memref<1x128xi32, #tpu.memory_space<vmem>>
        %dma_wait3A_151 = tpu.memref_squeeze %dma_wait3A_150 : memref<1x128xi32, #tpu.memory_space<vmem>> -> memref<128xi32, #tpu.memory_space<vmem>>
        %dma_wait3A_152 = arith.constant 0 : i32
        %dma_wait3A_153 = arith.constant 0 : i32
        %dma_wait3A_154 = tpu.memref_slice %arg8[%dma_wait3A_152, %dma_wait3A_153] : memref<50048x32xf32, #tpu.memory_space<vmem_shared>> -> memref<50048x32xf32, #tpu.memory_space<vmem_shared>>
        tpu.wait_indirect_dma semaphore(%run_scoped3A_142 : memref<!tpu.dma_semaphore, #tpu.memory_space<semaphore_mem>>) src(%arg16 : memref<128x32xf32, #tpu.memory_space<vmem>>) dst(%dma_wait3A_154 : memref<50048x32xf32, #tpu.memory_space<vmem_shared>>)
        tpu.yield
      }) : () -> ()
      %run_scoped3A_139 = arith.constant 1 : i32
      "tpu.region"() ({
        %run_scoped3A_142 = tpu.sem_alloc : memref<!tpu.dma_semaphore, #tpu.memory_space<semaphore_mem>>
        %dma_start3A_143 = arith.constant 0 : i32
        %dma_start3A_144 = tpu.memref_slice %arg12[%run_scoped3A_139, %dma_start3A_143] : memref<3x128xi32, #tpu.memory_space<vmem>> -> memref<1x128xi32, #tpu.memory_space<vmem>>
        %dma_start3A_145 = tpu.memref_squeeze %dma_start3A_144 : memref<1x128xi32, #tpu.memory_space<vmem>> -> memref<128xi32, #tpu.memory_space<vmem>>
        %dma_start3A_146 = arith.constant 0 : i32
        %dma_start3A_147 = arith.constant 0 : i32
        %dma_start3A_148 = tpu.memref_slice %arg8[%dma_start3A_146, %dma_start3A_147] : memref<50048x32xf32, #tpu.memory_space<vmem_shared>> -> memref<50048x32xf32, #tpu.memory_space<vmem_shared>>
        tpu.enqueue_indirect_dma source(%arg17 : memref<128x32xf32, #tpu.memory_space<vmem>>) target(%dma_start3A_148 : memref<50048x32xf32, #tpu.memory_space<vmem_shared>>) offsets(%dma_start3A_145 : memref<128xi32, #tpu.memory_space<vmem>>) semaphore(%run_scoped3A_142 : memref<!tpu.dma_semaphore, #tpu.memory_space<semaphore_mem>>) {add = true}
        %dma_wait3A_149 = arith.constant 0 : i32
        %dma_wait3A_150 = tpu.memref_slice %arg12[%run_scoped3A_139, %dma_wait3A_149] : memref<3x128xi32, #tpu.memory_space<vmem>> -> memref<1x128xi32, #tpu.memory_space<vmem>>
        %dma_wait3A_151 = tpu.memref_squeeze %dma_wait3A_150 : memref<1x128xi32, #tpu.memory_space<vmem>> -> memref<128xi32, #tpu.memory_space<vmem>>
        %dma_wait3A_152 = arith.constant 0 : i32
        %dma_wait3A_153 = arith.constant 0 : i32
        %dma_wait3A_154 = tpu.memref_slice %arg8[%dma_wait3A_152, %dma_wait3A_153] : memref<50048x32xf32, #tpu.memory_space<vmem_shared>> -> memref<50048x32xf32, #tpu.memory_space<vmem_shared>>
        tpu.wait_indirect_dma semaphore(%run_scoped3A_142 : memref<!tpu.dma_semaphore, #tpu.memory_space<semaphore_mem>>) src(%arg17 : memref<128x32xf32, #tpu.memory_space<vmem>>) dst(%dma_wait3A_154 : memref<50048x32xf32, #tpu.memory_space<vmem_shared>>)
        tpu.yield
      }) : () -> ()
      %run_scoped3A_140 = arith.constant 2 : i32
      "tpu.region"() ({
        %run_scoped3A_142 = tpu.sem_alloc : memref<!tpu.dma_semaphore, #tpu.memory_space<semaphore_mem>>
        %dma_start3A_143 = arith.constant 0 : i32
        %dma_start3A_144 = tpu.memref_slice %arg12[%run_scoped3A_140, %dma_start3A_143] : memref<3x128xi32, #tpu.memory_space<vmem>> -> memref<1x128xi32, #tpu.memory_space<vmem>>
        %dma_start3A_145 = tpu.memref_squeeze %dma_start3A_144 : memref<1x128xi32, #tpu.memory_space<vmem>> -> memref<128xi32, #tpu.memory_space<vmem>>
        %dma_start3A_146 = arith.constant 0 : i32
        %dma_start3A_147 = arith.constant 0 : i32
        %dma_start3A_148 = tpu.memref_slice %arg8[%dma_start3A_146, %dma_start3A_147] : memref<50048x32xf32, #tpu.memory_space<vmem_shared>> -> memref<50048x32xf32, #tpu.memory_space<vmem_shared>>
        tpu.enqueue_indirect_dma source(%arg18 : memref<128x32xf32, #tpu.memory_space<vmem>>) target(%dma_start3A_148 : memref<50048x32xf32, #tpu.memory_space<vmem_shared>>) offsets(%dma_start3A_145 : memref<128xi32, #tpu.memory_space<vmem>>) semaphore(%run_scoped3A_142 : memref<!tpu.dma_semaphore, #tpu.memory_space<semaphore_mem>>) {add = true}
        %dma_wait3A_149 = arith.constant 0 : i32
        %dma_wait3A_150 = tpu.memref_slice %arg12[%run_scoped3A_140, %dma_wait3A_149] : memref<3x128xi32, #tpu.memory_space<vmem>> -> memref<1x128xi32, #tpu.memory_space<vmem>>
        %dma_wait3A_151 = tpu.memref_squeeze %dma_wait3A_150 : memref<1x128xi32, #tpu.memory_space<vmem>> -> memref<128xi32, #tpu.memory_space<vmem>>
        %dma_wait3A_152 = arith.constant 0 : i32
        %dma_wait3A_153 = arith.constant 0 : i32
        %dma_wait3A_154 = tpu.memref_slice %arg8[%dma_wait3A_152, %dma_wait3A_153] : memref<50048x32xf32, #tpu.memory_space<vmem_shared>> -> memref<50048x32xf32, #tpu.memory_space<vmem_shared>>
        tpu.wait_indirect_dma semaphore(%run_scoped3A_142 : memref<!tpu.dma_semaphore, #tpu.memory_space<semaphore_mem>>) src(%arg18 : memref<128x32xf32, #tpu.memory_space<vmem>>) dst(%dma_wait3A_154 : memref<50048x32xf32, #tpu.memory_space<vmem_shared>>)
        tpu.yield
      }) : () -> ()
      %barrier3A_141 = arith.constant 0 : index
      tpu.barrier barrier_id(%barrier3A_141)
      "tpu.region"() ({
        %run_scoped3A_142 = tpu.sem_alloc : memref<!tpu.dma_semaphore, #tpu.memory_space<semaphore_mem>>
        %dma_start3A_143 = arith.constant 0 : i32
        %dma_start3A_144 = tpu.memref_slice %arg6[%mul3A_0, %dma_start3A_143] : memref<50048x32xf32, #tpu.memory_space<hbm>> -> memref<3128x32xf32, #tpu.memory_space<hbm>>
        %dma_start3A_145 = arith.constant 0 : i32
        %dma_start3A_146 = tpu.memref_slice %arg8[%mul3A_0, %dma_start3A_145] : memref<50048x32xf32, #tpu.memory_space<vmem_shared>> -> memref<3128x32xf32, #tpu.memory_space<vmem_shared>>
        tpu.enqueue_dma source(%dma_start3A_146 : memref<3128x32xf32, #tpu.memory_space<vmem_shared>>) target(%dma_start3A_144 : memref<3128x32xf32, #tpu.memory_space<hbm>>) target_semaphore(%run_scoped3A_142 : memref<!tpu.dma_semaphore, #tpu.memory_space<semaphore_mem>>)
        %dma_wait3A_147 = arith.constant 0 : i32
        %dma_wait3A_148 = tpu.memref_slice %arg6[%mul3A_0, %dma_wait3A_147] : memref<50048x32xf32, #tpu.memory_space<hbm>> -> memref<3128x32xf32, #tpu.memory_space<hbm>>
        %dma_wait3A_149 = arith.constant 0 : i32
        %dma_wait3A_150 = tpu.memref_slice %arg8[%mul3A_0, %dma_wait3A_149] : memref<50048x32xf32, #tpu.memory_space<vmem_shared>> -> memref<3128x32xf32, #tpu.memory_space<vmem_shared>>
        tpu.wait_dma2 semaphore(%run_scoped3A_142 : memref<!tpu.dma_semaphore, #tpu.memory_space<semaphore_mem>>) src(%dma_wait3A_150 : memref<3128x32xf32, #tpu.memory_space<vmem_shared>>) dst(%dma_wait3A_148 : memref<3128x32xf32, #tpu.memory_space<hbm>>)
        tpu.yield
      }) : () -> ()
    } else {
    }
    %eq3A_5 = arith.constant 1 : i32
    %eq3A_6 = arith.cmpi eq, %arg0, %eq3A_5 : i32
    %convert_element_type3A_7 = arith.extui %eq3A_6 : i1 to i32
    %cond3A_8 = arith.constant 0 : i32
    %cond3A_9 = arith.cmpi ne, %convert_element_type3A_7, %cond3A_8 : i32
    scf.if %cond3A_9 {
      "tpu.region"() ({
        %run_scoped3A_142 = tpu.sem_alloc : memref<!tpu.dma_semaphore, #tpu.memory_space<semaphore_mem>>
        %dma_start3A_143 = arith.constant 0 : i32
        %dma_start3A_144 = tpu.memref_slice %arg8[%mul3A_0, %dma_start3A_143] : memref<50048x32xf32, #tpu.memory_space<vmem_shared>> -> memref<3128x32xf32, #tpu.memory_space<vmem_shared>>
        %dma_start3A_145 = arith.constant 0 : i32
        %dma_start3A_146 = tpu.memref_slice %arg5[%mul3A_0, %dma_start3A_145] : memref<50048x32xf32, #tpu.memory_space<hbm>> -> memref<3128x32xf32, #tpu.memory_space<hbm>>
        tpu.enqueue_dma source(%dma_start3A_146 : memref<3128x32xf32, #tpu.memory_space<hbm>>) target(%dma_start3A_144 : memref<3128x32xf32, #tpu.memory_space<vmem_shared>>) target_semaphore(%run_scoped3A_142 : memref<!tpu.dma_semaphore, #tpu.memory_space<semaphore_mem>>)
        %dma_wait3A_147 = arith.constant 0 : i32
        %dma_wait3A_148 = tpu.memref_slice %arg8[%mul3A_0, %dma_wait3A_147] : memref<50048x32xf32, #tpu.memory_space<vmem_shared>> -> memref<3128x32xf32, #tpu.memory_space<vmem_shared>>
        %dma_wait3A_149 = arith.constant 0 : i32
        %dma_wait3A_150 = tpu.memref_slice %arg5[%mul3A_0, %dma_wait3A_149] : memref<50048x32xf32, #tpu.memory_space<hbm>> -> memref<3128x32xf32, #tpu.memory_space<hbm>>
        tpu.wait_dma2 semaphore(%run_scoped3A_142 : memref<!tpu.dma_semaphore, #tpu.memory_space<semaphore_mem>>) src(%dma_wait3A_150 : memref<3128x32xf32, #tpu.memory_space<hbm>>) dst(%dma_wait3A_148 : memref<3128x32xf32, #tpu.memory_space<vmem_shared>>)
        tpu.yield
      }) : () -> ()
      %barrier3A = arith.constant 0 : index
      tpu.barrier barrier_id(%barrier3A)
      %add3A = arith.constant 0 : i32
      %add3A_10 = arith.addi %mul3A_2, %add3A : i32
      %dma_start3A = arith.constant 0 : i32
      %dma_start3A_11 = tpu.memref_slice %arg2[%add3A_10, %dma_start3A] : memref<6336x128xi32, #tpu.memory_space<hbm>> -> memref<3x128xi32, #tpu.memory_space<hbm>>
      %dma_start3A_12 = arith.constant 0 : i32
      %dma_start3A_13 = tpu.memref_slice %arg2[%add3A_10, %dma_start3A_12] : memref<6336x128xi32, #tpu.memory_space<hbm>> -> memref<3x128xi32, #tpu.memory_space<hbm>>
      tpu.enqueue_dma source(%dma_start3A_13 : memref<3x128xi32, #tpu.memory_space<hbm>>) target(%arg9 : memref<3x128xi32, #tpu.memory_space<vmem>>) target_semaphore(%arg19 : memref<!tpu.dma_semaphore, #tpu.memory_space<semaphore_mem>>)
      %add3A_14 = arith.constant 0 : i32
      %add3A_15 = arith.addi %mul3A_2, %add3A_14 : i32
      %dma_start3A_16 = arith.constant 0 : i32
      %dma_start3A_17 = tpu.memref_slice %arg3[%add3A_15, %dma_start3A_16] : memref<6336x128xi32, #tpu.memory_space<hbm>> -> memref<3x128xi32, #tpu.memory_space<hbm>>
      %dma_start3A_18 = arith.constant 0 : i32
      %dma_start3A_19 = tpu.memref_slice %arg3[%add3A_15, %dma_start3A_18] : memref<6336x128xi32, #tpu.memory_space<hbm>> -> memref<3x128xi32, #tpu.memory_space<hbm>>
      tpu.enqueue_dma source(%dma_start3A_19 : memref<3x128xi32, #tpu.memory_space<hbm>>) target(%arg11 : memref<3x128xi32, #tpu.memory_space<vmem>>) target_semaphore(%arg21 : memref<!tpu.dma_semaphore, #tpu.memory_space<semaphore_mem>>)
      %add3A_20 = arith.constant 3 : i32
      %add3A_21 = arith.addi %mul3A_2, %add3A_20 : i32
      %dma_start3A_22 = arith.constant 0 : i32
      %dma_start3A_23 = tpu.memref_slice %arg2[%add3A_21, %dma_start3A_22] : memref<6336x128xi32, #tpu.memory_space<hbm>> -> memref<3x128xi32, #tpu.memory_space<hbm>>
      %dma_start3A_24 = arith.constant 0 : i32
      %dma_start3A_25 = tpu.memref_slice %arg2[%add3A_21, %dma_start3A_24] : memref<6336x128xi32, #tpu.memory_space<hbm>> -> memref<3x128xi32, #tpu.memory_space<hbm>>
      tpu.enqueue_dma source(%dma_start3A_25 : memref<3x128xi32, #tpu.memory_space<hbm>>) target(%arg10 : memref<3x128xi32, #tpu.memory_space<vmem>>) target_semaphore(%arg20 : memref<!tpu.dma_semaphore, #tpu.memory_space<semaphore_mem>>)
      %add3A_26 = arith.constant 3 : i32
      %add3A_27 = arith.addi %mul3A_2, %add3A_26 : i32
      %dma_start3A_28 = arith.constant 0 : i32
      %dma_start3A_29 = tpu.memref_slice %arg3[%add3A_27, %dma_start3A_28] : memref<6336x128xi32, #tpu.memory_space<hbm>> -> memref<3x128xi32, #tpu.memory_space<hbm>>
      %dma_start3A_30 = arith.constant 0 : i32
      %dma_start3A_31 = tpu.memref_slice %arg3[%add3A_27, %dma_start3A_30] : memref<6336x128xi32, #tpu.memory_space<hbm>> -> memref<3x128xi32, #tpu.memory_space<hbm>>
      tpu.enqueue_dma source(%dma_start3A_31 : memref<3x128xi32, #tpu.memory_space<hbm>>) target(%arg12 : memref<3x128xi32, #tpu.memory_space<vmem>>) target_semaphore(%arg22 : memref<!tpu.dma_semaphore, #tpu.memory_space<semaphore_mem>>)
      %dma_wait3A = arith.constant 0 : i32
      %dma_wait3A_32 = tpu.memref_slice %arg2[%mul3A_2, %dma_wait3A] : memref<6336x128xi32, #tpu.memory_space<hbm>> -> memref<3x128xi32, #tpu.memory_space<hbm>>
      %dma_wait3A_33 = arith.constant 0 : i32
      %dma_wait3A_34 = tpu.memref_slice %arg2[%mul3A_2, %dma_wait3A_33] : memref<6336x128xi32, #tpu.memory_space<hbm>> -> memref<3x128xi32, #tpu.memory_space<hbm>>
      tpu.wait_dma2 semaphore(%arg19 : memref<!tpu.dma_semaphore, #tpu.memory_space<semaphore_mem>>) src(%dma_wait3A_34 : memref<3x128xi32, #tpu.memory_space<hbm>>) dst(%arg9 : memref<3x128xi32, #tpu.memory_space<vmem>>)
      %dma_start3A_35 = arith.constant 0 : i32
      %dma_start3A_36 = arith.constant 0 : i32
      %dma_start3A_37 = tpu.memref_slice %arg9[%dma_start3A_35, %dma_start3A_36] : memref<3x128xi32, #tpu.memory_space<vmem>> -> memref<1x128xi32, #tpu.memory_space<vmem>>
      %dma_start3A_38 = tpu.memref_squeeze %dma_start3A_37 : memref<1x128xi32, #tpu.memory_space<vmem>> -> memref<128xi32, #tpu.memory_space<vmem>>
      %dma_start3A_39 = arith.constant 0 : i32
      %dma_start3A_40 = arith.constant 0 : i32
      %dma_start3A_41 = tpu.memref_slice %arg5[%dma_start3A_39, %dma_start3A_40] : memref<50048x32xf32, #tpu.memory_space<hbm>> -> memref<50048x32xf32, #tpu.memory_space<hbm>>
      tpu.enqueue_indirect_dma source(%dma_start3A_41 : memref<50048x32xf32, #tpu.memory_space<hbm>>) target(%arg13 : memref<128x32xf32, #tpu.memory_space<vmem>>) offsets(%dma_start3A_38 : memref<128xi32, #tpu.memory_space<vmem>>) semaphore(%arg23 : memref<!tpu.dma_semaphore, #tpu.memory_space<semaphore_mem>>)
      %dma_start3A_42 = arith.constant 1 : i32
      %dma_start3A_43 = arith.constant 0 : i32
      %dma_start3A_44 = tpu.memref_slice %arg9[%dma_start3A_42, %dma_start3A_43] : memref<3x128xi32, #tpu.memory_space<vmem>> -> memref<1x128xi32, #tpu.memory_space<vmem>>
      %dma_start3A_45 = tpu.memref_squeeze %dma_start3A_44 : memref<1x128xi32, #tpu.memory_space<vmem>> -> memref<128xi32, #tpu.memory_space<vmem>>
      %dma_start3A_46 = arith.constant 0 : i32
      %dma_start3A_47 = arith.constant 0 : i32
      %dma_start3A_48 = tpu.memref_slice %arg5[%dma_start3A_46, %dma_start3A_47] : memref<50048x32xf32, #tpu.memory_space<hbm>> -> memref<50048x32xf32, #tpu.memory_space<hbm>>
      tpu.enqueue_indirect_dma source(%dma_start3A_48 : memref<50048x32xf32, #tpu.memory_space<hbm>>) target(%arg14 : memref<128x32xf32, #tpu.memory_space<vmem>>) offsets(%dma_start3A_45 : memref<128xi32, #tpu.memory_space<vmem>>) semaphore(%arg24 : memref<!tpu.dma_semaphore, #tpu.memory_space<semaphore_mem>>)
      %dma_start3A_49 = arith.constant 2 : i32
      %dma_start3A_50 = arith.constant 0 : i32
      %dma_start3A_51 = tpu.memref_slice %arg9[%dma_start3A_49, %dma_start3A_50] : memref<3x128xi32, #tpu.memory_space<vmem>> -> memref<1x128xi32, #tpu.memory_space<vmem>>
      %dma_start3A_52 = tpu.memref_squeeze %dma_start3A_51 : memref<1x128xi32, #tpu.memory_space<vmem>> -> memref<128xi32, #tpu.memory_space<vmem>>
      %dma_start3A_53 = arith.constant 0 : i32
      %dma_start3A_54 = arith.constant 0 : i32
      %dma_start3A_55 = tpu.memref_slice %arg5[%dma_start3A_53, %dma_start3A_54] : memref<50048x32xf32, #tpu.memory_space<hbm>> -> memref<50048x32xf32, #tpu.memory_space<hbm>>
      tpu.enqueue_indirect_dma source(%dma_start3A_55 : memref<50048x32xf32, #tpu.memory_space<hbm>>) target(%arg15 : memref<128x32xf32, #tpu.memory_space<vmem>>) offsets(%dma_start3A_52 : memref<128xi32, #tpu.memory_space<vmem>>) semaphore(%arg25 : memref<!tpu.dma_semaphore, #tpu.memory_space<semaphore_mem>>)
      %scan3A = arith.constant 0 : i32
      %scan3A_56 = arith.constant 0 : i32
      %scan3A_57 = arith.constant 65 : i32
      %scan3A_58 = arith.addi %scan3A_56, %scan3A_57 : i32
      %scan3A_59 = arith.constant 1 : i32
      scf.for %scan3A_142 = %scan3A_56 to %scan3A_58 step %scan3A_59  : i32 {
        %mul3A_143 = arith.constant 2 : i32
        %mul3A_144 = arith.muli %mul3A_143, %scan3A_142 : i32
        %dma_wait3A_145 = arith.constant 0 : i32
        %dma_wait3A_146 = tpu.memref_slice %arg2[%mul3A_2, %dma_wait3A_145] : memref<6336x128xi32, #tpu.memory_space<hbm>> -> memref<3x128xi32, #tpu.memory_space<hbm>>
        %dma_wait3A_147 = arith.constant 0 : i32
        %dma_wait3A_148 = tpu.memref_slice %arg2[%mul3A_2, %dma_wait3A_147] : memref<6336x128xi32, #tpu.memory_space<hbm>> -> memref<3x128xi32, #tpu.memory_space<hbm>>
        tpu.wait_dma2 semaphore(%arg20 : memref<!tpu.dma_semaphore, #tpu.memory_space<semaphore_mem>>) src(%dma_wait3A_148 : memref<3x128xi32, #tpu.memory_space<hbm>>) dst(%arg10 : memref<3x128xi32, #tpu.memory_space<vmem>>)
        %dma_start3A_149 = arith.constant 0 : i32
        %dma_start3A_150 = arith.constant 0 : i32
        %dma_start3A_151 = tpu.memref_slice %arg10[%dma_start3A_149, %dma_start3A_150] : memref<3x128xi32, #tpu.memory_space<vmem>> -> memref<1x128xi32, #tpu.memory_space<vmem>>
        %dma_start3A_152 = tpu.memref_squeeze %dma_start3A_151 : memref<1x128xi32, #tpu.memory_space<vmem>> -> memref<128xi32, #tpu.memory_space<vmem>>
        %dma_start3A_153 = arith.constant 0 : i32
        %dma_start3A_154 = arith.constant 0 : i32
        %dma_start3A_155 = tpu.memref_slice %arg5[%dma_start3A_153, %dma_start3A_154] : memref<50048x32xf32, #tpu.memory_space<hbm>> -> memref<50048x32xf32, #tpu.memory_space<hbm>>
        tpu.enqueue_indirect_dma source(%dma_start3A_155 : memref<50048x32xf32, #tpu.memory_space<hbm>>) target(%arg16 : memref<128x32xf32, #tpu.memory_space<vmem>>) offsets(%dma_start3A_152 : memref<128xi32, #tpu.memory_space<vmem>>) semaphore(%arg26 : memref<!tpu.dma_semaphore, #tpu.memory_space<semaphore_mem>>)
        %dma_start3A_156 = arith.constant 1 : i32
        %dma_start3A_157 = arith.constant 0 : i32
        %dma_start3A_158 = tpu.memref_slice %arg10[%dma_start3A_156, %dma_start3A_157] : memref<3x128xi32, #tpu.memory_space<vmem>> -> memref<1x128xi32, #tpu.memory_space<vmem>>
        %dma_start3A_159 = tpu.memref_squeeze %dma_start3A_158 : memref<1x128xi32, #tpu.memory_space<vmem>> -> memref<128xi32, #tpu.memory_space<vmem>>
        %dma_start3A_160 = arith.constant 0 : i32
        %dma_start3A_161 = arith.constant 0 : i32
        %dma_start3A_162 = tpu.memref_slice %arg5[%dma_start3A_160, %dma_start3A_161] : memref<50048x32xf32, #tpu.memory_space<hbm>> -> memref<50048x32xf32, #tpu.memory_space<hbm>>
        tpu.enqueue_indirect_dma source(%dma_start3A_162 : memref<50048x32xf32, #tpu.memory_space<hbm>>) target(%arg17 : memref<128x32xf32, #tpu.memory_space<vmem>>) offsets(%dma_start3A_159 : memref<128xi32, #tpu.memory_space<vmem>>) semaphore(%arg27 : memref<!tpu.dma_semaphore, #tpu.memory_space<semaphore_mem>>)
        %dma_start3A_163 = arith.constant 2 : i32
        %dma_start3A_164 = arith.constant 0 : i32
        %dma_start3A_165 = tpu.memref_slice %arg10[%dma_start3A_163, %dma_start3A_164] : memref<3x128xi32, #tpu.memory_space<vmem>> -> memref<1x128xi32, #tpu.memory_space<vmem>>
        %dma_start3A_166 = tpu.memref_squeeze %dma_start3A_165 : memref<1x128xi32, #tpu.memory_space<vmem>> -> memref<128xi32, #tpu.memory_space<vmem>>
        %dma_start3A_167 = arith.constant 0 : i32
        %dma_start3A_168 = arith.constant 0 : i32
        %dma_start3A_169 = tpu.memref_slice %arg5[%dma_start3A_167, %dma_start3A_168] : memref<50048x32xf32, #tpu.memory_space<hbm>> -> memref<50048x32xf32, #tpu.memory_space<hbm>>
        tpu.enqueue_indirect_dma source(%dma_start3A_169 : memref<50048x32xf32, #tpu.memory_space<hbm>>) target(%arg18 : memref<128x32xf32, #tpu.memory_space<vmem>>) offsets(%dma_start3A_166 : memref<128xi32, #tpu.memory_space<vmem>>) semaphore(%arg28 : memref<!tpu.dma_semaphore, #tpu.memory_space<semaphore_mem>>)
        %dma_wait3A_170 = arith.constant 0 : i32
        %dma_wait3A_171 = arith.constant 0 : i32
        %dma_wait3A_172 = tpu.memref_slice %arg9[%dma_wait3A_170, %dma_wait3A_171] : memref<3x128xi32, #tpu.memory_space<vmem>> -> memref<1x128xi32, #tpu.memory_space<vmem>>
        %dma_wait3A_173 = tpu.memref_squeeze %dma_wait3A_172 : memref<1x128xi32, #tpu.memory_space<vmem>> -> memref<128xi32, #tpu.memory_space<vmem>>
        %dma_wait3A_174 = arith.constant 0 : i32
        %dma_wait3A_175 = arith.constant 0 : i32
        %dma_wait3A_176 = tpu.memref_slice %arg5[%dma_wait3A_174, %dma_wait3A_175] : memref<50048x32xf32, #tpu.memory_space<hbm>> -> memref<50048x32xf32, #tpu.memory_space<hbm>>
        tpu.wait_indirect_dma semaphore(%arg23 : memref<!tpu.dma_semaphore, #tpu.memory_space<semaphore_mem>>) src(%dma_wait3A_176 : memref<50048x32xf32, #tpu.memory_space<hbm>>) dst(%arg13 : memref<128x32xf32, #tpu.memory_space<vmem>>)
        %dma_wait3A_177 = arith.constant 1 : i32
        %dma_wait3A_178 = arith.constant 0 : i32
        %dma_wait3A_179 = tpu.memref_slice %arg9[%dma_wait3A_177, %dma_wait3A_178] : memref<3x128xi32, #tpu.memory_space<vmem>> -> memref<1x128xi32, #tpu.memory_space<vmem>>
        %dma_wait3A_180 = tpu.memref_squeeze %dma_wait3A_179 : memref<1x128xi32, #tpu.memory_space<vmem>> -> memref<128xi32, #tpu.memory_space<vmem>>
        %dma_wait3A_181 = arith.constant 0 : i32
        %dma_wait3A_182 = arith.constant 0 : i32
        %dma_wait3A_183 = tpu.memref_slice %arg5[%dma_wait3A_181, %dma_wait3A_182] : memref<50048x32xf32, #tpu.memory_space<hbm>> -> memref<50048x32xf32, #tpu.memory_space<hbm>>
        tpu.wait_indirect_dma semaphore(%arg24 : memref<!tpu.dma_semaphore, #tpu.memory_space<semaphore_mem>>) src(%dma_wait3A_183 : memref<50048x32xf32, #tpu.memory_space<hbm>>) dst(%arg14 : memref<128x32xf32, #tpu.memory_space<vmem>>)
        %dma_wait3A_184 = arith.constant 2 : i32
        %dma_wait3A_185 = arith.constant 0 : i32
        %dma_wait3A_186 = tpu.memref_slice %arg9[%dma_wait3A_184, %dma_wait3A_185] : memref<3x128xi32, #tpu.memory_space<vmem>> -> memref<1x128xi32, #tpu.memory_space<vmem>>
        %dma_wait3A_187 = tpu.memref_squeeze %dma_wait3A_186 : memref<1x128xi32, #tpu.memory_space<vmem>> -> memref<128xi32, #tpu.memory_space<vmem>>
        %dma_wait3A_188 = arith.constant 0 : i32
        %dma_wait3A_189 = arith.constant 0 : i32
        %dma_wait3A_190 = tpu.memref_slice %arg5[%dma_wait3A_188, %dma_wait3A_189] : memref<50048x32xf32, #tpu.memory_space<hbm>> -> memref<50048x32xf32, #tpu.memory_space<hbm>>
        tpu.wait_indirect_dma semaphore(%arg25 : memref<!tpu.dma_semaphore, #tpu.memory_space<semaphore_mem>>) src(%dma_wait3A_190 : memref<50048x32xf32, #tpu.memory_space<hbm>>) dst(%arg15 : memref<128x32xf32, #tpu.memory_space<vmem>>)
        %add3A_191 = arith.constant 2 : i32
        %add3A_192 = arith.addi %mul3A_144, %add3A_191 : i32
        %mul3A_193 = arith.constant 3 : i32
        %mul3A_194 = arith.muli %add3A_192, %mul3A_193 : i32
        %add3A_195 = arith.addi %mul3A_2, %mul3A_194 : i32
        %dma_start3A_196 = arith.constant 0 : i32
        %dma_start3A_197 = tpu.memref_slice %arg2[%add3A_195, %dma_start3A_196] : memref<6336x128xi32, #tpu.memory_space<hbm>> -> memref<3x128xi32, #tpu.memory_space<hbm>>
        %dma_start3A_198 = arith.constant 0 : i32
        %dma_start3A_199 = tpu.memref_slice %arg2[%add3A_195, %dma_start3A_198] : memref<6336x128xi32, #tpu.memory_space<hbm>> -> memref<3x128xi32, #tpu.memory_space<hbm>>
        tpu.enqueue_dma source(%dma_start3A_199 : memref<3x128xi32, #tpu.memory_space<hbm>>) target(%arg9 : memref<3x128xi32, #tpu.memory_space<vmem>>) target_semaphore(%arg19 : memref<!tpu.dma_semaphore, #tpu.memory_space<semaphore_mem>>)
        %dma_wait3A_200 = arith.constant 0 : i32
        %dma_wait3A_201 = tpu.memref_slice %arg3[%mul3A_2, %dma_wait3A_200] : memref<6336x128xi32, #tpu.memory_space<hbm>> -> memref<3x128xi32, #tpu.memory_space<hbm>>
        %dma_wait3A_202 = arith.constant 0 : i32
        %dma_wait3A_203 = tpu.memref_slice %arg3[%mul3A_2, %dma_wait3A_202] : memref<6336x128xi32, #tpu.memory_space<hbm>> -> memref<3x128xi32, #tpu.memory_space<hbm>>
        tpu.wait_dma2 semaphore(%arg21 : memref<!tpu.dma_semaphore, #tpu.memory_space<semaphore_mem>>) src(%dma_wait3A_203 : memref<3x128xi32, #tpu.memory_space<hbm>>) dst(%arg11 : memref<3x128xi32, #tpu.memory_space<vmem>>)
        %run_scoped3A_204 = arith.constant 0 : i32
        "tpu.region"() ({
          %run_scoped3A_287 = tpu.sem_alloc : memref<!tpu.dma_semaphore, #tpu.memory_space<semaphore_mem>>
          %dma_start3A_288 = arith.constant 0 : i32
          %dma_start3A_289 = tpu.memref_slice %arg11[%run_scoped3A_204, %dma_start3A_288] : memref<3x128xi32, #tpu.memory_space<vmem>> -> memref<1x128xi32, #tpu.memory_space<vmem>>
          %dma_start3A_290 = tpu.memref_squeeze %dma_start3A_289 : memref<1x128xi32, #tpu.memory_space<vmem>> -> memref<128xi32, #tpu.memory_space<vmem>>
          %dma_start3A_291 = arith.constant 0 : i32
          %dma_start3A_292 = arith.constant 0 : i32
          %dma_start3A_293 = tpu.memref_slice %arg8[%dma_start3A_291, %dma_start3A_292] : memref<50048x32xf32, #tpu.memory_space<vmem_shared>> -> memref<50048x32xf32, #tpu.memory_space<vmem_shared>>
          tpu.enqueue_indirect_dma source(%arg13 : memref<128x32xf32, #tpu.memory_space<vmem>>) target(%dma_start3A_293 : memref<50048x32xf32, #tpu.memory_space<vmem_shared>>) offsets(%dma_start3A_290 : memref<128xi32, #tpu.memory_space<vmem>>) semaphore(%run_scoped3A_287 : memref<!tpu.dma_semaphore, #tpu.memory_space<semaphore_mem>>) {add = true}
          %dma_wait3A_294 = arith.constant 0 : i32
          %dma_wait3A_295 = tpu.memref_slice %arg11[%run_scoped3A_204, %dma_wait3A_294] : memref<3x128xi32, #tpu.memory_space<vmem>> -> memref<1x128xi32, #tpu.memory_space<vmem>>
          %dma_wait3A_296 = tpu.memref_squeeze %dma_wait3A_295 : memref<1x128xi32, #tpu.memory_space<vmem>> -> memref<128xi32, #tpu.memory_space<vmem>>
          %dma_wait3A_297 = arith.constant 0 : i32
          %dma_wait3A_298 = arith.constant 0 : i32
          %dma_wait3A_299 = tpu.memref_slice %arg8[%dma_wait3A_297, %dma_wait3A_298] : memref<50048x32xf32, #tpu.memory_space<vmem_shared>> -> memref<50048x32xf32, #tpu.memory_space<vmem_shared>>
          tpu.wait_indirect_dma semaphore(%run_scoped3A_287 : memref<!tpu.dma_semaphore, #tpu.memory_space<semaphore_mem>>) src(%arg13 : memref<128x32xf32, #tpu.memory_space<vmem>>) dst(%dma_wait3A_299 : memref<50048x32xf32, #tpu.memory_space<vmem_shared>>)
          tpu.yield
        }) : () -> ()
        %run_scoped3A_205 = arith.constant 1 : i32
        "tpu.region"() ({
          %run_scoped3A_287 = tpu.sem_alloc : memref<!tpu.dma_semaphore, #tpu.memory_space<semaphore_mem>>
          %dma_start3A_288 = arith.constant 0 : i32
          %dma_start3A_289 = tpu.memref_slice %arg11[%run_scoped3A_205, %dma_start3A_288] : memref<3x128xi32, #tpu.memory_space<vmem>> -> memref<1x128xi32, #tpu.memory_space<vmem>>
          %dma_start3A_290 = tpu.memref_squeeze %dma_start3A_289 : memref<1x128xi32, #tpu.memory_space<vmem>> -> memref<128xi32, #tpu.memory_space<vmem>>
          %dma_start3A_291 = arith.constant 0 : i32
          %dma_start3A_292 = arith.constant 0 : i32
          %dma_start3A_293 = tpu.memref_slice %arg8[%dma_start3A_291, %dma_start3A_292] : memref<50048x32xf32, #tpu.memory_space<vmem_shared>> -> memref<50048x32xf32, #tpu.memory_space<vmem_shared>>
          tpu.enqueue_indirect_dma source(%arg14 : memref<128x32xf32, #tpu.memory_space<vmem>>) target(%dma_start3A_293 : memref<50048x32xf32, #tpu.memory_space<vmem_shared>>) offsets(%dma_start3A_290 : memref<128xi32, #tpu.memory_space<vmem>>) semaphore(%run_scoped3A_287 : memref<!tpu.dma_semaphore, #tpu.memory_space<semaphore_mem>>) {add = true}
          %dma_wait3A_294 = arith.constant 0 : i32
          %dma_wait3A_295 = tpu.memref_slice %arg11[%run_scoped3A_205, %dma_wait3A_294] : memref<3x128xi32, #tpu.memory_space<vmem>> -> memref<1x128xi32, #tpu.memory_space<vmem>>
          %dma_wait3A_296 = tpu.memref_squeeze %dma_wait3A_295 : memref<1x128xi32, #tpu.memory_space<vmem>> -> memref<128xi32, #tpu.memory_space<vmem>>
          %dma_wait3A_297 = arith.constant 0 : i32
          %dma_wait3A_298 = arith.constant 0 : i32
          %dma_wait3A_299 = tpu.memref_slice %arg8[%dma_wait3A_297, %dma_wait3A_298] : memref<50048x32xf32, #tpu.memory_space<vmem_shared>> -> memref<50048x32xf32, #tpu.memory_space<vmem_shared>>
          tpu.wait_indirect_dma semaphore(%run_scoped3A_287 : memref<!tpu.dma_semaphore, #tpu.memory_space<semaphore_mem>>) src(%arg14 : memref<128x32xf32, #tpu.memory_space<vmem>>) dst(%dma_wait3A_299 : memref<50048x32xf32, #tpu.memory_space<vmem_shared>>)
          tpu.yield
        }) : () -> ()
        %run_scoped3A_206 = arith.constant 2 : i32
        "tpu.region"() ({
          %run_scoped3A_287 = tpu.sem_alloc : memref<!tpu.dma_semaphore, #tpu.memory_space<semaphore_mem>>
          %dma_start3A_288 = arith.constant 0 : i32
          %dma_start3A_289 = tpu.memref_slice %arg11[%run_scoped3A_206, %dma_start3A_288] : memref<3x128xi32, #tpu.memory_space<vmem>> -> memref<1x128xi32, #tpu.memory_space<vmem>>
          %dma_start3A_290 = tpu.memref_squeeze %dma_start3A_289 : memref<1x128xi32, #tpu.memory_space<vmem>> -> memref<128xi32, #tpu.memory_space<vmem>>
          %dma_start3A_291 = arith.constant 0 : i32
          %dma_start3A_292 = arith.constant 0 : i32
          %dma_start3A_293 = tpu.memref_slice %arg8[%dma_start3A_291, %dma_start3A_292] : memref<50048x32xf32, #tpu.memory_space<vmem_shared>> -> memref<50048x32xf32, #tpu.memory_space<vmem_shared>>
          tpu.enqueue_indirect_dma source(%arg15 : memref<128x32xf32, #tpu.memory_space<vmem>>) target(%dma_start3A_293 : memref<50048x32xf32, #tpu.memory_space<vmem_shared>>) offsets(%dma_start3A_290 : memref<128xi32, #tpu.memory_space<vmem>>) semaphore(%run_scoped3A_287 : memref<!tpu.dma_semaphore, #tpu.memory_space<semaphore_mem>>) {add = true}
          %dma_wait3A_294 = arith.constant 0 : i32
          %dma_wait3A_295 = tpu.memref_slice %arg11[%run_scoped3A_206, %dma_wait3A_294] : memref<3x128xi32, #tpu.memory_space<vmem>> -> memref<1x128xi32, #tpu.memory_space<vmem>>
          %dma_wait3A_296 = tpu.memref_squeeze %dma_wait3A_295 : memref<1x128xi32, #tpu.memory_space<vmem>> -> memref<128xi32, #tpu.memory_space<vmem>>
          %dma_wait3A_297 = arith.constant 0 : i32
          %dma_wait3A_298 = arith.constant 0 : i32
          %dma_wait3A_299 = tpu.memref_slice %arg8[%dma_wait3A_297, %dma_wait3A_298] : memref<50048x32xf32, #tpu.memory_space<vmem_shared>> -> memref<50048x32xf32, #tpu.memory_space<vmem_shared>>
          tpu.wait_indirect_dma semaphore(%run_scoped3A_287 : memref<!tpu.dma_semaphore, #tpu.memory_space<semaphore_mem>>) src(%arg15 : memref<128x32xf32, #tpu.memory_space<vmem>>) dst(%dma_wait3A_299 : memref<50048x32xf32, #tpu.memory_space<vmem_shared>>)
          tpu.yield
        }) : () -> ()
        %add3A_207 = arith.constant 2 : i32
        %add3A_208 = arith.addi %mul3A_144, %add3A_207 : i32
        %mul3A_209 = arith.constant 3 : i32
        %mul3A_210 = arith.muli %add3A_208, %mul3A_209 : i32
        %add3A_211 = arith.addi %mul3A_2, %mul3A_210 : i32
        %dma_start3A_212 = arith.constant 0 : i32
        %dma_start3A_213 = tpu.memref_slice %arg3[%add3A_211, %dma_start3A_212] : memref<6336x128xi32, #tpu.memory_space<hbm>> -> memref<3x128xi32, #tpu.memory_space<hbm>>
        %dma_start3A_214 = arith.constant 0 : i32
        %dma_start3A_215 = tpu.memref_slice %arg3[%add3A_211, %dma_start3A_214] : memref<6336x128xi32, #tpu.memory_space<hbm>> -> memref<3x128xi32, #tpu.memory_space<hbm>>
        tpu.enqueue_dma source(%dma_start3A_215 : memref<3x128xi32, #tpu.memory_space<hbm>>) target(%arg11 : memref<3x128xi32, #tpu.memory_space<vmem>>) target_semaphore(%arg21 : memref<!tpu.dma_semaphore, #tpu.memory_space<semaphore_mem>>)
        %dma_wait3A_216 = arith.constant 0 : i32
        %dma_wait3A_217 = tpu.memref_slice %arg2[%mul3A_2, %dma_wait3A_216] : memref<6336x128xi32, #tpu.memory_space<hbm>> -> memref<3x128xi32, #tpu.memory_space<hbm>>
        %dma_wait3A_218 = arith.constant 0 : i32
        %dma_wait3A_219 = tpu.memref_slice %arg2[%mul3A_2, %dma_wait3A_218] : memref<6336x128xi32, #tpu.memory_space<hbm>> -> memref<3x128xi32, #tpu.memory_space<hbm>>
        tpu.wait_dma2 semaphore(%arg19 : memref<!tpu.dma_semaphore, #tpu.memory_space<semaphore_mem>>) src(%dma_wait3A_219 : memref<3x128xi32, #tpu.memory_space<hbm>>) dst(%arg9 : memref<3x128xi32, #tpu.memory_space<vmem>>)
        %dma_start3A_220 = arith.constant 0 : i32
        %dma_start3A_221 = arith.constant 0 : i32
        %dma_start3A_222 = tpu.memref_slice %arg9[%dma_start3A_220, %dma_start3A_221] : memref<3x128xi32, #tpu.memory_space<vmem>> -> memref<1x128xi32, #tpu.memory_space<vmem>>
        %dma_start3A_223 = tpu.memref_squeeze %dma_start3A_222 : memref<1x128xi32, #tpu.memory_space<vmem>> -> memref<128xi32, #tpu.memory_space<vmem>>
        %dma_start3A_224 = arith.constant 0 : i32
        %dma_start3A_225 = arith.constant 0 : i32
        %dma_start3A_226 = tpu.memref_slice %arg5[%dma_start3A_224, %dma_start3A_225] : memref<50048x32xf32, #tpu.memory_space<hbm>> -> memref<50048x32xf32, #tpu.memory_space<hbm>>
        tpu.enqueue_indirect_dma source(%dma_start3A_226 : memref<50048x32xf32, #tpu.memory_space<hbm>>) target(%arg13 : memref<128x32xf32, #tpu.memory_space<vmem>>) offsets(%dma_start3A_223 : memref<128xi32, #tpu.memory_space<vmem>>) semaphore(%arg23 : memref<!tpu.dma_semaphore, #tpu.memory_space<semaphore_mem>>)
        %dma_start3A_227 = arith.constant 1 : i32
        %dma_start3A_228 = arith.constant 0 : i32
        %dma_start3A_229 = tpu.memref_slice %arg9[%dma_start3A_227, %dma_start3A_228] : memref<3x128xi32, #tpu.memory_space<vmem>> -> memref<1x128xi32, #tpu.memory_space<vmem>>
        %dma_start3A_230 = tpu.memref_squeeze %dma_start3A_229 : memref<1x128xi32, #tpu.memory_space<vmem>> -> memref<128xi32, #tpu.memory_space<vmem>>
        %dma_start3A_231 = arith.constant 0 : i32
        %dma_start3A_232 = arith.constant 0 : i32
        %dma_start3A_233 = tpu.memref_slice %arg5[%dma_start3A_231, %dma_start3A_232] : memref<50048x32xf32, #tpu.memory_space<hbm>> -> memref<50048x32xf32, #tpu.memory_space<hbm>>
        tpu.enqueue_indirect_dma source(%dma_start3A_233 : memref<50048x32xf32, #tpu.memory_space<hbm>>) target(%arg14 : memref<128x32xf32, #tpu.memory_space<vmem>>) offsets(%dma_start3A_230 : memref<128xi32, #tpu.memory_space<vmem>>) semaphore(%arg24 : memref<!tpu.dma_semaphore, #tpu.memory_space<semaphore_mem>>)
        %dma_start3A_234 = arith.constant 2 : i32
        %dma_start3A_235 = arith.constant 0 : i32
        %dma_start3A_236 = tpu.memref_slice %arg9[%dma_start3A_234, %dma_start3A_235] : memref<3x128xi32, #tpu.memory_space<vmem>> -> memref<1x128xi32, #tpu.memory_space<vmem>>
        %dma_start3A_237 = tpu.memref_squeeze %dma_start3A_236 : memref<1x128xi32, #tpu.memory_space<vmem>> -> memref<128xi32, #tpu.memory_space<vmem>>
        %dma_start3A_238 = arith.constant 0 : i32
        %dma_start3A_239 = arith.constant 0 : i32
        %dma_start3A_240 = tpu.memref_slice %arg5[%dma_start3A_238, %dma_start3A_239] : memref<50048x32xf32, #tpu.memory_space<hbm>> -> memref<50048x32xf32, #tpu.memory_space<hbm>>
        tpu.enqueue_indirect_dma source(%dma_start3A_240 : memref<50048x32xf32, #tpu.memory_space<hbm>>) target(%arg15 : memref<128x32xf32, #tpu.memory_space<vmem>>) offsets(%dma_start3A_237 : memref<128xi32, #tpu.memory_space<vmem>>) semaphore(%arg25 : memref<!tpu.dma_semaphore, #tpu.memory_space<semaphore_mem>>)
        %dma_wait3A_241 = arith.constant 0 : i32
        %dma_wait3A_242 = arith.constant 0 : i32
        %dma_wait3A_243 = tpu.memref_slice %arg10[%dma_wait3A_241, %dma_wait3A_242] : memref<3x128xi32, #tpu.memory_space<vmem>> -> memref<1x128xi32, #tpu.memory_space<vmem>>
        %dma_wait3A_244 = tpu.memref_squeeze %dma_wait3A_243 : memref<1x128xi32, #tpu.memory_space<vmem>> -> memref<128xi32, #tpu.memory_space<vmem>>
        %dma_wait3A_245 = arith.constant 0 : i32
        %dma_wait3A_246 = arith.constant 0 : i32
        %dma_wait3A_247 = tpu.memref_slice %arg5[%dma_wait3A_245, %dma_wait3A_246] : memref<50048x32xf32, #tpu.memory_space<hbm>> -> memref<50048x32xf32, #tpu.memory_space<hbm>>
        tpu.wait_indirect_dma semaphore(%arg26 : memref<!tpu.dma_semaphore, #tpu.memory_space<semaphore_mem>>) src(%dma_wait3A_247 : memref<50048x32xf32, #tpu.memory_space<hbm>>) dst(%arg16 : memref<128x32xf32, #tpu.memory_space<vmem>>)
        %dma_wait3A_248 = arith.constant 1 : i32
        %dma_wait3A_249 = arith.constant 0 : i32
        %dma_wait3A_250 = tpu.memref_slice %arg10[%dma_wait3A_248, %dma_wait3A_249] : memref<3x128xi32, #tpu.memory_space<vmem>> -> memref<1x128xi32, #tpu.memory_space<vmem>>
        %dma_wait3A_251 = tpu.memref_squeeze %dma_wait3A_250 : memref<1x128xi32, #tpu.memory_space<vmem>> -> memref<128xi32, #tpu.memory_space<vmem>>
        %dma_wait3A_252 = arith.constant 0 : i32
        %dma_wait3A_253 = arith.constant 0 : i32
        %dma_wait3A_254 = tpu.memref_slice %arg5[%dma_wait3A_252, %dma_wait3A_253] : memref<50048x32xf32, #tpu.memory_space<hbm>> -> memref<50048x32xf32, #tpu.memory_space<hbm>>
        tpu.wait_indirect_dma semaphore(%arg27 : memref<!tpu.dma_semaphore, #tpu.memory_space<semaphore_mem>>) src(%dma_wait3A_254 : memref<50048x32xf32, #tpu.memory_space<hbm>>) dst(%arg17 : memref<128x32xf32, #tpu.memory_space<vmem>>)
        %dma_wait3A_255 = arith.constant 2 : i32
        %dma_wait3A_256 = arith.constant 0 : i32
        %dma_wait3A_257 = tpu.memref_slice %arg10[%dma_wait3A_255, %dma_wait3A_256] : memref<3x128xi32, #tpu.memory_space<vmem>> -> memref<1x128xi32, #tpu.memory_space<vmem>>
        %dma_wait3A_258 = tpu.memref_squeeze %dma_wait3A_257 : memref<1x128xi32, #tpu.memory_space<vmem>> -> memref<128xi32, #tpu.memory_space<vmem>>
        %dma_wait3A_259 = arith.constant 0 : i32
        %dma_wait3A_260 = arith.constant 0 : i32
        %dma_wait3A_261 = tpu.memref_slice %arg5[%dma_wait3A_259, %dma_wait3A_260] : memref<50048x32xf32, #tpu.memory_space<hbm>> -> memref<50048x32xf32, #tpu.memory_space<hbm>>
        tpu.wait_indirect_dma semaphore(%arg28 : memref<!tpu.dma_semaphore, #tpu.memory_space<semaphore_mem>>) src(%dma_wait3A_261 : memref<50048x32xf32, #tpu.memory_space<hbm>>) dst(%arg18 : memref<128x32xf32, #tpu.memory_space<vmem>>)
        %add3A_262 = arith.constant 3 : i32
        %add3A_263 = arith.addi %mul3A_144, %add3A_262 : i32
        %mul3A_264 = arith.constant 3 : i32
        %mul3A_265 = arith.muli %add3A_263, %mul3A_264 : i32
        %add3A_266 = arith.addi %mul3A_2, %mul3A_265 : i32
        %dma_start3A_267 = arith.constant 0 : i32
        %dma_start3A_268 = tpu.memref_slice %arg2[%add3A_266, %dma_start3A_267] : memref<6336x128xi32, #tpu.memory_space<hbm>> -> memref<3x128xi32, #tpu.memory_space<hbm>>
        %dma_start3A_269 = arith.constant 0 : i32
        %dma_start3A_270 = tpu.memref_slice %arg2[%add3A_266, %dma_start3A_269] : memref<6336x128xi32, #tpu.memory_space<hbm>> -> memref<3x128xi32, #tpu.memory_space<hbm>>
        tpu.enqueue_dma source(%dma_start3A_270 : memref<3x128xi32, #tpu.memory_space<hbm>>) target(%arg10 : memref<3x128xi32, #tpu.memory_space<vmem>>) target_semaphore(%arg20 : memref<!tpu.dma_semaphore, #tpu.memory_space<semaphore_mem>>)
        %dma_wait3A_271 = arith.constant 0 : i32
        %dma_wait3A_272 = tpu.memref_slice %arg3[%mul3A_2, %dma_wait3A_271] : memref<6336x128xi32, #tpu.memory_space<hbm>> -> memref<3x128xi32, #tpu.memory_space<hbm>>
        %dma_wait3A_273 = arith.constant 0 : i32
        %dma_wait3A_274 = tpu.memref_slice %arg3[%mul3A_2, %dma_wait3A_273] : memref<6336x128xi32, #tpu.memory_space<hbm>> -> memref<3x128xi32, #tpu.memory_space<hbm>>
        tpu.wait_dma2 semaphore(%arg22 : memref<!tpu.dma_semaphore, #tpu.memory_space<semaphore_mem>>) src(%dma_wait3A_274 : memref<3x128xi32, #tpu.memory_space<hbm>>) dst(%arg12 : memref<3x128xi32, #tpu.memory_space<vmem>>)
        %run_scoped3A_275 = arith.constant 0 : i32
        "tpu.region"() ({
          %run_scoped3A_287 = tpu.sem_alloc : memref<!tpu.dma_semaphore, #tpu.memory_space<semaphore_mem>>
          %dma_start3A_288 = arith.constant 0 : i32
          %dma_start3A_289 = tpu.memref_slice %arg12[%run_scoped3A_275, %dma_start3A_288] : memref<3x128xi32, #tpu.memory_space<vmem>> -> memref<1x128xi32, #tpu.memory_space<vmem>>
          %dma_start3A_290 = tpu.memref_squeeze %dma_start3A_289 : memref<1x128xi32, #tpu.memory_space<vmem>> -> memref<128xi32, #tpu.memory_space<vmem>>
          %dma_start3A_291 = arith.constant 0 : i32
          %dma_start3A_292 = arith.constant 0 : i32
          %dma_start3A_293 = tpu.memref_slice %arg8[%dma_start3A_291, %dma_start3A_292] : memref<50048x32xf32, #tpu.memory_space<vmem_shared>> -> memref<50048x32xf32, #tpu.memory_space<vmem_shared>>
          tpu.enqueue_indirect_dma source(%arg16 : memref<128x32xf32, #tpu.memory_space<vmem>>) target(%dma_start3A_293 : memref<50048x32xf32, #tpu.memory_space<vmem_shared>>) offsets(%dma_start3A_290 : memref<128xi32, #tpu.memory_space<vmem>>) semaphore(%run_scoped3A_287 : memref<!tpu.dma_semaphore, #tpu.memory_space<semaphore_mem>>) {add = true}
          %dma_wait3A_294 = arith.constant 0 : i32
          %dma_wait3A_295 = tpu.memref_slice %arg12[%run_scoped3A_275, %dma_wait3A_294] : memref<3x128xi32, #tpu.memory_space<vmem>> -> memref<1x128xi32, #tpu.memory_space<vmem>>
          %dma_wait3A_296 = tpu.memref_squeeze %dma_wait3A_295 : memref<1x128xi32, #tpu.memory_space<vmem>> -> memref<128xi32, #tpu.memory_space<vmem>>
          %dma_wait3A_297 = arith.constant 0 : i32
          %dma_wait3A_298 = arith.constant 0 : i32
          %dma_wait3A_299 = tpu.memref_slice %arg8[%dma_wait3A_297, %dma_wait3A_298] : memref<50048x32xf32, #tpu.memory_space<vmem_shared>> -> memref<50048x32xf32, #tpu.memory_space<vmem_shared>>
          tpu.wait_indirect_dma semaphore(%run_scoped3A_287 : memref<!tpu.dma_semaphore, #tpu.memory_space<semaphore_mem>>) src(%arg16 : memref<128x32xf32, #tpu.memory_space<vmem>>) dst(%dma_wait3A_299 : memref<50048x32xf32, #tpu.memory_space<vmem_shared>>)
          tpu.yield
        }) : () -> ()
        %run_scoped3A_276 = arith.constant 1 : i32
        "tpu.region"() ({
          %run_scoped3A_287 = tpu.sem_alloc : memref<!tpu.dma_semaphore, #tpu.memory_space<semaphore_mem>>
          %dma_start3A_288 = arith.constant 0 : i32
          %dma_start3A_289 = tpu.memref_slice %arg12[%run_scoped3A_276, %dma_start3A_288] : memref<3x128xi32, #tpu.memory_space<vmem>> -> memref<1x128xi32, #tpu.memory_space<vmem>>
          %dma_start3A_290 = tpu.memref_squeeze %dma_start3A_289 : memref<1x128xi32, #tpu.memory_space<vmem>> -> memref<128xi32, #tpu.memory_space<vmem>>
          %dma_start3A_291 = arith.constant 0 : i32
          %dma_start3A_292 = arith.constant 0 : i32
          %dma_start3A_293 = tpu.memref_slice %arg8[%dma_start3A_291, %dma_start3A_292] : memref<50048x32xf32, #tpu.memory_space<vmem_shared>> -> memref<50048x32xf32, #tpu.memory_space<vmem_shared>>
          tpu.enqueue_indirect_dma source(%arg17 : memref<128x32xf32, #tpu.memory_space<vmem>>) target(%dma_start3A_293 : memref<50048x32xf32, #tpu.memory_space<vmem_shared>>) offsets(%dma_start3A_290 : memref<128xi32, #tpu.memory_space<vmem>>) semaphore(%run_scoped3A_287 : memref<!tpu.dma_semaphore, #tpu.memory_space<semaphore_mem>>) {add = true}
          %dma_wait3A_294 = arith.constant 0 : i32
          %dma_wait3A_295 = tpu.memref_slice %arg12[%run_scoped3A_276, %dma_wait3A_294] : memref<3x128xi32, #tpu.memory_space<vmem>> -> memref<1x128xi32, #tpu.memory_space<vmem>>
          %dma_wait3A_296 = tpu.memref_squeeze %dma_wait3A_295 : memref<1x128xi32, #tpu.memory_space<vmem>> -> memref<128xi32, #tpu.memory_space<vmem>>
          %dma_wait3A_297 = arith.constant 0 : i32
          %dma_wait3A_298 = arith.constant 0 : i32
          %dma_wait3A_299 = tpu.memref_slice %arg8[%dma_wait3A_297, %dma_wait3A_298] : memref<50048x32xf32, #tpu.memory_space<vmem_shared>> -> memref<50048x32xf32, #tpu.memory_space<vmem_shared>>
          tpu.wait_indirect_dma semaphore(%run_scoped3A_287 : memref<!tpu.dma_semaphore, #tpu.memory_space<semaphore_mem>>) src(%arg17 : memref<128x32xf32, #tpu.memory_space<vmem>>) dst(%dma_wait3A_299 : memref<50048x32xf32, #tpu.memory_space<vmem_shared>>)
          tpu.yield
        }) : () -> ()
        %run_scoped3A_277 = arith.constant 2 : i32
        "tpu.region"() ({
          %run_scoped3A_287 = tpu.sem_alloc : memref<!tpu.dma_semaphore, #tpu.memory_space<semaphore_mem>>
          %dma_start3A_288 = arith.constant 0 : i32
          %dma_start3A_289 = tpu.memref_slice %arg12[%run_scoped3A_277, %dma_start3A_288] : memref<3x128xi32, #tpu.memory_space<vmem>> -> memref<1x128xi32, #tpu.memory_space<vmem>>
          %dma_start3A_290 = tpu.memref_squeeze %dma_start3A_289 : memref<1x128xi32, #tpu.memory_space<vmem>> -> memref<128xi32, #tpu.memory_space<vmem>>
          %dma_start3A_291 = arith.constant 0 : i32
          %dma_start3A_292 = arith.constant 0 : i32
          %dma_start3A_293 = tpu.memref_slice %arg8[%dma_start3A_291, %dma_start3A_292] : memref<50048x32xf32, #tpu.memory_space<vmem_shared>> -> memref<50048x32xf32, #tpu.memory_space<vmem_shared>>
          tpu.enqueue_indirect_dma source(%arg18 : memref<128x32xf32, #tpu.memory_space<vmem>>) target(%dma_start3A_293 : memref<50048x32xf32, #tpu.memory_space<vmem_shared>>) offsets(%dma_start3A_290 : memref<128xi32, #tpu.memory_space<vmem>>) semaphore(%run_scoped3A_287 : memref<!tpu.dma_semaphore, #tpu.memory_space<semaphore_mem>>) {add = true}
          %dma_wait3A_294 = arith.constant 0 : i32
          %dma_wait3A_295 = tpu.memref_slice %arg12[%run_scoped3A_277, %dma_wait3A_294] : memref<3x128xi32, #tpu.memory_space<vmem>> -> memref<1x128xi32, #tpu.memory_space<vmem>>
          %dma_wait3A_296 = tpu.memref_squeeze %dma_wait3A_295 : memref<1x128xi32, #tpu.memory_space<vmem>> -> memref<128xi32, #tpu.memory_space<vmem>>
          %dma_wait3A_297 = arith.constant 0 : i32
          %dma_wait3A_298 = arith.constant 0 : i32
          %dma_wait3A_299 = tpu.memref_slice %arg8[%dma_wait3A_297, %dma_wait3A_298] : memref<50048x32xf32, #tpu.memory_space<vmem_shared>> -> memref<50048x32xf32, #tpu.memory_space<vmem_shared>>
          tpu.wait_indirect_dma semaphore(%run_scoped3A_287 : memref<!tpu.dma_semaphore, #tpu.memory_space<semaphore_mem>>) src(%arg18 : memref<128x32xf32, #tpu.memory_space<vmem>>) dst(%dma_wait3A_299 : memref<50048x32xf32, #tpu.memory_space<vmem_shared>>)
          tpu.yield
        }) : () -> ()
        %add3A_278 = arith.constant 3 : i32
        %add3A_279 = arith.addi %mul3A_144, %add3A_278 : i32
        %mul3A_280 = arith.constant 3 : i32
        %mul3A_281 = arith.muli %add3A_279, %mul3A_280 : i32
        %add3A_282 = arith.addi %mul3A_2, %mul3A_281 : i32
        %dma_start3A_283 = arith.constant 0 : i32
        %dma_start3A_284 = tpu.memref_slice %arg3[%add3A_282, %dma_start3A_283] : memref<6336x128xi32, #tpu.memory_space<hbm>> -> memref<3x128xi32, #tpu.memory_space<hbm>>
        %dma_start3A_285 = arith.constant 0 : i32
        %dma_start3A_286 = tpu.memref_slice %arg3[%add3A_282, %dma_start3A_285] : memref<6336x128xi32, #tpu.memory_space<hbm>> -> memref<3x128xi32, #tpu.memory_space<hbm>>
        tpu.enqueue_dma source(%dma_start3A_286 : memref<3x128xi32, #tpu.memory_space<hbm>>) target(%arg12 : memref<3x128xi32, #tpu.memory_space<vmem>>) target_semaphore(%arg22 : memref<!tpu.dma_semaphore, #tpu.memory_space<semaphore_mem>>)
      }
      %scan3A_60 = arith.constant 65 : i32
      %dma_wait3A_61 = arith.constant 0 : i32
      %dma_wait3A_62 = tpu.memref_slice %arg2[%mul3A_2, %dma_wait3A_61] : memref<6336x128xi32, #tpu.memory_space<hbm>> -> memref<3x128xi32, #tpu.memory_space<hbm>>
      %dma_wait3A_63 = arith.constant 0 : i32
      %dma_wait3A_64 = tpu.memref_slice %arg2[%mul3A_2, %dma_wait3A_63] : memref<6336x128xi32, #tpu.memory_space<hbm>> -> memref<3x128xi32, #tpu.memory_space<hbm>>
      tpu.wait_dma2 semaphore(%arg20 : memref<!tpu.dma_semaphore, #tpu.memory_space<semaphore_mem>>) src(%dma_wait3A_64 : memref<3x128xi32, #tpu.memory_space<hbm>>) dst(%arg10 : memref<3x128xi32, #tpu.memory_space<vmem>>)
      %dma_start3A_65 = arith.constant 0 : i32
      %dma_start3A_66 = arith.constant 0 : i32
      %dma_start3A_67 = tpu.memref_slice %arg10[%dma_start3A_65, %dma_start3A_66] : memref<3x128xi32, #tpu.memory_space<vmem>> -> memref<1x128xi32, #tpu.memory_space<vmem>>
      %dma_start3A_68 = tpu.memref_squeeze %dma_start3A_67 : memref<1x128xi32, #tpu.memory_space<vmem>> -> memref<128xi32, #tpu.memory_space<vmem>>
      %dma_start3A_69 = arith.constant 0 : i32
      %dma_start3A_70 = arith.constant 0 : i32
      %dma_start3A_71 = tpu.memref_slice %arg5[%dma_start3A_69, %dma_start3A_70] : memref<50048x32xf32, #tpu.memory_space<hbm>> -> memref<50048x32xf32, #tpu.memory_space<hbm>>
      tpu.enqueue_indirect_dma source(%dma_start3A_71 : memref<50048x32xf32, #tpu.memory_space<hbm>>) target(%arg16 : memref<128x32xf32, #tpu.memory_space<vmem>>) offsets(%dma_start3A_68 : memref<128xi32, #tpu.memory_space<vmem>>) semaphore(%arg26 : memref<!tpu.dma_semaphore, #tpu.memory_space<semaphore_mem>>)
      %dma_start3A_72 = arith.constant 1 : i32
      %dma_start3A_73 = arith.constant 0 : i32
      %dma_start3A_74 = tpu.memref_slice %arg10[%dma_start3A_72, %dma_start3A_73] : memref<3x128xi32, #tpu.memory_space<vmem>> -> memref<1x128xi32, #tpu.memory_space<vmem>>
      %dma_start3A_75 = tpu.memref_squeeze %dma_start3A_74 : memref<1x128xi32, #tpu.memory_space<vmem>> -> memref<128xi32, #tpu.memory_space<vmem>>
      %dma_start3A_76 = arith.constant 0 : i32
      %dma_start3A_77 = arith.constant 0 : i32
      %dma_start3A_78 = tpu.memref_slice %arg5[%dma_start3A_76, %dma_start3A_77] : memref<50048x32xf32, #tpu.memory_space<hbm>> -> memref<50048x32xf32, #tpu.memory_space<hbm>>
      tpu.enqueue_indirect_dma source(%dma_start3A_78 : memref<50048x32xf32, #tpu.memory_space<hbm>>) target(%arg17 : memref<128x32xf32, #tpu.memory_space<vmem>>) offsets(%dma_start3A_75 : memref<128xi32, #tpu.memory_space<vmem>>) semaphore(%arg27 : memref<!tpu.dma_semaphore, #tpu.memory_space<semaphore_mem>>)
      %dma_start3A_79 = arith.constant 2 : i32
      %dma_start3A_80 = arith.constant 0 : i32
      %dma_start3A_81 = tpu.memref_slice %arg10[%dma_start3A_79, %dma_start3A_80] : memref<3x128xi32, #tpu.memory_space<vmem>> -> memref<1x128xi32, #tpu.memory_space<vmem>>
      %dma_start3A_82 = tpu.memref_squeeze %dma_start3A_81 : memref<1x128xi32, #tpu.memory_space<vmem>> -> memref<128xi32, #tpu.memory_space<vmem>>
      %dma_start3A_83 = arith.constant 0 : i32
      %dma_start3A_84 = arith.constant 0 : i32
      %dma_start3A_85 = tpu.memref_slice %arg5[%dma_start3A_83, %dma_start3A_84] : memref<50048x32xf32, #tpu.memory_space<hbm>> -> memref<50048x32xf32, #tpu.memory_space<hbm>>
      tpu.enqueue_indirect_dma source(%dma_start3A_85 : memref<50048x32xf32, #tpu.memory_space<hbm>>) target(%arg18 : memref<128x32xf32, #tpu.memory_space<vmem>>) offsets(%dma_start3A_82 : memref<128xi32, #tpu.memory_space<vmem>>) semaphore(%arg28 : memref<!tpu.dma_semaphore, #tpu.memory_space<semaphore_mem>>)
      %dma_wait3A_86 = arith.constant 0 : i32
      %dma_wait3A_87 = arith.constant 0 : i32
      %dma_wait3A_88 = tpu.memref_slice %arg9[%dma_wait3A_86, %dma_wait3A_87] : memref<3x128xi32, #tpu.memory_space<vmem>> -> memref<1x128xi32, #tpu.memory_space<vmem>>
      %dma_wait3A_89 = tpu.memref_squeeze %dma_wait3A_88 : memref<1x128xi32, #tpu.memory_space<vmem>> -> memref<128xi32, #tpu.memory_space<vmem>>
      %dma_wait3A_90 = arith.constant 0 : i32
      %dma_wait3A_91 = arith.constant 0 : i32
      %dma_wait3A_92 = tpu.memref_slice %arg5[%dma_wait3A_90, %dma_wait3A_91] : memref<50048x32xf32, #tpu.memory_space<hbm>> -> memref<50048x32xf32, #tpu.memory_space<hbm>>
      tpu.wait_indirect_dma semaphore(%arg23 : memref<!tpu.dma_semaphore, #tpu.memory_space<semaphore_mem>>) src(%dma_wait3A_92 : memref<50048x32xf32, #tpu.memory_space<hbm>>) dst(%arg13 : memref<128x32xf32, #tpu.memory_space<vmem>>)
      %dma_wait3A_93 = arith.constant 1 : i32
      %dma_wait3A_94 = arith.constant 0 : i32
      %dma_wait3A_95 = tpu.memref_slice %arg9[%dma_wait3A_93, %dma_wait3A_94] : memref<3x128xi32, #tpu.memory_space<vmem>> -> memref<1x128xi32, #tpu.memory_space<vmem>>
      %dma_wait3A_96 = tpu.memref_squeeze %dma_wait3A_95 : memref<1x128xi32, #tpu.memory_space<vmem>> -> memref<128xi32, #tpu.memory_space<vmem>>
      %dma_wait3A_97 = arith.constant 0 : i32
      %dma_wait3A_98 = arith.constant 0 : i32
      %dma_wait3A_99 = tpu.memref_slice %arg5[%dma_wait3A_97, %dma_wait3A_98] : memref<50048x32xf32, #tpu.memory_space<hbm>> -> memref<50048x32xf32, #tpu.memory_space<hbm>>
      tpu.wait_indirect_dma semaphore(%arg24 : memref<!tpu.dma_semaphore, #tpu.memory_space<semaphore_mem>>) src(%dma_wait3A_99 : memref<50048x32xf32, #tpu.memory_space<hbm>>) dst(%arg14 : memref<128x32xf32, #tpu.memory_space<vmem>>)
      %dma_wait3A_100 = arith.constant 2 : i32
      %dma_wait3A_101 = arith.constant 0 : i32
      %dma_wait3A_102 = tpu.memref_slice %arg9[%dma_wait3A_100, %dma_wait3A_101] : memref<3x128xi32, #tpu.memory_space<vmem>> -> memref<1x128xi32, #tpu.memory_space<vmem>>
      %dma_wait3A_103 = tpu.memref_squeeze %dma_wait3A_102 : memref<1x128xi32, #tpu.memory_space<vmem>> -> memref<128xi32, #tpu.memory_space<vmem>>
      %dma_wait3A_104 = arith.constant 0 : i32
      %dma_wait3A_105 = arith.constant 0 : i32
      %dma_wait3A_106 = tpu.memref_slice %arg5[%dma_wait3A_104, %dma_wait3A_105] : memref<50048x32xf32, #tpu.memory_space<hbm>> -> memref<50048x32xf32, #tpu.memory_space<hbm>>
      tpu.wait_indirect_dma semaphore(%arg25 : memref<!tpu.dma_semaphore, #tpu.memory_space<semaphore_mem>>) src(%dma_wait3A_106 : memref<50048x32xf32, #tpu.memory_space<hbm>>) dst(%arg15 : memref<128x32xf32, #tpu.memory_space<vmem>>)
      %dma_wait3A_107 = arith.constant 0 : i32
      %dma_wait3A_108 = tpu.memref_slice %arg3[%mul3A_2, %dma_wait3A_107] : memref<6336x128xi32, #tpu.memory_space<hbm>> -> memref<3x128xi32, #tpu.memory_space<hbm>>
      %dma_wait3A_109 = arith.constant 0 : i32
      %dma_wait3A_110 = tpu.memref_slice %arg3[%mul3A_2, %dma_wait3A_109] : memref<6336x128xi32, #tpu.memory_space<hbm>> -> memref<3x128xi32, #tpu.memory_space<hbm>>
      tpu.wait_dma2 semaphore(%arg21 : memref<!tpu.dma_semaphore, #tpu.memory_space<semaphore_mem>>) src(%dma_wait3A_110 : memref<3x128xi32, #tpu.memory_space<hbm>>) dst(%arg11 : memref<3x128xi32, #tpu.memory_space<vmem>>)
      %run_scoped3A = arith.constant 0 : i32
      "tpu.region"() ({
        %run_scoped3A_142 = tpu.sem_alloc : memref<!tpu.dma_semaphore, #tpu.memory_space<semaphore_mem>>
        %dma_start3A_143 = arith.constant 0 : i32
        %dma_start3A_144 = tpu.memref_slice %arg11[%run_scoped3A, %dma_start3A_143] : memref<3x128xi32, #tpu.memory_space<vmem>> -> memref<1x128xi32, #tpu.memory_space<vmem>>
        %dma_start3A_145 = tpu.memref_squeeze %dma_start3A_144 : memref<1x128xi32, #tpu.memory_space<vmem>> -> memref<128xi32, #tpu.memory_space<vmem>>
        %dma_start3A_146 = arith.constant 0 : i32
        %dma_start3A_147 = arith.constant 0 : i32
        %dma_start3A_148 = tpu.memref_slice %arg8[%dma_start3A_146, %dma_start3A_147] : memref<50048x32xf32, #tpu.memory_space<vmem_shared>> -> memref<50048x32xf32, #tpu.memory_space<vmem_shared>>
        tpu.enqueue_indirect_dma source(%arg13 : memref<128x32xf32, #tpu.memory_space<vmem>>) target(%dma_start3A_148 : memref<50048x32xf32, #tpu.memory_space<vmem_shared>>) offsets(%dma_start3A_145 : memref<128xi32, #tpu.memory_space<vmem>>) semaphore(%run_scoped3A_142 : memref<!tpu.dma_semaphore, #tpu.memory_space<semaphore_mem>>) {add = true}
        %dma_wait3A_149 = arith.constant 0 : i32
        %dma_wait3A_150 = tpu.memref_slice %arg11[%run_scoped3A, %dma_wait3A_149] : memref<3x128xi32, #tpu.memory_space<vmem>> -> memref<1x128xi32, #tpu.memory_space<vmem>>
        %dma_wait3A_151 = tpu.memref_squeeze %dma_wait3A_150 : memref<1x128xi32, #tpu.memory_space<vmem>> -> memref<128xi32, #tpu.memory_space<vmem>>
        %dma_wait3A_152 = arith.constant 0 : i32
        %dma_wait3A_153 = arith.constant 0 : i32
        %dma_wait3A_154 = tpu.memref_slice %arg8[%dma_wait3A_152, %dma_wait3A_153] : memref<50048x32xf32, #tpu.memory_space<vmem_shared>> -> memref<50048x32xf32, #tpu.memory_space<vmem_shared>>
        tpu.wait_indirect_dma semaphore(%run_scoped3A_142 : memref<!tpu.dma_semaphore, #tpu.memory_space<semaphore_mem>>) src(%arg13 : memref<128x32xf32, #tpu.memory_space<vmem>>) dst(%dma_wait3A_154 : memref<50048x32xf32, #tpu.memory_space<vmem_shared>>)
        tpu.yield
      }) : () -> ()
      %run_scoped3A_111 = arith.constant 1 : i32
      "tpu.region"() ({
        %run_scoped3A_142 = tpu.sem_alloc : memref<!tpu.dma_semaphore, #tpu.memory_space<semaphore_mem>>
        %dma_start3A_143 = arith.constant 0 : i32
        %dma_start3A_144 = tpu.memref_slice %arg11[%run_scoped3A_111, %dma_start3A_143] : memref<3x128xi32, #tpu.memory_space<vmem>> -> memref<1x128xi32, #tpu.memory_space<vmem>>
        %dma_start3A_145 = tpu.memref_squeeze %dma_start3A_144 : memref<1x128xi32, #tpu.memory_space<vmem>> -> memref<128xi32, #tpu.memory_space<vmem>>
        %dma_start3A_146 = arith.constant 0 : i32
        %dma_start3A_147 = arith.constant 0 : i32
        %dma_start3A_148 = tpu.memref_slice %arg8[%dma_start3A_146, %dma_start3A_147] : memref<50048x32xf32, #tpu.memory_space<vmem_shared>> -> memref<50048x32xf32, #tpu.memory_space<vmem_shared>>
        tpu.enqueue_indirect_dma source(%arg14 : memref<128x32xf32, #tpu.memory_space<vmem>>) target(%dma_start3A_148 : memref<50048x32xf32, #tpu.memory_space<vmem_shared>>) offsets(%dma_start3A_145 : memref<128xi32, #tpu.memory_space<vmem>>) semaphore(%run_scoped3A_142 : memref<!tpu.dma_semaphore, #tpu.memory_space<semaphore_mem>>) {add = true}
        %dma_wait3A_149 = arith.constant 0 : i32
        %dma_wait3A_150 = tpu.memref_slice %arg11[%run_scoped3A_111, %dma_wait3A_149] : memref<3x128xi32, #tpu.memory_space<vmem>> -> memref<1x128xi32, #tpu.memory_space<vmem>>
        %dma_wait3A_151 = tpu.memref_squeeze %dma_wait3A_150 : memref<1x128xi32, #tpu.memory_space<vmem>> -> memref<128xi32, #tpu.memory_space<vmem>>
        %dma_wait3A_152 = arith.constant 0 : i32
        %dma_wait3A_153 = arith.constant 0 : i32
        %dma_wait3A_154 = tpu.memref_slice %arg8[%dma_wait3A_152, %dma_wait3A_153] : memref<50048x32xf32, #tpu.memory_space<vmem_shared>> -> memref<50048x32xf32, #tpu.memory_space<vmem_shared>>
        tpu.wait_indirect_dma semaphore(%run_scoped3A_142 : memref<!tpu.dma_semaphore, #tpu.memory_space<semaphore_mem>>) src(%arg14 : memref<128x32xf32, #tpu.memory_space<vmem>>) dst(%dma_wait3A_154 : memref<50048x32xf32, #tpu.memory_space<vmem_shared>>)
        tpu.yield
      }) : () -> ()
      %run_scoped3A_112 = arith.constant 2 : i32
      "tpu.region"() ({
        %run_scoped3A_142 = tpu.sem_alloc : memref<!tpu.dma_semaphore, #tpu.memory_space<semaphore_mem>>
        %dma_start3A_143 = arith.constant 0 : i32
        %dma_start3A_144 = tpu.memref_slice %arg11[%run_scoped3A_112, %dma_start3A_143] : memref<3x128xi32, #tpu.memory_space<vmem>> -> memref<1x128xi32, #tpu.memory_space<vmem>>
        %dma_start3A_145 = tpu.memref_squeeze %dma_start3A_144 : memref<1x128xi32, #tpu.memory_space<vmem>> -> memref<128xi32, #tpu.memory_space<vmem>>
        %dma_start3A_146 = arith.constant 0 : i32
        %dma_start3A_147 = arith.constant 0 : i32
        %dma_start3A_148 = tpu.memref_slice %arg8[%dma_start3A_146, %dma_start3A_147] : memref<50048x32xf32, #tpu.memory_space<vmem_shared>> -> memref<50048x32xf32, #tpu.memory_space<vmem_shared>>
        tpu.enqueue_indirect_dma source(%arg15 : memref<128x32xf32, #tpu.memory_space<vmem>>) target(%dma_start3A_148 : memref<50048x32xf32, #tpu.memory_space<vmem_shared>>) offsets(%dma_start3A_145 : memref<128xi32, #tpu.memory_space<vmem>>) semaphore(%run_scoped3A_142 : memref<!tpu.dma_semaphore, #tpu.memory_space<semaphore_mem>>) {add = true}
        %dma_wait3A_149 = arith.constant 0 : i32
        %dma_wait3A_150 = tpu.memref_slice %arg11[%run_scoped3A_112, %dma_wait3A_149] : memref<3x128xi32, #tpu.memory_space<vmem>> -> memref<1x128xi32, #tpu.memory_space<vmem>>
        %dma_wait3A_151 = tpu.memref_squeeze %dma_wait3A_150 : memref<1x128xi32, #tpu.memory_space<vmem>> -> memref<128xi32, #tpu.memory_space<vmem>>
        %dma_wait3A_152 = arith.constant 0 : i32
        %dma_wait3A_153 = arith.constant 0 : i32
        %dma_wait3A_154 = tpu.memref_slice %arg8[%dma_wait3A_152, %dma_wait3A_153] : memref<50048x32xf32, #tpu.memory_space<vmem_shared>> -> memref<50048x32xf32, #tpu.memory_space<vmem_shared>>
        tpu.wait_indirect_dma semaphore(%run_scoped3A_142 : memref<!tpu.dma_semaphore, #tpu.memory_space<semaphore_mem>>) src(%arg15 : memref<128x32xf32, #tpu.memory_space<vmem>>) dst(%dma_wait3A_154 : memref<50048x32xf32, #tpu.memory_space<vmem_shared>>)
        tpu.yield
      }) : () -> ()
      %dma_wait3A_113 = arith.constant 0 : i32
      %dma_wait3A_114 = arith.constant 0 : i32
      %dma_wait3A_115 = tpu.memref_slice %arg10[%dma_wait3A_113, %dma_wait3A_114] : memref<3x128xi32, #tpu.memory_space<vmem>> -> memref<1x128xi32, #tpu.memory_space<vmem>>
      %dma_wait3A_116 = tpu.memref_squeeze %dma_wait3A_115 : memref<1x128xi32, #tpu.memory_space<vmem>> -> memref<128xi32, #tpu.memory_space<vmem>>
      %dma_wait3A_117 = arith.constant 0 : i32
      %dma_wait3A_118 = arith.constant 0 : i32
      %dma_wait3A_119 = tpu.memref_slice %arg5[%dma_wait3A_117, %dma_wait3A_118] : memref<50048x32xf32, #tpu.memory_space<hbm>> -> memref<50048x32xf32, #tpu.memory_space<hbm>>
      tpu.wait_indirect_dma semaphore(%arg26 : memref<!tpu.dma_semaphore, #tpu.memory_space<semaphore_mem>>) src(%dma_wait3A_119 : memref<50048x32xf32, #tpu.memory_space<hbm>>) dst(%arg16 : memref<128x32xf32, #tpu.memory_space<vmem>>)
      %dma_wait3A_120 = arith.constant 1 : i32
      %dma_wait3A_121 = arith.constant 0 : i32
      %dma_wait3A_122 = tpu.memref_slice %arg10[%dma_wait3A_120, %dma_wait3A_121] : memref<3x128xi32, #tpu.memory_space<vmem>> -> memref<1x128xi32, #tpu.memory_space<vmem>>
      %dma_wait3A_123 = tpu.memref_squeeze %dma_wait3A_122 : memref<1x128xi32, #tpu.memory_space<vmem>> -> memref<128xi32, #tpu.memory_space<vmem>>
      %dma_wait3A_124 = arith.constant 0 : i32
      %dma_wait3A_125 = arith.constant 0 : i32
      %dma_wait3A_126 = tpu.memref_slice %arg5[%dma_wait3A_124, %dma_wait3A_125] : memref<50048x32xf32, #tpu.memory_space<hbm>> -> memref<50048x32xf32, #tpu.memory_space<hbm>>
      tpu.wait_indirect_dma semaphore(%arg27 : memref<!tpu.dma_semaphore, #tpu.memory_space<semaphore_mem>>) src(%dma_wait3A_126 : memref<50048x32xf32, #tpu.memory_space<hbm>>) dst(%arg17 : memref<128x32xf32, #tpu.memory_space<vmem>>)
      %dma_wait3A_127 = arith.constant 2 : i32
      %dma_wait3A_128 = arith.constant 0 : i32
      %dma_wait3A_129 = tpu.memref_slice %arg10[%dma_wait3A_127, %dma_wait3A_128] : memref<3x128xi32, #tpu.memory_space<vmem>> -> memref<1x128xi32, #tpu.memory_space<vmem>>
      %dma_wait3A_130 = tpu.memref_squeeze %dma_wait3A_129 : memref<1x128xi32, #tpu.memory_space<vmem>> -> memref<128xi32, #tpu.memory_space<vmem>>
      %dma_wait3A_131 = arith.constant 0 : i32
      %dma_wait3A_132 = arith.constant 0 : i32
      %dma_wait3A_133 = tpu.memref_slice %arg5[%dma_wait3A_131, %dma_wait3A_132] : memref<50048x32xf32, #tpu.memory_space<hbm>> -> memref<50048x32xf32, #tpu.memory_space<hbm>>
      tpu.wait_indirect_dma semaphore(%arg28 : memref<!tpu.dma_semaphore, #tpu.memory_space<semaphore_mem>>) src(%dma_wait3A_133 : memref<50048x32xf32, #tpu.memory_space<hbm>>) dst(%arg18 : memref<128x32xf32, #tpu.memory_space<vmem>>)
      %dma_wait3A_134 = arith.constant 0 : i32
      %dma_wait3A_135 = tpu.memref_slice %arg3[%mul3A_2, %dma_wait3A_134] : memref<6336x128xi32, #tpu.memory_space<hbm>> -> memref<3x128xi32, #tpu.memory_space<hbm>>
      %dma_wait3A_136 = arith.constant 0 : i32
      %dma_wait3A_137 = tpu.memref_slice %arg3[%mul3A_2, %dma_wait3A_136] : memref<6336x128xi32, #tpu.memory_space<hbm>> -> memref<3x128xi32, #tpu.memory_space<hbm>>
      tpu.wait_dma2 semaphore(%arg22 : memref<!tpu.dma_semaphore, #tpu.memory_space<semaphore_mem>>) src(%dma_wait3A_137 : memref<3x128xi32, #tpu.memory_space<hbm>>) dst(%arg12 : memref<3x128xi32, #tpu.memory_space<vmem>>)
      %run_scoped3A_138 = arith.constant 0 : i32
      "tpu.region"() ({
        %run_scoped3A_142 = tpu.sem_alloc : memref<!tpu.dma_semaphore, #tpu.memory_space<semaphore_mem>>
        %dma_start3A_143 = arith.constant 0 : i32
        %dma_start3A_144 = tpu.memref_slice %arg12[%run_scoped3A_138, %dma_start3A_143] : memref<3x128xi32, #tpu.memory_space<vmem>> -> memref<1x128xi32, #tpu.memory_space<vmem>>
        %dma_start3A_145 = tpu.memref_squeeze %dma_start3A_144 : memref<1x128xi32, #tpu.memory_space<vmem>> -> memref<128xi32, #tpu.memory_space<vmem>>
        %dma_start3A_146 = arith.constant 0 : i32
        %dma_start3A_147 = arith.constant 0 : i32
        %dma_start3A_148 = tpu.memref_slice %arg8[%dma_start3A_146, %dma_start3A_147] : memref<50048x32xf32, #tpu.memory_space<vmem_shared>> -> memref<50048x32xf32, #tpu.memory_space<vmem_shared>>
        tpu.enqueue_indirect_dma source(%arg16 : memref<128x32xf32, #tpu.memory_space<vmem>>) target(%dma_start3A_148 : memref<50048x32xf32, #tpu.memory_space<vmem_shared>>) offsets(%dma_start3A_145 : memref<128xi32, #tpu.memory_space<vmem>>) semaphore(%run_scoped3A_142 : memref<!tpu.dma_semaphore, #tpu.memory_space<semaphore_mem>>) {add = true}
        %dma_wait3A_149 = arith.constant 0 : i32
        %dma_wait3A_150 = tpu.memref_slice %arg12[%run_scoped3A_138, %dma_wait3A_149] : memref<3x128xi32, #tpu.memory_space<vmem>> -> memref<1x128xi32, #tpu.memory_space<vmem>>
        %dma_wait3A_151 = tpu.memref_squeeze %dma_wait3A_150 : memref<1x128xi32, #tpu.memory_space<vmem>> -> memref<128xi32, #tpu.memory_space<vmem>>
        %dma_wait3A_152 = arith.constant 0 : i32
        %dma_wait3A_153 = arith.constant 0 : i32
        %dma_wait3A_154 = tpu.memref_slice %arg8[%dma_wait3A_152, %dma_wait3A_153] : memref<50048x32xf32, #tpu.memory_space<vmem_shared>> -> memref<50048x32xf32, #tpu.memory_space<vmem_shared>>
        tpu.wait_indirect_dma semaphore(%run_scoped3A_142 : memref<!tpu.dma_semaphore, #tpu.memory_space<semaphore_mem>>) src(%arg16 : memref<128x32xf32, #tpu.memory_space<vmem>>) dst(%dma_wait3A_154 : memref<50048x32xf32, #tpu.memory_space<vmem_shared>>)
        tpu.yield
      }) : () -> ()
      %run_scoped3A_139 = arith.constant 1 : i32
      "tpu.region"() ({
        %run_scoped3A_142 = tpu.sem_alloc : memref<!tpu.dma_semaphore, #tpu.memory_space<semaphore_mem>>
        %dma_start3A_143 = arith.constant 0 : i32
        %dma_start3A_144 = tpu.memref_slice %arg12[%run_scoped3A_139, %dma_start3A_143] : memref<3x128xi32, #tpu.memory_space<vmem>> -> memref<1x128xi32, #tpu.memory_space<vmem>>
        %dma_start3A_145 = tpu.memref_squeeze %dma_start3A_144 : memref<1x128xi32, #tpu.memory_space<vmem>> -> memref<128xi32, #tpu.memory_space<vmem>>
        %dma_start3A_146 = arith.constant 0 : i32
        %dma_start3A_147 = arith.constant 0 : i32
        %dma_start3A_148 = tpu.memref_slice %arg8[%dma_start3A_146, %dma_start3A_147] : memref<50048x32xf32, #tpu.memory_space<vmem_shared>> -> memref<50048x32xf32, #tpu.memory_space<vmem_shared>>
        tpu.enqueue_indirect_dma source(%arg17 : memref<128x32xf32, #tpu.memory_space<vmem>>) target(%dma_start3A_148 : memref<50048x32xf32, #tpu.memory_space<vmem_shared>>) offsets(%dma_start3A_145 : memref<128xi32, #tpu.memory_space<vmem>>) semaphore(%run_scoped3A_142 : memref<!tpu.dma_semaphore, #tpu.memory_space<semaphore_mem>>) {add = true}
        %dma_wait3A_149 = arith.constant 0 : i32
        %dma_wait3A_150 = tpu.memref_slice %arg12[%run_scoped3A_139, %dma_wait3A_149] : memref<3x128xi32, #tpu.memory_space<vmem>> -> memref<1x128xi32, #tpu.memory_space<vmem>>
        %dma_wait3A_151 = tpu.memref_squeeze %dma_wait3A_150 : memref<1x128xi32, #tpu.memory_space<vmem>> -> memref<128xi32, #tpu.memory_space<vmem>>
        %dma_wait3A_152 = arith.constant 0 : i32
        %dma_wait3A_153 = arith.constant 0 : i32
        %dma_wait3A_154 = tpu.memref_slice %arg8[%dma_wait3A_152, %dma_wait3A_153] : memref<50048x32xf32, #tpu.memory_space<vmem_shared>> -> memref<50048x32xf32, #tpu.memory_space<vmem_shared>>
        tpu.wait_indirect_dma semaphore(%run_scoped3A_142 : memref<!tpu.dma_semaphore, #tpu.memory_space<semaphore_mem>>) src(%arg17 : memref<128x32xf32, #tpu.memory_space<vmem>>) dst(%dma_wait3A_154 : memref<50048x32xf32, #tpu.memory_space<vmem_shared>>)
        tpu.yield
      }) : () -> ()
      %run_scoped3A_140 = arith.constant 2 : i32
      "tpu.region"() ({
        %run_scoped3A_142 = tpu.sem_alloc : memref<!tpu.dma_semaphore, #tpu.memory_space<semaphore_mem>>
        %dma_start3A_143 = arith.constant 0 : i32
        %dma_start3A_144 = tpu.memref_slice %arg12[%run_scoped3A_140, %dma_start3A_143] : memref<3x128xi32, #tpu.memory_space<vmem>> -> memref<1x128xi32, #tpu.memory_space<vmem>>
        %dma_start3A_145 = tpu.memref_squeeze %dma_start3A_144 : memref<1x128xi32, #tpu.memory_space<vmem>> -> memref<128xi32, #tpu.memory_space<vmem>>
        %dma_start3A_146 = arith.constant 0 : i32
        %dma_start3A_147 = arith.constant 0 : i32
        %dma_start3A_148 = tpu.memref_slice %arg8[%dma_start3A_146, %dma_start3A_147] : memref<50048x32xf32, #tpu.memory_space<vmem_shared>> -> memref<50048x32xf32, #tpu.memory_space<vmem_shared>>
        tpu.enqueue_indirect_dma source(%arg18 : memref<128x32xf32, #tpu.memory_space<vmem>>) target(%dma_start3A_148 : memref<50048x32xf32, #tpu.memory_space<vmem_shared>>) offsets(%dma_start3A_145 : memref<128xi32, #tpu.memory_space<vmem>>) semaphore(%run_scoped3A_142 : memref<!tpu.dma_semaphore, #tpu.memory_space<semaphore_mem>>) {add = true}
        %dma_wait3A_149 = arith.constant 0 : i32
        %dma_wait3A_150 = tpu.memref_slice %arg12[%run_scoped3A_140, %dma_wait3A_149] : memref<3x128xi32, #tpu.memory_space<vmem>> -> memref<1x128xi32, #tpu.memory_space<vmem>>
        %dma_wait3A_151 = tpu.memref_squeeze %dma_wait3A_150 : memref<1x128xi32, #tpu.memory_space<vmem>> -> memref<128xi32, #tpu.memory_space<vmem>>
        %dma_wait3A_152 = arith.constant 0 : i32
        %dma_wait3A_153 = arith.constant 0 : i32
        %dma_wait3A_154 = tpu.memref_slice %arg8[%dma_wait3A_152, %dma_wait3A_153] : memref<50048x32xf32, #tpu.memory_space<vmem_shared>> -> memref<50048x32xf32, #tpu.memory_space<vmem_shared>>
        tpu.wait_indirect_dma semaphore(%run_scoped3A_142 : memref<!tpu.dma_semaphore, #tpu.memory_space<semaphore_mem>>) src(%arg18 : memref<128x32xf32, #tpu.memory_space<vmem>>) dst(%dma_wait3A_154 : memref<50048x32xf32, #tpu.memory_space<vmem_shared>>)
        tpu.yield
      }) : () -> ()
      %barrier3A_141 = arith.constant 0 : index
      tpu.barrier barrier_id(%barrier3A_141)
      "tpu.region"() ({
        %run_scoped3A_142 = tpu.sem_alloc : memref<!tpu.dma_semaphore, #tpu.memory_space<semaphore_mem>>
        %dma_start3A_143 = arith.constant 0 : i32
        %dma_start3A_144 = tpu.memref_slice %arg7[%mul3A_0, %dma_start3A_143] : memref<50048x32xf32, #tpu.memory_space<hbm>> -> memref<3128x32xf32, #tpu.memory_space<hbm>>
        %dma_start3A_145 = arith.constant 0 : i32
        %dma_start3A_146 = tpu.memref_slice %arg8[%mul3A_0, %dma_start3A_145] : memref<50048x32xf32, #tpu.memory_space<vmem_shared>> -> memref<3128x32xf32, #tpu.memory_space<vmem_shared>>
        tpu.enqueue_dma source(%dma_start3A_146 : memref<3128x32xf32, #tpu.memory_space<vmem_shared>>) target(%dma_start3A_144 : memref<3128x32xf32, #tpu.memory_space<hbm>>) target_semaphore(%run_scoped3A_142 : memref<!tpu.dma_semaphore, #tpu.memory_space<semaphore_mem>>)
        %dma_wait3A_147 = arith.constant 0 : i32
        %dma_wait3A_148 = tpu.memref_slice %arg7[%mul3A_0, %dma_wait3A_147] : memref<50048x32xf32, #tpu.memory_space<hbm>> -> memref<3128x32xf32, #tpu.memory_space<hbm>>
        %dma_wait3A_149 = arith.constant 0 : i32
        %dma_wait3A_150 = tpu.memref_slice %arg8[%mul3A_0, %dma_wait3A_149] : memref<50048x32xf32, #tpu.memory_space<vmem_shared>> -> memref<3128x32xf32, #tpu.memory_space<vmem_shared>>
        tpu.wait_dma2 semaphore(%run_scoped3A_142 : memref<!tpu.dma_semaphore, #tpu.memory_space<semaphore_mem>>) src(%dma_wait3A_150 : memref<3128x32xf32, #tpu.memory_space<vmem_shared>>) dst(%dma_wait3A_148 : memref<3128x32xf32, #tpu.memory_space<hbm>>)
        tpu.yield
      }) : () -> ()
    } else {
    }
    return
  }
}

module attributes {stable_mosaic.version = 14 : i64} {
  func.func @_tc_a_body(%arg0: i32, %arg1: memref<1088x20xf32, #tpu.memory_space<vmem>>, %arg2: memref<20x64xf32, #tpu.memory_space<vmem>>, %arg3: memref<1088x16xf32, #tpu.memory_space<vmem>>, %arg4: memref<1088x16xf32, #tpu.memory_space<vmem>>, %arg5: memref<1088x32xf32, #tpu.memory_space<vmem>>, %arg6: memref<1088x32xf32, #tpu.memory_space<vmem>>, %arg7: memref<1088x1xf32, #tpu.memory_space<vmem>>) attributes {dimension_semantics = [#tpu.dimension_semantics<arbitrary>], iteration_bounds = array<i64: 46>, scalar_prefetch = 0 : i64, scratch_operands = 0 : i64, tpu.core_type = #tpu.core_type<tc>, window_params = [{transform_indices = @transform_0, window_bounds = array<i64: 1088, 20>}, {pipeline_mode = #tpu.pipeline_mode<synchronous>, transform_indices = @transform_1, window_bounds = array<i64: 20, 64>}, {transform_indices = @transform_2, window_bounds = array<i64: 1088, 16>}, {transform_indices = @transform_3, window_bounds = array<i64: 1088, 16>}, {transform_indices = @transform_4, window_bounds = array<i64: 1088, 32>}, {transform_indices = @transform_5, window_bounds = array<i64: 1088, 32>}, {transform_indices = @transform_6, window_bounds = array<i64: 1088, 1>}]} {
    %get3A = arith.constant 0 : index
    %get3A_0 = arith.constant 0 : index
    %get3A_1 = vector.load %arg3[%get3A, %get3A_0] : memref<1088x16xf32, #tpu.memory_space<vmem>>, vector<1088x1xf32>
    %get3A_2 = arith.constant 0 : index
    %get3A_3 = arith.constant 0 : index
    %get3A_4 = vector.load %arg4[%get3A_2, %get3A_3] : memref<1088x16xf32, #tpu.memory_space<vmem>>, vector<1088x1xf32>
    %add3A = arith.addf %get3A_1, %get3A_4 : vector<1088x1xf32>
    %add3A_5 = arith.constant 1.000000e+00 : f32
    %add3A_6 = vector.broadcast %add3A_5 : f32 to vector<1088x1xf32>
    %add3A_7 = arith.addf %add3A, %add3A_6 : vector<1088x1xf32>
    %rsqrt3A = math.rsqrt %add3A_7 : vector<1088x1xf32>
    %get3A_8 = arith.constant 0 : index
    %get3A_9 = arith.constant 0 : index
    %get3A_10 = vector.load %arg1[%get3A_8, %get3A_9] : memref<1088x20xf32, #tpu.memory_space<vmem>>, vector<1088x20xf32>
    %get3A_11 = arith.constant 0 : index
    %get3A_12 = arith.constant 0 : index
    %get3A_13 = vector.load %arg2[%get3A_11, %get3A_12] : memref<20x64xf32, #tpu.memory_space<vmem>>, vector<20x64xf32>
    %dot_general3A = arith.constant dense<0.000000e+00> : vector<1088x64xf32>
    %dot_general3A_14 = tpu.matmul %get3A_10, %get3A_13, %dot_general3A {dimension_numbers = #tpu.dot_dimension_numbers<[1], [0], [0], [1], [0, 0, 1, 1], [], []>, transpose_lhs_hint = false} : vector<1088x20xf32>, vector<20x64xf32>, vector<1088x64xf32> -> vector<1088x64xf32>
    %mul3A = vector.broadcast %rsqrt3A : vector<1088x1xf32> to vector<1088x64xf32>
    %mul3A_15 = arith.mulf %dot_general3A_14, %mul3A : vector<1088x64xf32>
    %slice3A = vector.extract_strided_slice %mul3A_15 {offsets = [0, 0], sizes = [1088, 32], strides = [1, 1]} : vector<1088x64xf32> to vector<1088x32xf32>
    %swap3A = arith.constant 0 : index
    %swap3A_16 = arith.constant 0 : index
    %swap3A_17 = vector.load %arg5[%swap3A, %swap3A_16] : memref<1088x32xf32, #tpu.memory_space<vmem>>, vector<1088x32xf32>
    tpu.vector_store %arg5[%swap3A, %swap3A_16], %slice3A {strides = array<i32>} : memref<1088x32xf32, #tpu.memory_space<vmem>>, vector<1088x32xf32>,
    %slice3A_18 = vector.extract_strided_slice %mul3A_15 {offsets = [0, 32], sizes = [1088, 32], strides = [1, 1]} : vector<1088x64xf32> to vector<1088x32xf32>
    %swap3A_19 = arith.constant 0 : index
    %swap3A_20 = arith.constant 0 : index
    %swap3A_21 = vector.load %arg6[%swap3A_19, %swap3A_20] : memref<1088x32xf32, #tpu.memory_space<vmem>>, vector<1088x32xf32>
    tpu.vector_store %arg6[%swap3A_19, %swap3A_20], %slice3A_18 {strides = array<i32>} : memref<1088x32xf32, #tpu.memory_space<vmem>>, vector<1088x32xf32>,
    %swap3A_22 = arith.constant 0 : index
    %swap3A_23 = arith.constant 0 : index
    %swap3A_24 = vector.load %arg7[%swap3A_22, %swap3A_23] : memref<1088x1xf32, #tpu.memory_space<vmem>>, vector<1088x1xf32>
    tpu.vector_store %arg7[%swap3A_22, %swap3A_23], %rsqrt3A {strides = array<i32>} : memref<1088x1xf32, #tpu.memory_space<vmem>>, vector<1088x1xf32>,
    return
  }
  func.func @transform_0(%arg0: i32) -> (i32, i32) {
    %c0_i32 = arith.constant 0 : i32
    %c0_i32_0 = arith.constant 0 : i32
    return %arg0, %c0_i32 : i32, i32
  }
  func.func @transform_1(%arg0: i32) -> (i32, i32) {
    %c0_i32 = arith.constant 0 : i32
    %c0_i32_0 = arith.constant 0 : i32
    %c0_i32_1 = arith.constant 0 : i32
    return %c0_i32, %c0_i32_0 : i32, i32
  }
  func.func @transform_2(%arg0: i32) -> (i32, i32) {
    %c0_i32 = arith.constant 0 : i32
    %c0_i32_0 = arith.constant 0 : i32
    return %arg0, %c0_i32 : i32, i32
  }
  func.func @transform_3(%arg0: i32) -> (i32, i32) {
    %c0_i32 = arith.constant 0 : i32
    %c0_i32_0 = arith.constant 0 : i32
    return %arg0, %c0_i32 : i32, i32
  }
  func.func @transform_4(%arg0: i32) -> (i32, i32) {
    %c0_i32 = arith.constant 0 : i32
    %c0_i32_0 = arith.constant 0 : i32
    return %arg0, %c0_i32 : i32, i32
  }
  func.func @transform_5(%arg0: i32) -> (i32, i32) {
    %c0_i32 = arith.constant 0 : i32
    %c0_i32_0 = arith.constant 0 : i32
    return %arg0, %c0_i32 : i32, i32
  }
  func.func @transform_6(%arg0: i32) -> (i32, i32) {
    %c0_i32 = arith.constant 0 : i32
    %c0_i32_0 = arith.constant 0 : i32
    return %arg0, %c0_i32 : i32, i32
  }
}

module attributes {stable_mosaic.version = 14 : i64} {
  func.func @_tc_b_body(%arg0: i32, %arg1: memref<1088x32xf32, #tpu.memory_space<vmem>>, %arg2: memref<1088x32xf32, #tpu.memory_space<vmem>>, %arg3: memref<1088x1xf32, #tpu.memory_space<vmem>>, %arg4: memref<1x64xf32, #tpu.memory_space<vmem>>, %arg5: memref<64x64xf32, #tpu.memory_space<vmem>>, %arg6: memref<1088x32xf32, #tpu.memory_space<vmem>>, %arg7: memref<1088x32xf32, #tpu.memory_space<vmem>>) attributes {dimension_semantics = [#tpu.dimension_semantics<arbitrary>], iteration_bounds = array<i64: 46>, scalar_prefetch = 0 : i64, scratch_operands = 0 : i64, tpu.core_type = #tpu.core_type<tc>, window_params = [{transform_indices = @transform_0, window_bounds = array<i64: 1088, 32>}, {transform_indices = @transform_1, window_bounds = array<i64: 1088, 32>}, {transform_indices = @transform_2, window_bounds = array<i64: 1088, 1>}, {pipeline_mode = #tpu.pipeline_mode<synchronous>, transform_indices = @transform_3, window_bounds = array<i64: 1, 64>}, {pipeline_mode = #tpu.pipeline_mode<synchronous>, transform_indices = @transform_4, window_bounds = array<i64: 64, 64>}, {transform_indices = @transform_5, window_bounds = array<i64: 1088, 32>}, {transform_indices = @transform_6, window_bounds = array<i64: 1088, 32>}]} {
    %get3A = arith.constant 0 : index
    %get3A_0 = arith.constant 0 : index
    %get3A_1 = vector.load %arg1[%get3A, %get3A_0] : memref<1088x32xf32, #tpu.memory_space<vmem>>, vector<1088x32xf32>
    %get3A_2 = arith.constant 0 : index
    %get3A_3 = arith.constant 0 : index
    %get3A_4 = vector.load %arg2[%get3A_2, %get3A_3] : memref<1088x32xf32, #tpu.memory_space<vmem>>, vector<1088x32xf32>
    %concatenate3A = tpu.concatenate %get3A_1, %get3A_4 in 1 : vector<1088x32xf32>, vector<1088x32xf32> -> vector<1088x64xf32>
    %get3A_5 = arith.constant 0 : index
    %get3A_6 = arith.constant 0 : index
    %get3A_7 = vector.load %arg3[%get3A_5, %get3A_6] : memref<1088x1xf32, #tpu.memory_space<vmem>>, vector<1088x1xf32>
    %mul3A = vector.broadcast %get3A_7 : vector<1088x1xf32> to vector<1088x64xf32>
    %mul3A_8 = arith.mulf %concatenate3A, %mul3A : vector<1088x64xf32>
    %get3A_9 = arith.constant 0 : index
    %get3A_10 = arith.constant 0 : index
    %get3A_11 = vector.load %arg4[%get3A_9, %get3A_10] : memref<1x64xf32, #tpu.memory_space<vmem>>, vector<1x64xf32>
    %add3A = vector.broadcast %get3A_11 : vector<1x64xf32> to vector<1088x64xf32>
    %add3A_12 = arith.addf %mul3A_8, %add3A : vector<1088x64xf32>
    %max3A = arith.constant 0.000000e+00 : f32
    %max3A_13 = vector.broadcast %max3A : f32 to vector<1088x64xf32>
    %max3A_14 = arith.maximumf %add3A_12, %max3A_13 : vector<1088x64xf32>
    %get3A_15 = arith.constant 0 : index
    %get3A_16 = arith.constant 0 : index
    %get3A_17 = vector.load %arg5[%get3A_15, %get3A_16] : memref<64x64xf32, #tpu.memory_space<vmem>>, vector<64x64xf32>
    %dot_general3A = arith.constant dense<0.000000e+00> : vector<1088x64xf32>
    %dot_general3A_18 = tpu.matmul %max3A_14, %get3A_17, %dot_general3A {dimension_numbers = #tpu.dot_dimension_numbers<[1], [0], [0], [1], [0, 0, 1, 1], [], []>, transpose_lhs_hint = false} : vector<1088x64xf32>, vector<64x64xf32>, vector<1088x64xf32> -> vector<1088x64xf32>
    %get3A_19 = arith.constant 0 : index
    %get3A_20 = arith.constant 0 : index
    %get3A_21 = vector.load %arg3[%get3A_19, %get3A_20] : memref<1088x1xf32, #tpu.memory_space<vmem>>, vector<1088x1xf32>
    %mul3A_22 = vector.broadcast %get3A_21 : vector<1088x1xf32> to vector<1088x64xf32>
    %mul3A_23 = arith.mulf %dot_general3A_18, %mul3A_22 : vector<1088x64xf32>
    %slice3A = vector.extract_strided_slice %mul3A_23 {offsets = [0, 0], sizes = [1088, 32], strides = [1, 1]} : vector<1088x64xf32> to vector<1088x32xf32>
    %swap3A = arith.constant 0 : index
    %swap3A_24 = arith.constant 0 : index
    %swap3A_25 = vector.load %arg6[%swap3A, %swap3A_24] : memref<1088x32xf32, #tpu.memory_space<vmem>>, vector<1088x32xf32>
    tpu.vector_store %arg6[%swap3A, %swap3A_24], %slice3A {strides = array<i32>} : memref<1088x32xf32, #tpu.memory_space<vmem>>, vector<1088x32xf32>,
    %slice3A_26 = vector.extract_strided_slice %mul3A_23 {offsets = [0, 32], sizes = [1088, 32], strides = [1, 1]} : vector<1088x64xf32> to vector<1088x32xf32>
    %swap3A_27 = arith.constant 0 : index
    %swap3A_28 = arith.constant 0 : index
    %swap3A_29 = vector.load %arg7[%swap3A_27, %swap3A_28] : memref<1088x32xf32, #tpu.memory_space<vmem>>, vector<1088x32xf32>
    tpu.vector_store %arg7[%swap3A_27, %swap3A_28], %slice3A_26 {strides = array<i32>} : memref<1088x32xf32, #tpu.memory_space<vmem>>, vector<1088x32xf32>,
    return
  }
  func.func @transform_0(%arg0: i32) -> (i32, i32) {
    %c0_i32 = arith.constant 0 : i32
    %c0_i32_0 = arith.constant 0 : i32
    return %arg0, %c0_i32 : i32, i32
  }
  func.func @transform_1(%arg0: i32) -> (i32, i32) {
    %c0_i32 = arith.constant 0 : i32
    %c0_i32_0 = arith.constant 0 : i32
    return %arg0, %c0_i32 : i32, i32
  }
  func.func @transform_2(%arg0: i32) -> (i32, i32) {
    %c0_i32 = arith.constant 0 : i32
    %c0_i32_0 = arith.constant 0 : i32
    return %arg0, %c0_i32 : i32, i32
  }
  func.func @transform_3(%arg0: i32) -> (i32, i32) {
    %c0_i32 = arith.constant 0 : i32
    %c0_i32_0 = arith.constant 0 : i32
    %c0_i32_1 = arith.constant 0 : i32
    return %c0_i32, %c0_i32_0 : i32, i32
  }
  func.func @transform_4(%arg0: i32) -> (i32, i32) {
    %c0_i32 = arith.constant 0 : i32
    %c0_i32_0 = arith.constant 0 : i32
    %c0_i32_1 = arith.constant 0 : i32
    return %c0_i32, %c0_i32_0 : i32, i32
  }
  func.func @transform_5(%arg0: i32) -> (i32, i32) {
    %c0_i32 = arith.constant 0 : i32
    %c0_i32_0 = arith.constant 0 : i32
    return %arg0, %c0_i32 : i32, i32
  }
  func.func @transform_6(%arg0: i32) -> (i32, i32) {
    %c0_i32 = arith.constant 0 : i32
    %c0_i32_0 = arith.constant 0 : i32
    return %arg0, %c0_i32 : i32, i32
  }
}

module attributes {stable_mosaic.version = 14 : i64} {
  func.func @_tc_c_body(%arg0: i32, %arg1: memref<1088x32xf32, #tpu.memory_space<vmem>>, %arg2: memref<1088x32xf32, #tpu.memory_space<vmem>>, %arg3: memref<1088x1xf32, #tpu.memory_space<vmem>>, %arg4: memref<1x64xf32, #tpu.memory_space<vmem>>, %arg5: memref<1088x1xi32, #tpu.memory_space<vmem>>, %arg6: memref<64x1xf32, #tpu.memory_space<vmem>>, %arg7: memref<1x1xf32, #tpu.memory_space<vmem>>, %arg8: memref<64x1xf32, #tpu.memory_space<vmem>>, %arg9: memref<64x64xf32, #tpu.memory_space<vmem>>, %arg10: memref<64x1xf32, #tpu.memory_space<vmem>>) attributes {dimension_semantics = [#tpu.dimension_semantics<arbitrary>], iteration_bounds = array<i64: 46>, scalar_prefetch = 0 : i64, scratch_operands = 2 : i64, tpu.core_type = #tpu.core_type<tc>, window_params = [{transform_indices = @transform_0, window_bounds = array<i64: 1088, 32>}, {transform_indices = @transform_1, window_bounds = array<i64: 1088, 32>}, {transform_indices = @transform_2, window_bounds = array<i64: 1088, 1>}, {pipeline_mode = #tpu.pipeline_mode<synchronous>, transform_indices = @transform_3, window_bounds = array<i64: 1, 64>}, {transform_indices = @transform_4, window_bounds = array<i64: 1088, 1>}, {pipeline_mode = #tpu.pipeline_mode<synchronous>, transform_indices = @transform_5, window_bounds = array<i64: 64, 1>}, {pipeline_mode = #tpu.pipeline_mode<synchronous>, transform_indices = @transform_6, window_bounds = array<i64: 1, 1>}, {pipeline_mode = #tpu.pipeline_mode<synchronous>, transform_indices = @transform_7, window_bounds = array<i64: 64, 1>}]} {
    %eq3A = arith.constant 0 : i32
    %eq3A_0 = arith.cmpi eq, %arg0, %eq3A : i32
    %convert_element_type3A = arith.extui %eq3A_0 : i1 to i32
    %cond3A = arith.constant 0 : i32
    %cond3A_1 = arith.cmpi ne, %convert_element_type3A, %cond3A : i32
    scf.if %cond3A_1 {
      %broadcast_in_dim3A_46 = arith.constant 0.000000e+00 : f32
      %broadcast_in_dim3A_47 = vector.broadcast %broadcast_in_dim3A_46 : f32 to vector<64x64xf32>
      %swap3A_48 = arith.constant 0 : index
      %swap3A_49 = arith.constant 0 : index
      %swap3A_50 = vector.load %arg9[%swap3A_48, %swap3A_49] : memref<64x64xf32, #tpu.memory_space<vmem>>, vector<64x64xf32>
      tpu.vector_store %arg9[%swap3A_48, %swap3A_49], %broadcast_in_dim3A_47 {strides = array<i32>} : memref<64x64xf32, #tpu.memory_space<vmem>>, vector<64x64xf32>,
      %broadcast_in_dim3A_51 = arith.constant 0.000000e+00 : f32
      %broadcast_in_dim3A_52 = vector.broadcast %broadcast_in_dim3A_51 : f32 to vector<64x1xf32>
      %swap3A_53 = arith.constant 0 : index
      %swap3A_54 = arith.constant 0 : index
      %swap3A_55 = vector.load %arg10[%swap3A_53, %swap3A_54] : memref<64x1xf32, #tpu.memory_space<vmem>>, vector<64x1xf32>
      tpu.vector_store %arg10[%swap3A_53, %swap3A_54], %broadcast_in_dim3A_52 {strides = array<i32>} : memref<64x1xf32, #tpu.memory_space<vmem>>, vector<64x1xf32>,
    } else {
    }
    %get3A = arith.constant 0 : index
    %get3A_2 = arith.constant 0 : index
    %get3A_3 = vector.load %arg1[%get3A, %get3A_2] : memref<1088x32xf32, #tpu.memory_space<vmem>>, vector<1088x32xf32>
    %get3A_4 = arith.constant 0 : index
    %get3A_5 = arith.constant 0 : index
    %get3A_6 = vector.load %arg2[%get3A_4, %get3A_5] : memref<1088x32xf32, #tpu.memory_space<vmem>>, vector<1088x32xf32>
    %concatenate3A = tpu.concatenate %get3A_3, %get3A_6 in 1 : vector<1088x32xf32>, vector<1088x32xf32> -> vector<1088x64xf32>
    %get3A_7 = arith.constant 0 : index
    %get3A_8 = arith.constant 0 : index
    %get3A_9 = vector.load %arg3[%get3A_7, %get3A_8] : memref<1088x1xf32, #tpu.memory_space<vmem>>, vector<1088x1xf32>
    %mul3A = vector.broadcast %get3A_9 : vector<1088x1xf32> to vector<1088x64xf32>
    %mul3A_10 = arith.mulf %concatenate3A, %mul3A : vector<1088x64xf32>
    %get3A_11 = arith.constant 0 : index
    %get3A_12 = arith.constant 0 : index
    %get3A_13 = vector.load %arg4[%get3A_11, %get3A_12] : memref<1x64xf32, #tpu.memory_space<vmem>>, vector<1x64xf32>
    %add3A = vector.broadcast %get3A_13 : vector<1x64xf32> to vector<1088x64xf32>
    %add3A_14 = arith.addf %mul3A_10, %add3A : vector<1088x64xf32>
    %max3A = arith.constant 0.000000e+00 : f32
    %max3A_15 = vector.broadcast %max3A : f32 to vector<1088x64xf32>
    %max3A_16 = arith.maximumf %add3A_14, %max3A_15 : vector<1088x64xf32>
    %get3A_17 = arith.constant 0 : index
    %get3A_18 = arith.constant 0 : index
    %get3A_19 = vector.load %arg5[%get3A_17, %get3A_18] : memref<1088x1xi32, #tpu.memory_space<vmem>>, vector<1088x1xi32>
    %iota3A = tpu.iota {dimensions = array<i32: 1>} : vector<1088x64xi32>
    %eq3A_20 = vector.broadcast %get3A_19 : vector<1088x1xi32> to vector<1088x64xi32>
    %eq3A_21 = arith.cmpi eq, %eq3A_20, %iota3A : vector<1088x64xi32>
    %convert_element_type3A_22 = arith.extui %eq3A_21 : vector<1088x64xi1> to vector<1088x64xi32>
    %convert_element_type3A_23 = arith.sitofp %convert_element_type3A_22 : vector<1088x64xi32> to vector<1088x64xf32>
    %get3A_24 = arith.constant 0 : index
    %get3A_25 = arith.constant 0 : index
    %get3A_26 = vector.load %arg9[%get3A_24, %get3A_25] : memref<64x64xf32, #tpu.memory_space<vmem>>, vector<64x64xf32>
    %dot_general3A = arith.constant dense<0.000000e+00> : vector<64x64xf32>
    %dot_general3A_27 = tpu.matmul %convert_element_type3A_23, %max3A_16, %dot_general3A {dimension_numbers = #tpu.dot_dimension_numbers<[0], [0], [1], [1], [0, 1, 1, 1], [], []>, precision = #tpu.contract_precision<fp32>, transpose_lhs_hint = false} : vector<1088x64xf32>, vector<1088x64xf32>, vector<64x64xf32> -> vector<64x64xf32>
    %add3A_28 = arith.addf %get3A_26, %dot_general3A_27 : vector<64x64xf32>
    %swap3A = arith.constant 0 : index
    %swap3A_29 = arith.constant 0 : index
    %swap3A_30 = vector.load %arg9[%swap3A, %swap3A_29] : memref<64x64xf32, #tpu.memory_space<vmem>>, vector<64x64xf32>
    tpu.vector_store %arg9[%swap3A, %swap3A_29], %add3A_28 {strides = array<i32>} : memref<64x64xf32, #tpu.memory_space<vmem>>, vector<64x64xf32>,
    %broadcast_in_dim3A = arith.constant 1.000000e+00 : f32
    %broadcast_in_dim3A_31 = vector.broadcast %broadcast_in_dim3A : f32 to vector<1088x1xf32>
    %get3A_32 = arith.constant 0 : index
    %get3A_33 = arith.constant 0 : index
    %get3A_34 = vector.load %arg10[%get3A_32, %get3A_33] : memref<64x1xf32, #tpu.memory_space<vmem>>, vector<64x1xf32>
    %dot_general3A_35 = arith.constant dense<0.000000e+00> : vector<64x1xf32>
    %dot_general3A_36 = tpu.matmul %convert_element_type3A_23, %broadcast_in_dim3A_31, %dot_general3A_35 {dimension_numbers = #tpu.dot_dimension_numbers<[0], [0], [1], [1], [0, 1, 1, 1], [], []>, precision = #tpu.contract_precision<fp32>, transpose_lhs_hint = false} : vector<1088x64xf32>, vector<1088x1xf32>, vector<64x1xf32> -> vector<64x1xf32>
    %add3A_37 = arith.addf %get3A_34, %dot_general3A_36 : vector<64x1xf32>
    %swap3A_38 = arith.constant 0 : index
    %swap3A_39 = arith.constant 0 : index
    %swap3A_40 = vector.load %arg10[%swap3A_38, %swap3A_39] : memref<64x1xf32, #tpu.memory_space<vmem>>, vector<64x1xf32>
    tpu.vector_store %arg10[%swap3A_38, %swap3A_39], %add3A_37 {strides = array<i32>} : memref<64x1xf32, #tpu.memory_space<vmem>>, vector<64x1xf32>,
    %eq3A_41 = arith.constant 45 : i32
    %eq3A_42 = arith.cmpi eq, %arg0, %eq3A_41 : i32
    %convert_element_type3A_43 = arith.extui %eq3A_42 : i1 to i32
    %cond3A_44 = arith.constant 0 : i32
    %cond3A_45 = arith.cmpi ne, %convert_element_type3A_43, %cond3A_44 : i32
    scf.if %cond3A_45 {
      %get3A_46 = arith.constant 0 : index
      %get3A_47 = arith.constant 0 : index
      %get3A_48 = vector.load %arg9[%get3A_46, %get3A_47] : memref<64x64xf32, #tpu.memory_space<vmem>>, vector<64x64xf32>
      %get3A_49 = arith.constant 0 : index
      %get3A_50 = arith.constant 0 : index
      %get3A_51 = vector.load %arg10[%get3A_49, %get3A_50] : memref<64x1xf32, #tpu.memory_space<vmem>>, vector<64x1xf32>
      %max3A_52 = arith.constant 1.000000e+00 : f32
      %max3A_53 = vector.broadcast %max3A_52 : f32 to vector<64x1xf32>
      %max3A_54 = arith.maximumf %get3A_51, %max3A_53 : vector<64x1xf32>
      %div3A = vector.broadcast %max3A_54 : vector<64x1xf32> to vector<64x64xf32>
      %div3A_55 = arith.divf %get3A_48, %div3A : vector<64x64xf32>
      %get3A_56 = arith.constant 0 : index
      %get3A_57 = arith.constant 0 : index
      %get3A_58 = vector.load %arg6[%get3A_56, %get3A_57] : memref<64x1xf32, #tpu.memory_space<vmem>>, vector<64x1xf32>
      %dot_general3A_59 = arith.constant dense<0.000000e+00> : vector<64x1xf32>
      %dot_general3A_60 = tpu.matmul %div3A_55, %get3A_58, %dot_general3A_59 {dimension_numbers = #tpu.dot_dimension_numbers<[1], [0], [0], [1], [0, 0, 1, 1], [], []>, transpose_lhs_hint = false} : vector<64x64xf32>, vector<64x1xf32>, vector<64x1xf32> -> vector<64x1xf32>
      %get3A_61 = arith.constant 0 : index
      %get3A_62 = arith.constant 0 : index
      %get3A_63 = vector.load %arg7[%get3A_61, %get3A_62] : memref<1x1xf32, #tpu.memory_space<vmem>>, vector<1x1xf32>
      %add3A_64 = vector.broadcast %get3A_63 : vector<1x1xf32> to vector<64x1xf32>
      %add3A_65 = arith.addf %dot_general3A_60, %add3A_64 : vector<64x1xf32>
      %swap3A_66 = arith.constant 0 : index
      %swap3A_67 = arith.constant 0 : index
      %swap3A_68 = vector.load %arg8[%swap3A_66, %swap3A_67] : memref<64x1xf32, #tpu.memory_space<vmem>>, vector<64x1xf32>
      tpu.vector_store %arg8[%swap3A_66, %swap3A_67], %add3A_65 {strides = array<i32>} : memref<64x1xf32, #tpu.memory_space<vmem>>, vector<64x1xf32>,
    } else {
    }
    return
  }
  func.func @transform_0(%arg0: i32) -> (i32, i32) {
    %c0_i32 = arith.constant 0 : i32
    %c0_i32_0 = arith.constant 0 : i32
    return %arg0, %c0_i32 : i32, i32
  }
  func.func @transform_1(%arg0: i32) -> (i32, i32) {
    %c0_i32 = arith.constant 0 : i32
    %c0_i32_0 = arith.constant 0 : i32
    return %arg0, %c0_i32 : i32, i32
  }
  func.func @transform_2(%arg0: i32) -> (i32, i32) {
    %c0_i32 = arith.constant 0 : i32
    %c0_i32_0 = arith.constant 0 : i32
    return %arg0, %c0_i32 : i32, i32
  }
  func.func @transform_3(%arg0: i32) -> (i32, i32) {
    %c0_i32 = arith.constant 0 : i32
    %c0_i32_0 = arith.constant 0 : i32
    %c0_i32_1 = arith.constant 0 : i32
    return %c0_i32, %c0_i32_0 : i32, i32
  }
  func.func @transform_4(%arg0: i32) -> (i32, i32) {
    %c0_i32 = arith.constant 0 : i32
    %c0_i32_0 = arith.constant 0 : i32
    return %arg0, %c0_i32 : i32, i32
  }
  func.func @transform_5(%arg0: i32) -> (i32, i32) {
    %c0_i32 = arith.constant 0 : i32
    %c0_i32_0 = arith.constant 0 : i32
    %c0_i32_1 = arith.constant 0 : i32
    return %c0_i32, %c0_i32_0 : i32, i32
  }
  func.func @transform_6(%arg0: i32) -> (i32, i32) {
    %c0_i32 = arith.constant 0 : i32
    %c0_i32_0 = arith.constant 0 : i32
    %c0_i32_1 = arith.constant 0 : i32
    return %c0_i32, %c0_i32_0 : i32, i32
  }
  func.func @transform_7(%arg0: i32) -> (i32, i32) {
    %c0_i32 = arith.constant 0 : i32
    %c0_i32_0 = arith.constant 0 : i32
    %c0_i32_1 = arith.constant 0 : i32
    return %c0_i32, %c0_i32_0 : i32, i32
  }
}

</mosaic_0001>

<sc_bundles>
// kernel: kernel.11.cloned.1.call-start
scs
__scs_entry_jumppad:
0x0: {  	(pc) =	sbr.rel $0x88, $3  }
0x1: {  	(tag) =	ssettag $0x0;
	lr =	simm.s32 $0x1  }
0x2: {  	[smem:$0x3F98] =	sst lr;
	_ =	strace $0xD0000000  }
0x3: {  	_ = 	snop  }
0x4: {  	_ = 	snop  }
0x5: {  	_ = 	snop  }
0x6: {  	_ = 	snop  }
0x7: {  	_ = 	snop  }
__scs_overlays_trampoline_lowered:
0x8: {  	[smem:$0x3FA7] =	sst s0  }
0x9: {  	[smem:$0x3FA8] =	sst s1  }
0xa: {  	[smem:$0x3FA9] =	sst s2  }
0xb: {  	[smem:$0x3FAA] =	sst s3  }
0xc: {  	[smem:$0x3FAB] =	sst s4  }
0xd: {  	[smem:$0x3FAC] =	sst s5  }
0xe: {  	[smem:$0x3FAD] =	sst s6  }
0xf: {  	[smem:$0x3FAE] =	sst s7  }
0x10: {  	[smem:$0x3FAF] =	sst s8  }
0x11: {  	[smem:$0x3FB0] =	sst s9;
	s0 =	simm.s32 @!p0 $0x0  }
0x12: {  	s1 =	sld [smem:$0x3F96];
	s0 =	simm.s32 @p0 $0x1  }
0x13: {  	[smem:$0x3FB1] =	sst s0;
	s0 =	simm.s32 @!p1 $0x0  }
0x14: {  	s2 =	sld [smem:$0x3F95];
	s0 =	simm.s32 @p1 $0x1  }
0x15: {  	[smem:$0x3FB2] =	sst s0;
	s0 =	simm.s32 @!p2 $0x0  }
0x16: {  	s3 =	sld [smem:$0x3FDB];
	s0 =	simm.s32 @p2 $0x1  }
0x17: {  	s4 =	simm.s32 $0x1BF5;
	[smem:$0x3FB4] =	sst s0  }
0x18: {  	s0 =	sld [smem:$0x3F97];
	_ =	swait.ge [sflag:s4], $0x0  }
0x19: {  	s7 =	sld [smem:$0x3F98]  }
0x1a: {  	s8 =	sadd.s32 $0xFFFFE003, lr  }
0x1b: {  	s9 =	sadd.s32 $0xFFFFFEF7, lr;
	s5 =	simm.s32 $0xFFFFFFFF;
	p2 =	slt.u32 s8, $0xFFFFF086  }
0x1c: {  	p1 =	slt.u32 s9, $0xF7A;
	s5 =	simm.s32 @!p2 $0x0  }
0x1d: {  	s5 =	simm.s32 @p1 $0x1;
	p0 =	seq.s32 s7, s2  }
0x1e: {  	s7 =	smul.u32 @!p0 $0xF7A, s2;
	p2 =	seq.s32 @!p0 s5, $0x0  }
0x1f: {  	s9 =	smul.u32 $0xF7A, s1;
	s8 =	simm.s32 @!p0 $0x1BF5;
	p2 =	por !p2, p0  }
0x20: {  	[sflag:s8] =	ssyncset.s32 @!p0 $0xFFFFF086;
	s6 =	sadd.s32 @!p0 s3, s7;
	s7 =	simm.s32 @!p0 $0x108  }
0x21: {  	s3 =	sadd.s32 s3, s9;
	s6 =	sadd.s32 @!p0 $0x88, s6;
	s7 =	simm.s32 @p2 $0x1082  }
0x22: {  	[simem:s7], [sflag:s8] =	dma.local @!p0 [hbm:s6], $0xF7A  }
0x23: {  	s9 =	sor.u32 $0xD0000000, s2;
	s6 =	simm.s32 $0x108;
	_ =	swait.ge @!p0 [sflag:s8], $0x0  }
0x24: {  	s3 =	sadd.s32 $0x88, s3;
	s6 =	simm.s32 @!p1 $0x1082;
	[sflag:s4] =	ssyncset.s32 $0xFFFFF086  }
0x25: {  	[simem:s6], [sflag:s4] =	dma.local [hbm:s3], $0xF7A  }
0x26: {  	[smem:$0x3F98] =	sst s1;
	(tag) =	ssettag s2;
	_ =	strace s9  }
0x27: {  	s1 =	sld [smem:$0x3FA8]  }
0x28: {  	s2 =	sld [smem:$0x3FA9]  }
0x29: {  	s4 =	sld [smem:$0x3FAB]  }
0x2a: {  	p0 =	seq.s32 s5, $0x0;
	s5 =	sld [smem:$0x3FAC]  }
0x2b: {  	s6 =	sld [smem:$0x3FAD]  }
0x2c: {  	s7 =	sld [smem:$0x3FAE]  }
0x2d: {  	s3 =	simm.s32 $0x108;
	s8 =	sld [smem:$0x3FAF]  }
0x2e: {  	s3 =	simm.s32 @!p0 $0x1082;
	s9 =	sld [smem:$0x3FB0]  }
0x2f: {  	lr =	sadd.s32 s0, s3;
	s0 =	sld [smem:$0x3FA7]  }
0x30: {  	s3 =	sld [smem:$0x3FAA]  }
0x31: {  	[smem:$0x3FB3] =	sst s10  }
0x32: {  	s10 =	sld [smem:$0x3FB1];
	_ =	sdelay $0x3  }
0x33: {  	p0 =	seq.s32 s10, $0x1;
	s10 =	sld [smem:$0x3FB3];
	_ =	sdelay $0x3  }
0x34: {  	[smem:$0x3FB3] =	sst s10  }
0x35: {  	s10 =	sld [smem:$0x3FB2];
	_ =	sdelay $0x3  }
0x36: {  	p1 =	seq.s32 s10, $0x1;
	s10 =	sld [smem:$0x3FB3];
	_ =	sdelay $0x3  }
0x37: {  	[smem:$0x3FB3] =	sst s10  }
0x38: {  	s10 =	sld [smem:$0x3FB4]  }
0x39: {  	_ = 	snop;
	(pc) =	sbr.ind lr, $3  }
0x3a: {  	_ = 	snop  }
0x3b: {  	_ = 	snop  }
0x3c: {  	p2 =	seq.s32 s10, $0x1;
	s10 =	sld [smem:$0x3FB3]  }
0x3d: {  	_ =	shalt  }
0x3e: {  	_ =	shalt  }
0x3f: {  	_ =	shalt  }
0x40: {  	_ =	shalt  }
0x41: {  	_ =	shalt  }
0x42: {  	_ =	shalt  }
0x43: {  	_ =	shalt  }
0x44: {  	_ =	shalt  }
0x45: {  	_ =	shalt  }
0x46: {  	_ =	shalt  }
0x47: {  	_ =	shalt  }
0x48: {  	_ =	shalt  }
0x49: {  	_ =	shalt  }
0x4a: {  	_ =	shalt  }
0x4b: {  	_ =	shalt  }
0x4c: {  	_ =	shalt  }
0x4d: {  	_ =	shalt  }
0x4e: {  	_ =	shalt  }
0x4f: {  	_ =	shalt  }
0x50: {  	_ =	shalt  }
0x51: {  	_ =	shalt  }
0x52: {  	_ =	shalt  }
0x53: {  	_ =	shalt  }
0x54: {  	_ =	shalt  }
0x55: {  	_ =	shalt  }
0x56: {  	_ =	shalt  }
0x57: {  	_ =	shalt  }
0x58: {  	_ =	shalt  }
0x59: {  	_ =	shalt  }
0x5a: {  	_ =	shalt  }
0x5b: {  	_ =	shalt  }
0x5c: {  	_ =	shalt  }
0x5d: {  	_ =	shalt  }
0x5e: {  	_ =	shalt  }
0x5f: {  	_ =	shalt  }
0x60: {  	_ =	shalt  }
0x61: {  	_ =	shalt  }
0x62: {  	_ =	shalt  }
0x63: {  	_ =	shalt  }
0x64: {  	_ =	shalt  }
0x65: {  	_ =	shalt  }
0x66: {  	_ =	shalt  }
0x67: {  	_ =	shalt  }
0x68: {  	_ =	shalt  }
0x69: {  	_ =	shalt  }
0x6a: {  	_ =	shalt  }
0x6b: {  	_ =	shalt  }
0x6c: {  	_ =	shalt  }
0x6d: {  	_ =	shalt  }
0x6e: {  	_ =	shalt  }
0x6f: {  	_ =	shalt  }
0x70: {  	_ =	shalt  }
0x71: {  	_ =	shalt  }
0x72: {  	_ =	shalt  }
0x73: {  	_ =	shalt  }
0x74: {  	_ =	shalt  }
0x75: {  	_ =	shalt  }
0x76: {  	_ =	shalt  }
0x77: {  	_ =	shalt  }
0x78: {  	_ =	shalt  }
0x79: {  	_ =	shalt  }
0x7a: {  	_ =	shalt  }
0x7b: {  	_ =	shalt  }
0x7c: {  	_ =	shalt  }
0x7d: {  	_ =	shalt  }
0x7e: {  	_ =	shalt  }
0x7f: {  	_ =	shalt  }
0x80: {  	_ =	shalt  }
0x81: {  	_ =	shalt  }
0x82: {  	_ =	shalt  }
0x83: {  	_ =	shalt  }
0x84: {  	_ =	shalt  }
0x85: {  	_ =	shalt  }
0x86: {  	_ =	shalt  }
0x87: {  	_ =	shalt  }
.Lfunc_end0:
.L_simem_size_0:
called_computation.1_lowered:
.L_overlay_start_0:
0x88: {  	s2 =	sld [smem:$0x3FD9]  }
0x89: {  	s3 =	sld [smem:$0x3FFE];
	_ =	sdelay $0x1  }
0x8a: {  	s1 =	srdreg.scid  }
0x8b: {  	s0 =	sand.u32 $0x1, s1  }
0x8c: {  	s16 =	sshll.u32 s0, $0xA;
	s2 =	sadd.s32 s3, s2  }
0x8d: {  	s2 =	sadd.s32 s2, s16  }
0x8e: {  	[smem:$0x3FBF] =	sst s2  }
0x8f: {  	_ = 	snop  }
0x90: {  	(tm) =	ssettm $0x1  }
0x91: {  	s17 =	sld [smem:$0x3FFB];
	_ =	sdelay $0x3  }
0x92: {  	_ =	strace s17  }
0x93: {  	s2 =	sld [smem:$0x3FFC];
	_ =	sdelay $0x3  }
0x94: {  	_ =	strace s2  }
0x95: {  	s2 =	sld [smem:$0x3FFD];
	_ =	sdelay $0x3  }
0x96: {  	_ =	strace s2  }
0x97: {  	_ =	strace $0x8FFFFFFF  }
0x98: {  	s18 =	sld [smem:$0x3FDB];
	_ =	sdelay $0x1  }
0x99: {  	s19 =	simm.s32 $_scs_section_size  }
0x9a: {  	s4 =	simm.s32 $_size__tile_overlayer_lowered;
	s5 =	simm.s32 $_tile_overlayer_lowered  }
0x9b: {  	s22 =	simm.s32 $0x1BFF;
	s21 =	sshll.u32 s5, $0x1;
	s2 =	sadd.s32 s19, s18  }
0x9c: {  	s6 =	simm.s32 $0x0;
	s20 =	sshll.u32 s4, $0x1;
	s4 =	sadd.s32 s21, s2  }
0x9d: {  	[timem:s6], [sflag:s22] =	dma.local [hbm:s4], s20  }
0x9e: {  	_ =	swait.ge [sflag:s22], s20  }
0x9f: {  	s3 =	ssub.s32 $0x0, s20;
	[sflag:s22] =	ssyncset.done $0x0  }
0xa0: {  	[sflag:s22] =	ssyncadd.s32 s3;
	_ =	sdelay $0x1  }
0xa1: {  	s23 =	simm.s32 $0x1B8B  }
0xa2: {  	_ =	swait.ge [sflag:s23], $0x1  }
0xa3: {  	[sflag:s23] =	ssyncset.done $0x0  }
0xa4: {  	s25 =	simm.s32 $0x1B8E;
	s24 =	sld [smem:$0x3FFE];
	[sflag:s23] =	ssyncadd.s32 $0xFFFFFFFF  }
0xa5: {  	s26 =	simm.s32 $execute0_lowered;
	[smem:$0x3FD2] =	sst s25  }
0xa6: {  	s4 =	sshll.u32 s26, $0x1;
	_ =	strace $0x80000049;
	[dreg:$0x1] =	wrdreg $0xFFFFFFFF  }
0xa7: {  	s28 =	simm.s32 $_size_execute0_lowered;
	s2 =	sadd.s32 s2, s4;
	[dreg:$0x0] =	wrdreg $0x0  }
0xa8: {  	s4 =	sshll.u32 s28, $0x1;
	[dreg:$0x2] =	wrdreg s2  }
0xa9: {  	[dreg:$0x3] =	wrdreg s4  }
0xaa: {  	[dreg:$0x4] =	wrdreg $0xC0  }
0xab: {  	_ =	task [dreg:s6], $0x5FFFF  }
0xac: {  	[dreg:$0x1] =	wrdreg $0xFFFFFFFF  }
0xad: {  	[dreg:$0x0] =	wrdreg $0x60  }
0xae: {  	[dreg:$0x2] =	wrdreg s24  }
0xaf: {  	[dreg:$0x3] =	wrdreg $0x0  }
0xb0: {  	[dreg:$0x4] =	wrdreg $0x9  }
0xb1: {  	_ =	task.clear_ibuf [dreg:s6], $0x5FFFF;
	_ =	strace $0x90000049  }
0xb2: {  	s29 =	simm.s32 $0x9;
	_ =	strace $0x8000004B  }
0xb3: {  	_ =	swait.ge [sflag:s29], $0x1  }
0xb4: {  	[sflag:s29] =	ssyncadd.s32 $0xFFFFFFFF  }
0xb5: {  	_ =	strace $0x9000004B  }
0xb6: {  	_ =	sfence  }
0xb7: {  	s30 =	sld [smem:$0x0];
	_ =	sdelay $0x2  }
0xb8: {  	s31 =	sshll.u32 s1, $0xD;
	s1 =	sshrl.u32 s1, $0x2  }
0xb9: {  	s3 =	sand.u32 $0x4000, s31;
	s1 =	sadd.s32 s1, s30  }
0xba: {  	s0 =	sor.u32 s3, s0;
	s1 =	sshll.u32 s1, $0x11  }
0xbb: {  	s0 =	sor.u32 s1, s0  }
0xbc: {  	s0 =	sadd.s32 $0x8F2B, s0  }
0xbd: {  	[sflag:s0] =	ssyncadd.remote.s32 $0x1  }
0xbe: {  	_ =	sfence.sel $0xFFFF  }
0xbf: {  	[dreg:$0x0] =	wrdreg $0xFFFFFFFF;
	(pc) =	sbr.abs _section_cstart, $3  }
0xc0: {  	[dreg:$0x1] =	wrdreg $0xFFFFFFFF  }
0xc1: {  	_ =	task.clear_ibuf [dreg:s6], $0x2FFFF;
	_ =	strace $0x9FFFFFFF  }
0xc2: {  	(tm) =	ssettm $0x7FFFFFFF  }
0xc3: {  	_ =	shalt  }
tec
execute0_lowered:
.L_overlay_start_1:
0x0: {  	(tag) =	ssettag $0x1  }
0x1: {  	s0 =	rddreg [dreg:$0x0]  }
0x2: {  	s1 =	rddreg [dreg:$0x1]  }
0x3: {  	s2 =	simm.s32 $0x0;
	s5 =	srdreg.scid;
	s12 =	stileid.u32  }
0x4: {  	s17 =	simm.s32 $0x18700;
	s14 =	simm.s32 $0x18B80;
	s29 =	simm.s32 $0x18780  }
0x5: {  	s31 =	simm.s32 $0x18800;
	s16 =	simm.s32 $0x5;
	s13 =	simm.s32 $0x7  }
0x6: {  	s15 =	simm.s32 $0x3;
	s28 =	simm.s32 $0x9;
	s30 =	simm.s32 $0xA  }
0x7: {  	[smem:$0x7FF] =	sst s2;
	s3 =	sadd.s32 $0x128200, s0;
	s6 =	sadd.s32 $0x2400, s0  }
0x8: {  	s4 =	sadd.s32 $0x4BE00, s0;
	s7 =	sand.u32 $0x1, s5;
	s5 =	sadd.s32 $0x1B000, s0  }
0x9: {  	s9 =	sadd.s32 $0xADA00, s0;
	s10 =	smul.u32 $0x18700, s12;
	s0 =	sadd.s32 $0x7CC00, s0  }
0xa: {  	s20 =	smul.u32 $0x18C0, s12;
	_ =	strace $0x8000004A;
	[dreg:$0x4] =	wrdreg s9  }
0xb: {  	s26 =	sshll.u32 s12, $0x6;
	s12 =	simm.s32 $0x6;
	[dreg:$0x5] =	wrdreg s0  }
0xc: {  	s8 =	ssub.s32 $0x2, s7;
	p0 =	seq.s32 s7, $0x1;
	[dreg:$0xd] =	wrdreg s26  }
0xd: {  	s18 =	sshrl.u32 s8, $0x1;
	s21 =	sadd.s32 s10, s1;
	s10 =	sshrl.u32 s10, $0x3  }
0xe: {  	s11 =	sadd.s32 s3, s20;
	s23 =	sor.u32 $0x30, s20;
	s20 =	sadd.s32 s6, s20  }
0xf: {  	s19 =	ssub.s32 s8, s18;
	s22 =	sadd.s32 s4, s10;
	[dreg:$0x6] =	wrdreg s10  }
0x10: {  	s3 =	sadd.s32 s3, s23;
	s24 =	sadd.s32 s6, s23;
	[dreg:$0x8] =	wrdreg s20  }
0x11: {  	s25 =	sadd.s32 s5, s10;
	s10 =	smov.u32 s11;
	[dreg:$0x7] =	wrdreg s22  }
0x12: {  	s11 =	sshrl.u32 s21, $0x3;
	s21 =	simm.s32 $0x18A00;
	[dreg:$0x9] =	wrdreg s3  }
0x13: {  	s18 =	simm.s32 $0x8;
	s6 =	simm.s32 $0x4;
	[dreg:$0xa] =	wrdreg s24  }
.Ltmp0:
0x14: {  	s23 =	simm.s32 $0x0;
	[dreg:$0xb] =	wrdreg s25;
	(pc) =	sbr.rel .LBB2_1-.Ltmp0, $4  }
0x15: {  	s0 =	smax.u32 s19, $0x1;
	s19 =	simm.s32 $0xB;
	[dreg:$0xf] =	wrdreg s11  }
0x16: {  	s22 =	simm.s32 $0x18880;
	s24 =	simm.s32 $0x1;
	[dreg:$0x3] =	wrdreg s10  }
0x17: {  	s25 =	simm.s32 $0x80;
	[dreg:$0xc] =	wrdreg s0;
	s0 =	sor.u32 $0x1C0B, s26  }
0x18: {  	s26 =	simm.s32 $0x18D00;
	[dreg:$0xe] =	wrdreg s0;
	s0 =	simm.s32 $0x2  }
.LBB2_7:
0x19: {  	[tilespmem:s26], [sflag:$0x4] =	stream.linear.gather [hbm4b:s7+s2], $0x180, $0x38;
	[tilespmem:$0x1ED00] =	vst v63  }
0x1a: {  	s7 =	rddreg [dreg:$0x5]  }
0x1b: {  	s3 =	simm.s32 $0x1AD00;
	s20 =	rddreg [dreg:$0xe]  }
0x1c: {  	s8 =	smov.u32 s5;
	s10 =	rddreg [dreg:$0x3];
	s29 =	simm.s32 $0x18B80  }
0x1d: {  	s11 =	simm.s32 $0x19D00;
	s31 =	simm.s32 $0x18800;
	s23 =	rddreg [dreg:$0x10]  }
.LBB2_8:
0x1e: {  	_ =	swait.ge [sflag:s0], $0x180  }
0x1f: {  	[sflag:s0] =	ssyncset.done $0x0  }
0x20: {  	s22 =	simm.s32 $0x18880;
	s9 =	simm.s32 $0x1BD00;
	[sflag:s0] =	ssyncadd.s32 $0xFFFFFE80  }
0x21: {  	[tilespmem:s9], [sflag:$0x8] =	stream.indirect.gather [hbm4b:s8+s25], $0x20, s22, s25, $0xb8;
	[tilespmem:$0x1ED00] =	vst v63  }
0x22: {  	s21 =	simm.s32 $0x18900;
	s14 =	simm.s32 $0x1CD00  }
0x23: {  	[tilespmem:s14], [sflag:$0x9] =	stream.indirect.gather [hbm4b:s8+s25], $0x20, s21, s25, $0xb8;
	[tilespmem:$0x1ED00] =	vst v63  }
0x24: {  	s26 =	simm.s32 $0x18980;
	s17 =	simm.s32 $0x1DD00  }
0x25: {  	[tilespmem:s17], [sflag:$0xA] =	stream.indirect.gather [hbm4b:s8+s25], $0x20, s26, s25, $0xb8;
	[tilespmem:$0x1ED00] =	vst v63  }
0x26: {  	_ =	swait.ge [sflag:s16], $0x1000  }
0x27: {  	[sflag:s16] =	ssyncset.done $0x0  }
0x28: {  	[sflag:s16] =	ssyncadd.s32 $0xFFFFF000  }
0x29: {  	_ =	swait.ge [sflag:s12], $0x1000  }
0x2a: {  	[sflag:s12] =	ssyncset.done $0x0  }
0x2b: {  	[sflag:s12] =	ssyncadd.s32 $0xFFFFF000  }
0x2c: {  	_ =	swait.ge [sflag:s13], $0x1000  }
0x2d: {  	[sflag:s13] =	ssyncset.done $0x0  }
0x2e: {  	[sflag:s13] =	ssyncadd.s32 $0xFFFFF000  }
0x2f: {  	_ =	swait.ge [sflag:s15], $0x180  }
0x30: {  	[sflag:s15] =	ssyncset.done $0x0  }
0x31: {  	s21 =	simm.s32 $0x18A00;
	s26 =	simm.s32 $0x18D00;
	[sflag:s15] =	ssyncadd.s32 $0xFFFFFE80  }
0x32: {  	[spmem:s1] =	stream.indirect.scatter.add.f32 [tilespmem:s26], [sflag:$0xB], $0x20, s21, s25, $0xb8;
	[tilespmem:$0x1ED00] =	vst v63  }
0x33: {  	_ =	swait.ge [sflag:s19], $0x1000  }
0x34: {  	[sflag:s19] =	ssyncset.done $0x0  }
0x35: {  	s17 =	simm.s32 $0x18A80;
	[sflag:s19] =	ssyncadd.s32 $0xFFFFF000  }
0x36: {  	[spmem:s1] =	stream.indirect.scatter.add.f32 [tilespmem:s11], [sflag:$0xB], $0x20, s17, s25, $0xb8;
	[tilespmem:$0x1ED00] =	vst v63  }
0x37: {  	_ =	swait.ge [sflag:s19], $0x1000  }
0x38: {  	[sflag:s19] =	ssyncset.done $0x0  }
0x39: {  	s17 =	simm.s32 $0x18B00;
	[sflag:s19] =	ssyncadd.s32 $0xFFFFF000  }
0x3a: {  	[spmem:s1] =	stream.indirect.scatter.add.f32 [tilespmem:s3], [sflag:$0xB], $0x20, s17, s25, $0xb8;
	[tilespmem:$0x1ED00] =	vst v63  }
0x3b: {  	_ =	swait.ge [sflag:s19], $0x1000  }
0x3c: {  	[sflag:s19] =	ssyncset.done $0x0  }
0x3d: {  	[sflag:s19] =	ssyncadd.s32 $0xFFFFF000  }
0x3e: {  	_ =	swait.ge [sflag:s18], $0x1000  }
0x3f: {  	[sflag:s18] =	ssyncset.done $0x0  }
0x40: {  	[sflag:s18] =	ssyncadd.s32 $0xFFFFF000  }
0x41: {  	_ =	swait.ge [sflag:s28], $0x1000  }
0x42: {  	[sflag:s28] =	ssyncset.done $0x0  }
0x43: {  	[sflag:s28] =	ssyncadd.s32 $0xFFFFF000  }
0x44: {  	_ =	swait.ge [sflag:s30], $0x1000  }
0x45: {  	[sflag:s30] =	ssyncset.done $0x0  }
0x46: {  	[sflag:s30] =	ssyncadd.s32 $0xFFFFF000  }
0x47: {  	_ =	swait.ge [sflag:s6], $0x180  }
0x48: {  	[sflag:s6] =	ssyncset.done $0x0  }
0x49: {  	s11 =	simm.s32 $0x1BD00;
	[sflag:s6] =	ssyncadd.s32 $0xFFFFFE80  }
0x4a: {  	[spmem:s1] =	stream.indirect.scatter.add.f32 [tilespmem:s11], [sflag:$0xB], $0x20, s29, s25, $0xb8;
	[tilespmem:$0x1ED00] =	vst v63  }
0x4b: {  	_ =	swait.ge [sflag:s19], $0x1000  }
0x4c: {  	[sflag:s19] =	ssyncset.done $0x0  }
0x4d: {  	s9 =	simm.s32 $0x1CD00;
	s17 =	simm.s32 $0x18C00;
	[sflag:s19] =	ssyncadd.s32 $0xFFFFF000  }
0x4e: {  	[spmem:s1] =	stream.indirect.scatter.add.f32 [tilespmem:s9], [sflag:$0xB], $0x20, s17, s25, $0xb8;
	[tilespmem:$0x1ED00] =	vst v63  }
0x4f: {  	_ =	swait.ge [sflag:s19], $0x1000  }
0x50: {  	[sflag:s19] =	ssyncset.done $0x0  }
0x51: {  	s8 =	simm.s32 $0x1DD00;
	s11 =	simm.s32 $0x18C80;
	[sflag:s19] =	ssyncadd.s32 $0xFFFFF000  }
0x52: {  	[spmem:s1] =	stream.indirect.scatter.add.f32 [tilespmem:s8], [sflag:$0xB], $0x20, s11, s25, $0xb8;
	[tilespmem:$0x1ED00] =	vst v63  }
0x53: {  	_ =	swait.ge [sflag:s19], $0x1000  }
0x54: {  	[sflag:s19] =	ssyncset.done $0x0  }
0x55: {  	[sflag:s19] =	ssyncadd.s32 $0xFFFFF000  }
0x56: {  	s17 =	rddreg [dreg:$0x6];
	[bflag:$0x0] =	sbarrier.arrive $0xFFFF  }
0x57: {  	s7 =	sadd.s32 s7, s17;
	s11 =	rddreg [dreg:$0xf]  }
0x58: {  	[hbm:s7], [sflag:s20] =	dma.local [spmem:s11], $0x30E0  }
0x59: {  	_ =	swait.ge [sflag:s19], $0x30E0  }
0x5a: {  	s23 =	sadd.s32 $0x1, s23;
	s20 =	rddreg [dreg:$0xc]  }
0x5b: {  	p1 =	sne.s32 s23, s20  }
.Ltmp1:
0x5c: {  	_ = 	snop;
	(pc) =	sbr.rel @!p1 .LBB2_9-.Ltmp1, $3  }
0x5d: {  	_ =	sdelay $0x1  }
0x5e: {  	s14 =	simm.s32 $0x18B80;
	s29 =	simm.s32 $0x18780;
	[sflag:s19] =	ssyncset.done $0x0  }
0x5f: {  	s17 =	simm.s32 $0x18700;
	[sflag:s19] =	ssyncadd.s32 $0xFFFFCF20;
	s20 =	rddreg [dreg:$0x8]  }
.LBB2_1:
.Ltmp2:
0x60: {  	(pc) =	sbr.rel @!p0 .LBB2_2-.Ltmp2, $2  }
0x61: {  	_ =	sdelay $0x2  }
0x62: {  	[dreg:$0x10] =	wrdreg s23  }
0x63: {  	s7 =	rddreg [dreg:$0xb]  }
0x64: {  	s8 =	rddreg [dreg:$0xe]  }
0x65: {  	[spmem:s11], [sflag:s8] =	dma.local [hbm:s7], $0x30E0  }
0x66: {  	_ =	swait.ge [sflag:s19], $0x30E0  }
0x67: {  	[sflag:s19] =	ssyncset.done $0x0  }
0x68: {  	[sflag:s19] =	ssyncadd.s32 $0xFFFFCF20  }
0x69: {  	[bflag:$0x0] =	sbarrier.arrive $0xFFFF  }
0x6a: {  	[tilespmem:s17], [sflag:$0x1] =	stream.linear.gather [hbm4b:s10+s2], $0x180, $0x38;
	[tilespmem:$0x1ED00] =	vst v63  }
0x6b: {  	_ = 	snop  }
0x6c: {  	[tilespmem:s21], [sflag:$0x3] =	stream.linear.gather [hbm4b:s20+s2], $0x180, $0x38;
	[tilespmem:$0x1ED00] =	vst v63  }
0x6d: {  	s3 =	rddreg [dreg:$0x9]  }
0x6e: {  	[tilespmem:s22], [sflag:$0x2] =	stream.linear.gather [hbm4b:s3+s2], $0x180, $0x38;
	[tilespmem:$0x1ED00] =	vst v63  }
0x6f: {  	s31 =	simm.s32 $0x18B80;
	s8 =	rddreg [dreg:$0xa]  }
0x70: {  	[tilespmem:s31], [sflag:$0x4] =	stream.linear.gather [hbm4b:s8+s2], $0x180, $0x38;
	[tilespmem:$0x1ED00] =	vst v63  }
0x71: {  	_ =	swait.ge [sflag:s24], $0x180  }
0x72: {  	[sflag:s24] =	ssyncset.done $0x0  }
0x73: {  	[sflag:s24] =	ssyncadd.s32 $0xFFFFFE80  }
0x74: {  	[tilespmem:s26], [sflag:$0x5] =	stream.indirect.gather [hbm4b:s5+s25], $0x20, s17, s25, $0xb8;
	[tilespmem:$0x1ED00] =	vst v63  }
0x75: {  	s23 =	simm.s32 $0x19D00  }
0x76: {  	[tilespmem:s23], [sflag:$0x6] =	stream.indirect.gather [hbm4b:s5+s25], $0x20, s29, s25, $0xb8;
	[tilespmem:$0x1ED00] =	vst v63  }
0x77: {  	s9 =	simm.s32 $0x18800;
	s3 =	simm.s32 $0x1AD00  }
0x78: {  	[tilespmem:s3], [sflag:$0x7] =	stream.indirect.gather [hbm4b:s5+s25], $0x20, s9, s25, $0xb8;
	[tilespmem:$0x1ED00] =	vst v63  }
0x79: {  	_ =	swait.ge [sflag:s0], $0x180  }
0x7a: {  	[sflag:s0] =	ssyncset.done $0x0  }
0x7b: {  	s9 =	simm.s32 $0x1BD00;
	[sflag:s0] =	ssyncadd.s32 $0xFFFFFE80  }
0x7c: {  	[tilespmem:s9], [sflag:$0x8] =	stream.indirect.gather [hbm4b:s5+s25], $0x20, s22, s25, $0xb8;
	[tilespmem:$0x1ED00] =	vst v63  }
0x7d: {  	s14 =	simm.s32 $0x1CD00;
	s11 =	simm.s32 $0x18900  }
0x7e: {  	[tilespmem:s14], [sflag:$0x9] =	stream.indirect.gather [hbm4b:s5+s25], $0x20, s11, s25, $0xb8;
	[tilespmem:$0x1ED00] =	vst v63  }
0x7f: {  	s8 =	simm.s32 $0x18980;
	s11 =	simm.s32 $0x1DD00  }
0x80: {  	[tilespmem:s11], [sflag:$0xA] =	stream.indirect.gather [hbm4b:s5+s25], $0x20, s8, s25, $0xb8;
	[tilespmem:$0x1ED00] =	vst v63  }
0x81: {  	_ =	swait.ge [sflag:s16], $0x1000  }
0x82: {  	[sflag:s16] =	ssyncset.done $0x0  }
0x83: {  	[sflag:s16] =	ssyncadd.s32 $0xFFFFF000  }
0x84: {  	_ =	swait.ge [sflag:s12], $0x1000  }
0x85: {  	[sflag:s12] =	ssyncset.done $0x0  }
0x86: {  	[sflag:s12] =	ssyncadd.s32 $0xFFFFF000  }
0x87: {  	_ =	swait.ge [sflag:s13], $0x1000  }
0x88: {  	s7 =	sadd.s32 $0xFFFFE7A0, s10;
	[sflag:s13] =	ssyncset.done $0x0  }
0x89: {  	s10 =	sadd.s32 $0x18C0, s7;
	[sflag:s13] =	ssyncadd.s32 $0xFFFFF000  }
0x8a: {  	[tilespmem:s17], [sflag:$0x1] =	stream.linear.gather [hbm4b:s10+s2], $0x180, $0x38;
	[tilespmem:$0x1ED00] =	vst v63  }
0x8b: {  	_ =	swait.ge [sflag:s15], $0x180  }
0x8c: {  	[sflag:s15] =	ssyncset.done $0x0  }
0x8d: {  	[sflag:s15] =	ssyncadd.s32 $0xFFFFFE80  }
0x8e: {  	[spmem:s1] =	stream.indirect.scatter.add.f32 [tilespmem:s26], [sflag:$0xB], $0x20, s21, s25, $0xb8;
	[tilespmem:$0x1ED00] =	vst v63  }
0x8f: {  	_ =	swait.ge [sflag:s19], $0x1000  }
0x90: {  	[sflag:s19] =	ssyncset.done $0x0  }
0x91: {  	s10 =	simm.s32 $0x18A80;
	[sflag:s19] =	ssyncadd.s32 $0xFFFFF000  }
0x92: {  	[spmem:s1] =	stream.indirect.scatter.add.f32 [tilespmem:s23], [sflag:$0xB], $0x20, s10, s25, $0xb8;
	[tilespmem:$0x1ED00] =	vst v63  }
0x93: {  	_ =	swait.ge [sflag:s19], $0x1000  }
0x94: {  	[sflag:s19] =	ssyncset.done $0x0  }
0x95: {  	s10 =	simm.s32 $0x18B00;
	[sflag:s19] =	ssyncadd.s32 $0xFFFFF000  }
0x96: {  	[spmem:s1] =	stream.indirect.scatter.add.f32 [tilespmem:s3], [sflag:$0xB], $0x20, s10, s25, $0xb8;
	[tilespmem:$0x1ED00] =	vst v63  }
0x97: {  	_ =	swait.ge [sflag:s19], $0x1000  }
0x98: {  	s10 =	sadd.s32 $0xFFFFE7A0, s20;
	[sflag:s19] =	ssyncset.done $0x0  }
0x99: {  	s8 =	sadd.s32 $0x18C0, s10;
	[sflag:s19] =	ssyncadd.s32 $0xFFFFF000  }
0x9a: {  	[tilespmem:s21], [sflag:$0x3] =	stream.linear.gather [hbm4b:s8+s2], $0x180, $0x38;
	[tilespmem:$0x1ED00] =	vst v63  }
0x9b: {  	_ =	swait.ge [sflag:s24], $0x180  }
0x9c: {  	[sflag:s24] =	ssyncset.done $0x0  }
0x9d: {  	[sflag:s24] =	ssyncadd.s32 $0xFFFFFE80  }
0x9e: {  	[tilespmem:s26], [sflag:$0x5] =	stream.indirect.gather [hbm4b:s5+s25], $0x20, s17, s25, $0xb8;
	[tilespmem:$0x1ED00] =	vst v63  }
0x9f: {  	_ = 	snop  }
0xa0: {  	[tilespmem:s23], [sflag:$0x6] =	stream.indirect.gather [hbm4b:s5+s25], $0x20, s29, s25, $0xb8;
	[tilespmem:$0x1ED00] =	vst v63  }
0xa1: {  	s23 =	simm.s32 $0x18800  }
0xa2: {  	[tilespmem:s3], [sflag:$0x7] =	stream.indirect.gather [hbm4b:s5+s25], $0x20, s23, s25, $0xb8;
	[tilespmem:$0x1ED00] =	vst v63  }
0xa3: {  	_ =	swait.ge [sflag:s18], $0x1000  }
0xa4: {  	[sflag:s18] =	ssyncset.done $0x0  }
0xa5: {  	[sflag:s18] =	ssyncadd.s32 $0xFFFFF000  }
0xa6: {  	_ =	swait.ge [sflag:s28], $0x1000  }
0xa7: {  	[sflag:s28] =	ssyncset.done $0x0  }
0xa8: {  	[sflag:s28] =	ssyncadd.s32 $0xFFFFF000  }
0xa9: {  	_ =	swait.ge [sflag:s30], $0x1000  }
0xaa: {  	[sflag:s30] =	ssyncset.done $0x0  }
0xab: {  	s7 =	sadd.s32 $0x18F0, s7;
	[sflag:s30] =	ssyncadd.s32 $0xFFFFF000  }
0xac: {  	[tilespmem:s22], [sflag:$0x2] =	stream.linear.gather [hbm4b:s7+s2], $0x180, $0x38;
	[tilespmem:$0x1ED00] =	vst v63  }
0xad: {  	_ =	swait.ge [sflag:s6], $0x180  }
0xae: {  	[sflag:s6] =	ssyncset.done $0x0  }
0xaf: {  	[sflag:s6] =	ssyncadd.s32 $0xFFFFFE80  }
0xb0: {  	[spmem:s1] =	stream.indirect.scatter.add.f32 [tilespmem:s9], [sflag:$0xB], $0x20, s31, s25, $0xb8;
	[tilespmem:$0x1ED00] =	vst v63  }
0xb1: {  	_ =	swait.ge [sflag:s19], $0x1000  }
0xb2: {  	[sflag:s19] =	ssyncset.done $0x0  }
0xb3: {  	s26 =	simm.s32 $0x18C00;
	[sflag:s19] =	ssyncadd.s32 $0xFFFFF000  }
0xb4: {  	[spmem:s1] =	stream.indirect.scatter.add.f32 [tilespmem:s14], [sflag:$0xB], $0x20, s26, s25, $0xb8;
	[tilespmem:$0x1ED00] =	vst v63  }
0xb5: {  	_ =	swait.ge [sflag:s19], $0x1000  }
0xb6: {  	[sflag:s19] =	ssyncset.done $0x0  }
0xb7: {  	s8 =	simm.s32 $0xFFFFE800;
	s31 =	simm.s32 $0x18C80;
	[sflag:s19] =	ssyncadd.s32 $0xFFFFF000  }
0xb8: {  	[spmem:s1] =	stream.indirect.scatter.add.f32 [tilespmem:s11], [sflag:$0xB], $0x20, s31, s25, $0xb8;
	[tilespmem:$0x1ED00] =	vst v63  }
0xb9: {  	s21 =	simm.s32 $0x18700;
	s29 =	simm.s32 $0x18D00;
	_ =	swait.ge [sflag:s19], $0x1000  }
0xba: {  	s23 =	simm.s32 $0x18880;
	s7 =	sadd.s32 $0x18F0, s10;
	[sflag:s19] =	ssyncset.done $0x0  }
0xbb: {  	s22 =	simm.s32 $0x18A00;
	s26 =	simm.s32 $0x18B80;
	[sflag:s19] =	ssyncadd.s32 $0xFFFFF000  }
.LBB2_6:
0xbc: {  	[tilespmem:s26], [sflag:$0x4] =	stream.linear.gather [hbm4b:s7+s2], $0x180, $0x38;
	[tilespmem:$0x1ED00] =	vst v63  }
0xbd: {  	_ =	swait.ge [sflag:s0], $0x180  }
0xbe: {  	[sflag:s0] =	ssyncset.done $0x0  }
0xbf: {  	s14 =	simm.s32 $0x1BD00;
	[sflag:s0] =	ssyncadd.s32 $0xFFFFFE80  }
0xc0: {  	[tilespmem:s14], [sflag:$0x8] =	stream.indirect.gather [hbm4b:s5+s25], $0x20, s23, s25, $0xb8;
	[tilespmem:$0x1ED00] =	vst v63  }
0xc1: {  	s3 =	simm.s32 $0x18900;
	s31 =	simm.s32 $0x1CD00  }
0xc2: {  	[tilespmem:s31], [sflag:$0x9] =	stream.indirect.gather [hbm4b:s5+s25], $0x20, s3, s25, $0xb8;
	[tilespmem:$0x1ED00] =	vst v63  }
0xc3: {  	s9 =	simm.s32 $0x18980;
	s11 =	simm.s32 $0x1DD00  }
0xc4: {  	[tilespmem:s11], [sflag:$0xA] =	stream.indirect.gather [hbm4b:s5+s25], $0x20, s9, s25, $0xb8;
	[tilespmem:$0x1ED00] =	vst v63  }
0xc5: {  	_ =	swait.ge [sflag:s16], $0x1000  }
0xc6: {  	[sflag:s16] =	ssyncset.done $0x0  }
0xc7: {  	[sflag:s16] =	ssyncadd.s32 $0xFFFFF000  }
0xc8: {  	_ =	swait.ge [sflag:s12], $0x1000  }
0xc9: {  	[sflag:s12] =	ssyncset.done $0x0  }
0xca: {  	[sflag:s12] =	ssyncadd.s32 $0xFFFFF000  }
0xcb: {  	_ =	swait.ge [sflag:s13], $0x1000  }
0xcc: {  	s17 =	smov.u32 s8;
	s10 =	rddreg [dreg:$0x3]  }
0xcd: {  	[sflag:s13] =	ssyncset.done $0x0;
	s7 =	sadd.s32 s17, s10  }
0xce: {  	[sflag:s13] =	ssyncadd.s32 $0xFFFFF000;
	s10 =	sadd.s32 $0x18C0, s7  }
0xcf: {  	[tilespmem:s21], [sflag:$0x1] =	stream.linear.gather [hbm4b:s10+s2], $0x180, $0x38;
	[tilespmem:$0x1ED00] =	vst v63  }
0xd0: {  	_ =	swait.ge [sflag:s15], $0x180  }
0xd1: {  	[sflag:s15] =	ssyncset.done $0x0  }
0xd2: {  	[sflag:s15] =	ssyncadd.s32 $0xFFFFFE80  }
0xd3: {  	[spmem:s1] =	stream.indirect.scatter.add.f32 [tilespmem:s29], [sflag:$0xB], $0x20, s22, s25, $0xb8;
	[tilespmem:$0x1ED00] =	vst v63  }
0xd4: {  	_ =	swait.ge [sflag:s19], $0x1000  }
0xd5: {  	[sflag:s19] =	ssyncset.done $0x0  }
0xd6: {  	s3 =	simm.s32 $0x19D00;
	s9 =	simm.s32 $0x18A80;
	[sflag:s19] =	ssyncadd.s32 $0xFFFFF000  }
0xd7: {  	[spmem:s1] =	stream.indirect.scatter.add.f32 [tilespmem:s3], [sflag:$0xB], $0x20, s9, s25, $0xb8;
	[tilespmem:$0x1ED00] =	vst v63  }
0xd8: {  	_ =	swait.ge [sflag:s19], $0x1000  }
0xd9: {  	[sflag:s19] =	ssyncset.done $0x0  }
0xda: {  	s10 =	simm.s32 $0x18B00;
	s9 =	simm.s32 $0x1AD00;
	[sflag:s19] =	ssyncadd.s32 $0xFFFFF000  }
0xdb: {  	[spmem:s1] =	stream.indirect.scatter.add.f32 [tilespmem:s9], [sflag:$0xB], $0x20, s10, s25, $0xb8;
	[tilespmem:$0x1ED00] =	vst v63  }
0xdc: {  	_ =	swait.ge [sflag:s19], $0x1000  }
0xdd: {  	s17 =	sadd.s32 s17, s20;
	[sflag:s19] =	ssyncset.done $0x0  }
0xde: {  	s10 =	sadd.s32 $0x18C0, s17;
	[sflag:s19] =	ssyncadd.s32 $0xFFFFF000  }
0xdf: {  	[tilespmem:s22], [sflag:$0x3] =	stream.linear.gather [hbm4b:s10+s2], $0x180, $0x38;
	[tilespmem:$0x1ED00] =	vst v63  }
0xe0: {  	_ =	swait.ge [sflag:s24], $0x180  }
0xe1: {  	[sflag:s24] =	ssyncset.done $0x0  }
0xe2: {  	[sflag:s24] =	ssyncadd.s32 $0xFFFFFE80  }
0xe3: {  	[tilespmem:s29], [sflag:$0x5] =	stream.indirect.gather [hbm4b:s5+s25], $0x20, s21, s25, $0xb8;
	[tilespmem:$0x1ED00] =	vst v63  }
0xe4: {  	s10 =	simm.s32 $0x18780  }
0xe5: {  	[tilespmem:s3], [sflag:$0x6] =	stream.indirect.gather [hbm4b:s5+s25], $0x20, s10, s25, $0xb8;
	[tilespmem:$0x1ED00] =	vst v63  }
0xe6: {  	s3 =	simm.s32 $0x18800  }
0xe7: {  	[tilespmem:s9], [sflag:$0x7] =	stream.indirect.gather [hbm4b:s5+s25], $0x20, s3, s25, $0xb8;
	[tilespmem:$0x1ED00] =	vst v63  }
0xe8: {  	_ =	swait.ge [sflag:s18], $0x1000  }
0xe9: {  	[sflag:s18] =	ssyncset.done $0x0  }
0xea: {  	[sflag:s18] =	ssyncadd.s32 $0xFFFFF000  }
0xeb: {  	_ =	swait.ge [sflag:s28], $0x1000  }
0xec: {  	[sflag:s28] =	ssyncset.done $0x0  }
0xed: {  	[sflag:s28] =	ssyncadd.s32 $0xFFFFF000  }
0xee: {  	_ =	swait.ge [sflag:s30], $0x1000  }
0xef: {  	[sflag:s30] =	ssyncset.done $0x0  }
0xf0: {  	s7 =	sadd.s32 $0x18F0, s7;
	[sflag:s30] =	ssyncadd.s32 $0xFFFFF000  }
0xf1: {  	[tilespmem:s23], [sflag:$0x2] =	stream.linear.gather [hbm4b:s7+s2], $0x180, $0x38;
	[tilespmem:$0x1ED00] =	vst v63  }
0xf2: {  	_ =	swait.ge [sflag:s6], $0x180  }
0xf3: {  	[sflag:s6] =	ssyncset.done $0x0  }
0xf4: {  	[sflag:s6] =	ssyncadd.s32 $0xFFFFFE80  }
0xf5: {  	[spmem:s1] =	stream.indirect.scatter.add.f32 [tilespmem:s14], [sflag:$0xB], $0x20, s26, s25, $0xb8;
	[tilespmem:$0x1ED00] =	vst v63  }
0xf6: {  	_ =	swait.ge [sflag:s19], $0x1000  }
0xf7: {  	[sflag:s19] =	ssyncset.done $0x0  }
0xf8: {  	s14 =	simm.s32 $0x18C00;
	[sflag:s19] =	ssyncadd.s32 $0xFFFFF000  }
0xf9: {  	[spmem:s1] =	stream.indirect.scatter.add.f32 [tilespmem:s31], [sflag:$0xB], $0x20, s14, s25, $0xb8;
	[tilespmem:$0x1ED00] =	vst v63  }
0xfa: {  	_ =	swait.ge [sflag:s19], $0x1000  }
0xfb: {  	p1 =	sne.s32 s8, $0xFFFFFFA0;
	[sflag:s19] =	ssyncset.done $0x0  }
.Ltmp3:
0xfc: {  	s31 =	simm.s32 $0x18C80;
	[sflag:s19] =	ssyncadd.s32 $0xFFFFF000;
	(pc) =	sbr.rel @p1 .LBB2_6-.Ltmp3, $4  }
0xfd: {  	[spmem:s1] =	stream.indirect.scatter.add.f32 [tilespmem:s11], [sflag:$0xB], $0x20, s31, s25, $0xb8;
	[tilespmem:$0x1ED00] =	vst v63  }
0xfe: {  	_ =	swait.ge [sflag:s19], $0x1000  }
0xff: {  	[sflag:s19] =	ssyncset.done $0x0  }
0x100: {  	s8 =	sadd.s32 $0x60, s8;
	s7 =	sadd.s32 $0x18F0, s17;
	[sflag:s19] =	ssyncadd.s32 $0xFFFFF000  }
.Ltmp4:
0x101: {  	_ = 	snop;
	(pc) =	sbr.rel .LBB2_7-.Ltmp4, $1  }
0x102: {  	_ =	sdelay $0x3  }
.LBB2_2:
0x103: {  	s7 =	rddreg [dreg:$0xd]  }
0x104: {  	s8 =	rddreg [dreg:$0x7];
	s3 =	sor.u32 $0x1C0B, s7  }
0x105: {  	[dreg:$0x11] =	wrdreg s3  }
0x106: {  	[spmem:s11], [sflag:s3] =	dma.local [hbm:s8], $0x30E0  }
0x107: {  	_ =	swait.ge [sflag:s19], $0x30E0  }
0x108: {  	[sflag:s19] =	ssyncset.done $0x0  }
0x109: {  	[sflag:s19] =	ssyncadd.s32 $0xFFFFCF20  }
0x10a: {  	[bflag:$0x0] =	sbarrier.arrive $0xFFFF  }
0x10b: {  	[tilespmem:s17], [sflag:$0x1] =	stream.linear.gather [hbm4b:s10+s2], $0x180, $0x38;
	[tilespmem:$0x1ED00] =	vst v63  }
0x10c: {  	_ = 	snop  }
0x10d: {  	[tilespmem:s21], [sflag:$0x3] =	stream.linear.gather [hbm4b:s20+s2], $0x180, $0x38;
	[tilespmem:$0x1ED00] =	vst v63  }
0x10e: {  	s9 =	rddreg [dreg:$0x9]  }
0x10f: {  	[tilespmem:s22], [sflag:$0x2] =	stream.linear.gather [hbm4b:s9+s2], $0x180, $0x38;
	[tilespmem:$0x1ED00] =	vst v63  }
0x110: {  	s11 =	rddreg [dreg:$0xa]  }
0x111: {  	[tilespmem:s14], [sflag:$0x4] =	stream.linear.gather [hbm4b:s11+s2], $0x180, $0x38;
	[tilespmem:$0x1ED00] =	vst v63  }
0x112: {  	_ =	swait.ge [sflag:s24], $0x180  }
0x113: {  	[sflag:s24] =	ssyncset.done $0x0  }
0x114: {  	[sflag:s24] =	ssyncadd.s32 $0xFFFFFE80  }
0x115: {  	[tilespmem:s26], [sflag:$0x5] =	stream.indirect.gather [hbm4b:s4+s25], $0x20, s17, s25, $0xb8;
	[tilespmem:$0x1ED00] =	vst v63  }
0x116: {  	s11 =	simm.s32 $0x19D00  }
0x117: {  	[tilespmem:s11], [sflag:$0x6] =	stream.indirect.gather [hbm4b:s4+s25], $0x20, s29, s25, $0xb8;
	[tilespmem:$0x1ED00] =	vst v63  }
0x118: {  	s14 =	simm.s32 $0x1AD00  }
0x119: {  	[tilespmem:s14], [sflag:$0x7] =	stream.indirect.gather [hbm4b:s4+s25], $0x20, s31, s25, $0xb8;
	[tilespmem:$0x1ED00] =	vst v63  }
0x11a: {  	_ =	swait.ge [sflag:s0], $0x180  }
0x11b: {  	[sflag:s0] =	ssyncset.done $0x0  }
0x11c: {  	s14 =	simm.s32 $0x1BD00;
	[sflag:s0] =	ssyncadd.s32 $0xFFFFFE80  }
0x11d: {  	[tilespmem:s14], [sflag:$0x8] =	stream.indirect.gather [hbm4b:s4+s25], $0x20, s22, s25, $0xb8;
	[tilespmem:$0x1ED00] =	vst v63  }
0x11e: {  	s23 =	simm.s32 $0x18900;
	s29 =	simm.s32 $0x1CD00  }
0x11f: {  	[tilespmem:s29], [sflag:$0x9] =	stream.indirect.gather [hbm4b:s4+s25], $0x20, s23, s25, $0xb8;
	[tilespmem:$0x1ED00] =	vst v63  }
0x120: {  	s7 =	simm.s32 $0x18980;
	s8 =	simm.s32 $0x1DD00  }
0x121: {  	[tilespmem:s8], [sflag:$0xA] =	stream.indirect.gather [hbm4b:s4+s25], $0x20, s7, s25, $0xb8;
	[tilespmem:$0x1ED00] =	vst v63  }
0x122: {  	_ =	swait.ge [sflag:s16], $0x1000  }
0x123: {  	[sflag:s16] =	ssyncset.done $0x0  }
0x124: {  	[sflag:s16] =	ssyncadd.s32 $0xFFFFF000  }
0x125: {  	_ =	swait.ge [sflag:s12], $0x1000  }
0x126: {  	[sflag:s12] =	ssyncset.done $0x0  }
0x127: {  	[sflag:s12] =	ssyncadd.s32 $0xFFFFF000  }
0x128: {  	_ =	swait.ge [sflag:s13], $0x1000  }
0x129: {  	s7 =	sadd.s32 $0xFFFFE7A0, s10;
	[sflag:s13] =	ssyncset.done $0x0  }
0x12a: {  	s8 =	sadd.s32 $0x18C0, s7;
	[sflag:s13] =	ssyncadd.s32 $0xFFFFF000  }
0x12b: {  	[tilespmem:s17], [sflag:$0x1] =	stream.linear.gather [hbm4b:s8+s2], $0x180, $0x38;
	[tilespmem:$0x1ED00] =	vst v63  }
0x12c: {  	_ =	swait.ge [sflag:s15], $0x180  }
0x12d: {  	[sflag:s15] =	ssyncset.done $0x0  }
0x12e: {  	[sflag:s15] =	ssyncadd.s32 $0xFFFFFE80  }
0x12f: {  	[spmem:s1] =	stream.indirect.scatter.add.f32 [tilespmem:s26], [sflag:$0xB], $0x20, s21, s25, $0xb8;
	[tilespmem:$0x1ED00] =	vst v63  }
0x130: {  	_ =	swait.ge [sflag:s19], $0x1000  }
0x131: {  	[sflag:s19] =	ssyncset.done $0x0  }
0x132: {  	s22 =	simm.s32 $0x18A80;
	[sflag:s19] =	ssyncadd.s32 $0xFFFFF000  }
0x133: {  	[spmem:s1] =	stream.indirect.scatter.add.f32 [tilespmem:s11], [sflag:$0xB], $0x20, s22, s25, $0xb8;
	[tilespmem:$0x1ED00] =	vst v63  }
0x134: {  	_ =	swait.ge [sflag:s19], $0x1000  }
0x135: {  	[sflag:s19] =	ssyncset.done $0x0  }
0x136: {  	s9 =	simm.s32 $0x1AD00;
	s23 =	simm.s32 $0x18B00;
	[sflag:s19] =	ssyncadd.s32 $0xFFFFF000  }
0x137: {  	[spmem:s1] =	stream.indirect.scatter.add.f32 [tilespmem:s9], [sflag:$0xB], $0x20, s23, s25, $0xb8;
	[tilespmem:$0x1ED00] =	vst v63  }
0x138: {  	_ =	swait.ge [sflag:s19], $0x1000  }
0x139: {  	s17 =	sadd.s32 $0xFFFFE7A0, s20;
	[sflag:s19] =	ssyncset.done $0x0  }
0x13a: {  	s8 =	sadd.s32 $0x18C0, s17;
	s22 =	simm.s32 $0x18A00;
	[sflag:s19] =	ssyncadd.s32 $0xFFFFF000  }
0x13b: {  	[tilespmem:s22], [sflag:$0x3] =	stream.linear.gather [hbm4b:s8+s2], $0x180, $0x38;
	[tilespmem:$0x1ED00] =	vst v63  }
0x13c: {  	_ =	swait.ge [sflag:s24], $0x180  }
0x13d: {  	[sflag:s24] =	ssyncset.done $0x0  }
0x13e: {  	s29 =	simm.s32 $0x18700;
	s26 =	simm.s32 $0x18D00;
	[sflag:s24] =	ssyncadd.s32 $0xFFFFFE80  }
0x13f: {  	[tilespmem:s26], [sflag:$0x5] =	stream.indirect.gather [hbm4b:s4+s25], $0x20, s29, s25, $0xb8;
	[tilespmem:$0x1ED00] =	vst v63  }
0x140: {  	s21 =	simm.s32 $0x18780  }
0x141: {  	[tilespmem:s11], [sflag:$0x6] =	stream.indirect.gather [hbm4b:s4+s25], $0x20, s21, s25, $0xb8;
	[tilespmem:$0x1ED00] =	vst v63  }
0x142: {  	_ = 	snop  }
0x143: {  	[tilespmem:s9], [sflag:$0x7] =	stream.indirect.gather [hbm4b:s4+s25], $0x20, s31, s25, $0xb8;
	[tilespmem:$0x1ED00] =	vst v63  }
0x144: {  	_ =	swait.ge [sflag:s18], $0x1000  }
0x145: {  	[sflag:s18] =	ssyncset.done $0x0  }
0x146: {  	[sflag:s18] =	ssyncadd.s32 $0xFFFFF000  }
0x147: {  	_ =	swait.ge [sflag:s28], $0x1000  }
0x148: {  	[sflag:s28] =	ssyncset.done $0x0  }
0x149: {  	[sflag:s28] =	ssyncadd.s32 $0xFFFFF000  }
0x14a: {  	_ =	swait.ge [sflag:s30], $0x1000  }
0x14b: {  	[sflag:s30] =	ssyncset.done $0x0  }
0x14c: {  	s7 =	sadd.s32 $0x18F0, s7;
	s23 =	simm.s32 $0x18880;
	[sflag:s30] =	ssyncadd.s32 $0xFFFFF000  }
0x14d: {  	[tilespmem:s23], [sflag:$0x2] =	stream.linear.gather [hbm4b:s7+s2], $0x180, $0x38;
	[tilespmem:$0x1ED00] =	vst v63  }
0x14e: {  	_ =	swait.ge [sflag:s6], $0x180  }
0x14f: {  	[sflag:s6] =	ssyncset.done $0x0  }
0x150: {  	s3 =	simm.s32 $0x18B80;
	[sflag:s6] =	ssyncadd.s32 $0xFFFFFE80  }
0x151: {  	[spmem:s1] =	stream.indirect.scatter.add.f32 [tilespmem:s14], [sflag:$0xB], $0x20, s3, s25, $0xb8;
	[tilespmem:$0x1ED00] =	vst v63  }
0x152: {  	_ =	swait.ge [sflag:s19], $0x1000  }
0x153: {  	[sflag:s19] =	ssyncset.done $0x0  }
0x154: {  	s24 =	simm.s32 $0x18C00;
	s26 =	simm.s32 $0x1CD00;
	[sflag:s19] =	ssyncadd.s32 $0xFFFFF000  }
0x155: {  	[spmem:s1] =	stream.indirect.scatter.add.f32 [tilespmem:s26], [sflag:$0xB], $0x20, s24, s25, $0xb8;
	[tilespmem:$0x1ED00] =	vst v63  }
0x156: {  	_ =	swait.ge [sflag:s19], $0x1000  }
0x157: {  	[sflag:s19] =	ssyncset.done $0x0  }
0x158: {  	s29 =	simm.s32 $0x18C80;
	s31 =	simm.s32 $0x1DD00;
	[sflag:s19] =	ssyncadd.s32 $0xFFFFF000  }
0x159: {  	[spmem:s1] =	stream.indirect.scatter.add.f32 [tilespmem:s31], [sflag:$0xB], $0x20, s29, s25, $0xb8;
	[tilespmem:$0x1ED00] =	vst v63  }
0x15a: {  	_ =	swait.ge [sflag:s19], $0x1000  }
0x15b: {  	[sflag:s19] =	ssyncset.done $0x0  }
0x15c: {  	s8 =	simm.s32 $0xFFFFE800;
	s7 =	sadd.s32 $0x18F0, s17;
	[sflag:s19] =	ssyncadd.s32 $0xFFFFF000  }
.LBB2_3:
0x15d: {  	s21 =	simm.s32 $0x18B80;
	s17 =	smov.u32 s8  }
0x15e: {  	[tilespmem:s21], [sflag:$0x4] =	stream.linear.gather [hbm4b:s7+s2], $0x180, $0x38;
	[tilespmem:$0x1ED00] =	vst v63  }
0x15f: {  	p1 =	seq.s32 s8, $0xFFFFFFA0;
	s8 =	sadd.s32 $0x60, s8;
	_ =	swait.ge [sflag:s0], $0x180  }
0x160: {  	[sflag:s0] =	ssyncset.done $0x0  }
0x161: {  	s14 =	simm.s32 $0x1BD00;
	s29 =	simm.s32 $0x18880;
	[sflag:s0] =	ssyncadd.s32 $0xFFFFFE80  }
0x162: {  	[tilespmem:s14], [sflag:$0x8] =	stream.indirect.gather [hbm4b:s4+s25], $0x20, s29, s25, $0xb8;
	[tilespmem:$0x1ED00] =	vst v63  }
0x163: {  	s3 =	simm.s32 $0x1CD00;
	s7 =	simm.s32 $0x18900  }
0x164: {  	[tilespmem:s3], [sflag:$0x9] =	stream.indirect.gather [hbm4b:s4+s25], $0x20, s7, s25, $0xb8;
	[tilespmem:$0x1ED00] =	vst v63  }
0x165: {  	s26 =	simm.s32 $0x1DD00;
	s7 =	simm.s32 $0x18980  }
0x166: {  	[tilespmem:s26], [sflag:$0xA] =	stream.indirect.gather [hbm4b:s4+s25], $0x20, s7, s25, $0xb8;
	[tilespmem:$0x1ED00] =	vst v63  }
0x167: {  	_ =	swait.ge [sflag:s16], $0x1000  }
0x168: {  	[sflag:s16] =	ssyncset.done $0x0  }
0x169: {  	[sflag:s16] =	ssyncadd.s32 $0xFFFFF000  }
0x16a: {  	_ =	swait.ge [sflag:s12], $0x1000  }
0x16b: {  	[sflag:s12] =	ssyncset.done $0x0  }
0x16c: {  	[sflag:s12] =	ssyncadd.s32 $0xFFFFF000  }
0x16d: {  	s31 =	simm.s32 $0x19D00;
	_ =	swait.ge [sflag:s13], $0x1000  }
0x16e: {  	s11 =	smov.u32 s10;
	s7 =	sadd.s32 s17, s10;
	[sflag:s13] =	ssyncset.done $0x0  }
0x16f: {  	s22 =	simm.s32 $0x18700;
	s10 =	sadd.s32 $0x18C0, s7;
	[sflag:s13] =	ssyncadd.s32 $0xFFFFF000  }
0x170: {  	[tilespmem:s22], [sflag:$0x1] =	stream.linear.gather [hbm4b:s10+s2], $0x180, $0x38;
	[tilespmem:$0x1ED00] =	vst v63  }
0x171: {  	_ =	swait.ge [sflag:s15], $0x180  }
0x172: {  	[sflag:s15] =	ssyncset.done $0x0  }
0x173: {  	s23 =	simm.s32 $0x18D00;
	s24 =	simm.s32 $0x18A00;
	[sflag:s15] =	ssyncadd.s32 $0xFFFFFE80  }
0x174: {  	[spmem:s1] =	stream.indirect.scatter.add.f32 [tilespmem:s23], [sflag:$0xB], $0x20, s24, s25, $0xb8;
	[tilespmem:$0x1ED00] =	vst v63  }
0x175: {  	_ =	swait.ge [sflag:s19], $0x1000  }
0x176: {  	[sflag:s19] =	ssyncset.done $0x0  }
0x177: {  	s9 =	simm.s32 $0x18A80;
	[sflag:s19] =	ssyncadd.s32 $0xFFFFF000  }
0x178: {  	[spmem:s1] =	stream.indirect.scatter.add.f32 [tilespmem:s31], [sflag:$0xB], $0x20, s9, s25, $0xb8;
	[tilespmem:$0x1ED00] =	vst v63  }
0x179: {  	s31 =	simm.s32 $0x18800  }
0x17a: {  	_ =	swait.ge [sflag:s19], $0x1000  }
0x17b: {  	[sflag:s19] =	ssyncset.done $0x0  }
0x17c: {  	s10 =	simm.s32 $0x18B00;
	s9 =	simm.s32 $0x1AD00;
	[sflag:s19] =	ssyncadd.s32 $0xFFFFF000  }
0x17d: {  	[spmem:s1] =	stream.indirect.scatter.add.f32 [tilespmem:s9], [sflag:$0xB], $0x20, s10, s25, $0xb8;
	[tilespmem:$0x1ED00] =	vst v63  }
0x17e: {  	_ =	swait.ge [sflag:s19], $0x1000  }
0x17f: {  	s17 =	sadd.s32 s17, s20;
	[sflag:s19] =	ssyncset.done $0x0  }
0x180: {  	s10 =	sadd.s32 $0x18C0, s17;
	[sflag:s19] =	ssyncadd.s32 $0xFFFFF000  }
0x181: {  	[tilespmem:s24], [sflag:$0x3] =	stream.linear.gather [hbm4b:s10+s2], $0x180, $0x38;
	[tilespmem:$0x1ED00] =	vst v63  }
0x182: {  	s24 =	simm.s32 $0x1;
	s10 =	smov.u32 s11;
	s11 =	simm.s32 $0x19D00  }
0x183: {  	_ =	swait.ge [sflag:s24], $0x180  }
0x184: {  	[sflag:s24] =	ssyncset.done $0x0  }
0x185: {  	[sflag:s24] =	ssyncadd.s32 $0xFFFFFE80  }
0x186: {  	[tilespmem:s23], [sflag:$0x5] =	stream.indirect.gather [hbm4b:s4+s25], $0x20, s22, s25, $0xb8;
	[tilespmem:$0x1ED00] =	vst v63  }
0x187: {  	s23 =	simm.s32 $0x18780  }
0x188: {  	[tilespmem:s11], [sflag:$0x6] =	stream.indirect.gather [hbm4b:s4+s25], $0x20, s23, s25, $0xb8;
	[tilespmem:$0x1ED00] =	vst v63  }
0x189: {  	_ = 	snop  }
0x18a: {  	[tilespmem:s9], [sflag:$0x7] =	stream.indirect.gather [hbm4b:s4+s25], $0x20, s31, s25, $0xb8;
	[tilespmem:$0x1ED00] =	vst v63  }
0x18b: {  	_ =	swait.ge [sflag:s18], $0x1000  }
0x18c: {  	[sflag:s18] =	ssyncset.done $0x0  }
0x18d: {  	[sflag:s18] =	ssyncadd.s32 $0xFFFFF000  }
0x18e: {  	_ =	swait.ge [sflag:s28], $0x1000  }
0x18f: {  	[sflag:s28] =	ssyncset.done $0x0  }
0x190: {  	[sflag:s28] =	ssyncadd.s32 $0xFFFFF000  }
0x191: {  	_ =	swait.ge [sflag:s30], $0x1000  }
0x192: {  	[sflag:s30] =	ssyncset.done $0x0  }
0x193: {  	s7 =	sadd.s32 $0x18F0, s7;
	[sflag:s30] =	ssyncadd.s32 $0xFFFFF000  }
0x194: {  	[tilespmem:s29], [sflag:$0x2] =	stream.linear.gather [hbm4b:s7+s2], $0x180, $0x38;
	[tilespmem:$0x1ED00] =	vst v63  }
0x195: {  	_ =	swait.ge [sflag:s6], $0x180  }
0x196: {  	[sflag:s6] =	ssyncset.done $0x0  }
0x197: {  	s9 =	simm.s32 $0x18B80;
	[sflag:s6] =	ssyncadd.s32 $0xFFFFFE80  }
0x198: {  	[spmem:s1] =	stream.indirect.scatter.add.f32 [tilespmem:s14], [sflag:$0xB], $0x20, s21, s25, $0xb8;
	[tilespmem:$0x1ED00] =	vst v63  }
0x199: {  	_ =	swait.ge [sflag:s19], $0x1000  }
0x19a: {  	[sflag:s19] =	ssyncset.done $0x0  }
0x19b: {  	s7 =	simm.s32 $0x18C00;
	[sflag:s19] =	ssyncadd.s32 $0xFFFFF000  }
0x19c: {  	[spmem:s1] =	stream.indirect.scatter.add.f32 [tilespmem:s3], [sflag:$0xB], $0x20, s7, s25, $0xb8;
	[tilespmem:$0x1ED00] =	vst v63  }
0x19d: {  	_ =	swait.ge [sflag:s19], $0x1000  }
0x19e: {  	[sflag:s19] =	ssyncset.done $0x0  }
.Ltmp5:
0x19f: {  	s3 =	simm.s32 $0x18C80;
	[sflag:s19] =	ssyncadd.s32 $0xFFFFF000;
	(pc) =	sbr.rel @!p1 .LBB2_3-.Ltmp5, $4  }
0x1a0: {  	[spmem:s1] =	stream.indirect.scatter.add.f32 [tilespmem:s26], [sflag:$0xB], $0x20, s3, s25, $0xb8;
	[tilespmem:$0x1ED00] =	vst v63  }
0x1a1: {  	_ =	swait.ge [sflag:s19], $0x1000  }
0x1a2: {  	[sflag:s19] =	ssyncset.done $0x0  }
0x1a3: {  	s7 =	sadd.s32 $0x18F0, s17;
	[sflag:s19] =	ssyncadd.s32 $0xFFFFF000  }
.Ltmp6:
0x1a4: {  	(pc) =	sbr.rel .LBB2_8-.Ltmp6, $4  }
0x1a5: {  	[tilespmem:s9], [sflag:$0x4] =	stream.linear.gather [hbm4b:s7+s2], $0x180, $0x38;
	[tilespmem:$0x1ED00] =	vst v63  }
0x1a6: {  	s7 =	rddreg [dreg:$0x4]  }
0x1a7: {  	s3 =	simm.s32 $0x1AD00;
	s23 =	rddreg [dreg:$0x10]  }
0x1a8: {  	s8 =	smov.u32 s4;
	s29 =	simm.s32 $0x18B80;
	s20 =	rddreg [dreg:$0x11]  }
.LBB2_9:
0x1a9: {  	_ =	sfence.sel $0x180000  }
0x1aa: {  	[bflag:$0x0] =	sbarrier.arrive $0xFFFF  }
0x1ab: {  	_ =	strace $0x9000004A  }
0x1ac: {  	s0 =	stileid.u32;
	[bflag:$0x2] =	sbarrier.arrive $0xFFFF  }
0x1ad: {  	p0 =	sne.s32 s0, $0x0;
	s0 =	rddreg [dreg:$0x2]  }
0x1ae: {  	s0 =	sadd.s32 @!p0 $0x100000, s0  }
0x1af: {  	[sflag:s0] =	ssyncadd.tile.s32 @!p0 $0x1;
	_ =	shalt  }
.Lfunc_end2:
_tile_overlayer_lowered:
.L_overlay_start_2:
0x1b0: {  	(tag) =	ssettag $0x2  }
0x1b1: {  	s0 =	rddreg [dreg:$0x0];
	s2 =	stileid.u32  }
0x1b2: {  	s1 =	rddreg [dreg:$0x1];
	p0 =	sne.s32 s2, $0x0  }
0x1b3: {  	s3 =	rddreg [dreg:$0x2];
	[bflag:$0x3] =	sbarrier.arrive $0xFFFF;
	s2 =	simm.s32 @!p0 $0x1C0B  }
0x1b4: {  	[timem:s3], [sflag:s2] =	dma.local @!p0 [hbm:s0], s1  }
0x1b5: {  	s0 =	simm.s32 @!p0 $0xB  }
0x1b6: {  	_ =	swait.ge @!p0 [sflag:s0], s1  }
0x1b7: {  	s1 =	ssub.s32 @!p0 $0x0, s1;
	[sflag:s0] =	ssyncset.done @!p0 $0x0  }
0x1b8: {  	[sflag:s0] =	ssyncadd.s32 @!p0 s1  }
0x1b9: {  	[bflag:$0x3] =	sbarrier.arrive $0xFFFF  }
0x1ba: {  	_ =	shalt  }

// kernel: kernel.14.cloned.1.call-start
scs
__scs_entry_jumppad:
0x0: {  	(pc) =	sbr.rel $0x88, $3  }
0x1: {  	(tag) =	ssettag $0x0;
	lr =	simm.s32 $0x1  }
0x2: {  	[smem:$0x3F98] =	sst lr;
	_ =	strace $0xD0000000  }
0x3: {  	_ = 	snop  }
0x4: {  	_ = 	snop  }
0x5: {  	_ = 	snop  }
0x6: {  	_ = 	snop  }
0x7: {  	_ = 	snop  }
__scs_overlays_trampoline_lowered:
0x8: {  	[smem:$0x3FA7] =	sst s0  }
0x9: {  	[smem:$0x3FA8] =	sst s1  }
0xa: {  	[smem:$0x3FA9] =	sst s2  }
0xb: {  	[smem:$0x3FAA] =	sst s3  }
0xc: {  	[smem:$0x3FAB] =	sst s4  }
0xd: {  	[smem:$0x3FAC] =	sst s5  }
0xe: {  	[smem:$0x3FAD] =	sst s6  }
0xf: {  	[smem:$0x3FAE] =	sst s7  }
0x10: {  	[smem:$0x3FAF] =	sst s8  }
0x11: {  	[smem:$0x3FB0] =	sst s9;
	s0 =	simm.s32 @!p0 $0x0  }
0x12: {  	s1 =	sld [smem:$0x3F96];
	s0 =	simm.s32 @p0 $0x1  }
0x13: {  	[smem:$0x3FB1] =	sst s0;
	s0 =	simm.s32 @!p1 $0x0  }
0x14: {  	s2 =	sld [smem:$0x3F95];
	s0 =	simm.s32 @p1 $0x1  }
0x15: {  	[smem:$0x3FB2] =	sst s0;
	s0 =	simm.s32 @!p2 $0x0  }
0x16: {  	s3 =	sld [smem:$0x3FDB];
	s0 =	simm.s32 @p2 $0x1  }
0x17: {  	s4 =	simm.s32 $0x1BF5;
	[smem:$0x3FB4] =	sst s0  }
0x18: {  	s0 =	sld [smem:$0x3F97];
	_ =	swait.ge [sflag:s4], $0x0  }
0x19: {  	s7 =	sld [smem:$0x3F98]  }
0x1a: {  	s8 =	sadd.s32 $0xFFFFE003, lr  }
0x1b: {  	s9 =	sadd.s32 $0xFFFFFEF7, lr;
	s5 =	simm.s32 $0xFFFFFFFF;
	p2 =	slt.u32 s8, $0xFFFFF086  }
0x1c: {  	p1 =	slt.u32 s9, $0xF7A;
	s5 =	simm.s32 @!p2 $0x0  }
0x1d: {  	s5 =	simm.s32 @p1 $0x1;
	p0 =	seq.s32 s7, s2  }
0x1e: {  	s7 =	smul.u32 @!p0 $0xF7A, s2;
	p2 =	seq.s32 @!p0 s5, $0x0  }
0x1f: {  	s9 =	smul.u32 $0xF7A, s1;
	s8 =	simm.s32 @!p0 $0x1BF5;
	p2 =	por !p2, p0  }
0x20: {  	[sflag:s8] =	ssyncset.s32 @!p0 $0xFFFFF086;
	s6 =	sadd.s32 @!p0 s3, s7;
	s7 =	simm.s32 @!p0 $0x108  }
0x21: {  	s3 =	sadd.s32 s3, s9;
	s6 =	sadd.s32 @!p0 $0x88, s6;
	s7 =	simm.s32 @p2 $0x1082  }
0x22: {  	[simem:s7], [sflag:s8] =	dma.local @!p0 [hbm:s6], $0xF7A  }
0x23: {  	s9 =	sor.u32 $0xD0000000, s2;
	s6 =	simm.s32 $0x108;
	_ =	swait.ge @!p0 [sflag:s8], $0x0  }
0x24: {  	s3 =	sadd.s32 $0x88, s3;
	s6 =	simm.s32 @!p1 $0x1082;
	[sflag:s4] =	ssyncset.s32 $0xFFFFF086  }
0x25: {  	[simem:s6], [sflag:s4] =	dma.local [hbm:s3], $0xF7A  }
0x26: {  	[smem:$0x3F98] =	sst s1;
	(tag) =	ssettag s2;
	_ =	strace s9  }
0x27: {  	s1 =	sld [smem:$0x3FA8]  }
0x28: {  	s2 =	sld [smem:$0x3FA9]  }
0x29: {  	s4 =	sld [smem:$0x3FAB]  }
0x2a: {  	p0 =	seq.s32 s5, $0x0;
	s5 =	sld [smem:$0x3FAC]  }
0x2b: {  	s6 =	sld [smem:$0x3FAD]  }
0x2c: {  	s7 =	sld [smem:$0x3FAE]  }
0x2d: {  	s3 =	simm.s32 $0x108;
	s8 =	sld [smem:$0x3FAF]  }
0x2e: {  	s3 =	simm.s32 @!p0 $0x1082;
	s9 =	sld [smem:$0x3FB0]  }
0x2f: {  	lr =	sadd.s32 s0, s3;
	s0 =	sld [smem:$0x3FA7]  }
0x30: {  	s3 =	sld [smem:$0x3FAA]  }
0x31: {  	[smem:$0x3FB3] =	sst s10  }
0x32: {  	s10 =	sld [smem:$0x3FB1];
	_ =	sdelay $0x3  }
0x33: {  	p0 =	seq.s32 s10, $0x1;
	s10 =	sld [smem:$0x3FB3];
	_ =	sdelay $0x3  }
0x34: {  	[smem:$0x3FB3] =	sst s10  }
0x35: {  	s10 =	sld [smem:$0x3FB2];
	_ =	sdelay $0x3  }
0x36: {  	p1 =	seq.s32 s10, $0x1;
	s10 =	sld [smem:$0x3FB3];
	_ =	sdelay $0x3  }
0x37: {  	[smem:$0x3FB3] =	sst s10  }
0x38: {  	s10 =	sld [smem:$0x3FB4]  }
0x39: {  	_ = 	snop;
	(pc) =	sbr.ind lr, $3  }
0x3a: {  	_ = 	snop  }
0x3b: {  	_ = 	snop  }
0x3c: {  	p2 =	seq.s32 s10, $0x1;
	s10 =	sld [smem:$0x3FB3]  }
0x3d: {  	_ =	shalt  }
0x3e: {  	_ =	shalt  }
0x3f: {  	_ =	shalt  }
0x40: {  	_ =	shalt  }
0x41: {  	_ =	shalt  }
0x42: {  	_ =	shalt  }
0x43: {  	_ =	shalt  }
0x44: {  	_ =	shalt  }
0x45: {  	_ =	shalt  }
0x46: {  	_ =	shalt  }
0x47: {  	_ =	shalt  }
0x48: {  	_ =	shalt  }
0x49: {  	_ =	shalt  }
0x4a: {  	_ =	shalt  }
0x4b: {  	_ =	shalt  }
0x4c: {  	_ =	shalt  }
0x4d: {  	_ =	shalt  }
0x4e: {  	_ =	shalt  }
0x4f: {  	_ =	shalt  }
0x50: {  	_ =	shalt  }
0x51: {  	_ =	shalt  }
0x52: {  	_ =	shalt  }
0x53: {  	_ =	shalt  }
0x54: {  	_ =	shalt  }
0x55: {  	_ =	shalt  }
0x56: {  	_ =	shalt  }
0x57: {  	_ =	shalt  }
0x58: {  	_ =	shalt  }
0x59: {  	_ =	shalt  }
0x5a: {  	_ =	shalt  }
0x5b: {  	_ =	shalt  }
0x5c: {  	_ =	shalt  }
0x5d: {  	_ =	shalt  }
0x5e: {  	_ =	shalt  }
0x5f: {  	_ =	shalt  }
0x60: {  	_ =	shalt  }
0x61: {  	_ =	shalt  }
0x62: {  	_ =	shalt  }
0x63: {  	_ =	shalt  }
0x64: {  	_ =	shalt  }
0x65: {  	_ =	shalt  }
0x66: {  	_ =	shalt  }
0x67: {  	_ =	shalt  }
0x68: {  	_ =	shalt  }
0x69: {  	_ =	shalt  }
0x6a: {  	_ =	shalt  }
0x6b: {  	_ =	shalt  }
0x6c: {  	_ =	shalt  }
0x6d: {  	_ =	shalt  }
0x6e: {  	_ =	shalt  }
0x6f: {  	_ =	shalt  }
0x70: {  	_ =	shalt  }
0x71: {  	_ =	shalt  }
0x72: {  	_ =	shalt  }
0x73: {  	_ =	shalt  }
0x74: {  	_ =	shalt  }
0x75: {  	_ =	shalt  }
0x76: {  	_ =	shalt  }
0x77: {  	_ =	shalt  }
0x78: {  	_ =	shalt  }
0x79: {  	_ =	shalt  }
0x7a: {  	_ =	shalt  }
0x7b: {  	_ =	shalt  }
0x7c: {  	_ =	shalt  }
0x7d: {  	_ =	shalt  }
0x7e: {  	_ =	shalt  }
0x7f: {  	_ =	shalt  }
0x80: {  	_ =	shalt  }
0x81: {  	_ =	shalt  }
0x82: {  	_ =	shalt  }
0x83: {  	_ =	shalt  }
0x84: {  	_ =	shalt  }
0x85: {  	_ =	shalt  }
0x86: {  	_ =	shalt  }
0x87: {  	_ =	shalt  }
.Lfunc_end0:
.L_simem_size_0:
called_computation.2_lowered:
.L_overlay_start_0:
0x88: {  	s2 =	sld [smem:$0x3FD9]  }
0x89: {  	s3 =	sld [smem:$0x3FFE];
	_ =	sdelay $0x1  }
0x8a: {  	s1 =	srdreg.scid  }
0x8b: {  	s0 =	sand.u32 $0x1, s1  }
0x8c: {  	s16 =	sshll.u32 s0, $0xA;
	s2 =	sadd.s32 s3, s2  }
0x8d: {  	s2 =	sadd.s32 s2, s16  }
0x8e: {  	[smem:$0x3FBF] =	sst s2  }
0x8f: {  	_ = 	snop  }
0x90: {  	(tm) =	ssettm $0x1  }
0x91: {  	s17 =	sld [smem:$0x3FFB];
	_ =	sdelay $0x3  }
0x92: {  	_ =	strace s17  }
0x93: {  	s2 =	sld [smem:$0x3FFC];
	_ =	sdelay $0x3  }
0x94: {  	_ =	strace s2  }
0x95: {  	s2 =	sld [smem:$0x3FFD];
	_ =	sdelay $0x3  }
0x96: {  	_ =	strace s2  }
0x97: {  	_ =	strace $0x8FFFFFFF  }
0x98: {  	s18 =	sld [smem:$0x3FDB];
	_ =	sdelay $0x1  }
0x99: {  	s19 =	simm.s32 $_scs_section_size  }
0x9a: {  	s4 =	simm.s32 $_size__tile_overlayer_lowered;
	s5 =	simm.s32 $_tile_overlayer_lowered  }
0x9b: {  	s22 =	simm.s32 $0x1BFF;
	s21 =	sshll.u32 s5, $0x1;
	s2 =	sadd.s32 s19, s18  }
0x9c: {  	s6 =	simm.s32 $0x0;
	s20 =	sshll.u32 s4, $0x1;
	s4 =	sadd.s32 s21, s2  }
0x9d: {  	[timem:s6], [sflag:s22] =	dma.local [hbm:s4], s20  }
0x9e: {  	_ =	swait.ge [sflag:s22], s20  }
0x9f: {  	s3 =	ssub.s32 $0x0, s20;
	[sflag:s22] =	ssyncset.done $0x0  }
0xa0: {  	[sflag:s22] =	ssyncadd.s32 s3;
	_ =	sdelay $0x1  }
0xa1: {  	s23 =	simm.s32 $0x1B8B  }
0xa2: {  	_ =	swait.ge [sflag:s23], $0x1  }
0xa3: {  	[sflag:s23] =	ssyncset.done $0x0  }
0xa4: {  	s25 =	simm.s32 $0x1B8E;
	s24 =	sld [smem:$0x3FFE];
	[sflag:s23] =	ssyncadd.s32 $0xFFFFFFFF  }
0xa5: {  	s26 =	simm.s32 $execute0_lowered;
	[smem:$0x3FD2] =	sst s25  }
0xa6: {  	s4 =	sshll.u32 s26, $0x1;
	_ =	strace $0x8000004C;
	[dreg:$0x1] =	wrdreg $0xFFFFFFFF  }
0xa7: {  	s28 =	simm.s32 $_size_execute0_lowered;
	s2 =	sadd.s32 s2, s4;
	[dreg:$0x0] =	wrdreg $0x0  }
0xa8: {  	s4 =	sshll.u32 s28, $0x1;
	[dreg:$0x2] =	wrdreg s2  }
0xa9: {  	[dreg:$0x3] =	wrdreg s4  }
0xaa: {  	[dreg:$0x4] =	wrdreg $0xC0  }
0xab: {  	_ =	task [dreg:s6], $0x5FFFF  }
0xac: {  	[dreg:$0x1] =	wrdreg $0xFFFFFFFF  }
0xad: {  	[dreg:$0x0] =	wrdreg $0x60  }
0xae: {  	[dreg:$0x2] =	wrdreg s24  }
0xaf: {  	[dreg:$0x3] =	wrdreg $0x0  }
0xb0: {  	[dreg:$0x4] =	wrdreg $0x9  }
0xb1: {  	_ =	task.clear_ibuf [dreg:s6], $0x5FFFF;
	_ =	strace $0x9000004C  }
0xb2: {  	s29 =	simm.s32 $0x9;
	_ =	strace $0x8000004E  }
0xb3: {  	_ =	swait.ge [sflag:s29], $0x1  }
0xb4: {  	[sflag:s29] =	ssyncadd.s32 $0xFFFFFFFF  }
0xb5: {  	_ =	strace $0x9000004E  }
0xb6: {  	_ =	sfence  }
0xb7: {  	s30 =	sld [smem:$0x0];
	_ =	sdelay $0x2  }
0xb8: {  	s31 =	sshll.u32 s1, $0xD;
	s1 =	sshrl.u32 s1, $0x2  }
0xb9: {  	s3 =	sand.u32 $0x4000, s31;
	s1 =	sadd.s32 s1, s30  }
0xba: {  	s0 =	sor.u32 s3, s0;
	s1 =	sshll.u32 s1, $0x11  }
0xbb: {  	s0 =	sor.u32 s1, s0  }
0xbc: {  	s0 =	sadd.s32 $0x8F2B, s0  }
0xbd: {  	[sflag:s0] =	ssyncadd.remote.s32 $0x1  }
0xbe: {  	_ =	sfence.sel $0xFFFF  }
0xbf: {  	[dreg:$0x0] =	wrdreg $0xFFFFFFFF;
	(pc) =	sbr.abs _section_cstart, $3  }
0xc0: {  	[dreg:$0x1] =	wrdreg $0xFFFFFFFF  }
0xc1: {  	_ =	task.clear_ibuf [dreg:s6], $0x2FFFF;
	_ =	strace $0x9FFFFFFF  }
0xc2: {  	(tm) =	ssettm $0x7FFFFFFF  }
0xc3: {  	_ =	shalt  }
tec
execute0_lowered:
.L_overlay_start_1:
0x0: {  	(tag) =	ssettag $0x1  }
0x1: {  	s0 =	rddreg [dreg:$0x0]  }
0x2: {  	s1 =	rddreg [dreg:$0x1]  }
0x3: {  	s2 =	simm.s32 $0x0;
	s5 =	srdreg.scid;
	s12 =	stileid.u32  }
0x4: {  	s17 =	simm.s32 $0x18700;
	s14 =	simm.s32 $0x18B80;
	s29 =	simm.s32 $0x18780  }
0x5: {  	s31 =	simm.s32 $0x18800;
	s16 =	simm.s32 $0x5;
	s13 =	simm.s32 $0x7  }
0x6: {  	s15 =	simm.s32 $0x3;
	s28 =	simm.s32 $0x9;
	s30 =	simm.s32 $0xA  }
0x7: {  	[smem:$0x7FF] =	sst s2;
	s3 =	sadd.s32 $0x128200, s0;
	s6 =	sadd.s32 $0x2400, s0  }
0x8: {  	s4 =	sadd.s32 $0x1B000, s0;
	s7 =	sand.u32 $0x1, s5;
	s5 =	sadd.s32 $0x140E00, s0  }
0x9: {  	s9 =	sadd.s32 $0x7CC00, s0;
	s10 =	smul.u32 $0x18700, s12;
	s0 =	sadd.s32 $0x4BE00, s0  }
0xa: {  	s20 =	smul.u32 $0x18C0, s12;
	_ =	strace $0x8000004D;
	[dreg:$0x4] =	wrdreg s9  }
0xb: {  	s26 =	sshll.u32 s12, $0x6;
	s12 =	simm.s32 $0x6;
	[dreg:$0x5] =	wrdreg s0  }
0xc: {  	s8 =	ssub.s32 $0x2, s7;
	p0 =	seq.s32 s7, $0x1;
	[dreg:$0xd] =	wrdreg s26  }
0xd: {  	s18 =	sshrl.u32 s8, $0x1;
	s21 =	sadd.s32 s10, s1;
	s10 =	sshrl.u32 s10, $0x3  }
0xe: {  	s11 =	sadd.s32 s3, s20;
	s23 =	sor.u32 $0x30, s20;
	s20 =	sadd.s32 s6, s20  }
0xf: {  	s19 =	ssub.s32 s8, s18;
	s22 =	sadd.s32 s4, s10;
	[dreg:$0x6] =	wrdreg s10  }
0x10: {  	s3 =	sadd.s32 s3, s23;
	s24 =	sadd.s32 s6, s23;
	[dreg:$0x8] =	wrdreg s20  }
0x11: {  	s25 =	sadd.s32 s5, s10;
	s10 =	smov.u32 s11;
	[dreg:$0x7] =	wrdreg s22  }
0x12: {  	s11 =	sshrl.u32 s21, $0x3;
	s21 =	simm.s32 $0x18A00;
	[dreg:$0x9] =	wrdreg s3  }
0x13: {  	s18 =	simm.s32 $0x8;
	s6 =	simm.s32 $0x4;
	[dreg:$0xa] =	wrdreg s24  }
.Ltmp0:
0x14: {  	s23 =	simm.s32 $0x0;
	[dreg:$0xb] =	wrdreg s25;
	(pc) =	sbr.rel .LBB2_1-.Ltmp0, $4  }
0x15: {  	s0 =	smax.u32 s19, $0x1;
	s19 =	simm.s32 $0xB;
	[dreg:$0xf] =	wrdreg s11  }
0x16: {  	s22 =	simm.s32 $0x18880;
	s24 =	simm.s32 $0x1;
	[dreg:$0x3] =	wrdreg s10  }
0x17: {  	s25 =	simm.s32 $0x80;
	[dreg:$0xc] =	wrdreg s0;
	s0 =	sor.u32 $0x1C0B, s26  }
0x18: {  	s26 =	simm.s32 $0x18D00;
	[dreg:$0xe] =	wrdreg s0;
	s0 =	simm.s32 $0x2  }
.LBB2_7:
0x19: {  	[tilespmem:s26], [sflag:$0x4] =	stream.linear.gather [hbm4b:s7+s2], $0x180, $0x38;
	[tilespmem:$0x1ED00] =	vst v63  }
0x1a: {  	s7 =	rddreg [dreg:$0x5]  }
0x1b: {  	s3 =	simm.s32 $0x1AD00;
	s20 =	rddreg [dreg:$0xe]  }
0x1c: {  	s8 =	smov.u32 s5;
	s10 =	rddreg [dreg:$0x3];
	s29 =	simm.s32 $0x18B80  }
0x1d: {  	s11 =	simm.s32 $0x19D00;
	s31 =	simm.s32 $0x18800;
	s23 =	rddreg [dreg:$0x10]  }
.LBB2_8:
0x1e: {  	_ =	swait.ge [sflag:s0], $0x180  }
0x1f: {  	[sflag:s0] =	ssyncset.done $0x0  }
0x20: {  	s22 =	simm.s32 $0x18880;
	s9 =	simm.s32 $0x1BD00;
	[sflag:s0] =	ssyncadd.s32 $0xFFFFFE80  }
0x21: {  	[tilespmem:s9], [sflag:$0x8] =	stream.indirect.gather [hbm4b:s8+s25], $0x20, s22, s25, $0xb8;
	[tilespmem:$0x1ED00] =	vst v63  }
0x22: {  	s21 =	simm.s32 $0x18900;
	s14 =	simm.s32 $0x1CD00  }
0x23: {  	[tilespmem:s14], [sflag:$0x9] =	stream.indirect.gather [hbm4b:s8+s25], $0x20, s21, s25, $0xb8;
	[tilespmem:$0x1ED00] =	vst v63  }
0x24: {  	s26 =	simm.s32 $0x18980;
	s17 =	simm.s32 $0x1DD00  }
0x25: {  	[tilespmem:s17], [sflag:$0xA] =	stream.indirect.gather [hbm4b:s8+s25], $0x20, s26, s25, $0xb8;
	[tilespmem:$0x1ED00] =	vst v63  }
0x26: {  	_ =	swait.ge [sflag:s16], $0x1000  }
0x27: {  	[sflag:s16] =	ssyncset.done $0x0  }
0x28: {  	[sflag:s16] =	ssyncadd.s32 $0xFFFFF000  }
0x29: {  	_ =	swait.ge [sflag:s12], $0x1000  }
0x2a: {  	[sflag:s12] =	ssyncset.done $0x0  }
0x2b: {  	[sflag:s12] =	ssyncadd.s32 $0xFFFFF000  }
0x2c: {  	_ =	swait.ge [sflag:s13], $0x1000  }
0x2d: {  	[sflag:s13] =	ssyncset.done $0x0  }
0x2e: {  	[sflag:s13] =	ssyncadd.s32 $0xFFFFF000  }
0x2f: {  	_ =	swait.ge [sflag:s15], $0x180  }
0x30: {  	[sflag:s15] =	ssyncset.done $0x0  }
0x31: {  	s21 =	simm.s32 $0x18A00;
	s26 =	simm.s32 $0x18D00;
	[sflag:s15] =	ssyncadd.s32 $0xFFFFFE80  }
0x32: {  	[spmem:s1] =	stream.indirect.scatter.add.f32 [tilespmem:s26], [sflag:$0xB], $0x20, s21, s25, $0xb8;
	[tilespmem:$0x1ED00] =	vst v63  }
0x33: {  	_ =	swait.ge [sflag:s19], $0x1000  }
0x34: {  	[sflag:s19] =	ssyncset.done $0x0  }
0x35: {  	s17 =	simm.s32 $0x18A80;
	[sflag:s19] =	ssyncadd.s32 $0xFFFFF000  }
0x36: {  	[spmem:s1] =	stream.indirect.scatter.add.f32 [tilespmem:s11], [sflag:$0xB], $0x20, s17, s25, $0xb8;
	[tilespmem:$0x1ED00] =	vst v63  }
0x37: {  	_ =	swait.ge [sflag:s19], $0x1000  }
0x38: {  	[sflag:s19] =	ssyncset.done $0x0  }
0x39: {  	s17 =	simm.s32 $0x18B00;
	[sflag:s19] =	ssyncadd.s32 $0xFFFFF000  }
0x3a: {  	[spmem:s1] =	stream.indirect.scatter.add.f32 [tilespmem:s3], [sflag:$0xB], $0x20, s17, s25, $0xb8;
	[tilespmem:$0x1ED00] =	vst v63  }
0x3b: {  	_ =	swait.ge [sflag:s19], $0x1000  }
0x3c: {  	[sflag:s19] =	ssyncset.done $0x0  }
0x3d: {  	[sflag:s19] =	ssyncadd.s32 $0xFFFFF000  }
0x3e: {  	_ =	swait.ge [sflag:s18], $0x1000  }
0x3f: {  	[sflag:s18] =	ssyncset.done $0x0  }
0x40: {  	[sflag:s18] =	ssyncadd.s32 $0xFFFFF000  }
0x41: {  	_ =	swait.ge [sflag:s28], $0x1000  }
0x42: {  	[sflag:s28] =	ssyncset.done $0x0  }
0x43: {  	[sflag:s28] =	ssyncadd.s32 $0xFFFFF000  }
0x44: {  	_ =	swait.ge [sflag:s30], $0x1000  }
0x45: {  	[sflag:s30] =	ssyncset.done $0x0  }
0x46: {  	[sflag:s30] =	ssyncadd.s32 $0xFFFFF000  }
0x47: {  	_ =	swait.ge [sflag:s6], $0x180  }
0x48: {  	[sflag:s6] =	ssyncset.done $0x0  }
0x49: {  	s11 =	simm.s32 $0x1BD00;
	[sflag:s6] =	ssyncadd.s32 $0xFFFFFE80  }
0x4a: {  	[spmem:s1] =	stream.indirect.scatter.add.f32 [tilespmem:s11], [sflag:$0xB], $0x20, s29, s25, $0xb8;
	[tilespmem:$0x1ED00] =	vst v63  }
0x4b: {  	_ =	swait.ge [sflag:s19], $0x1000  }
0x4c: {  	[sflag:s19] =	ssyncset.done $0x0  }
0x4d: {  	s9 =	simm.s32 $0x1CD00;
	s17 =	simm.s32 $0x18C00;
	[sflag:s19] =	ssyncadd.s32 $0xFFFFF000  }
0x4e: {  	[spmem:s1] =	stream.indirect.scatter.add.f32 [tilespmem:s9], [sflag:$0xB], $0x20, s17, s25, $0xb8;
	[tilespmem:$0x1ED00] =	vst v63  }
0x4f: {  	_ =	swait.ge [sflag:s19], $0x1000  }
0x50: {  	[sflag:s19] =	ssyncset.done $0x0  }
0x51: {  	s8 =	simm.s32 $0x1DD00;
	s11 =	simm.s32 $0x18C80;
	[sflag:s19] =	ssyncadd.s32 $0xFFFFF000  }
0x52: {  	[spmem:s1] =	stream.indirect.scatter.add.f32 [tilespmem:s8], [sflag:$0xB], $0x20, s11, s25, $0xb8;
	[tilespmem:$0x1ED00] =	vst v63  }
0x53: {  	_ =	swait.ge [sflag:s19], $0x1000  }
0x54: {  	[sflag:s19] =	ssyncset.done $0x0  }
0x55: {  	[sflag:s19] =	ssyncadd.s32 $0xFFFFF000  }
0x56: {  	s17 =	rddreg [dreg:$0x6];
	[bflag:$0x0] =	sbarrier.arrive $0xFFFF  }
0x57: {  	s7 =	sadd.s32 s7, s17;
	s11 =	rddreg [dreg:$0xf]  }
0x58: {  	[hbm:s7], [sflag:s20] =	dma.local [spmem:s11], $0x30E0  }
0x59: {  	_ =	swait.ge [sflag:s19], $0x30E0  }
0x5a: {  	s23 =	sadd.s32 $0x1, s23;
	s20 =	rddreg [dreg:$0xc]  }
0x5b: {  	p1 =	sne.s32 s23, s20  }
.Ltmp1:
0x5c: {  	_ = 	snop;
	(pc) =	sbr.rel @!p1 .LBB2_9-.Ltmp1, $3  }
0x5d: {  	_ =	sdelay $0x1  }
0x5e: {  	s14 =	simm.s32 $0x18B80;
	s29 =	simm.s32 $0x18780;
	[sflag:s19] =	ssyncset.done $0x0  }
0x5f: {  	s17 =	simm.s32 $0x18700;
	[sflag:s19] =	ssyncadd.s32 $0xFFFFCF20;
	s20 =	rddreg [dreg:$0x8]  }
.LBB2_1:
.Ltmp2:
0x60: {  	(pc) =	sbr.rel @!p0 .LBB2_2-.Ltmp2, $2  }
0x61: {  	_ =	sdelay $0x2  }
0x62: {  	[dreg:$0x10] =	wrdreg s23  }
0x63: {  	s7 =	rddreg [dreg:$0xb]  }
0x64: {  	s8 =	rddreg [dreg:$0xe]  }
0x65: {  	[spmem:s11], [sflag:s8] =	dma.local [hbm:s7], $0x30E0  }
0x66: {  	_ =	swait.ge [sflag:s19], $0x30E0  }
0x67: {  	[sflag:s19] =	ssyncset.done $0x0  }
0x68: {  	[sflag:s19] =	ssyncadd.s32 $0xFFFFCF20  }
0x69: {  	[bflag:$0x0] =	sbarrier.arrive $0xFFFF  }
0x6a: {  	[tilespmem:s17], [sflag:$0x1] =	stream.linear.gather [hbm4b:s10+s2], $0x180, $0x38;
	[tilespmem:$0x1ED00] =	vst v63  }
0x6b: {  	_ = 	snop  }
0x6c: {  	[tilespmem:s21], [sflag:$0x3] =	stream.linear.gather [hbm4b:s20+s2], $0x180, $0x38;
	[tilespmem:$0x1ED00] =	vst v63  }
0x6d: {  	s3 =	rddreg [dreg:$0x9]  }
0x6e: {  	[tilespmem:s22], [sflag:$0x2] =	stream.linear.gather [hbm4b:s3+s2], $0x180, $0x38;
	[tilespmem:$0x1ED00] =	vst v63  }
0x6f: {  	s31 =	simm.s32 $0x18B80;
	s8 =	rddreg [dreg:$0xa]  }
0x70: {  	[tilespmem:s31], [sflag:$0x4] =	stream.linear.gather [hbm4b:s8+s2], $0x180, $0x38;
	[tilespmem:$0x1ED00] =	vst v63  }
0x71: {  	_ =	swait.ge [sflag:s24], $0x180  }
0x72: {  	[sflag:s24] =	ssyncset.done $0x0  }
0x73: {  	[sflag:s24] =	ssyncadd.s32 $0xFFFFFE80  }
0x74: {  	[tilespmem:s26], [sflag:$0x5] =	stream.indirect.gather [hbm4b:s5+s25], $0x20, s17, s25, $0xb8;
	[tilespmem:$0x1ED00] =	vst v63  }
0x75: {  	s23 =	simm.s32 $0x19D00  }
0x76: {  	[tilespmem:s23], [sflag:$0x6] =	stream.indirect.gather [hbm4b:s5+s25], $0x20, s29, s25, $0xb8;
	[tilespmem:$0x1ED00] =	vst v63  }
0x77: {  	s9 =	simm.s32 $0x18800;
	s3 =	simm.s32 $0x1AD00  }
0x78: {  	[tilespmem:s3], [sflag:$0x7] =	stream.indirect.gather [hbm4b:s5+s25], $0x20, s9, s25, $0xb8;
	[tilespmem:$0x1ED00] =	vst v63  }
0x79: {  	_ =	swait.ge [sflag:s0], $0x180  }
0x7a: {  	[sflag:s0] =	ssyncset.done $0x0  }
0x7b: {  	s9 =	simm.s32 $0x1BD00;
	[sflag:s0] =	ssyncadd.s32 $0xFFFFFE80  }
0x7c: {  	[tilespmem:s9], [sflag:$0x8] =	stream.indirect.gather [hbm4b:s5+s25], $0x20, s22, s25, $0xb8;
	[tilespmem:$0x1ED00] =	vst v63  }
0x7d: {  	s14 =	simm.s32 $0x1CD00;
	s11 =	simm.s32 $0x18900  }
0x7e: {  	[tilespmem:s14], [sflag:$0x9] =	stream.indirect.gather [hbm4b:s5+s25], $0x20, s11, s25, $0xb8;
	[tilespmem:$0x1ED00] =	vst v63  }
0x7f: {  	s8 =	simm.s32 $0x18980;
	s11 =	simm.s32 $0x1DD00  }
0x80: {  	[tilespmem:s11], [sflag:$0xA] =	stream.indirect.gather [hbm4b:s5+s25], $0x20, s8, s25, $0xb8;
	[tilespmem:$0x1ED00] =	vst v63  }
0x81: {  	_ =	swait.ge [sflag:s16], $0x1000  }
0x82: {  	[sflag:s16] =	ssyncset.done $0x0  }
0x83: {  	[sflag:s16] =	ssyncadd.s32 $0xFFFFF000  }
0x84: {  	_ =	swait.ge [sflag:s12], $0x1000  }
0x85: {  	[sflag:s12] =	ssyncset.done $0x0  }
0x86: {  	[sflag:s12] =	ssyncadd.s32 $0xFFFFF000  }
0x87: {  	_ =	swait.ge [sflag:s13], $0x1000  }
0x88: {  	s7 =	sadd.s32 $0xFFFFE7A0, s10;
	[sflag:s13] =	ssyncset.done $0x0  }
0x89: {  	s10 =	sadd.s32 $0x18C0, s7;
	[sflag:s13] =	ssyncadd.s32 $0xFFFFF000  }
0x8a: {  	[tilespmem:s17], [sflag:$0x1] =	stream.linear.gather [hbm4b:s10+s2], $0x180, $0x38;
	[tilespmem:$0x1ED00] =	vst v63  }
0x8b: {  	_ =	swait.ge [sflag:s15], $0x180  }
0x8c: {  	[sflag:s15] =	ssyncset.done $0x0  }
0x8d: {  	[sflag:s15] =	ssyncadd.s32 $0xFFFFFE80  }
0x8e: {  	[spmem:s1] =	stream.indirect.scatter.add.f32 [tilespmem:s26], [sflag:$0xB], $0x20, s21, s25, $0xb8;
	[tilespmem:$0x1ED00] =	vst v63  }
0x8f: {  	_ =	swait.ge [sflag:s19], $0x1000  }
0x90: {  	[sflag:s19] =	ssyncset.done $0x0  }
0x91: {  	s10 =	simm.s32 $0x18A80;
	[sflag:s19] =	ssyncadd.s32 $0xFFFFF000  }
0x92: {  	[spmem:s1] =	stream.indirect.scatter.add.f32 [tilespmem:s23], [sflag:$0xB], $0x20, s10, s25, $0xb8;
	[tilespmem:$0x1ED00] =	vst v63  }
0x93: {  	_ =	swait.ge [sflag:s19], $0x1000  }
0x94: {  	[sflag:s19] =	ssyncset.done $0x0  }
0x95: {  	s10 =	simm.s32 $0x18B00;
	[sflag:s19] =	ssyncadd.s32 $0xFFFFF000  }
0x96: {  	[spmem:s1] =	stream.indirect.scatter.add.f32 [tilespmem:s3], [sflag:$0xB], $0x20, s10, s25, $0xb8;
	[tilespmem:$0x1ED00] =	vst v63  }
0x97: {  	_ =	swait.ge [sflag:s19], $0x1000  }
0x98: {  	s10 =	sadd.s32 $0xFFFFE7A0, s20;
	[sflag:s19] =	ssyncset.done $0x0  }
0x99: {  	s8 =	sadd.s32 $0x18C0, s10;
	[sflag:s19] =	ssyncadd.s32 $0xFFFFF000  }
0x9a: {  	[tilespmem:s21], [sflag:$0x3] =	stream.linear.gather [hbm4b:s8+s2], $0x180, $0x38;
	[tilespmem:$0x1ED00] =	vst v63  }
0x9b: {  	_ =	swait.ge [sflag:s24], $0x180  }
0x9c: {  	[sflag:s24] =	ssyncset.done $0x0  }
0x9d: {  	[sflag:s24] =	ssyncadd.s32 $0xFFFFFE80  }
0x9e: {  	[tilespmem:s26], [sflag:$0x5] =	stream.indirect.gather [hbm4b:s5+s25], $0x20, s17, s25, $0xb8;
	[tilespmem:$0x1ED00] =	vst v63  }
0x9f: {  	_ = 	snop  }
0xa0: {  	[tilespmem:s23], [sflag:$0x6] =	stream.indirect.gather [hbm4b:s5+s25], $0x20, s29, s25, $0xb8;
	[tilespmem:$0x1ED00] =	vst v63  }
0xa1: {  	s23 =	simm.s32 $0x18800  }
0xa2: {  	[tilespmem:s3], [sflag:$0x7] =	stream.indirect.gather [hbm4b:s5+s25], $0x20, s23, s25, $0xb8;
	[tilespmem:$0x1ED00] =	vst v63  }
0xa3: {  	_ =	swait.ge [sflag:s18], $0x1000  }
0xa4: {  	[sflag:s18] =	ssyncset.done $0x0  }
0xa5: {  	[sflag:s18] =	ssyncadd.s32 $0xFFFFF000  }
0xa6: {  	_ =	swait.ge [sflag:s28], $0x1000  }
0xa7: {  	[sflag:s28] =	ssyncset.done $0x0  }
0xa8: {  	[sflag:s28] =	ssyncadd.s32 $0xFFFFF000  }
0xa9: {  	_ =	swait.ge [sflag:s30], $0x1000  }
0xaa: {  	[sflag:s30] =	ssyncset.done $0x0  }
0xab: {  	s7 =	sadd.s32 $0x18F0, s7;
	[sflag:s30] =	ssyncadd.s32 $0xFFFFF000  }
0xac: {  	[tilespmem:s22], [sflag:$0x2] =	stream.linear.gather [hbm4b:s7+s2], $0x180, $0x38;
	[tilespmem:$0x1ED00] =	vst v63  }
0xad: {  	_ =	swait.ge [sflag:s6], $0x180  }
0xae: {  	[sflag:s6] =	ssyncset.done $0x0  }
0xaf: {  	[sflag:s6] =	ssyncadd.s32 $0xFFFFFE80  }
0xb0: {  	[spmem:s1] =	stream.indirect.scatter.add.f32 [tilespmem:s9], [sflag:$0xB], $0x20, s31, s25, $0xb8;
	[tilespmem:$0x1ED00] =	vst v63  }
0xb1: {  	_ =	swait.ge [sflag:s19], $0x1000  }
0xb2: {  	[sflag:s19] =	ssyncset.done $0x0  }
0xb3: {  	s26 =	simm.s32 $0x18C00;
	[sflag:s19] =	ssyncadd.s32 $0xFFFFF000  }
0xb4: {  	[spmem:s1] =	stream.indirect.scatter.add.f32 [tilespmem:s14], [sflag:$0xB], $0x20, s26, s25, $0xb8;
	[tilespmem:$0x1ED00] =	vst v63  }
0xb5: {  	_ =	swait.ge [sflag:s19], $0x1000  }
0xb6: {  	[sflag:s19] =	ssyncset.done $0x0  }
0xb7: {  	s8 =	simm.s32 $0xFFFFE800;
	s31 =	simm.s32 $0x18C80;
	[sflag:s19] =	ssyncadd.s32 $0xFFFFF000  }
0xb8: {  	[spmem:s1] =	stream.indirect.scatter.add.f32 [tilespmem:s11], [sflag:$0xB], $0x20, s31, s25, $0xb8;
	[tilespmem:$0x1ED00] =	vst v63  }
0xb9: {  	s21 =	simm.s32 $0x18700;
	s29 =	simm.s32 $0x18D00;
	_ =	swait.ge [sflag:s19], $0x1000  }
0xba: {  	s23 =	simm.s32 $0x18880;
	s7 =	sadd.s32 $0x18F0, s10;
	[sflag:s19] =	ssyncset.done $0x0  }
0xbb: {  	s22 =	simm.s32 $0x18A00;
	s26 =	simm.s32 $0x18B80;
	[sflag:s19] =	ssyncadd.s32 $0xFFFFF000  }
.LBB2_6:
0xbc: {  	[tilespmem:s26], [sflag:$0x4] =	stream.linear.gather [hbm4b:s7+s2], $0x180, $0x38;
	[tilespmem:$0x1ED00] =	vst v63  }
0xbd: {  	_ =	swait.ge [sflag:s0], $0x180  }
0xbe: {  	[sflag:s0] =	ssyncset.done $0x0  }
0xbf: {  	s14 =	simm.s32 $0x1BD00;
	[sflag:s0] =	ssyncadd.s32 $0xFFFFFE80  }
0xc0: {  	[tilespmem:s14], [sflag:$0x8] =	stream.indirect.gather [hbm4b:s5+s25], $0x20, s23, s25, $0xb8;
	[tilespmem:$0x1ED00] =	vst v63  }
0xc1: {  	s3 =	simm.s32 $0x18900;
	s31 =	simm.s32 $0x1CD00  }
0xc2: {  	[tilespmem:s31], [sflag:$0x9] =	stream.indirect.gather [hbm4b:s5+s25], $0x20, s3, s25, $0xb8;
	[tilespmem:$0x1ED00] =	vst v63  }
0xc3: {  	s9 =	simm.s32 $0x18980;
	s11 =	simm.s32 $0x1DD00  }
0xc4: {  	[tilespmem:s11], [sflag:$0xA] =	stream.indirect.gather [hbm4b:s5+s25], $0x20, s9, s25, $0xb8;
	[tilespmem:$0x1ED00] =	vst v63  }
0xc5: {  	_ =	swait.ge [sflag:s16], $0x1000  }
0xc6: {  	[sflag:s16] =	ssyncset.done $0x0  }
0xc7: {  	[sflag:s16] =	ssyncadd.s32 $0xFFFFF000  }
0xc8: {  	_ =	swait.ge [sflag:s12], $0x1000  }
0xc9: {  	[sflag:s12] =	ssyncset.done $0x0  }
0xca: {  	[sflag:s12] =	ssyncadd.s32 $0xFFFFF000  }
0xcb: {  	_ =	swait.ge [sflag:s13], $0x1000  }
0xcc: {  	s17 =	smov.u32 s8;
	s10 =	rddreg [dreg:$0x3]  }
0xcd: {  	[sflag:s13] =	ssyncset.done $0x0;
	s7 =	sadd.s32 s17, s10  }
0xce: {  	[sflag:s13] =	ssyncadd.s32 $0xFFFFF000;
	s10 =	sadd.s32 $0x18C0, s7  }
0xcf: {  	[tilespmem:s21], [sflag:$0x1] =	stream.linear.gather [hbm4b:s10+s2], $0x180, $0x38;
	[tilespmem:$0x1ED00] =	vst v63  }
0xd0: {  	_ =	swait.ge [sflag:s15], $0x180  }
0xd1: {  	[sflag:s15] =	ssyncset.done $0x0  }
0xd2: {  	[sflag:s15] =	ssyncadd.s32 $0xFFFFFE80  }
0xd3: {  	[spmem:s1] =	stream.indirect.scatter.add.f32 [tilespmem:s29], [sflag:$0xB], $0x20, s22, s25, $0xb8;
	[tilespmem:$0x1ED00] =	vst v63  }
0xd4: {  	_ =	swait.ge [sflag:s19], $0x1000  }
0xd5: {  	[sflag:s19] =	ssyncset.done $0x0  }
0xd6: {  	s3 =	simm.s32 $0x19D00;
	s9 =	simm.s32 $0x18A80;
	[sflag:s19] =	ssyncadd.s32 $0xFFFFF000  }
0xd7: {  	[spmem:s1] =	stream.indirect.scatter.add.f32 [tilespmem:s3], [sflag:$0xB], $0x20, s9, s25, $0xb8;
	[tilespmem:$0x1ED00] =	vst v63  }
0xd8: {  	_ =	swait.ge [sflag:s19], $0x1000  }
0xd9: {  	[sflag:s19] =	ssyncset.done $0x0  }
0xda: {  	s10 =	simm.s32 $0x18B00;
	s9 =	simm.s32 $0x1AD00;
	[sflag:s19] =	ssyncadd.s32 $0xFFFFF000  }
0xdb: {  	[spmem:s1] =	stream.indirect.scatter.add.f32 [tilespmem:s9], [sflag:$0xB], $0x20, s10, s25, $0xb8;
	[tilespmem:$0x1ED00] =	vst v63  }
0xdc: {  	_ =	swait.ge [sflag:s19], $0x1000  }
0xdd: {  	s17 =	sadd.s32 s17, s20;
	[sflag:s19] =	ssyncset.done $0x0  }
0xde: {  	s10 =	sadd.s32 $0x18C0, s17;
	[sflag:s19] =	ssyncadd.s32 $0xFFFFF000  }
0xdf: {  	[tilespmem:s22], [sflag:$0x3] =	stream.linear.gather [hbm4b:s10+s2], $0x180, $0x38;
	[tilespmem:$0x1ED00] =	vst v63  }
0xe0: {  	_ =	swait.ge [sflag:s24], $0x180  }
0xe1: {  	[sflag:s24] =	ssyncset.done $0x0  }
0xe2: {  	[sflag:s24] =	ssyncadd.s32 $0xFFFFFE80  }
0xe3: {  	[tilespmem:s29], [sflag:$0x5] =	stream.indirect.gather [hbm4b:s5+s25], $0x20, s21, s25, $0xb8;
	[tilespmem:$0x1ED00] =	vst v63  }
0xe4: {  	s10 =	simm.s32 $0x18780  }
0xe5: {  	[tilespmem:s3], [sflag:$0x6] =	stream.indirect.gather [hbm4b:s5+s25], $0x20, s10, s25, $0xb8;
	[tilespmem:$0x1ED00] =	vst v63  }
0xe6: {  	s3 =	simm.s32 $0x18800  }
0xe7: {  	[tilespmem:s9], [sflag:$0x7] =	stream.indirect.gather [hbm4b:s5+s25], $0x20, s3, s25, $0xb8;
	[tilespmem:$0x1ED00] =	vst v63  }
0xe8: {  	_ =	swait.ge [sflag:s18], $0x1000  }
0xe9: {  	[sflag:s18] =	ssyncset.done $0x0  }
0xea: {  	[sflag:s18] =	ssyncadd.s32 $0xFFFFF000  }
0xeb: {  	_ =	swait.ge [sflag:s28], $0x1000  }
0xec: {  	[sflag:s28] =	ssyncset.done $0x0  }
0xed: {  	[sflag:s28] =	ssyncadd.s32 $0xFFFFF000  }
0xee: {  	_ =	swait.ge [sflag:s30], $0x1000  }
0xef: {  	[sflag:s30] =	ssyncset.done $0x0  }
0xf0: {  	s7 =	sadd.s32 $0x18F0, s7;
	[sflag:s30] =	ssyncadd.s32 $0xFFFFF000  }
0xf1: {  	[tilespmem:s23], [sflag:$0x2] =	stream.linear.gather [hbm4b:s7+s2], $0x180, $0x38;
	[tilespmem:$0x1ED00] =	vst v63  }
0xf2: {  	_ =	swait.ge [sflag:s6], $0x180  }
0xf3: {  	[sflag:s6] =	ssyncset.done $0x0  }
0xf4: {  	[sflag:s6] =	ssyncadd.s32 $0xFFFFFE80  }
0xf5: {  	[spmem:s1] =	stream.indirect.scatter.add.f32 [tilespmem:s14], [sflag:$0xB], $0x20, s26, s25, $0xb8;
	[tilespmem:$0x1ED00] =	vst v63  }
0xf6: {  	_ =	swait.ge [sflag:s19], $0x1000  }
0xf7: {  	[sflag:s19] =	ssyncset.done $0x0  }
0xf8: {  	s14 =	simm.s32 $0x18C00;
	[sflag:s19] =	ssyncadd.s32 $0xFFFFF000  }
0xf9: {  	[spmem:s1] =	stream.indirect.scatter.add.f32 [tilespmem:s31], [sflag:$0xB], $0x20, s14, s25, $0xb8;
	[tilespmem:$0x1ED00] =	vst v63  }
0xfa: {  	_ =	swait.ge [sflag:s19], $0x1000  }
0xfb: {  	p1 =	sne.s32 s8, $0xFFFFFFA0;
	[sflag:s19] =	ssyncset.done $0x0  }
.Ltmp3:
0xfc: {  	s31 =	simm.s32 $0x18C80;
	[sflag:s19] =	ssyncadd.s32 $0xFFFFF000;
	(pc) =	sbr.rel @p1 .LBB2_6-.Ltmp3, $4  }
0xfd: {  	[spmem:s1] =	stream.indirect.scatter.add.f32 [tilespmem:s11], [sflag:$0xB], $0x20, s31, s25, $0xb8;
	[tilespmem:$0x1ED00] =	vst v63  }
0xfe: {  	_ =	swait.ge [sflag:s19], $0x1000  }
0xff: {  	[sflag:s19] =	ssyncset.done $0x0  }
0x100: {  	s8 =	sadd.s32 $0x60, s8;
	s7 =	sadd.s32 $0x18F0, s17;
	[sflag:s19] =	ssyncadd.s32 $0xFFFFF000  }
.Ltmp4:
0x101: {  	_ = 	snop;
	(pc) =	sbr.rel .LBB2_7-.Ltmp4, $1  }
0x102: {  	_ =	sdelay $0x3  }
.LBB2_2:
0x103: {  	s7 =	rddreg [dreg:$0xd]  }
0x104: {  	s8 =	rddreg [dreg:$0x7];
	s3 =	sor.u32 $0x1C0B, s7  }
0x105: {  	[dreg:$0x11] =	wrdreg s3  }
0x106: {  	[spmem:s11], [sflag:s3] =	dma.local [hbm:s8], $0x30E0  }
0x107: {  	_ =	swait.ge [sflag:s19], $0x30E0  }
0x108: {  	[sflag:s19] =	ssyncset.done $0x0  }
0x109: {  	[sflag:s19] =	ssyncadd.s32 $0xFFFFCF20  }
0x10a: {  	[bflag:$0x0] =	sbarrier.arrive $0xFFFF  }
0x10b: {  	[tilespmem:s17], [sflag:$0x1] =	stream.linear.gather [hbm4b:s10+s2], $0x180, $0x38;
	[tilespmem:$0x1ED00] =	vst v63  }
0x10c: {  	_ = 	snop  }
0x10d: {  	[tilespmem:s21], [sflag:$0x3] =	stream.linear.gather [hbm4b:s20+s2], $0x180, $0x38;
	[tilespmem:$0x1ED00] =	vst v63  }
0x10e: {  	s9 =	rddreg [dreg:$0x9]  }
0x10f: {  	[tilespmem:s22], [sflag:$0x2] =	stream.linear.gather [hbm4b:s9+s2], $0x180, $0x38;
	[tilespmem:$0x1ED00] =	vst v63  }
0x110: {  	s11 =	rddreg [dreg:$0xa]  }
0x111: {  	[tilespmem:s14], [sflag:$0x4] =	stream.linear.gather [hbm4b:s11+s2], $0x180, $0x38;
	[tilespmem:$0x1ED00] =	vst v63  }
0x112: {  	_ =	swait.ge [sflag:s24], $0x180  }
0x113: {  	[sflag:s24] =	ssyncset.done $0x0  }
0x114: {  	[sflag:s24] =	ssyncadd.s32 $0xFFFFFE80  }
0x115: {  	[tilespmem:s26], [sflag:$0x5] =	stream.indirect.gather [hbm4b:s4+s25], $0x20, s17, s25, $0xb8;
	[tilespmem:$0x1ED00] =	vst v63  }
0x116: {  	s11 =	simm.s32 $0x19D00  }
0x117: {  	[tilespmem:s11], [sflag:$0x6] =	stream.indirect.gather [hbm4b:s4+s25], $0x20, s29, s25, $0xb8;
	[tilespmem:$0x1ED00] =	vst v63  }
0x118: {  	s14 =	simm.s32 $0x1AD00  }
0x119: {  	[tilespmem:s14], [sflag:$0x7] =	stream.indirect.gather [hbm4b:s4+s25], $0x20, s31, s25, $0xb8;
	[tilespmem:$0x1ED00] =	vst v63  }
0x11a: {  	_ =	swait.ge [sflag:s0], $0x180  }
0x11b: {  	[sflag:s0] =	ssyncset.done $0x0  }
0x11c: {  	s14 =	simm.s32 $0x1BD00;
	[sflag:s0] =	ssyncadd.s32 $0xFFFFFE80  }
0x11d: {  	[tilespmem:s14], [sflag:$0x8] =	stream.indirect.gather [hbm4b:s4+s25], $0x20, s22, s25, $0xb8;
	[tilespmem:$0x1ED00] =	vst v63  }
0x11e: {  	s23 =	simm.s32 $0x18900;
	s29 =	simm.s32 $0x1CD00  }
0x11f: {  	[tilespmem:s29], [sflag:$0x9] =	stream.indirect.gather [hbm4b:s4+s25], $0x20, s23, s25, $0xb8;
	[tilespmem:$0x1ED00] =	vst v63  }
0x120: {  	s7 =	simm.s32 $0x18980;
	s8 =	simm.s32 $0x1DD00  }
0x121: {  	[tilespmem:s8], [sflag:$0xA] =	stream.indirect.gather [hbm4b:s4+s25], $0x20, s7, s25, $0xb8;
	[tilespmem:$0x1ED00] =	vst v63  }
0x122: {  	_ =	swait.ge [sflag:s16], $0x1000  }
0x123: {  	[sflag:s16] =	ssyncset.done $0x0  }
0x124: {  	[sflag:s16] =	ssyncadd.s32 $0xFFFFF000  }
0x125: {  	_ =	swait.ge [sflag:s12], $0x1000  }
0x126: {  	[sflag:s12] =	ssyncset.done $0x0  }
0x127: {  	[sflag:s12] =	ssyncadd.s32 $0xFFFFF000  }
0x128: {  	_ =	swait.ge [sflag:s13], $0x1000  }
0x129: {  	s7 =	sadd.s32 $0xFFFFE7A0, s10;
	[sflag:s13] =	ssyncset.done $0x0  }
0x12a: {  	s8 =	sadd.s32 $0x18C0, s7;
	[sflag:s13] =	ssyncadd.s32 $0xFFFFF000  }
0x12b: {  	[tilespmem:s17], [sflag:$0x1] =	stream.linear.gather [hbm4b:s8+s2], $0x180, $0x38;
	[tilespmem:$0x1ED00] =	vst v63  }
0x12c: {  	_ =	swait.ge [sflag:s15], $0x180  }
0x12d: {  	[sflag:s15] =	ssyncset.done $0x0  }
0x12e: {  	[sflag:s15] =	ssyncadd.s32 $0xFFFFFE80  }
0x12f: {  	[spmem:s1] =	stream.indirect.scatter.add.f32 [tilespmem:s26], [sflag:$0xB], $0x20, s21, s25, $0xb8;
	[tilespmem:$0x1ED00] =	vst v63  }
0x130: {  	_ =	swait.ge [sflag:s19], $0x1000  }
0x131: {  	[sflag:s19] =	ssyncset.done $0x0  }
0x132: {  	s22 =	simm.s32 $0x18A80;
	[sflag:s19] =	ssyncadd.s32 $0xFFFFF000  }
0x133: {  	[spmem:s1] =	stream.indirect.scatter.add.f32 [tilespmem:s11], [sflag:$0xB], $0x20, s22, s25, $0xb8;
	[tilespmem:$0x1ED00] =	vst v63  }
0x134: {  	_ =	swait.ge [sflag:s19], $0x1000  }
0x135: {  	[sflag:s19] =	ssyncset.done $0x0  }
0x136: {  	s9 =	simm.s32 $0x1AD00;
	s23 =	simm.s32 $0x18B00;
	[sflag:s19] =	ssyncadd.s32 $0xFFFFF000  }
0x137: {  	[spmem:s1] =	stream.indirect.scatter.add.f32 [tilespmem:s9], [sflag:$0xB], $0x20, s23, s25, $0xb8;
	[tilespmem:$0x1ED00] =	vst v63  }
0x138: {  	_ =	swait.ge [sflag:s19], $0x1000  }
0x139: {  	s17 =	sadd.s32 $0xFFFFE7A0, s20;
	[sflag:s19] =	ssyncset.done $0x0  }
0x13a: {  	s8 =	sadd.s32 $0x18C0, s17;
	s22 =	simm.s32 $0x18A00;
	[sflag:s19] =	ssyncadd.s32 $0xFFFFF000  }
0x13b: {  	[tilespmem:s22], [sflag:$0x3] =	stream.linear.gather [hbm4b:s8+s2], $0x180, $0x38;
	[tilespmem:$0x1ED00] =	vst v63  }
0x13c: {  	_ =	swait.ge [sflag:s24], $0x180  }
0x13d: {  	[sflag:s24] =	ssyncset.done $0x0  }
0x13e: {  	s29 =	simm.s32 $0x18700;
	s26 =	simm.s32 $0x18D00;
	[sflag:s24] =	ssyncadd.s32 $0xFFFFFE80  }
0x13f: {  	[tilespmem:s26], [sflag:$0x5] =	stream.indirect.gather [hbm4b:s4+s25], $0x20, s29, s25, $0xb8;
	[tilespmem:$0x1ED00] =	vst v63  }
0x140: {  	s21 =	simm.s32 $0x18780  }
0x141: {  	[tilespmem:s11], [sflag:$0x6] =	stream.indirect.gather [hbm4b:s4+s25], $0x20, s21, s25, $0xb8;
	[tilespmem:$0x1ED00] =	vst v63  }
0x142: {  	_ = 	snop  }
0x143: {  	[tilespmem:s9], [sflag:$0x7] =	stream.indirect.gather [hbm4b:s4+s25], $0x20, s31, s25, $0xb8;
	[tilespmem:$0x1ED00] =	vst v63  }
0x144: {  	_ =	swait.ge [sflag:s18], $0x1000  }
0x145: {  	[sflag:s18] =	ssyncset.done $0x0  }
0x146: {  	[sflag:s18] =	ssyncadd.s32 $0xFFFFF000  }
0x147: {  	_ =	swait.ge [sflag:s28], $0x1000  }
0x148: {  	[sflag:s28] =	ssyncset.done $0x0  }
0x149: {  	[sflag:s28] =	ssyncadd.s32 $0xFFFFF000  }
0x14a: {  	_ =	swait.ge [sflag:s30], $0x1000  }
0x14b: {  	[sflag:s30] =	ssyncset.done $0x0  }
0x14c: {  	s7 =	sadd.s32 $0x18F0, s7;
	s23 =	simm.s32 $0x18880;
	[sflag:s30] =	ssyncadd.s32 $0xFFFFF000  }
0x14d: {  	[tilespmem:s23], [sflag:$0x2] =	stream.linear.gather [hbm4b:s7+s2], $0x180, $0x38;
	[tilespmem:$0x1ED00] =	vst v63  }
0x14e: {  	_ =	swait.ge [sflag:s6], $0x180  }
0x14f: {  	[sflag:s6] =	ssyncset.done $0x0  }
0x150: {  	s3 =	simm.s32 $0x18B80;
	[sflag:s6] =	ssyncadd.s32 $0xFFFFFE80  }
0x151: {  	[spmem:s1] =	stream.indirect.scatter.add.f32 [tilespmem:s14], [sflag:$0xB], $0x20, s3, s25, $0xb8;
	[tilespmem:$0x1ED00] =	vst v63  }
0x152: {  	_ =	swait.ge [sflag:s19], $0x1000  }
0x153: {  	[sflag:s19] =	ssyncset.done $0x0  }
0x154: {  	s24 =	simm.s32 $0x18C00;
	s26 =	simm.s32 $0x1CD00;
	[sflag:s19] =	ssyncadd.s32 $0xFFFFF000  }
0x155: {  	[spmem:s1] =	stream.indirect.scatter.add.f32 [tilespmem:s26], [sflag:$0xB], $0x20, s24, s25, $0xb8;
	[tilespmem:$0x1ED00] =	vst v63  }
0x156: {  	_ =	swait.ge [sflag:s19], $0x1000  }
0x157: {  	[sflag:s19] =	ssyncset.done $0x0  }
0x158: {  	s29 =	simm.s32 $0x18C80;
	s31 =	simm.s32 $0x1DD00;
	[sflag:s19] =	ssyncadd.s32 $0xFFFFF000  }
0x159: {  	[spmem:s1] =	stream.indirect.scatter.add.f32 [tilespmem:s31], [sflag:$0xB], $0x20, s29, s25, $0xb8;
	[tilespmem:$0x1ED00] =	vst v63  }
0x15a: {  	_ =	swait.ge [sflag:s19], $0x1000  }
0x15b: {  	[sflag:s19] =	ssyncset.done $0x0  }
0x15c: {  	s8 =	simm.s32 $0xFFFFE800;
	s7 =	sadd.s32 $0x18F0, s17;
	[sflag:s19] =	ssyncadd.s32 $0xFFFFF000  }
.LBB2_3:
0x15d: {  	s21 =	simm.s32 $0x18B80;
	s17 =	smov.u32 s8  }
0x15e: {  	[tilespmem:s21], [sflag:$0x4] =	stream.linear.gather [hbm4b:s7+s2], $0x180, $0x38;
	[tilespmem:$0x1ED00] =	vst v63  }
0x15f: {  	p1 =	seq.s32 s8, $0xFFFFFFA0;
	s8 =	sadd.s32 $0x60, s8;
	_ =	swait.ge [sflag:s0], $0x180  }
0x160: {  	[sflag:s0] =	ssyncset.done $0x0  }
0x161: {  	s14 =	simm.s32 $0x1BD00;
	s29 =	simm.s32 $0x18880;
	[sflag:s0] =	ssyncadd.s32 $0xFFFFFE80  }
0x162: {  	[tilespmem:s14], [sflag:$0x8] =	stream.indirect.gather [hbm4b:s4+s25], $0x20, s29, s25, $0xb8;
	[tilespmem:$0x1ED00] =	vst v63  }
0x163: {  	s3 =	simm.s32 $0x1CD00;
	s7 =	simm.s32 $0x18900  }
0x164: {  	[tilespmem:s3], [sflag:$0x9] =	stream.indirect.gather [hbm4b:s4+s25], $0x20, s7, s25, $0xb8;
	[tilespmem:$0x1ED00] =	vst v63  }
0x165: {  	s26 =	simm.s32 $0x1DD00;
	s7 =	simm.s32 $0x18980  }
0x166: {  	[tilespmem:s26], [sflag:$0xA] =	stream.indirect.gather [hbm4b:s4+s25], $0x20, s7, s25, $0xb8;
	[tilespmem:$0x1ED00] =	vst v63  }
0x167: {  	_ =	swait.ge [sflag:s16], $0x1000  }
0x168: {  	[sflag:s16] =	ssyncset.done $0x0  }
0x169: {  	[sflag:s16] =	ssyncadd.s32 $0xFFFFF000  }
0x16a: {  	_ =	swait.ge [sflag:s12], $0x1000  }
0x16b: {  	[sflag:s12] =	ssyncset.done $0x0  }
0x16c: {  	[sflag:s12] =	ssyncadd.s32 $0xFFFFF000  }
0x16d: {  	s31 =	simm.s32 $0x19D00;
	_ =	swait.ge [sflag:s13], $0x1000  }
0x16e: {  	s11 =	smov.u32 s10;
	s7 =	sadd.s32 s17, s10;
	[sflag:s13] =	ssyncset.done $0x0  }
0x16f: {  	s22 =	simm.s32 $0x18700;
	s10 =	sadd.s32 $0x18C0, s7;
	[sflag:s13] =	ssyncadd.s32 $0xFFFFF000  }
0x170: {  	[tilespmem:s22], [sflag:$0x1] =	stream.linear.gather [hbm4b:s10+s2], $0x180, $0x38;
	[tilespmem:$0x1ED00] =	vst v63  }
0x171: {  	_ =	swait.ge [sflag:s15], $0x180  }
0x172: {  	[sflag:s15] =	ssyncset.done $0x0  }
0x173: {  	s23 =	simm.s32 $0x18D00;
	s24 =	simm.s32 $0x18A00;
	[sflag:s15] =	ssyncadd.s32 $0xFFFFFE80  }
0x174: {  	[spmem:s1] =	stream.indirect.scatter.add.f32 [tilespmem:s23], [sflag:$0xB], $0x20, s24, s25, $0xb8;
	[tilespmem:$0x1ED00] =	vst v63  }
0x175: {  	_ =	swait.ge [sflag:s19], $0x1000  }
0x176: {  	[sflag:s19] =	ssyncset.done $0x0  }
0x177: {  	s9 =	simm.s32 $0x18A80;
	[sflag:s19] =	ssyncadd.s32 $0xFFFFF000  }
0x178: {  	[spmem:s1] =	stream.indirect.scatter.add.f32 [tilespmem:s31], [sflag:$0xB], $0x20, s9, s25, $0xb8;
	[tilespmem:$0x1ED00] =	vst v63  }
0x179: {  	s31 =	simm.s32 $0x18800  }
0x17a: {  	_ =	swait.ge [sflag:s19], $0x1000  }
0x17b: {  	[sflag:s19] =	ssyncset.done $0x0  }
0x17c: {  	s10 =	simm.s32 $0x18B00;
	s9 =	simm.s32 $0x1AD00;
	[sflag:s19] =	ssyncadd.s32 $0xFFFFF000  }
0x17d: {  	[spmem:s1] =	stream.indirect.scatter.add.f32 [tilespmem:s9], [sflag:$0xB], $0x20, s10, s25, $0xb8;
	[tilespmem:$0x1ED00] =	vst v63  }
0x17e: {  	_ =	swait.ge [sflag:s19], $0x1000  }
0x17f: {  	s17 =	sadd.s32 s17, s20;
	[sflag:s19] =	ssyncset.done $0x0  }
0x180: {  	s10 =	sadd.s32 $0x18C0, s17;
	[sflag:s19] =	ssyncadd.s32 $0xFFFFF000  }
0x181: {  	[tilespmem:s24], [sflag:$0x3] =	stream.linear.gather [hbm4b:s10+s2], $0x180, $0x38;
	[tilespmem:$0x1ED00] =	vst v63  }
0x182: {  	s24 =	simm.s32 $0x1;
	s10 =	smov.u32 s11;
	s11 =	simm.s32 $0x19D00  }
0x183: {  	_ =	swait.ge [sflag:s24], $0x180  }
0x184: {  	[sflag:s24] =	ssyncset.done $0x0  }
0x185: {  	[sflag:s24] =	ssyncadd.s32 $0xFFFFFE80  }
0x186: {  	[tilespmem:s23], [sflag:$0x5] =	stream.indirect.gather [hbm4b:s4+s25], $0x20, s22, s25, $0xb8;
	[tilespmem:$0x1ED00] =	vst v63  }
0x187: {  	s23 =	simm.s32 $0x18780  }
0x188: {  	[tilespmem:s11], [sflag:$0x6] =	stream.indirect.gather [hbm4b:s4+s25], $0x20, s23, s25, $0xb8;
	[tilespmem:$0x1ED00] =	vst v63  }
0x189: {  	_ = 	snop  }
0x18a: {  	[tilespmem:s9], [sflag:$0x7] =	stream.indirect.gather [hbm4b:s4+s25], $0x20, s31, s25, $0xb8;
	[tilespmem:$0x1ED00] =	vst v63  }
0x18b: {  	_ =	swait.ge [sflag:s18], $0x1000  }
0x18c: {  	[sflag:s18] =	ssyncset.done $0x0  }
0x18d: {  	[sflag:s18] =	ssyncadd.s32 $0xFFFFF000  }
0x18e: {  	_ =	swait.ge [sflag:s28], $0x1000  }
0x18f: {  	[sflag:s28] =	ssyncset.done $0x0  }
0x190: {  	[sflag:s28] =	ssyncadd.s32 $0xFFFFF000  }
0x191: {  	_ =	swait.ge [sflag:s30], $0x1000  }
0x192: {  	[sflag:s30] =	ssyncset.done $0x0  }
0x193: {  	s7 =	sadd.s32 $0x18F0, s7;
	[sflag:s30] =	ssyncadd.s32 $0xFFFFF000  }
0x194: {  	[tilespmem:s29], [sflag:$0x2] =	stream.linear.gather [hbm4b:s7+s2], $0x180, $0x38;
	[tilespmem:$0x1ED00] =	vst v63  }
0x195: {  	_ =	swait.ge [sflag:s6], $0x180  }
0x196: {  	[sflag:s6] =	ssyncset.done $0x0  }
0x197: {  	s9 =	simm.s32 $0x18B80;
	[sflag:s6] =	ssyncadd.s32 $0xFFFFFE80  }
0x198: {  	[spmem:s1] =	stream.indirect.scatter.add.f32 [tilespmem:s14], [sflag:$0xB], $0x20, s21, s25, $0xb8;
	[tilespmem:$0x1ED00] =	vst v63  }
0x199: {  	_ =	swait.ge [sflag:s19], $0x1000  }
0x19a: {  	[sflag:s19] =	ssyncset.done $0x0  }
0x19b: {  	s7 =	simm.s32 $0x18C00;
	[sflag:s19] =	ssyncadd.s32 $0xFFFFF000  }
0x19c: {  	[spmem:s1] =	stream.indirect.scatter.add.f32 [tilespmem:s3], [sflag:$0xB], $0x20, s7, s25, $0xb8;
	[tilespmem:$0x1ED00] =	vst v63  }
0x19d: {  	_ =	swait.ge [sflag:s19], $0x1000  }
0x19e: {  	[sflag:s19] =	ssyncset.done $0x0  }
.Ltmp5:
0x19f: {  	s3 =	simm.s32 $0x18C80;
	[sflag:s19] =	ssyncadd.s32 $0xFFFFF000;
	(pc) =	sbr.rel @!p1 .LBB2_3-.Ltmp5, $4  }
0x1a0: {  	[spmem:s1] =	stream.indirect.scatter.add.f32 [tilespmem:s26], [sflag:$0xB], $0x20, s3, s25, $0xb8;
	[tilespmem:$0x1ED00] =	vst v63  }
0x1a1: {  	_ =	swait.ge [sflag:s19], $0x1000  }
0x1a2: {  	[sflag:s19] =	ssyncset.done $0x0  }
0x1a3: {  	s7 =	sadd.s32 $0x18F0, s17;
	[sflag:s19] =	ssyncadd.s32 $0xFFFFF000  }
.Ltmp6:
0x1a4: {  	(pc) =	sbr.rel .LBB2_8-.Ltmp6, $4  }
0x1a5: {  	[tilespmem:s9], [sflag:$0x4] =	stream.linear.gather [hbm4b:s7+s2], $0x180, $0x38;
	[tilespmem:$0x1ED00] =	vst v63  }
0x1a6: {  	s7 =	rddreg [dreg:$0x4]  }
0x1a7: {  	s3 =	simm.s32 $0x1AD00;
	s23 =	rddreg [dreg:$0x10]  }
0x1a8: {  	s8 =	smov.u32 s4;
	s29 =	simm.s32 $0x18B80;
	s20 =	rddreg [dreg:$0x11]  }
.LBB2_9:
0x1a9: {  	_ =	sfence.sel $0x180000  }
0x1aa: {  	[bflag:$0x0] =	sbarrier.arrive $0xFFFF  }
0x1ab: {  	_ =	strace $0x9000004D  }
0x1ac: {  	s0 =	stileid.u32;
	[bflag:$0x2] =	sbarrier.arrive $0xFFFF  }
0x1ad: {  	p0 =	sne.s32 s0, $0x0;
	s0 =	rddreg [dreg:$0x2]  }
0x1ae: {  	s0 =	sadd.s32 @!p0 $0x100000, s0  }
0x1af: {  	[sflag:s0] =	ssyncadd.tile.s32 @!p0 $0x1;
	_ =	shalt  }
.Lfunc_end2:
_tile_overlayer_lowered:
.L_overlay_start_2:
0x1b0: {  	(tag) =	ssettag $0x2  }
0x1b1: {  	s0 =	rddreg [dreg:$0x0];
	s2 =	stileid.u32  }
0x1b2: {  	s1 =	rddreg [dreg:$0x1];
	p0 =	sne.s32 s2, $0x0  }
0x1b3: {  	s3 =	rddreg [dreg:$0x2];
	[bflag:$0x3] =	sbarrier.arrive $0xFFFF;
	s2 =	simm.s32 @!p0 $0x1C0B  }
0x1b4: {  	[timem:s3], [sflag:s2] =	dma.local @!p0 [hbm:s0], s1  }
0x1b5: {  	s0 =	simm.s32 @!p0 $0xB  }
0x1b6: {  	_ =	swait.ge @!p0 [sflag:s0], s1  }
0x1b7: {  	s1 =	ssub.s32 @!p0 $0x0, s1;
	[sflag:s0] =	ssyncset.done @!p0 $0x0  }
0x1b8: {  	[sflag:s0] =	ssyncadd.s32 @!p0 s1  }
0x1b9: {  	[bflag:$0x3] =	sbarrier.arrive $0xFFFF  }
0x1ba: {  	_ =	shalt  }

// kernel: kernel.8.cloned.1.call-start
scs
__scs_entry_jumppad:
0x0: {  	(pc) =	sbr.rel $0x88, $3  }
0x1: {  	(tag) =	ssettag $0x0;
	lr =	simm.s32 $0x1  }
0x2: {  	[smem:$0x3F98] =	sst lr;
	_ =	strace $0xD0000000  }
0x3: {  	_ = 	snop  }
0x4: {  	_ = 	snop  }
0x5: {  	_ = 	snop  }
0x6: {  	_ = 	snop  }
0x7: {  	_ = 	snop  }
__scs_overlays_trampoline_lowered:
0x8: {  	[smem:$0x3FA7] =	sst s0  }
0x9: {  	[smem:$0x3FA8] =	sst s1  }
0xa: {  	[smem:$0x3FA9] =	sst s2  }
0xb: {  	[smem:$0x3FAA] =	sst s3  }
0xc: {  	[smem:$0x3FAB] =	sst s4  }
0xd: {  	[smem:$0x3FAC] =	sst s5  }
0xe: {  	[smem:$0x3FAD] =	sst s6  }
0xf: {  	[smem:$0x3FAE] =	sst s7  }
0x10: {  	[smem:$0x3FAF] =	sst s8  }
0x11: {  	[smem:$0x3FB0] =	sst s9;
	s0 =	simm.s32 @!p0 $0x0  }
0x12: {  	s1 =	sld [smem:$0x3F96];
	s0 =	simm.s32 @p0 $0x1  }
0x13: {  	[smem:$0x3FB1] =	sst s0;
	s0 =	simm.s32 @!p1 $0x0  }
0x14: {  	s2 =	sld [smem:$0x3F95];
	s0 =	simm.s32 @p1 $0x1  }
0x15: {  	[smem:$0x3FB2] =	sst s0;
	s0 =	simm.s32 @!p2 $0x0  }
0x16: {  	s3 =	sld [smem:$0x3FDB];
	s0 =	simm.s32 @p2 $0x1  }
0x17: {  	s4 =	simm.s32 $0x1BF5;
	[smem:$0x3FB4] =	sst s0  }
0x18: {  	s0 =	sld [smem:$0x3F97];
	_ =	swait.ge [sflag:s4], $0x0  }
0x19: {  	s7 =	sld [smem:$0x3F98]  }
0x1a: {  	s8 =	sadd.s32 $0xFFFFE003, lr  }
0x1b: {  	s9 =	sadd.s32 $0xFFFFFEF7, lr;
	s5 =	simm.s32 $0xFFFFFFFF;
	p2 =	slt.u32 s8, $0xFFFFF086  }
0x1c: {  	p1 =	slt.u32 s9, $0xF7A;
	s5 =	simm.s32 @!p2 $0x0  }
0x1d: {  	s5 =	simm.s32 @p1 $0x1;
	p0 =	seq.s32 s7, s2  }
0x1e: {  	s7 =	smul.u32 @!p0 $0xF7A, s2;
	p2 =	seq.s32 @!p0 s5, $0x0  }
0x1f: {  	s9 =	smul.u32 $0xF7A, s1;
	s8 =	simm.s32 @!p0 $0x1BF5;
	p2 =	por !p2, p0  }
0x20: {  	[sflag:s8] =	ssyncset.s32 @!p0 $0xFFFFF086;
	s6 =	sadd.s32 @!p0 s3, s7;
	s7 =	simm.s32 @!p0 $0x108  }
0x21: {  	s3 =	sadd.s32 s3, s9;
	s6 =	sadd.s32 @!p0 $0x88, s6;
	s7 =	simm.s32 @p2 $0x1082  }
0x22: {  	[simem:s7], [sflag:s8] =	dma.local @!p0 [hbm:s6], $0xF7A  }
0x23: {  	s9 =	sor.u32 $0xD0000000, s2;
	s6 =	simm.s32 $0x108;
	_ =	swait.ge @!p0 [sflag:s8], $0x0  }
0x24: {  	s3 =	sadd.s32 $0x88, s3;
	s6 =	simm.s32 @!p1 $0x1082;
	[sflag:s4] =	ssyncset.s32 $0xFFFFF086  }
0x25: {  	[simem:s6], [sflag:s4] =	dma.local [hbm:s3], $0xF7A  }
0x26: {  	[smem:$0x3F98] =	sst s1;
	(tag) =	ssettag s2;
	_ =	strace s9  }
0x27: {  	s1 =	sld [smem:$0x3FA8]  }
0x28: {  	s2 =	sld [smem:$0x3FA9]  }
0x29: {  	s4 =	sld [smem:$0x3FAB]  }
0x2a: {  	p0 =	seq.s32 s5, $0x0;
	s5 =	sld [smem:$0x3FAC]  }
0x2b: {  	s6 =	sld [smem:$0x3FAD]  }
0x2c: {  	s7 =	sld [smem:$0x3FAE]  }
0x2d: {  	s3 =	simm.s32 $0x108;
	s8 =	sld [smem:$0x3FAF]  }
0x2e: {  	s3 =	simm.s32 @!p0 $0x1082;
	s9 =	sld [smem:$0x3FB0]  }
0x2f: {  	lr =	sadd.s32 s0, s3;
	s0 =	sld [smem:$0x3FA7]  }
0x30: {  	s3 =	sld [smem:$0x3FAA]  }
0x31: {  	[smem:$0x3FB3] =	sst s10  }
0x32: {  	s10 =	sld [smem:$0x3FB1];
	_ =	sdelay $0x3  }
0x33: {  	p0 =	seq.s32 s10, $0x1;
	s10 =	sld [smem:$0x3FB3];
	_ =	sdelay $0x3  }
0x34: {  	[smem:$0x3FB3] =	sst s10  }
0x35: {  	s10 =	sld [smem:$0x3FB2];
	_ =	sdelay $0x3  }
0x36: {  	p1 =	seq.s32 s10, $0x1;
	s10 =	sld [smem:$0x3FB3];
	_ =	sdelay $0x3  }
0x37: {  	[smem:$0x3FB3] =	sst s10  }
0x38: {  	s10 =	sld [smem:$0x3FB4]  }
0x39: {  	_ = 	snop;
	(pc) =	sbr.ind lr, $3  }
0x3a: {  	_ = 	snop  }
0x3b: {  	_ = 	snop  }
0x3c: {  	p2 =	seq.s32 s10, $0x1;
	s10 =	sld [smem:$0x3FB3]  }
0x3d: {  	_ =	shalt  }
0x3e: {  	_ =	shalt  }
0x3f: {  	_ =	shalt  }
0x40: {  	_ =	shalt  }
0x41: {  	_ =	shalt  }
0x42: {  	_ =	shalt  }
0x43: {  	_ =	shalt  }
0x44: {  	_ =	shalt  }
0x45: {  	_ =	shalt  }
0x46: {  	_ =	shalt  }
0x47: {  	_ =	shalt  }
0x48: {  	_ =	shalt  }
0x49: {  	_ =	shalt  }
0x4a: {  	_ =	shalt  }
0x4b: {  	_ =	shalt  }
0x4c: {  	_ =	shalt  }
0x4d: {  	_ =	shalt  }
0x4e: {  	_ =	shalt  }
0x4f: {  	_ =	shalt  }
0x50: {  	_ =	shalt  }
0x51: {  	_ =	shalt  }
0x52: {  	_ =	shalt  }
0x53: {  	_ =	shalt  }
0x54: {  	_ =	shalt  }
0x55: {  	_ =	shalt  }
0x56: {  	_ =	shalt  }
0x57: {  	_ =	shalt  }
0x58: {  	_ =	shalt  }
0x59: {  	_ =	shalt  }
0x5a: {  	_ =	shalt  }
0x5b: {  	_ =	shalt  }
0x5c: {  	_ =	shalt  }
0x5d: {  	_ =	shalt  }
0x5e: {  	_ =	shalt  }
0x5f: {  	_ =	shalt  }
0x60: {  	_ =	shalt  }
0x61: {  	_ =	shalt  }
0x62: {  	_ =	shalt  }
0x63: {  	_ =	shalt  }
0x64: {  	_ =	shalt  }
0x65: {  	_ =	shalt  }
0x66: {  	_ =	shalt  }
0x67: {  	_ =	shalt  }
0x68: {  	_ =	shalt  }
0x69: {  	_ =	shalt  }
0x6a: {  	_ =	shalt  }
0x6b: {  	_ =	shalt  }
0x6c: {  	_ =	shalt  }
0x6d: {  	_ =	shalt  }
0x6e: {  	_ =	shalt  }
0x6f: {  	_ =	shalt  }
0x70: {  	_ =	shalt  }
0x71: {  	_ =	shalt  }
0x72: {  	_ =	shalt  }
0x73: {  	_ =	shalt  }
0x74: {  	_ =	shalt  }
0x75: {  	_ =	shalt  }
0x76: {  	_ =	shalt  }
0x77: {  	_ =	shalt  }
0x78: {  	_ =	shalt  }
0x79: {  	_ =	shalt  }
0x7a: {  	_ =	shalt  }
0x7b: {  	_ =	shalt  }
0x7c: {  	_ =	shalt  }
0x7d: {  	_ =	shalt  }
0x7e: {  	_ =	shalt  }
0x7f: {  	_ =	shalt  }
0x80: {  	_ =	shalt  }
0x81: {  	_ =	shalt  }
0x82: {  	_ =	shalt  }
0x83: {  	_ =	shalt  }
0x84: {  	_ =	shalt  }
0x85: {  	_ =	shalt  }
0x86: {  	_ =	shalt  }
0x87: {  	_ =	shalt  }
.Lfunc_end0:
.L_simem_size_0:
called_computation_lowered:
.L_overlay_start_0:
0x88: {  	s2 =	sld [smem:$0x3FD9]  }
0x89: {  	s3 =	sld [smem:$0x3FFE];
	_ =	sdelay $0x1  }
0x8a: {  	s1 =	srdreg.scid  }
0x8b: {  	s0 =	sand.u32 $0x1, s1  }
0x8c: {  	s16 =	sshll.u32 s0, $0xA;
	s2 =	sadd.s32 s3, s2  }
0x8d: {  	s2 =	sadd.s32 s2, s16  }
0x8e: {  	[smem:$0x3FBF] =	sst s2  }
0x8f: {  	_ = 	snop  }
0x90: {  	(tm) =	ssettm $0x1  }
0x91: {  	s17 =	sld [smem:$0x3FFB];
	_ =	sdelay $0x3  }
0x92: {  	_ =	strace s17  }
0x93: {  	s2 =	sld [smem:$0x3FFC];
	_ =	sdelay $0x3  }
0x94: {  	_ =	strace s2  }
0x95: {  	s2 =	sld [smem:$0x3FFD];
	_ =	sdelay $0x3  }
0x96: {  	_ =	strace s2  }
0x97: {  	_ =	strace $0x8FFFFFFF  }
0x98: {  	s18 =	sld [smem:$0x3FDB];
	_ =	sdelay $0x1  }
0x99: {  	s19 =	simm.s32 $_scs_section_size  }
0x9a: {  	s4 =	simm.s32 $_size__tile_overlayer_lowered;
	s5 =	simm.s32 $_tile_overlayer_lowered  }
0x9b: {  	s22 =	simm.s32 $0x1BFF;
	s21 =	sshll.u32 s5, $0x1;
	s2 =	sadd.s32 s19, s18  }
0x9c: {  	s6 =	simm.s32 $0x0;
	s20 =	sshll.u32 s4, $0x1;
	s4 =	sadd.s32 s21, s2  }
0x9d: {  	[timem:s6], [sflag:s22] =	dma.local [hbm:s4], s20  }
0x9e: {  	_ =	swait.ge [sflag:s22], s20  }
0x9f: {  	s3 =	ssub.s32 $0x0, s20;
	[sflag:s22] =	ssyncset.done $0x0  }
0xa0: {  	[sflag:s22] =	ssyncadd.s32 s3;
	_ =	sdelay $0x1  }
0xa1: {  	s23 =	simm.s32 $0x1B8B  }
0xa2: {  	_ =	swait.ge [sflag:s23], $0x1  }
0xa3: {  	[sflag:s23] =	ssyncset.done $0x0  }
0xa4: {  	s25 =	simm.s32 $0x1B8E;
	s24 =	sld [smem:$0x3FFE];
	[sflag:s23] =	ssyncadd.s32 $0xFFFFFFFF  }
0xa5: {  	s26 =	simm.s32 $execute0_lowered;
	[smem:$0x3FD2] =	sst s25  }
0xa6: {  	s4 =	sshll.u32 s26, $0x1;
	_ =	strace $0x80000046;
	[dreg:$0x1] =	wrdreg $0xFFFFFFFF  }
0xa7: {  	s28 =	simm.s32 $_size_execute0_lowered;
	s2 =	sadd.s32 s2, s4;
	[dreg:$0x0] =	wrdreg $0x0  }
0xa8: {  	s4 =	sshll.u32 s28, $0x1;
	[dreg:$0x2] =	wrdreg s2  }
0xa9: {  	[dreg:$0x3] =	wrdreg s4  }
0xaa: {  	[dreg:$0x4] =	wrdreg $0xC0  }
0xab: {  	_ =	task [dreg:s6], $0x5FFFF  }
0xac: {  	[dreg:$0x1] =	wrdreg $0xFFFFFFFF  }
0xad: {  	[dreg:$0x0] =	wrdreg $0x60  }
0xae: {  	[dreg:$0x2] =	wrdreg s24  }
0xaf: {  	[dreg:$0x3] =	wrdreg $0x0  }
0xb0: {  	[dreg:$0x4] =	wrdreg $0x9  }
0xb1: {  	_ =	task.clear_ibuf [dreg:s6], $0x5FFFF;
	_ =	strace $0x90000046  }
0xb2: {  	s29 =	simm.s32 $0x9;
	_ =	strace $0x80000048  }
0xb3: {  	_ =	swait.ge [sflag:s29], $0x1  }
0xb4: {  	[sflag:s29] =	ssyncadd.s32 $0xFFFFFFFF  }
0xb5: {  	_ =	strace $0x90000048  }
0xb6: {  	_ =	sfence  }
0xb7: {  	s30 =	sld [smem:$0x0];
	_ =	sdelay $0x2  }
0xb8: {  	s31 =	sshll.u32 s1, $0xD;
	s1 =	sshrl.u32 s1, $0x2  }
0xb9: {  	s3 =	sand.u32 $0x4000, s31;
	s1 =	sadd.s32 s1, s30  }
0xba: {  	s0 =	sor.u32 s3, s0;
	s1 =	sshll.u32 s1, $0x11  }
0xbb: {  	s0 =	sor.u32 s1, s0  }
0xbc: {  	s0 =	sadd.s32 $0x8F2B, s0  }
0xbd: {  	[sflag:s0] =	ssyncadd.remote.s32 $0x1  }
0xbe: {  	_ =	sfence.sel $0xFFFF  }
0xbf: {  	[dreg:$0x0] =	wrdreg $0xFFFFFFFF;
	(pc) =	sbr.abs _section_cstart, $3  }
0xc0: {  	[dreg:$0x1] =	wrdreg $0xFFFFFFFF  }
0xc1: {  	_ =	task.clear_ibuf [dreg:s6], $0x2FFFF;
	_ =	strace $0x9FFFFFFF  }
0xc2: {  	(tm) =	ssettm $0x7FFFFFFF  }
0xc3: {  	_ =	shalt  }
tec
execute0_lowered:
.L_overlay_start_1:
0x0: {  	(tag) =	ssettag $0x1  }
0x1: {  	s4 =	rddreg [dreg:$0x0]  }
0x2: {  	s2 =	rddreg [dreg:$0x1]  }
0x3: {  	s0 =	rddreg [dreg:$0x2];
	s1 =	stileid.u32  }
0x4: {  	s5 =	srdreg.scid;
	s3 =	simm.s32 $0x0;
	s15 =	simm.s32 $0x33A00  }
0x5: {  	s17 =	simm.s32 $0x1;
	s18 =	simm.s32 $0x80;
	s19 =	simm.s32 $0xCC00  }
0x6: {  	s20 =	simm.s32 $0xCC80;
	s21 =	simm.s32 $0x2;
	s22 =	simm.s32 $0xCD80  }
0x7: {  	s23 =	simm.s32 $0xCE00;
	s24 =	simm.s32 $0x0;
	s6 =	smul.u32 $0xC380, s1  }
0x8: {  	s9 =	sand.u32 $0x1, s5;
	[smem:$0x7FF] =	sst s3;
	s8 =	smul.u32 $0xC6, s1  }
0x9: {  	s10 =	sadd.s32 $0x2400, s4;
	s30 =	sshll.u32 s1, $0x6;
	s16 =	smul.u32 $0xC60, s1  }
0xa: {  	s5 =	smul.u32 $0xC60, s9;
	_ =	strace $0x80000047;
	s28 =	ssub.s32 $0x2, s9  }
0xb: {  	s14 =	smul.u32 $0xC600, s9;
	p0 =	seq.s32 s9, $0x1;
	s7 =	sshrl.u32 s6, $0x3  }
0xc: {  	s12 =	sshrl.u32 s28, $0x1;
	s13 =	sadd.s32 s6, s2;
	s15 =	simm.s32 @!p0 $0x4C200  }
0xd: {  	s11 =	sadd.s32 s7, s4;
	s4 =	sadd.s32 $0x33800, s4;
	s5 =	sadd.s32 s8, s5  }
0xe: {  	s12 =	ssub.s32 s28, s12;
	s7 =	sor.u32 $0x1C03, s30;
	s31 =	sadd.s32 s14, s10  }
0xf: {  	s14 =	simm.s32 $0xC380;
	s29 =	sshll.u32 s5, $0x4;
	s5 =	sadd.s32 $0x1B000, s11  }
0x10: {  	s9 =	smax.u32 s12, $0x1;
	s12 =	sshrl.u32 s13, $0x3;
	s13 =	simm.s32 $0x3  }
0x11: {  	s6 =	sadd.s32 s10, s29;
	s10 =	sadd.s32 s15, s11;
	s11 =	sadd.s32 s16, s31  }
0x12: {  	s15 =	simm.s32 $0xCB80;
	s16 =	simm.s32 $0xCD00;
	s8 =	sadd.s32 $0xC30, s6  }
.LBB2_1:
0x13: {  	[spmem:s12], [sflag:s7] =	dma.local [hbm:s5], $0x1870  }
0x14: {  	_ =	swait.ge [sflag:s13], $0x1870  }
0x15: {  	[sflag:s13] =	ssyncset.done $0x0  }
0x16: {  	[sflag:s13] =	ssyncadd.s32 $0xFFFFE790  }
0x17: {  	[tilespmem:s14], [sflag:$0x3] =	stream.linear.gather [hbm4b:s4+s3], $0x800, $0x38;
	[tilespmem:$0xCE80] =	vst v63  }
0x18: {  	_ =	swait.ge [sflag:s13], $0x800  }
0x19: {  	[sflag:s13] =	ssyncset.done $0x0  }
0x1a: {  	[sflag:s13] =	ssyncadd.s32 $0xFFFFF800  }
0x1b: {  	s25 =	sadd.s32 $0xFFFFF400, s11;
	[bflag:$0x0] =	sbarrier.arrive $0xFFFF  }
0x1c: {  	[tilespmem:s15], [sflag:$0x1] =	stream.linear.gather [hbm4b:s6+s3], $0x180, $0x38;
	[tilespmem:$0xCE80] =	vst v63  }
0x1d: {  	s26 =	sadd.s32 $0xC30, s25  }
0x1e: {  	[tilespmem:s16], [sflag:$0x2] =	stream.linear.gather [hbm4b:s26+s3], $0x180, $0x38;
	[tilespmem:$0xCE80] =	vst v63  }
0x1f: {  	_ =	swait.ge [sflag:s17], $0x180  }
0x20: {  	[sflag:s17] =	ssyncset.done $0x0  }
0x21: {  	[sflag:s17] =	ssyncadd.s32 $0xFFFFFE80  }
0x22: {  	[spmem:s2] =	stream.indirect.scatter.add.f32 [tilespmem:s14], [sflag:$0x3], $0x10, s15, s18, $0xb8;
	[tilespmem:$0xCE80] =	vst v63  }
0x23: {  	_ =	swait.ge [sflag:s13], $0x800  }
0x24: {  	[sflag:s13] =	ssyncset.done $0x0  }
0x25: {  	[sflag:s13] =	ssyncadd.s32 $0xFFFFF800  }
0x26: {  	[spmem:s2] =	stream.indirect.scatter.add.f32 [tilespmem:s14], [sflag:$0x3], $0x10, s19, s18, $0xb8;
	[tilespmem:$0xCE80] =	vst v63  }
0x27: {  	_ =	swait.ge [sflag:s13], $0x800  }
0x28: {  	[sflag:s13] =	ssyncset.done $0x0  }
0x29: {  	[sflag:s13] =	ssyncadd.s32 $0xFFFFF800  }
0x2a: {  	[spmem:s2] =	stream.indirect.scatter.add.f32 [tilespmem:s14], [sflag:$0x3], $0x10, s20, s18, $0xb8;
	[tilespmem:$0xCE80] =	vst v63  }
0x2b: {  	_ =	swait.ge [sflag:s13], $0x800  }
0x2c: {  	[sflag:s13] =	ssyncset.done $0x0  }
0x2d: {  	s25 =	sadd.s32 $0xC60, s25;
	[sflag:s13] =	ssyncadd.s32 $0xFFFFF800  }
0x2e: {  	[tilespmem:s15], [sflag:$0x1] =	stream.linear.gather [hbm4b:s25+s3], $0x180, $0x38;
	[tilespmem:$0xCE80] =	vst v63  }
0x2f: {  	_ =	swait.ge [sflag:s21], $0x180  }
0x30: {  	[sflag:s21] =	ssyncset.done $0x0  }
0x31: {  	[sflag:s21] =	ssyncadd.s32 $0xFFFFFE80  }
0x32: {  	[spmem:s2] =	stream.indirect.scatter.add.f32 [tilespmem:s14], [sflag:$0x3], $0x10, s16, s18, $0xb8;
	[tilespmem:$0xCE80] =	vst v63  }
0x33: {  	_ =	swait.ge [sflag:s13], $0x800  }
0x34: {  	[sflag:s13] =	ssyncset.done $0x0  }
0x35: {  	[sflag:s13] =	ssyncadd.s32 $0xFFFFF800  }
0x36: {  	[spmem:s2] =	stream.indirect.scatter.add.f32 [tilespmem:s14], [sflag:$0x3], $0x10, s22, s18, $0xb8;
	[tilespmem:$0xCE80] =	vst v63  }
0x37: {  	_ =	swait.ge [sflag:s13], $0x800  }
0x38: {  	[sflag:s13] =	ssyncset.done $0x0  }
0x39: {  	[sflag:s13] =	ssyncadd.s32 $0xFFFFF800  }
0x3a: {  	[spmem:s2] =	stream.indirect.scatter.add.f32 [tilespmem:s14], [sflag:$0x3], $0x10, s23, s18, $0xb8;
	[tilespmem:$0xCE80] =	vst v63  }
0x3b: {  	_ =	swait.ge [sflag:s13], $0x800  }
0x3c: {  	s29 =	simm.s32 $0xFFFFF4C0;
	s28 =	sadd.s32 $0xFFFFF460, s11;
	[sflag:s13] =	ssyncset.done $0x0  }
.LBB2_2:
0x3d: {  	s30 =	sadd.s32 $0xC30, s28  }
0x3e: {  	[sflag:s13] =	ssyncadd.s32 $0xFFFFF800;
	s26 =	smov.u32 s29;
	s25 =	sadd.s32 $0x60, s29  }
0x3f: {  	[tilespmem:s16], [sflag:$0x2] =	stream.linear.gather [hbm4b:s30+s3], $0x180, $0x38;
	[tilespmem:$0xCE80] =	vst v63  }
0x40: {  	p0 =	sne.s32 s29, $0xFFFFFFA0;
	_ =	swait.ge [sflag:s17], $0x180  }
0x41: {  	[sflag:s17] =	ssyncset.done $0x0  }
0x42: {  	[sflag:s17] =	ssyncadd.s32 $0xFFFFFE80  }
0x43: {  	[spmem:s2] =	stream.indirect.scatter.add.f32 [tilespmem:s14], [sflag:$0x3], $0x10, s15, s18, $0xb8;
	[tilespmem:$0xCE80] =	vst v63  }
0x44: {  	_ =	swait.ge [sflag:s13], $0x800  }
0x45: {  	[sflag:s13] =	ssyncset.done $0x0  }
0x46: {  	[sflag:s13] =	ssyncadd.s32 $0xFFFFF800  }
0x47: {  	[spmem:s2] =	stream.indirect.scatter.add.f32 [tilespmem:s14], [sflag:$0x3], $0x10, s19, s18, $0xb8;
	[tilespmem:$0xCE80] =	vst v63  }
0x48: {  	_ =	swait.ge [sflag:s13], $0x800  }
0x49: {  	[sflag:s13] =	ssyncset.done $0x0  }
0x4a: {  	[sflag:s13] =	ssyncadd.s32 $0xFFFFF800  }
0x4b: {  	[spmem:s2] =	stream.indirect.scatter.add.f32 [tilespmem:s14], [sflag:$0x3], $0x10, s20, s18, $0xb8;
	[tilespmem:$0xCE80] =	vst v63  }
0x4c: {  	_ =	swait.ge [sflag:s13], $0x800  }
0x4d: {  	[sflag:s13] =	ssyncset.done $0x0  }
0x4e: {  	s28 =	sadd.s32 $0xC60, s28;
	[sflag:s13] =	ssyncadd.s32 $0xFFFFF800  }
0x4f: {  	[tilespmem:s15], [sflag:$0x1] =	stream.linear.gather [hbm4b:s28+s3], $0x180, $0x38;
	[tilespmem:$0xCE80] =	vst v63  }
0x50: {  	_ =	swait.ge [sflag:s21], $0x180  }
0x51: {  	[sflag:s21] =	ssyncset.done $0x0  }
0x52: {  	[sflag:s21] =	ssyncadd.s32 $0xFFFFFE80  }
0x53: {  	[spmem:s2] =	stream.indirect.scatter.add.f32 [tilespmem:s14], [sflag:$0x3], $0x10, s16, s18, $0xb8;
	[tilespmem:$0xCE80] =	vst v63  }
0x54: {  	_ =	swait.ge [sflag:s13], $0x800  }
0x55: {  	[sflag:s13] =	ssyncset.done $0x0  }
0x56: {  	[sflag:s13] =	ssyncadd.s32 $0xFFFFF800  }
0x57: {  	[spmem:s2] =	stream.indirect.scatter.add.f32 [tilespmem:s14], [sflag:$0x3], $0x10, s22, s18, $0xb8;
	[tilespmem:$0xCE80] =	vst v63  }
0x58: {  	_ =	swait.ge [sflag:s13], $0x800  }
.Ltmp0:
0x59: {  	[sflag:s13] =	ssyncset.done $0x0;
	(pc) =	sbr.rel @p0 .LBB2_2-.Ltmp0, $4  }
0x5a: {  	[sflag:s13] =	ssyncadd.s32 $0xFFFFF800  }
0x5b: {  	[spmem:s2] =	stream.indirect.scatter.add.f32 [tilespmem:s14], [sflag:$0x3], $0x10, s23, s18, $0xb8;
	[tilespmem:$0xCE80] =	vst v63  }
0x5c: {  	_ =	swait.ge [sflag:s13], $0x800  }
0x5d: {  	s29 =	smov.u32 s25;
	s28 =	sadd.s32 s26, s11;
	[sflag:s13] =	ssyncset.done $0x0  }
0x5e: {  	s25 =	sadd.s32 $0xC30, s28;
	[sflag:s13] =	ssyncadd.s32 $0xFFFFF800  }
0x5f: {  	[tilespmem:s16], [sflag:$0x2] =	stream.linear.gather [hbm4b:s25+s3], $0x180, $0x38;
	[tilespmem:$0xCE80] =	vst v63  }
0x60: {  	_ =	swait.ge [sflag:s17], $0x180  }
0x61: {  	[sflag:s17] =	ssyncset.done $0x0  }
0x62: {  	[sflag:s17] =	ssyncadd.s32 $0xFFFFFE80  }
0x63: {  	[spmem:s2] =	stream.indirect.scatter.add.f32 [tilespmem:s14], [sflag:$0x3], $0x10, s15, s18, $0xb8;
	[tilespmem:$0xCE80] =	vst v63  }
0x64: {  	_ =	swait.ge [sflag:s13], $0x800  }
0x65: {  	[sflag:s13] =	ssyncset.done $0x0  }
0x66: {  	[sflag:s13] =	ssyncadd.s32 $0xFFFFF800  }
0x67: {  	[spmem:s2] =	stream.indirect.scatter.add.f32 [tilespmem:s14], [sflag:$0x3], $0x10, s19, s18, $0xb8;
	[tilespmem:$0xCE80] =	vst v63  }
0x68: {  	_ =	swait.ge [sflag:s13], $0x800  }
0x69: {  	[sflag:s13] =	ssyncset.done $0x0  }
0x6a: {  	[sflag:s13] =	ssyncadd.s32 $0xFFFFF800  }
0x6b: {  	[spmem:s2] =	stream.indirect.scatter.add.f32 [tilespmem:s14], [sflag:$0x3], $0x10, s20, s18, $0xb8;
	[tilespmem:$0xCE80] =	vst v63  }
0x6c: {  	_ =	swait.ge [sflag:s13], $0x800  }
0x6d: {  	[sflag:s13] =	ssyncset.done $0x0  }
0x6e: {  	s31 =	sadd.s32 $0xC60, s28;
	[sflag:s13] =	ssyncadd.s32 $0xFFFFF800  }
0x6f: {  	[tilespmem:s15], [sflag:$0x1] =	stream.linear.gather [hbm4b:s31+s3], $0x180, $0x38;
	[tilespmem:$0xCE80] =	vst v63  }
0x70: {  	_ =	swait.ge [sflag:s21], $0x180  }
0x71: {  	[sflag:s21] =	ssyncset.done $0x0  }
0x72: {  	[sflag:s21] =	ssyncadd.s32 $0xFFFFFE80  }
0x73: {  	[spmem:s2] =	stream.indirect.scatter.add.f32 [tilespmem:s14], [sflag:$0x3], $0x10, s16, s18, $0xb8;
	[tilespmem:$0xCE80] =	vst v63  }
0x74: {  	_ =	swait.ge [sflag:s13], $0x800  }
0x75: {  	[sflag:s13] =	ssyncset.done $0x0  }
0x76: {  	[sflag:s13] =	ssyncadd.s32 $0xFFFFF800  }
0x77: {  	[spmem:s2] =	stream.indirect.scatter.add.f32 [tilespmem:s14], [sflag:$0x3], $0x10, s22, s18, $0xb8;
	[tilespmem:$0xCE80] =	vst v63  }
0x78: {  	_ =	swait.ge [sflag:s13], $0x800  }
0x79: {  	[sflag:s13] =	ssyncset.done $0x0  }
0x7a: {  	[sflag:s13] =	ssyncadd.s32 $0xFFFFF800  }
0x7b: {  	[spmem:s2] =	stream.indirect.scatter.add.f32 [tilespmem:s14], [sflag:$0x3], $0x10, s23, s18, $0xb8;
	[tilespmem:$0xCE80] =	vst v63  }
0x7c: {  	_ =	swait.ge [sflag:s13], $0x800  }
0x7d: {  	[sflag:s13] =	ssyncset.done $0x0  }
0x7e: {  	[sflag:s13] =	ssyncadd.s32 $0xFFFFF800  }
0x7f: {  	[tilespmem:s16], [sflag:$0x2] =	stream.linear.gather [hbm4b:s8+s3], $0x180, $0x38;
	[tilespmem:$0xCE80] =	vst v63  }
0x80: {  	_ =	swait.ge [sflag:s17], $0x180  }
0x81: {  	[sflag:s17] =	ssyncset.done $0x0  }
0x82: {  	[sflag:s17] =	ssyncadd.s32 $0xFFFFFE80  }
0x83: {  	[spmem:s2] =	stream.indirect.scatter.add.f32 [tilespmem:s14], [sflag:$0x3], $0x10, s15, s18, $0xb8;
	[tilespmem:$0xCE80] =	vst v63  }
0x84: {  	_ =	swait.ge [sflag:s13], $0x800  }
0x85: {  	[sflag:s13] =	ssyncset.done $0x0  }
0x86: {  	[sflag:s13] =	ssyncadd.s32 $0xFFFFF800  }
0x87: {  	[spmem:s2] =	stream.indirect.scatter.add.f32 [tilespmem:s14], [sflag:$0x3], $0x10, s19, s18, $0xb8;
	[tilespmem:$0xCE80] =	vst v63  }
0x88: {  	_ =	swait.ge [sflag:s13], $0x800  }
0x89: {  	[sflag:s13] =	ssyncset.done $0x0  }
0x8a: {  	[sflag:s13] =	ssyncadd.s32 $0xFFFFF800  }
0x8b: {  	[spmem:s2] =	stream.indirect.scatter.add.f32 [tilespmem:s14], [sflag:$0x3], $0x10, s20, s18, $0xb8;
	[tilespmem:$0xCE80] =	vst v63  }
0x8c: {  	_ =	swait.ge [sflag:s13], $0x800  }
0x8d: {  	[sflag:s13] =	ssyncset.done $0x0  }
0x8e: {  	[sflag:s13] =	ssyncadd.s32 $0xFFFFF800  }
0x8f: {  	_ =	swait.ge [sflag:s21], $0x180  }
0x90: {  	[sflag:s21] =	ssyncset.done $0x0  }
0x91: {  	[sflag:s21] =	ssyncadd.s32 $0xFFFFFE80  }
0x92: {  	[spmem:s2] =	stream.indirect.scatter.add.f32 [tilespmem:s14], [sflag:$0x3], $0x10, s16, s18, $0xb8;
	[tilespmem:$0xCE80] =	vst v63  }
0x93: {  	_ =	swait.ge [sflag:s13], $0x800  }
0x94: {  	[sflag:s13] =	ssyncset.done $0x0  }
0x95: {  	[sflag:s13] =	ssyncadd.s32 $0xFFFFF800  }
0x96: {  	[spmem:s2] =	stream.indirect.scatter.add.f32 [tilespmem:s14], [sflag:$0x3], $0x10, s22, s18, $0xb8;
	[tilespmem:$0xCE80] =	vst v63  }
0x97: {  	_ =	swait.ge [sflag:s13], $0x800  }
0x98: {  	[sflag:s13] =	ssyncset.done $0x0  }
0x99: {  	[sflag:s13] =	ssyncadd.s32 $0xFFFFF800  }
0x9a: {  	[spmem:s2] =	stream.indirect.scatter.add.f32 [tilespmem:s14], [sflag:$0x3], $0x10, s23, s18, $0xb8;
	[tilespmem:$0xCE80] =	vst v63  }
0x9b: {  	_ =	swait.ge [sflag:s13], $0x800  }
0x9c: {  	s24 =	sadd.s32 $0x1, s24;
	[sflag:s13] =	ssyncset.done $0x0  }
0x9d: {  	p0 =	sne.s32 s24, s9;
	[sflag:s13] =	ssyncadd.s32 $0xFFFFF800  }
.Ltmp1:
0x9e: {  	[bflag:$0x0] =	sbarrier.arrive $0xFFFF;
	(pc) =	sbr.rel @p0 .LBB2_1-.Ltmp1, $4  }
0x9f: {  	[hbm:s10], [sflag:s7] =	dma.local [spmem:s12], $0x1870  }
0xa0: {  	_ =	swait.ge [sflag:s13], $0x1870  }
0xa1: {  	[sflag:s13] =	ssyncset.done $0x0  }
0xa2: {  	[sflag:s13] =	ssyncadd.s32 $0xFFFFE790  }
0xa3: {  	_ =	sfence.sel $0x180000  }
0xa4: {  	[bflag:$0x0] =	sbarrier.arrive $0xFFFF  }
0xa5: {  	p0 =	sne.s32 s1, $0x0;
	_ =	strace $0x90000047  }
0xa6: {  	s0 =	sadd.s32 @!p0 $0x100000, s0;
	[bflag:$0x2] =	sbarrier.arrive $0xFFFF  }
0xa7: {  	[sflag:s0] =	ssyncadd.tile.s32 @!p0 $0x1;
	_ =	shalt  }
.Lfunc_end2:
_tile_overlayer_lowered:
.L_overlay_start_2:
0xa8: {  	(tag) =	ssettag $0x2  }
0xa9: {  	s0 =	rddreg [dreg:$0x0];
	s2 =	stileid.u32  }
0xaa: {  	s1 =	rddreg [dreg:$0x1];
	p0 =	sne.s32 s2, $0x0  }
0xab: {  	s3 =	rddreg [dreg:$0x2];
	[bflag:$0x3] =	sbarrier.arrive $0xFFFF;
	s2 =	simm.s32 @!p0 $0x1C03  }
0xac: {  	[timem:s3], [sflag:s2] =	dma.local @!p0 [hbm:s0], s1  }
0xad: {  	s0 =	simm.s32 @!p0 $0x3  }
0xae: {  	_ =	swait.ge @!p0 [sflag:s0], s1  }
0xaf: {  	s1 =	ssub.s32 @!p0 $0x0, s1;
	[sflag:s0] =	ssyncset.done @!p0 $0x0  }
0xb0: {  	[sflag:s0] =	ssyncadd.s32 @!p0 s1  }
0xb1: {  	[bflag:$0x3] =	sbarrier.arrive $0xFFFF  }
0xb2: {  	_ =	shalt  }

</sc_bundles>
